<compile_context>
chip_gen: v7x
topology: tpu7x:2x2x1
jax: 0.10.2.dev20260603
libtpu: 0.0.44.dev20260713+nightly
codegen_flags: <defaults>
</compile_context>

<pallas_src>
import functools

import jax
import jax.numpy as jnp
from jax import lax
from jax.experimental import pallas as pl
from jax.experimental.pallas import tpu as pltpu
from jax.experimental.pallas import tpu_sc as plsc

V = 30522
D = 768
B = 16384
L = 32
LANES = 16
NC = 2
NS = 16
NW = NC * NS
BPW = B // NW
QC = 16
NCHUNK = BPW // QC
SEC = 3
SECW = D // SEC
H = L // 2
DW = D // 2
NJ = D // 32

CHK = 32
WPR = 960
NCH = WPR // CHK
CLAMP = 30488
VTAIL = 30520

_mesh = plsc.VectorSubcoreMesh(core_axis_name="c", subcore_axis_name="s")
_PACK = plsc.PackFormat.INTERLEAVED


@functools.partial(
    pl.kernel,
    out_type=jax.ShapeDtypeStruct((V, DW), jnp.int32),
    mesh=_mesh,
    scratch_types=[
        pltpu.VMEM((2, CHK, D), jnp.float32),
        pltpu.VMEM((2, CHK, DW), jnp.int32),
        pltpu.SemaphoreType.DMA,
        pltpu.SemaphoreType.DMA,
        pltpu.SemaphoreType.DMA,
        pltpu.SemaphoreType.DMA,
    ],
    compiler_params=pltpu.CompilerParams(needs_layout_passes=False),
)
def _sc_pack_table(temb_hbm, packed_hbm, fin_v, pout_v,
                   isem0, isem1, osem0, osem1):
    wid = lax.axis_index("s") * NC + lax.axis_index("c")
    start = wid * WPR

    def cstart(k):
        return jnp.minimum(start + k * CHK, CLAMP)

    def issue_in(k, slot, sem):
        pltpu.async_copy(temb_hbm.at[pl.ds(cstart(k), CHK)], fin_v.at[slot],
                         sem)

    def wait_in(slot, sem):
        pltpu.make_async_copy(temb_hbm.at[pl.ds(0, CHK)], fin_v.at[slot],
                              sem).wait()

    def issue_out(k, slot, sem):
        pltpu.async_copy(pout_v.at[slot], packed_hbm.at[pl.ds(cstart(k), CHK)],
                         sem)

    def wait_out(slot, sem):
        pltpu.make_async_copy(pout_v.at[slot], packed_hbm.at[pl.ds(0, CHK)],
                              sem).wait()

    def convert(k, slot, isem, osem):
        wait_in(slot, isem)

        @pl.when(k >= 2)
        def _():
            wait_out(slot, osem)

        def row_body(r, _):
            for j in range(NJ):
                a = fin_v[slot, r, pl.ds(32 * j, LANES)]
                b = fin_v[slot, r, pl.ds(32 * j + LANES, LANES)]
                packed = plsc.pack(a, b, format=_PACK)
                pout_v[slot, r, pl.ds(16 * j, LANES)] = plsc.bitcast(
                    packed, jnp.int32)
            return 0

        lax.fori_loop(0, CHK, row_body, 0)
        issue_out(k, slot, osem)

    issue_in(0, 0, isem0)

    def pair_body(p, _):
        k0 = 2 * p
        issue_in(k0 + 1, 1, isem1)
        convert(k0, 0, isem0, osem0)

        @pl.when(k0 + 2 < NCH)
        def _():
            issue_in(k0 + 2, 0, isem0)

        convert(k0 + 1, 1, isem1, osem1)
        return 0

    lax.fori_loop(0, NCH // 2, pair_body, 0)
    wait_out(0, osem0)
    wait_out(1, osem1)

    @pl.when(wid == 0)
    def _():
        pltpu.sync_copy(temb_hbm.at[pl.ds(VTAIL, V - VTAIL)],
                        fin_v.at[0, pl.ds(0, V - VTAIL)])

        def row_body(r, _):
            for j in range(NJ):
                a = fin_v[0, r, pl.ds(32 * j, LANES)]
                b = fin_v[0, r, pl.ds(32 * j + LANES, LANES)]
                packed = plsc.pack(a, b, format=_PACK)
                pout_v[0, r, pl.ds(16 * j, LANES)] = plsc.bitcast(
                    packed, jnp.int32)
            return 0

        lax.fori_loop(0, V - VTAIL, row_body, 0)
        pltpu.sync_copy(pout_v.at[0, pl.ds(0, V - VTAIL)],
                        packed_hbm.at[pl.ds(VTAIL, V - VTAIL)])


@functools.partial(
    pl.kernel,
    out_type=jax.ShapeDtypeStruct((B, D), jnp.float32),
    mesh=_mesh,
    scratch_types=[
        pltpu.VMEM((BPW * L,), jnp.int32),
        pltpu.VMEM((BPW * L,), jnp.int32),
        pltpu.VMEM((V,), jnp.float32),
        pltpu.VMEM((4, H, DW), jnp.int32),
        pltpu.VMEM((QC, D), jnp.float32),
        pltpu.VMEM((L,), jnp.float32),
        pltpu.SemaphoreType.DMA,
        pltpu.SemaphoreType.DMA,
        pltpu.SemaphoreType.DMA,
        pltpu.SemaphoreType.DMA,
    ],
    compiler_params=pltpu.CompilerParams(needs_layout_passes=False),
)
def _sc_avg_emb(ids_hbm, mask_hbm, temb_hbm, tw_hbm, out_hbm,
                ids_v, mask_v, tw_v, rows_v, out_v, w_v,
                gsem0, gsem1, gsem2, gsem3):
    wid = lax.axis_index("s") * NC + lax.axis_index("c")
    base = wid * BPW

    pltpu.sync_copy(ids_hbm.at[pl.ds(base * L, BPW * L)], ids_v)
    pltpu.sync_copy(mask_hbm.at[pl.ds(base * L, BPW * L)], mask_v)
    pltpu.sync_copy(tw_hbm, tw_v)

    def issue(q, slot, sema, semb):
        pltpu.async_copy(temb_hbm.at[ids_v.at[pl.ds(q * L, H)]],
                         rows_v.at[2 * slot], sema)
        pltpu.async_copy(temb_hbm.at[ids_v.at[pl.ds(q * L + H, H)]],
                         rows_v.at[2 * slot + 1], semb)

    def wait(slot, sema, semb):
        pltpu.make_async_copy(temb_hbm.at[pl.ds(0, H)], rows_v.at[2 * slot],
                              sema).wait()
        pltpu.make_async_copy(temb_hbm.at[pl.ds(0, H)],
                              rows_v.at[2 * slot + 1], semb).wait()

    def compute(q, slot, qo):
        i0 = ids_v[pl.ds(q * L, LANES)]
        i1 = ids_v[pl.ds(q * L + LANES, LANES)]
        v0 = plsc.load_gather(tw_v, [i0])
        v1 = plsc.load_gather(tw_v, [i1])
        m = jnp.maximum(jnp.max(v0), jnp.max(v1))
        mk0 = mask_v[pl.ds(q * L, LANES)].astype(jnp.float32)
        mk1 = mask_v[pl.ds(q * L + LANES, LANES)].astype(jnp.float32)
        e0 = jnp.exp(v0 - m) * mk0
        e1 = jnp.exp(v1 - m) * mk1
        s = jnp.full((LANES,), jnp.sum(e0) + jnp.sum(e1), jnp.float32)
        inv = 1.0 / s
        w_v[pl.ds(0, LANES)] = e0 * inv
        w_v[pl.ds(LANES, LANES)] = e1 * inv

        for sec in range(SEC):
            j0 = sec * (NJ // SEC)
            nt8 = NJ // SEC

            def body(l, accs):
                w = plsc.load_gather(w_v, [jnp.full((LANES,), l, jnp.int32)])
                hb = 2 * slot + l // H
                r = lax.rem(l, H)
                news = []
                for t8 in range(nt8):
                    x = rows_v[hb, r, pl.ds((j0 + t8) * LANES, LANES)]
                    aa, bb = plsc.unpack(plsc.bitcast(x, jnp.bfloat16),
                                         format=_PACK)
                    news.append(accs[2 * t8] + aa * w)
                    news.append(accs[2 * t8 + 1] + bb * w)
                return tuple(news)

            accs = lax.fori_loop(
                0, L, body,
                tuple(jnp.zeros((LANES,), jnp.float32)
                      for _ in range(2 * nt8)))
            for t in range(2 * nt8):
                out_v[qo, pl.ds((2 * j0 + t) * LANES, LANES)] = accs[t]

    issue(0, 0, gsem0, gsem1)

    def pair_body(p, _):
        q0 = 2 * p
        issue(q0 + 1, 1, gsem2, gsem3)
        wait(0, gsem0, gsem1)
        compute(q0, 0, lax.rem(q0, QC))

        @pl.when(q0 + 2 < BPW)
        def _():
            issue(q0 + 2, 0, gsem0, gsem1)

        wait(1, gsem2, gsem3)
        compute(q0 + 1, 1, lax.rem(q0 + 1, QC))

        @pl.when(lax.rem(p, QC // 2) == QC // 2 - 1)
        def _():
            c = p // (QC // 2)
            pltpu.sync_copy(out_v, out_hbm.at[pl.ds(base + c * QC, QC)])

        return 0

    lax.fori_loop(0, BPW // 2, pair_body, 0)


def kernel(input_ids, attention_mask, tok_embs, tok_embs_weights):
    packed = _sc_pack_table(tok_embs)
    return _sc_avg_emb(input_ids.reshape(B * L), attention_mask.reshape(B * L),
                       packed, tok_embs_weights)

# --- scband reference (transcript-rebuilt; emitter-appended) ---
"""Pipeline reference for scband-avg-emb-query-estimator-29128468201763 (READ-ONLY COPY).

The authoritative reference and input builder live on the scoring server;
editing this copy changes nothing except your own understanding.
"""

import jax, jax.numpy as jnp
import numpy as np

VOCAB = 30522
D = 768
B = 16384
L = 32


def setup_inputs(seed: int = 0) -> dict:
    key = jax.random.key(seed)
    k1, k2, k3 = jax.random.split(key, 3)
    input_ids = jax.random.randint(k1, (B, L), 0, VOCAB, dtype=jnp.int32)
    attention_mask = jnp.ones((B, L), dtype=jnp.int32)
    tok_embs = jax.random.normal(k2, (VOCAB, D), dtype=jnp.float32) * 0.02
    tok_embs_weights = jnp.ones((VOCAB,), dtype=jnp.float32) / VOCAB
    return {
        "input_ids": input_ids,
        "attention_mask": attention_mask,
        "tok_embs": tok_embs,
        "tok_embs_weights": tok_embs_weights,
    }


def reference(input_ids, attention_mask, tok_embs, tok_embs_weights):
    # q_only=True path: lightweight semantic query estimation
    mask = attention_mask.astype(jnp.float32)
    # embedding lookup (gather)
    q_tok_embs = jnp.take(tok_embs, input_ids, axis=0)  # [B, L, D]
    q_tok_embs = q_tok_embs * mask[..., None]
    # WEIGHTED token-weight method
    q_tok_weights = jax.nn.softmax(jnp.take(tok_embs_weights, input_ids, axis=0), axis=-1)  # [B, L]
    q_tok_weights = q_tok_weights * mask
    q_tok_weights = q_tok_weights / jnp.sum(q_tok_weights, axis=-1, keepdims=True)
    q_light = jnp.sum(q_tok_embs * q_tok_weights[..., None], axis=1)  # [B, D]
    return q_light

if __name__ == "__main__":
    import jax
    _d = setup_inputs()
    print(jax.jit(kernel)(*tuple(_d.values())))

</pallas_src>

<mosaic_0001>
#map = affine_map<(d0, d1) -> (0)>
#map1 = affine_map<(d0, d1) -> (0, 0)>
module attributes {stable_mosaic.version = 14 : i64} {
  func.func @_sc_avg_emb(%arg0: i32, %arg1: i32, %arg2: memref<524288xi32, #tpu.memory_space<hbm>>, %arg3: memref<524288xi32, #tpu.memory_space<hbm>>, %arg4: memref<30522x384xi32, #tpu.memory_space<hbm>>, %arg5: memref<30522xf32, #tpu.memory_space<hbm>>, %arg6: memref<16384x768xf32, #tpu.memory_space<hbm>>, %arg7: memref<16384xi32, #tpu.memory_space<vmem>>, %arg8: memref<16384xi32, #tpu.memory_space<vmem>>, %arg9: memref<30522xf32, #tpu.memory_space<vmem>>, %arg10: memref<4x16x384xi32, #tpu.memory_space<vmem>>, %arg11: memref<16x768xf32, #tpu.memory_space<vmem>>, %arg12: memref<32xf32, #tpu.memory_space<vmem>>, %arg13: memref<!tpu.dma_semaphore, #tpu.memory_space<semaphore_mem>>, %arg14: memref<!tpu.dma_semaphore, #tpu.memory_space<semaphore_mem>>, %arg15: memref<!tpu.dma_semaphore, #tpu.memory_space<semaphore_mem>>, %arg16: memref<!tpu.dma_semaphore, #tpu.memory_space<semaphore_mem>>) attributes {dimension_semantics = [#tpu.dimension_semantics<core_parallel>, #tpu.dimension_semantics<subcore_parallel>], iteration_bounds = array<i64: 2, 16>, scalar_prefetch = 0 : i64, scratch_operands = 10 : i64, tpu.core_type = #tpu.core_type<sc_vector_subcore>, window_params = [{transform_indices = #map}, {transform_indices = #map}, {transform_indices = #map1}, {transform_indices = #map}, {transform_indices = #map1}]} {
    %mul3A = arith.constant 2 : i32
    %mul3A_0 = arith.muli %arg1, %mul3A : i32
    %add3A = arith.addi %mul3A_0, %arg0 : i32
    %mul3A_1 = arith.constant 512 : i32
    %mul3A_2 = arith.muli %add3A, %mul3A_1 : i32
    %mul3A_3 = arith.constant 32 : i32
    %mul3A_4 = arith.muli %mul3A_2, %mul3A_3 : i32
    "tpu.region"() ({
      %run_scoped3A = tpu.sem_alloc : memref<!tpu.dma_semaphore, #tpu.memory_space<semaphore_mem>>
      %dma_start3A_32 = tpu.memref_slice %arg2[%mul3A_4] : memref<524288xi32, #tpu.memory_space<hbm>> -> memref<16384xi32, #tpu.memory_space<hbm>>
      %dma_start3A_33 = tpu.memref_slice %arg2[%mul3A_4] : memref<524288xi32, #tpu.memory_space<hbm>> -> memref<16384xi32, #tpu.memory_space<hbm>>
      tpu.enqueue_dma source(%dma_start3A_33 : memref<16384xi32, #tpu.memory_space<hbm>>) target(%arg7 : memref<16384xi32, #tpu.memory_space<vmem>>) target_semaphore(%run_scoped3A : memref<!tpu.dma_semaphore, #tpu.memory_space<semaphore_mem>>)
      %dma_wait3A = tpu.memref_slice %arg2[%mul3A_4] : memref<524288xi32, #tpu.memory_space<hbm>> -> memref<16384xi32, #tpu.memory_space<hbm>>
      %dma_wait3A_34 = tpu.memref_slice %arg2[%mul3A_4] : memref<524288xi32, #tpu.memory_space<hbm>> -> memref<16384xi32, #tpu.memory_space<hbm>>
      tpu.wait_dma2 semaphore(%run_scoped3A : memref<!tpu.dma_semaphore, #tpu.memory_space<semaphore_mem>>) src(%dma_wait3A_34 : memref<16384xi32, #tpu.memory_space<hbm>>) dst(%arg7 : memref<16384xi32, #tpu.memory_space<vmem>>)
      tpu.yield
    }) : () -> ()
    %mul3A_5 = arith.constant 32 : i32
    %mul3A_6 = arith.muli %mul3A_2, %mul3A_5 : i32
    "tpu.region"() ({
      %run_scoped3A = tpu.sem_alloc : memref<!tpu.dma_semaphore, #tpu.memory_space<semaphore_mem>>
      %dma_start3A_32 = tpu.memref_slice %arg3[%mul3A_6] : memref<524288xi32, #tpu.memory_space<hbm>> -> memref<16384xi32, #tpu.memory_space<hbm>>
      %dma_start3A_33 = tpu.memref_slice %arg3[%mul3A_6] : memref<524288xi32, #tpu.memory_space<hbm>> -> memref<16384xi32, #tpu.memory_space<hbm>>
      tpu.enqueue_dma source(%dma_start3A_33 : memref<16384xi32, #tpu.memory_space<hbm>>) target(%arg8 : memref<16384xi32, #tpu.memory_space<vmem>>) target_semaphore(%run_scoped3A : memref<!tpu.dma_semaphore, #tpu.memory_space<semaphore_mem>>)
      %dma_wait3A = tpu.memref_slice %arg3[%mul3A_6] : memref<524288xi32, #tpu.memory_space<hbm>> -> memref<16384xi32, #tpu.memory_space<hbm>>
      %dma_wait3A_34 = tpu.memref_slice %arg3[%mul3A_6] : memref<524288xi32, #tpu.memory_space<hbm>> -> memref<16384xi32, #tpu.memory_space<hbm>>
      tpu.wait_dma2 semaphore(%run_scoped3A : memref<!tpu.dma_semaphore, #tpu.memory_space<semaphore_mem>>) src(%dma_wait3A_34 : memref<16384xi32, #tpu.memory_space<hbm>>) dst(%arg8 : memref<16384xi32, #tpu.memory_space<vmem>>)
      tpu.yield
    }) : () -> ()
    "tpu.region"() ({
      %run_scoped3A = tpu.sem_alloc : memref<!tpu.dma_semaphore, #tpu.memory_space<semaphore_mem>>
      tpu.enqueue_dma source(%arg5 : memref<30522xf32, #tpu.memory_space<hbm>>) target(%arg9 : memref<30522xf32, #tpu.memory_space<vmem>>) target_semaphore(%run_scoped3A : memref<!tpu.dma_semaphore, #tpu.memory_space<semaphore_mem>>)
      tpu.wait_dma2 semaphore(%run_scoped3A : memref<!tpu.dma_semaphore, #tpu.memory_space<semaphore_mem>>) src(%arg5 : memref<30522xf32, #tpu.memory_space<hbm>>) dst(%arg9 : memref<30522xf32, #tpu.memory_space<vmem>>)
      tpu.yield
    }) : () -> ()
    %dma_start3A = arith.constant 0 : i32
    %dma_start3A_7 = arith.constant 0 : i32
    %dma_start3A_8 = arith.constant 0 : i32
    %dma_start3A_9 = tpu.memref_slice %arg10[%dma_start3A, %dma_start3A_7, %dma_start3A_8] : memref<4x16x384xi32, #tpu.memory_space<vmem>> -> memref<1x16x384xi32, #tpu.memory_space<vmem>>
    %dma_start3A_10 = tpu.memref_squeeze %dma_start3A_9 : memref<1x16x384xi32, #tpu.memory_space<vmem>> -> memref<16x384xi32, #tpu.memory_space<vmem>>
    %dma_start3A_11 = arith.constant 0 : i32
    %dma_start3A_12 = tpu.memref_slice %arg7[%dma_start3A_11] : memref<16384xi32, #tpu.memory_space<vmem>> -> memref<16xi32, #tpu.memory_space<vmem>>
    %dma_start3A_13 = arith.constant 0 : i32
    %dma_start3A_14 = arith.constant 0 : i32
    %dma_start3A_15 = tpu.memref_slice %arg4[%dma_start3A_13, %dma_start3A_14] : memref<30522x384xi32, #tpu.memory_space<hbm>> -> memref<30522x384xi32, #tpu.memory_space<hbm>>
    tpu.enqueue_indirect_dma source(%dma_start3A_15 : memref<30522x384xi32, #tpu.memory_space<hbm>>) target(%dma_start3A_10 : memref<16x384xi32, #tpu.memory_space<vmem>>) offsets(%dma_start3A_12 : memref<16xi32, #tpu.memory_space<vmem>>) semaphore(%arg13 : memref<!tpu.dma_semaphore, #tpu.memory_space<semaphore_mem>>)
    %dma_start3A_16 = arith.constant 1 : i32
    %dma_start3A_17 = arith.constant 0 : i32
    %dma_start3A_18 = arith.constant 0 : i32
    %dma_start3A_19 = tpu.memref_slice %arg10[%dma_start3A_16, %dma_start3A_17, %dma_start3A_18] : memref<4x16x384xi32, #tpu.memory_space<vmem>> -> memref<1x16x384xi32, #tpu.memory_space<vmem>>
    %dma_start3A_20 = tpu.memref_squeeze %dma_start3A_19 : memref<1x16x384xi32, #tpu.memory_space<vmem>> -> memref<16x384xi32, #tpu.memory_space<vmem>>
    %dma_start3A_21 = arith.constant 16 : i32
    %dma_start3A_22 = tpu.memref_slice %arg7[%dma_start3A_21] : memref<16384xi32, #tpu.memory_space<vmem>> -> memref<16xi32, #tpu.memory_space<vmem>>
    %dma_start3A_23 = arith.constant 0 : i32
    %dma_start3A_24 = arith.constant 0 : i32
    %dma_start3A_25 = tpu.memref_slice %arg4[%dma_start3A_23, %dma_start3A_24] : memref<30522x384xi32, #tpu.memory_space<hbm>> -> memref<30522x384xi32, #tpu.memory_space<hbm>>
    tpu.enqueue_indirect_dma source(%dma_start3A_25 : memref<30522x384xi32, #tpu.memory_space<hbm>>) target(%dma_start3A_20 : memref<16x384xi32, #tpu.memory_space<vmem>>) offsets(%dma_start3A_22 : memref<16xi32, #tpu.memory_space<vmem>>) semaphore(%arg14 : memref<!tpu.dma_semaphore, #tpu.memory_space<semaphore_mem>>)
    %scan3A = arith.constant 0 : i32
    %scan3A_26 = arith.constant 0 : i32
    %scan3A_27 = arith.constant 256 : i32
    %scan3A_28 = arith.addi %scan3A_26, %scan3A_27 : i32
    %scan3A_29 = arith.constant 1 : i32
    %scan3A_30 = scf.for %scan3A_32 = %scan3A_26 to %scan3A_28 step %scan3A_29 iter_args(%scan3A_33 = %scan3A) -> (i32)  : i32 {
      %mul3A_34 = arith.constant 2 : i32
      %mul3A_35 = arith.muli %mul3A_34, %scan3A_32 : i32
      %add3A_36 = arith.constant 1 : i32
      %add3A_37 = arith.addi %mul3A_35, %add3A_36 : i32
      %mul3A_38 = arith.constant 32 : i32
      %mul3A_39 = arith.muli %add3A_37, %mul3A_38 : i32
      %dma_start3A_40 = arith.constant 2 : i32
      %dma_start3A_41 = arith.constant 0 : i32
      %dma_start3A_42 = arith.constant 0 : i32
      %dma_start3A_43 = tpu.memref_slice %arg10[%dma_start3A_40, %dma_start3A_41, %dma_start3A_42] : memref<4x16x384xi32, #tpu.memory_space<vmem>> -> memref<1x16x384xi32, #tpu.memory_space<vmem>>
      %dma_start3A_44 = tpu.memref_squeeze %dma_start3A_43 : memref<1x16x384xi32, #tpu.memory_space<vmem>> -> memref<16x384xi32, #tpu.memory_space<vmem>>
      %dma_start3A_45 = tpu.memref_slice %arg7[%mul3A_39] : memref<16384xi32, #tpu.memory_space<vmem>> -> memref<16xi32, #tpu.memory_space<vmem>>
      %dma_start3A_46 = arith.constant 0 : i32
      %dma_start3A_47 = arith.constant 0 : i32
      %dma_start3A_48 = tpu.memref_slice %arg4[%dma_start3A_46, %dma_start3A_47] : memref<30522x384xi32, #tpu.memory_space<hbm>> -> memref<30522x384xi32, #tpu.memory_space<hbm>>
      tpu.enqueue_indirect_dma source(%dma_start3A_48 : memref<30522x384xi32, #tpu.memory_space<hbm>>) target(%dma_start3A_44 : memref<16x384xi32, #tpu.memory_space<vmem>>) offsets(%dma_start3A_45 : memref<16xi32, #tpu.memory_space<vmem>>) semaphore(%arg15 : memref<!tpu.dma_semaphore, #tpu.memory_space<semaphore_mem>>)
      %mul3A_49 = arith.constant 32 : i32
      %mul3A_50 = arith.muli %add3A_37, %mul3A_49 : i32
      %add3A_51 = arith.constant 16 : i32
      %add3A_52 = arith.addi %mul3A_50, %add3A_51 : i32
      %dma_start3A_53 = arith.constant 3 : i32
      %dma_start3A_54 = arith.constant 0 : i32
      %dma_start3A_55 = arith.constant 0 : i32
      %dma_start3A_56 = tpu.memref_slice %arg10[%dma_start3A_53, %dma_start3A_54, %dma_start3A_55] : memref<4x16x384xi32, #tpu.memory_space<vmem>> -> memref<1x16x384xi32, #tpu.memory_space<vmem>>
      %dma_start3A_57 = tpu.memref_squeeze %dma_start3A_56 : memref<1x16x384xi32, #tpu.memory_space<vmem>> -> memref<16x384xi32, #tpu.memory_space<vmem>>
      %dma_start3A_58 = tpu.memref_slice %arg7[%add3A_52] : memref<16384xi32, #tpu.memory_space<vmem>> -> memref<16xi32, #tpu.memory_space<vmem>>
      %dma_start3A_59 = arith.constant 0 : i32
      %dma_start3A_60 = arith.constant 0 : i32
      %dma_start3A_61 = tpu.memref_slice %arg4[%dma_start3A_59, %dma_start3A_60] : memref<30522x384xi32, #tpu.memory_space<hbm>> -> memref<30522x384xi32, #tpu.memory_space<hbm>>
      tpu.enqueue_indirect_dma source(%dma_start3A_61 : memref<30522x384xi32, #tpu.memory_space<hbm>>) target(%dma_start3A_57 : memref<16x384xi32, #tpu.memory_space<vmem>>) offsets(%dma_start3A_58 : memref<16xi32, #tpu.memory_space<vmem>>) semaphore(%arg16 : memref<!tpu.dma_semaphore, #tpu.memory_space<semaphore_mem>>)
      %dma_wait3A = arith.constant 0 : i32
      %dma_wait3A_62 = arith.constant 0 : i32
      %dma_wait3A_63 = arith.constant 0 : i32
      %dma_wait3A_64 = tpu.memref_slice %arg10[%dma_wait3A, %dma_wait3A_62, %dma_wait3A_63] : memref<4x16x384xi32, #tpu.memory_space<vmem>> -> memref<1x16x384xi32, #tpu.memory_space<vmem>>
      %dma_wait3A_65 = tpu.memref_squeeze %dma_wait3A_64 : memref<1x16x384xi32, #tpu.memory_space<vmem>> -> memref<16x384xi32, #tpu.memory_space<vmem>>
      %dma_wait3A_66 = arith.constant 0 : i32
      %dma_wait3A_67 = arith.constant 0 : i32
      %dma_wait3A_68 = tpu.memref_slice %arg4[%dma_wait3A_66, %dma_wait3A_67] : memref<30522x384xi32, #tpu.memory_space<hbm>> -> memref<16x384xi32, #tpu.memory_space<hbm>>
      %dma_wait3A_69 = arith.constant 0 : i32
      %dma_wait3A_70 = arith.constant 0 : i32
      %dma_wait3A_71 = tpu.memref_slice %arg10[%dma_wait3A, %dma_wait3A_69, %dma_wait3A_70] : memref<4x16x384xi32, #tpu.memory_space<vmem>> -> memref<1x16x384xi32, #tpu.memory_space<vmem>>
      %dma_wait3A_72 = tpu.memref_squeeze %dma_wait3A_71 : memref<1x16x384xi32, #tpu.memory_space<vmem>> -> memref<16x384xi32, #tpu.memory_space<vmem>>
      %dma_wait3A_73 = arith.constant 0 : i32
      %dma_wait3A_74 = arith.constant 0 : i32
      %dma_wait3A_75 = tpu.memref_slice %arg4[%dma_wait3A_73, %dma_wait3A_74] : memref<30522x384xi32, #tpu.memory_space<hbm>> -> memref<16x384xi32, #tpu.memory_space<hbm>>
      tpu.wait_dma2 semaphore(%arg13 : memref<!tpu.dma_semaphore, #tpu.memory_space<semaphore_mem>>) src(%dma_wait3A_75 : memref<16x384xi32, #tpu.memory_space<hbm>>) dst(%dma_wait3A_72 : memref<16x384xi32, #tpu.memory_space<vmem>>)
      %dma_wait3A_76 = arith.constant 1 : i32
      %dma_wait3A_77 = arith.constant 0 : i32
      %dma_wait3A_78 = arith.constant 0 : i32
      %dma_wait3A_79 = tpu.memref_slice %arg10[%dma_wait3A_76, %dma_wait3A_77, %dma_wait3A_78] : memref<4x16x384xi32, #tpu.memory_space<vmem>> -> memref<1x16x384xi32, #tpu.memory_space<vmem>>
      %dma_wait3A_80 = tpu.memref_squeeze %dma_wait3A_79 : memref<1x16x384xi32, #tpu.memory_space<vmem>> -> memref<16x384xi32, #tpu.memory_space<vmem>>
      %dma_wait3A_81 = arith.constant 0 : i32
      %dma_wait3A_82 = arith.constant 0 : i32
      %dma_wait3A_83 = tpu.memref_slice %arg4[%dma_wait3A_81, %dma_wait3A_82] : memref<30522x384xi32, #tpu.memory_space<hbm>> -> memref<16x384xi32, #tpu.memory_space<hbm>>
      %dma_wait3A_84 = arith.constant 0 : i32
      %dma_wait3A_85 = arith.constant 0 : i32
      %dma_wait3A_86 = tpu.memref_slice %arg10[%dma_wait3A_76, %dma_wait3A_84, %dma_wait3A_85] : memref<4x16x384xi32, #tpu.memory_space<vmem>> -> memref<1x16x384xi32, #tpu.memory_space<vmem>>
      %dma_wait3A_87 = tpu.memref_squeeze %dma_wait3A_86 : memref<1x16x384xi32, #tpu.memory_space<vmem>> -> memref<16x384xi32, #tpu.memory_space<vmem>>
      %dma_wait3A_88 = arith.constant 0 : i32
      %dma_wait3A_89 = arith.constant 0 : i32
      %dma_wait3A_90 = tpu.memref_slice %arg4[%dma_wait3A_88, %dma_wait3A_89] : memref<30522x384xi32, #tpu.memory_space<hbm>> -> memref<16x384xi32, #tpu.memory_space<hbm>>
      tpu.wait_dma2 semaphore(%arg14 : memref<!tpu.dma_semaphore, #tpu.memory_space<semaphore_mem>>) src(%dma_wait3A_90 : memref<16x384xi32, #tpu.memory_space<hbm>>) dst(%dma_wait3A_87 : memref<16x384xi32, #tpu.memory_space<vmem>>)
      %rem3A = arith.constant 16 : i32
      %rem3A_91 = arith.remsi %mul3A_35, %rem3A : i32
      %mul3A_92 = arith.constant 32 : i32
      %mul3A_93 = arith.muli %mul3A_35, %mul3A_92 : i32
      %get3A = arith.index_cast %mul3A_93 : i32 to index
      %get3A_94 = tpu.vector_load %arg7[%get3A] {strides = array<i32>} : memref<16384xi32, #tpu.memory_space<vmem>>, vector<16xi32>,
      %mul3A_95 = arith.constant 32 : i32
      %mul3A_96 = arith.muli %mul3A_35, %mul3A_95 : i32
      %add3A_97 = arith.constant 16 : i32
      %add3A_98 = arith.addi %mul3A_96, %add3A_97 : i32
      %get3A_99 = arith.index_cast %add3A_98 : i32 to index
      %get3A_100 = tpu.vector_load %arg7[%get3A_99] {strides = array<i32>} : memref<16384xi32, #tpu.memory_space<vmem>>, vector<16xi32>,
      %gather3A = tpu.vector_load_idx %arg9[%get3A_94] : memref<30522xf32, #tpu.memory_space<vmem>>[vector<16xi32>], vector<16xf32>,
      %gather3A_101 = tpu.vector_load_idx %arg9[%get3A_100] : memref<30522xf32, #tpu.memory_space<vmem>>[vector<16xi32>], vector<16xf32>,
      %reduce_max3A = arith.constant true
      %reduce_max3A_102 = vector.broadcast %reduce_max3A : i1 to vector<16xi1>
      %reduce_max3A_103 = tpu.scan <max>, %gather3A masked %reduce_max3A_102 : vector<16xf32>, vector<16xi1> -> vector<16xf32>
      %reduce_max3A_104 = vector.extract %reduce_max3A_103[15] : f32 from vector<16xf32>
      %reduce_max3A_105 = arith.constant true
      %reduce_max3A_106 = vector.broadcast %reduce_max3A_105 : i1 to vector<16xi1>
      %reduce_max3A_107 = tpu.scan <max>, %gather3A_101 masked %reduce_max3A_106 : vector<16xf32>, vector<16xi1> -> vector<16xf32>
      %reduce_max3A_108 = vector.extract %reduce_max3A_107[15] : f32 from vector<16xf32>
      %max3A = arith.maximumf %reduce_max3A_104, %reduce_max3A_108 : f32
      %mul3A_109 = arith.constant 32 : i32
      %mul3A_110 = arith.muli %mul3A_35, %mul3A_109 : i32
      %get3A_111 = arith.index_cast %mul3A_110 : i32 to index
      %get3A_112 = tpu.vector_load %arg8[%get3A_111] {strides = array<i32>} : memref<16384xi32, #tpu.memory_space<vmem>>, vector<16xi32>,
      %convert_element_type3A = arith.sitofp %get3A_112 : vector<16xi32> to vector<16xf32>
      %mul3A_113 = arith.constant 32 : i32
      %mul3A_114 = arith.muli %mul3A_35, %mul3A_113 : i32
      %add3A_115 = arith.constant 16 : i32
      %add3A_116 = arith.addi %mul3A_114, %add3A_115 : i32
      %get3A_117 = arith.index_cast %add3A_116 : i32 to index
      %get3A_118 = tpu.vector_load %arg8[%get3A_117] {strides = array<i32>} : memref<16384xi32, #tpu.memory_space<vmem>>, vector<16xi32>,
      %convert_element_type3A_119 = arith.sitofp %get3A_118 : vector<16xi32> to vector<16xf32>
      %sub3A = vector.broadcast %max3A : f32 to vector<16xf32>
      %sub3A_120 = arith.subf %gather3A, %sub3A : vector<16xf32>
      %exp3A = math.exp %sub3A_120 : vector<16xf32>
      %mul3A_121 = arith.mulf %exp3A, %convert_element_type3A : vector<16xf32>
      %sub3A_122 = vector.broadcast %max3A : f32 to vector<16xf32>
      %sub3A_123 = arith.subf %gather3A_101, %sub3A_122 : vector<16xf32>
      %exp3A_124 = math.exp %sub3A_123 : vector<16xf32>
      %mul3A_125 = arith.mulf %exp3A_124, %convert_element_type3A_119 : vector<16xf32>
      %reduce_sum3A = arith.constant true
      %reduce_sum3A_126 = vector.broadcast %reduce_sum3A : i1 to vector<16xi1>
      %reduce_sum3A_127 = tpu.scan <sum>, %mul3A_121 masked %reduce_sum3A_126 : vector<16xf32>, vector<16xi1> -> vector<16xf32>
      %reduce_sum3A_128 = vector.extract %reduce_sum3A_127[15] : f32 from vector<16xf32>
      %reduce_sum3A_129 = arith.constant true
      %reduce_sum3A_130 = vector.broadcast %reduce_sum3A_129 : i1 to vector<16xi1>
      %reduce_sum3A_131 = tpu.scan <sum>, %mul3A_125 masked %reduce_sum3A_130 : vector<16xf32>, vector<16xi1> -> vector<16xf32>
      %reduce_sum3A_132 = vector.extract %reduce_sum3A_131[15] : f32 from vector<16xf32>
      %add3A_133 = arith.addf %reduce_sum3A_128, %reduce_sum3A_132 : f32
      %broadcast_in_dim3A = vector.broadcast %add3A_133 : f32 to vector<16xf32>
      %div3A = arith.constant 1.000000e+00 : f32
      %div3A_134 = vector.broadcast %div3A : f32 to vector<16xf32>
      %div3A_135 = arith.divf %div3A_134, %broadcast_in_dim3A : vector<16xf32>
      %mul3A_136 = arith.mulf %mul3A_121, %div3A_135 : vector<16xf32>
      %swap3A = arith.constant 0 : index
      %swap3A_137 = tpu.vector_load %arg12[%swap3A] {strides = array<i32>} : memref<32xf32, #tpu.memory_space<vmem>>, vector<16xf32>,
      tpu.vector_store %arg12[%swap3A], %mul3A_136 {strides = array<i32>} : memref<32xf32, #tpu.memory_space<vmem>>, vector<16xf32>,
      %mul3A_138 = arith.mulf %mul3A_125, %div3A_135 : vector<16xf32>
      %swap3A_139 = arith.constant 16 : index
      %swap3A_140 = tpu.vector_load %arg12[%swap3A_139] {strides = array<i32>} : memref<32xf32, #tpu.memory_space<vmem>>, vector<16xf32>,
      tpu.vector_store %arg12[%swap3A_139], %mul3A_138 {strides = array<i32>} : memref<32xf32, #tpu.memory_space<vmem>>, vector<16xf32>,
      %broadcast_in_dim3A_141 = arith.constant 0.000000e+00 : f32
      %broadcast_in_dim3A_142 = vector.broadcast %broadcast_in_dim3A_141 : f32 to vector<16xf32>
      %broadcast_in_dim3A_143 = arith.constant 0.000000e+00 : f32
      %broadcast_in_dim3A_144 = vector.broadcast %broadcast_in_dim3A_143 : f32 to vector<16xf32>
      %broadcast_in_dim3A_145 = arith.constant 0.000000e+00 : f32
      %broadcast_in_dim3A_146 = vector.broadcast %broadcast_in_dim3A_145 : f32 to vector<16xf32>
      %broadcast_in_dim3A_147 = arith.constant 0.000000e+00 : f32
      %broadcast_in_dim3A_148 = vector.broadcast %broadcast_in_dim3A_147 : f32 to vector<16xf32>
      %broadcast_in_dim3A_149 = arith.constant 0.000000e+00 : f32
      %broadcast_in_dim3A_150 = vector.broadcast %broadcast_in_dim3A_149 : f32 to vector<16xf32>
      %broadcast_in_dim3A_151 = arith.constant 0.000000e+00 : f32
      %broadcast_in_dim3A_152 = vector.broadcast %broadcast_in_dim3A_151 : f32 to vector<16xf32>
      %broadcast_in_dim3A_153 = arith.constant 0.000000e+00 : f32
      %broadcast_in_dim3A_154 = vector.broadcast %broadcast_in_dim3A_153 : f32 to vector<16xf32>
      %broadcast_in_dim3A_155 = arith.constant 0.000000e+00 : f32
      %broadcast_in_dim3A_156 = vector.broadcast %broadcast_in_dim3A_155 : f32 to vector<16xf32>
      %broadcast_in_dim3A_157 = arith.constant 0.000000e+00 : f32
      %broadcast_in_dim3A_158 = vector.broadcast %broadcast_in_dim3A_157 : f32 to vector<16xf32>
      %broadcast_in_dim3A_159 = arith.constant 0.000000e+00 : f32
      %broadcast_in_dim3A_160 = vector.broadcast %broadcast_in_dim3A_159 : f32 to vector<16xf32>
      %broadcast_in_dim3A_161 = arith.constant 0.000000e+00 : f32
      %broadcast_in_dim3A_162 = vector.broadcast %broadcast_in_dim3A_161 : f32 to vector<16xf32>
      %broadcast_in_dim3A_163 = arith.constant 0.000000e+00 : f32
      %broadcast_in_dim3A_164 = vector.broadcast %broadcast_in_dim3A_163 : f32 to vector<16xf32>
      %broadcast_in_dim3A_165 = arith.constant 0.000000e+00 : f32
      %broadcast_in_dim3A_166 = vector.broadcast %broadcast_in_dim3A_165 : f32 to vector<16xf32>
      %broadcast_in_dim3A_167 = arith.constant 0.000000e+00 : f32
      %broadcast_in_dim3A_168 = vector.broadcast %broadcast_in_dim3A_167 : f32 to vector<16xf32>
      %broadcast_in_dim3A_169 = arith.constant 0.000000e+00 : f32
      %broadcast_in_dim3A_170 = vector.broadcast %broadcast_in_dim3A_169 : f32 to vector<16xf32>
      %broadcast_in_dim3A_171 = arith.constant 0.000000e+00 : f32
      %broadcast_in_dim3A_172 = vector.broadcast %broadcast_in_dim3A_171 : f32 to vector<16xf32>
      %scan3A_173 = arith.constant 0 : i32
      %scan3A_174 = arith.constant 32 : i32
      %scan3A_175 = arith.addi %scan3A_173, %scan3A_174 : i32
      %scan3A_176 = arith.constant 1 : i32
      %scan3A_177:16 = scf.for %scan3A_765 = %scan3A_173 to %scan3A_175 step %scan3A_176 iter_args(%scan3A_766 = %broadcast_in_dim3A_142, %scan3A_767 = %broadcast_in_dim3A_144, %scan3A_768 = %broadcast_in_dim3A_146, %scan3A_769 = %broadcast_in_dim3A_148, %scan3A_770 = %broadcast_in_dim3A_150, %scan3A_771 = %broadcast_in_dim3A_152, %scan3A_772 = %broadcast_in_dim3A_154, %scan3A_773 = %broadcast_in_dim3A_156, %scan3A_774 = %broadcast_in_dim3A_158, %scan3A_775 = %broadcast_in_dim3A_160, %scan3A_776 = %broadcast_in_dim3A_162, %scan3A_777 = %broadcast_in_dim3A_164, %scan3A_778 = %broadcast_in_dim3A_166, %scan3A_779 = %broadcast_in_dim3A_168, %scan3A_780 = %broadcast_in_dim3A_170, %scan3A_781 = %broadcast_in_dim3A_172) -> (vector<16xf32>, vector<16xf32>, vector<16xf32>, vector<16xf32>, vector<16xf32>, vector<16xf32>, vector<16xf32>, vector<16xf32>, vector<16xf32>, vector<16xf32>, vector<16xf32>, vector<16xf32>, vector<16xf32>, vector<16xf32>, vector<16xf32>, vector<16xf32>)  : i32 {
        %broadcast_in_dim3A_782 = vector.broadcast %scan3A_765 : i32 to vector<16xi32>
        %gather3A_783 = tpu.vector_load_idx %arg12[%broadcast_in_dim3A_782] : memref<32xf32, #tpu.memory_space<vmem>>[vector<16xi32>], vector<16xf32>,
        %jit3A = arith.constant 16 : i32
        %div3A_784 = arith.divsi %scan3A_765, %jit3A : i32
        %sign3A = arith.constant 0 : i32
        %sign3A_785 = arith.cmpi sgt, %scan3A_765, %sign3A : i32
        %sign3A_786 = arith.extui %sign3A_785 : i1 to i32
        %sign3A_787 = arith.constant 0 : i32
        %sign3A_788 = arith.cmpi slt, %scan3A_765, %sign3A_787 : i32
        %sign3A_789 = arith.extui %sign3A_788 : i1 to i32
        %sign3A_790 = arith.subi %sign3A_786, %sign3A_789 : i32
        %sign3A_791 = arith.constant 0 : i32
        %sign3A_792 = arith.cmpi sgt, %jit3A, %sign3A_791 : i32
        %sign3A_793 = arith.extui %sign3A_792 : i1 to i32
        %sign3A_794 = arith.constant 0 : i32
        %sign3A_795 = arith.cmpi slt, %jit3A, %sign3A_794 : i32
        %sign3A_796 = arith.extui %sign3A_795 : i1 to i32
        %sign3A_797 = arith.subi %sign3A_793, %sign3A_796 : i32
        %ne3A = arith.cmpi ne, %sign3A_790, %sign3A_797 : i32
        %rem3A_798 = arith.remsi %scan3A_765, %jit3A : i32
        %ne3A_799 = arith.constant 0 : i32
        %ne3A_800 = arith.cmpi ne, %rem3A_798, %ne3A_799 : i32
        %and3A = arith.andi %ne3A, %ne3A_800 : i1
        %sub3A_801 = arith.constant 1 : i32
        %sub3A_802 = arith.subi %div3A_784, %sub3A_801 : i32
        %select_n3A = arith.select %and3A, %sub3A_802, %div3A_784 : i32
        %add3A_803 = arith.constant 0 : i32
        %add3A_804 = arith.addi %add3A_803, %select_n3A : i32
        %rem3A_805 = arith.constant 16 : i32
        %rem3A_806 = arith.remsi %scan3A_765, %rem3A_805 : i32
        %get3A_807 = arith.index_cast %add3A_804 : i32 to index
        %get3A_808 = arith.index_cast %rem3A_806 : i32 to index
        %get3A_809 = arith.constant 0 : index
        %get3A_810 = tpu.vector_load %arg10[%get3A_807, %get3A_808, %get3A_809] {strides = array<i32>} : memref<4x16x384xi32, #tpu.memory_space<vmem>>, vector<16xi32>,
        %bitcast3A = vector.bitcast %get3A_810 : vector<16xi32> to vector<32xbf16>
        %unpack3A = tpu.unpack_subelements %bitcast3A, 0 {pack_format = #tpu.pack_format<interleaved>} : vector<32xbf16> -> vector<16xf32>
        %unpack3A_811 = tpu.unpack_subelements %bitcast3A, 1 {pack_format = #tpu.pack_format<interleaved>} : vector<32xbf16> -> vector<16xf32>
        %mul3A_812 = arith.mulf %unpack3A, %gather3A_783 : vector<16xf32>
        %add3A_813 = arith.addf %scan3A_766, %mul3A_812 : vector<16xf32>
        %mul3A_814 = arith.mulf %unpack3A_811, %gather3A_783 : vector<16xf32>
        %add3A_815 = arith.addf %scan3A_767, %mul3A_814 : vector<16xf32>
        %get3A_816 = arith.index_cast %add3A_804 : i32 to index
        %get3A_817 = arith.index_cast %rem3A_806 : i32 to index
        %get3A_818 = arith.constant 16 : index
        %get3A_819 = tpu.vector_load %arg10[%get3A_816, %get3A_817, %get3A_818] {strides = array<i32>} : memref<4x16x384xi32, #tpu.memory_space<vmem>>, vector<16xi32>,
        %bitcast3A_820 = vector.bitcast %get3A_819 : vector<16xi32> to vector<32xbf16>
        %unpack3A_821 = tpu.unpack_subelements %bitcast3A_820, 0 {pack_format = #tpu.pack_format<interleaved>} : vector<32xbf16> -> vector<16xf32>
        %unpack3A_822 = tpu.unpack_subelements %bitcast3A_820, 1 {pack_format = #tpu.pack_format<interleaved>} : vector<32xbf16> -> vector<16xf32>
        %mul3A_823 = arith.mulf %unpack3A_821, %gather3A_783 : vector<16xf32>
        %add3A_824 = arith.addf %scan3A_768, %mul3A_823 : vector<16xf32>
        %mul3A_825 = arith.mulf %unpack3A_822, %gather3A_783 : vector<16xf32>
        %add3A_826 = arith.addf %scan3A_769, %mul3A_825 : vector<16xf32>
        %get3A_827 = arith.index_cast %add3A_804 : i32 to index
        %get3A_828 = arith.index_cast %rem3A_806 : i32 to index
        %get3A_829 = arith.constant 32 : index
        %get3A_830 = tpu.vector_load %arg10[%get3A_827, %get3A_828, %get3A_829] {strides = array<i32>} : memref<4x16x384xi32, #tpu.memory_space<vmem>>, vector<16xi32>,
        %bitcast3A_831 = vector.bitcast %get3A_830 : vector<16xi32> to vector<32xbf16>
        %unpack3A_832 = tpu.unpack_subelements %bitcast3A_831, 0 {pack_format = #tpu.pack_format<interleaved>} : vector<32xbf16> -> vector<16xf32>
        %unpack3A_833 = tpu.unpack_subelements %bitcast3A_831, 1 {pack_format = #tpu.pack_format<interleaved>} : vector<32xbf16> -> vector<16xf32>
        %mul3A_834 = arith.mulf %unpack3A_832, %gather3A_783 : vector<16xf32>
        %add3A_835 = arith.addf %scan3A_770, %mul3A_834 : vector<16xf32>
        %mul3A_836 = arith.mulf %unpack3A_833, %gather3A_783 : vector<16xf32>
        %add3A_837 = arith.addf %scan3A_771, %mul3A_836 : vector<16xf32>
        %get3A_838 = arith.index_cast %add3A_804 : i32 to index
        %get3A_839 = arith.index_cast %rem3A_806 : i32 to index
        %get3A_840 = arith.constant 48 : index
        %get3A_841 = tpu.vector_load %arg10[%get3A_838, %get3A_839, %get3A_840] {strides = array<i32>} : memref<4x16x384xi32, #tpu.memory_space<vmem>>, vector<16xi32>,
        %bitcast3A_842 = vector.bitcast %get3A_841 : vector<16xi32> to vector<32xbf16>
        %unpack3A_843 = tpu.unpack_subelements %bitcast3A_842, 0 {pack_format = #tpu.pack_format<interleaved>} : vector<32xbf16> -> vector<16xf32>
        %unpack3A_844 = tpu.unpack_subelements %bitcast3A_842, 1 {pack_format = #tpu.pack_format<interleaved>} : vector<32xbf16> -> vector<16xf32>
        %mul3A_845 = arith.mulf %unpack3A_843, %gather3A_783 : vector<16xf32>
        %add3A_846 = arith.addf %scan3A_772, %mul3A_845 : vector<16xf32>
        %mul3A_847 = arith.mulf %unpack3A_844, %gather3A_783 : vector<16xf32>
        %add3A_848 = arith.addf %scan3A_773, %mul3A_847 : vector<16xf32>
        %get3A_849 = arith.index_cast %add3A_804 : i32 to index
        %get3A_850 = arith.index_cast %rem3A_806 : i32 to index
        %get3A_851 = arith.constant 64 : index
        %get3A_852 = tpu.vector_load %arg10[%get3A_849, %get3A_850, %get3A_851] {strides = array<i32>} : memref<4x16x384xi32, #tpu.memory_space<vmem>>, vector<16xi32>,
        %bitcast3A_853 = vector.bitcast %get3A_852 : vector<16xi32> to vector<32xbf16>
        %unpack3A_854 = tpu.unpack_subelements %bitcast3A_853, 0 {pack_format = #tpu.pack_format<interleaved>} : vector<32xbf16> -> vector<16xf32>
        %unpack3A_855 = tpu.unpack_subelements %bitcast3A_853, 1 {pack_format = #tpu.pack_format<interleaved>} : vector<32xbf16> -> vector<16xf32>
        %mul3A_856 = arith.mulf %unpack3A_854, %gather3A_783 : vector<16xf32>
        %add3A_857 = arith.addf %scan3A_774, %mul3A_856 : vector<16xf32>
        %mul3A_858 = arith.mulf %unpack3A_855, %gather3A_783 : vector<16xf32>
        %add3A_859 = arith.addf %scan3A_775, %mul3A_858 : vector<16xf32>
        %get3A_860 = arith.index_cast %add3A_804 : i32 to index
        %get3A_861 = arith.index_cast %rem3A_806 : i32 to index
        %get3A_862 = arith.constant 80 : index
        %get3A_863 = tpu.vector_load %arg10[%get3A_860, %get3A_861, %get3A_862] {strides = array<i32>} : memref<4x16x384xi32, #tpu.memory_space<vmem>>, vector<16xi32>,
        %bitcast3A_864 = vector.bitcast %get3A_863 : vector<16xi32> to vector<32xbf16>
        %unpack3A_865 = tpu.unpack_subelements %bitcast3A_864, 0 {pack_format = #tpu.pack_format<interleaved>} : vector<32xbf16> -> vector<16xf32>
        %unpack3A_866 = tpu.unpack_subelements %bitcast3A_864, 1 {pack_format = #tpu.pack_format<interleaved>} : vector<32xbf16> -> vector<16xf32>
        %mul3A_867 = arith.mulf %unpack3A_865, %gather3A_783 : vector<16xf32>
        %add3A_868 = arith.addf %scan3A_776, %mul3A_867 : vector<16xf32>
        %mul3A_869 = arith.mulf %unpack3A_866, %gather3A_783 : vector<16xf32>
        %add3A_870 = arith.addf %scan3A_777, %mul3A_869 : vector<16xf32>
        %get3A_871 = arith.index_cast %add3A_804 : i32 to index
        %get3A_872 = arith.index_cast %rem3A_806 : i32 to index
        %get3A_873 = arith.constant 96 : index
        %get3A_874 = tpu.vector_load %arg10[%get3A_871, %get3A_872, %get3A_873] {strides = array<i32>} : memref<4x16x384xi32, #tpu.memory_space<vmem>>, vector<16xi32>,
        %bitcast3A_875 = vector.bitcast %get3A_874 : vector<16xi32> to vector<32xbf16>
        %unpack3A_876 = tpu.unpack_subelements %bitcast3A_875, 0 {pack_format = #tpu.pack_format<interleaved>} : vector<32xbf16> -> vector<16xf32>
        %unpack3A_877 = tpu.unpack_subelements %bitcast3A_875, 1 {pack_format = #tpu.pack_format<interleaved>} : vector<32xbf16> -> vector<16xf32>
        %mul3A_878 = arith.mulf %unpack3A_876, %gather3A_783 : vector<16xf32>
        %add3A_879 = arith.addf %scan3A_778, %mul3A_878 : vector<16xf32>
        %mul3A_880 = arith.mulf %unpack3A_877, %gather3A_783 : vector<16xf32>
        %add3A_881 = arith.addf %scan3A_779, %mul3A_880 : vector<16xf32>
        %get3A_882 = arith.index_cast %add3A_804 : i32 to index
        %get3A_883 = arith.index_cast %rem3A_806 : i32 to index
        %get3A_884 = arith.constant 112 : index
        %get3A_885 = tpu.vector_load %arg10[%get3A_882, %get3A_883, %get3A_884] {strides = array<i32>} : memref<4x16x384xi32, #tpu.memory_space<vmem>>, vector<16xi32>,
        %bitcast3A_886 = vector.bitcast %get3A_885 : vector<16xi32> to vector<32xbf16>
        %unpack3A_887 = tpu.unpack_subelements %bitcast3A_886, 0 {pack_format = #tpu.pack_format<interleaved>} : vector<32xbf16> -> vector<16xf32>
        %unpack3A_888 = tpu.unpack_subelements %bitcast3A_886, 1 {pack_format = #tpu.pack_format<interleaved>} : vector<32xbf16> -> vector<16xf32>
        %mul3A_889 = arith.mulf %unpack3A_887, %gather3A_783 : vector<16xf32>
        %add3A_890 = arith.addf %scan3A_780, %mul3A_889 : vector<16xf32>
        %mul3A_891 = arith.mulf %unpack3A_888, %gather3A_783 : vector<16xf32>
        %add3A_892 = arith.addf %scan3A_781, %mul3A_891 : vector<16xf32>
        scf.yield %add3A_813, %add3A_815, %add3A_824, %add3A_826, %add3A_835, %add3A_837, %add3A_846, %add3A_848, %add3A_857, %add3A_859, %add3A_868, %add3A_870, %add3A_879, %add3A_881, %add3A_890, %add3A_892 : vector<16xf32>, vector<16xf32>, vector<16xf32>, vector<16xf32>, vector<16xf32>, vector<16xf32>, vector<16xf32>, vector<16xf32>, vector<16xf32>, vector<16xf32>, vector<16xf32>, vector<16xf32>, vector<16xf32>, vector<16xf32>, vector<16xf32>, vector<16xf32>
      }
      %scan3A_178 = arith.constant 32 : i32
      %swap3A_179 = arith.index_cast %rem3A_91 : i32 to index
      %swap3A_180 = arith.constant 0 : index
      %swap3A_181 = tpu.vector_load %arg11[%swap3A_179, %swap3A_180] {strides = array<i32>} : memref<16x768xf32, #tpu.memory_space<vmem>>, vector<16xf32>,
      tpu.vector_store %arg11[%swap3A_179, %swap3A_180], %scan3A_177#0 {strides = array<i32>} : memref<16x768xf32, #tpu.memory_space<vmem>>, vector<16xf32>,
      %swap3A_182 = arith.index_cast %rem3A_91 : i32 to index
      %swap3A_183 = arith.constant 16 : index
      %swap3A_184 = tpu.vector_load %arg11[%swap3A_182, %swap3A_183] {strides = array<i32>} : memref<16x768xf32, #tpu.memory_space<vmem>>, vector<16xf32>,
      tpu.vector_store %arg11[%swap3A_182, %swap3A_183], %scan3A_177#1 {strides = array<i32>} : memref<16x768xf32, #tpu.memory_space<vmem>>, vector<16xf32>,
      %swap3A_185 = arith.index_cast %rem3A_91 : i32 to index
      %swap3A_186 = arith.constant 32 : index
      %swap3A_187 = tpu.vector_load %arg11[%swap3A_185, %swap3A_186] {strides = array<i32>} : memref<16x768xf32, #tpu.memory_space<vmem>>, vector<16xf32>,
      tpu.vector_store %arg11[%swap3A_185, %swap3A_186], %scan3A_177#2 {strides = array<i32>} : memref<16x768xf32, #tpu.memory_space<vmem>>, vector<16xf32>,
      %swap3A_188 = arith.index_cast %rem3A_91 : i32 to index
      %swap3A_189 = arith.constant 48 : index
      %swap3A_190 = tpu.vector_load %arg11[%swap3A_188, %swap3A_189] {strides = array<i32>} : memref<16x768xf32, #tpu.memory_space<vmem>>, vector<16xf32>,
      tpu.vector_store %arg11[%swap3A_188, %swap3A_189], %scan3A_177#3 {strides = array<i32>} : memref<16x768xf32, #tpu.memory_space<vmem>>, vector<16xf32>,
      %swap3A_191 = arith.index_cast %rem3A_91 : i32 to index
      %swap3A_192 = arith.constant 64 : index
      %swap3A_193 = tpu.vector_load %arg11[%swap3A_191, %swap3A_192] {strides = array<i32>} : memref<16x768xf32, #tpu.memory_space<vmem>>, vector<16xf32>,
      tpu.vector_store %arg11[%swap3A_191, %swap3A_192], %scan3A_177#4 {strides = array<i32>} : memref<16x768xf32, #tpu.memory_space<vmem>>, vector<16xf32>,
      %swap3A_194 = arith.index_cast %rem3A_91 : i32 to index
      %swap3A_195 = arith.constant 80 : index
      %swap3A_196 = tpu.vector_load %arg11[%swap3A_194, %swap3A_195] {strides = array<i32>} : memref<16x768xf32, #tpu.memory_space<vmem>>, vector<16xf32>,
      tpu.vector_store %arg11[%swap3A_194, %swap3A_195], %scan3A_177#5 {strides = array<i32>} : memref<16x768xf32, #tpu.memory_space<vmem>>, vector<16xf32>,
      %swap3A_197 = arith.index_cast %rem3A_91 : i32 to index
      %swap3A_198 = arith.constant 96 : index
      %swap3A_199 = tpu.vector_load %arg11[%swap3A_197, %swap3A_198] {strides = array<i32>} : memref<16x768xf32, #tpu.memory_space<vmem>>, vector<16xf32>,
      tpu.vector_store %arg11[%swap3A_197, %swap3A_198], %scan3A_177#6 {strides = array<i32>} : memref<16x768xf32, #tpu.memory_space<vmem>>, vector<16xf32>,
      %swap3A_200 = arith.index_cast %rem3A_91 : i32 to index
      %swap3A_201 = arith.constant 112 : index
      %swap3A_202 = tpu.vector_load %arg11[%swap3A_200, %swap3A_201] {strides = array<i32>} : memref<16x768xf32, #tpu.memory_space<vmem>>, vector<16xf32>,
      tpu.vector_store %arg11[%swap3A_200, %swap3A_201], %scan3A_177#7 {strides = array<i32>} : memref<16x768xf32, #tpu.memory_space<vmem>>, vector<16xf32>,
      %swap3A_203 = arith.index_cast %rem3A_91 : i32 to index
      %swap3A_204 = arith.constant 128 : index
      %swap3A_205 = tpu.vector_load %arg11[%swap3A_203, %swap3A_204] {strides = array<i32>} : memref<16x768xf32, #tpu.memory_space<vmem>>, vector<16xf32>,
      tpu.vector_store %arg11[%swap3A_203, %swap3A_204], %scan3A_177#8 {strides = array<i32>} : memref<16x768xf32, #tpu.memory_space<vmem>>, vector<16xf32>,
      %swap3A_206 = arith.index_cast %rem3A_91 : i32 to index
      %swap3A_207 = arith.constant 144 : index
      %swap3A_208 = tpu.vector_load %arg11[%swap3A_206, %swap3A_207] {strides = array<i32>} : memref<16x768xf32, #tpu.memory_space<vmem>>, vector<16xf32>,
      tpu.vector_store %arg11[%swap3A_206, %swap3A_207], %scan3A_177#9 {strides = array<i32>} : memref<16x768xf32, #tpu.memory_space<vmem>>, vector<16xf32>,
      %swap3A_209 = arith.index_cast %rem3A_91 : i32 to index
      %swap3A_210 = arith.constant 160 : index
      %swap3A_211 = tpu.vector_load %arg11[%swap3A_209, %swap3A_210] {strides = array<i32>} : memref<16x768xf32, #tpu.memory_space<vmem>>, vector<16xf32>,
      tpu.vector_store %arg11[%swap3A_209, %swap3A_210], %scan3A_177#10 {strides = array<i32>} : memref<16x768xf32, #tpu.memory_space<vmem>>, vector<16xf32>,
      %swap3A_212 = arith.index_cast %rem3A_91 : i32 to index
      %swap3A_213 = arith.constant 176 : index
      %swap3A_214 = tpu.vector_load %arg11[%swap3A_212, %swap3A_213] {strides = array<i32>} : memref<16x768xf32, #tpu.memory_space<vmem>>, vector<16xf32>,
      tpu.vector_store %arg11[%swap3A_212, %swap3A_213], %scan3A_177#11 {strides = array<i32>} : memref<16x768xf32, #tpu.memory_space<vmem>>, vector<16xf32>,
      %swap3A_215 = arith.index_cast %rem3A_91 : i32 to index
      %swap3A_216 = arith.constant 192 : index
      %swap3A_217 = tpu.vector_load %arg11[%swap3A_215, %swap3A_216] {strides = array<i32>} : memref<16x768xf32, #tpu.memory_space<vmem>>, vector<16xf32>,
      tpu.vector_store %arg11[%swap3A_215, %swap3A_216], %scan3A_177#12 {strides = array<i32>} : memref<16x768xf32, #tpu.memory_space<vmem>>, vector<16xf32>,
      %swap3A_218 = arith.index_cast %rem3A_91 : i32 to index
      %swap3A_219 = arith.constant 208 : index
      %swap3A_220 = tpu.vector_load %arg11[%swap3A_218, %swap3A_219] {strides = array<i32>} : memref<16x768xf32, #tpu.memory_space<vmem>>, vector<16xf32>,
      tpu.vector_store %arg11[%swap3A_218, %swap3A_219], %scan3A_177#13 {strides = array<i32>} : memref<16x768xf32, #tpu.memory_space<vmem>>, vector<16xf32>,
      %swap3A_221 = arith.index_cast %rem3A_91 : i32 to index
      %swap3A_222 = arith.constant 224 : index
      %swap3A_223 = tpu.vector_load %arg11[%swap3A_221, %swap3A_222] {strides = array<i32>} : memref<16x768xf32, #tpu.memory_space<vmem>>, vector<16xf32>,
      tpu.vector_store %arg11[%swap3A_221, %swap3A_222], %scan3A_177#14 {strides = array<i32>} : memref<16x768xf32, #tpu.memory_space<vmem>>, vector<16xf32>,
      %swap3A_224 = arith.index_cast %rem3A_91 : i32 to index
      %swap3A_225 = arith.constant 240 : index
      %swap3A_226 = tpu.vector_load %arg11[%swap3A_224, %swap3A_225] {strides = array<i32>} : memref<16x768xf32, #tpu.memory_space<vmem>>, vector<16xf32>,
      tpu.vector_store %arg11[%swap3A_224, %swap3A_225], %scan3A_177#15 {strides = array<i32>} : memref<16x768xf32, #tpu.memory_space<vmem>>, vector<16xf32>,
      %broadcast_in_dim3A_227 = arith.constant 0.000000e+00 : f32
      %broadcast_in_dim3A_228 = vector.broadcast %broadcast_in_dim3A_227 : f32 to vector<16xf32>
      %broadcast_in_dim3A_229 = arith.constant 0.000000e+00 : f32
      %broadcast_in_dim3A_230 = vector.broadcast %broadcast_in_dim3A_229 : f32 to vector<16xf32>
      %broadcast_in_dim3A_231 = arith.constant 0.000000e+00 : f32
      %broadcast_in_dim3A_232 = vector.broadcast %broadcast_in_dim3A_231 : f32 to vector<16xf32>
      %broadcast_in_dim3A_233 = arith.constant 0.000000e+00 : f32
      %broadcast_in_dim3A_234 = vector.broadcast %broadcast_in_dim3A_233 : f32 to vector<16xf32>
      %broadcast_in_dim3A_235 = arith.constant 0.000000e+00 : f32
      %broadcast_in_dim3A_236 = vector.broadcast %broadcast_in_dim3A_235 : f32 to vector<16xf32>
      %broadcast_in_dim3A_237 = arith.constant 0.000000e+00 : f32
      %broadcast_in_dim3A_238 = vector.broadcast %broadcast_in_dim3A_237 : f32 to vector<16xf32>
      %broadcast_in_dim3A_239 = arith.constant 0.000000e+00 : f32
      %broadcast_in_dim3A_240 = vector.broadcast %broadcast_in_dim3A_239 : f32 to vector<16xf32>
      %broadcast_in_dim3A_241 = arith.constant 0.000000e+00 : f32
      %broadcast_in_dim3A_242 = vector.broadcast %broadcast_in_dim3A_241 : f32 to vector<16xf32>
      %broadcast_in_dim3A_243 = arith.constant 0.000000e+00 : f32
      %broadcast_in_dim3A_244 = vector.broadcast %broadcast_in_dim3A_243 : f32 to vector<16xf32>
      %broadcast_in_dim3A_245 = arith.constant 0.000000e+00 : f32
      %broadcast_in_dim3A_246 = vector.broadcast %broadcast_in_dim3A_245 : f32 to vector<16xf32>
      %broadcast_in_dim3A_247 = arith.constant 0.000000e+00 : f32
      %broadcast_in_dim3A_248 = vector.broadcast %broadcast_in_dim3A_247 : f32 to vector<16xf32>
      %broadcast_in_dim3A_249 = arith.constant 0.000000e+00 : f32
      %broadcast_in_dim3A_250 = vector.broadcast %broadcast_in_dim3A_249 : f32 to vector<16xf32>
      %broadcast_in_dim3A_251 = arith.constant 0.000000e+00 : f32
      %broadcast_in_dim3A_252 = vector.broadcast %broadcast_in_dim3A_251 : f32 to vector<16xf32>
      %broadcast_in_dim3A_253 = arith.constant 0.000000e+00 : f32
      %broadcast_in_dim3A_254 = vector.broadcast %broadcast_in_dim3A_253 : f32 to vector<16xf32>
      %broadcast_in_dim3A_255 = arith.constant 0.000000e+00 : f32
      %broadcast_in_dim3A_256 = vector.broadcast %broadcast_in_dim3A_255 : f32 to vector<16xf32>
      %broadcast_in_dim3A_257 = arith.constant 0.000000e+00 : f32
      %broadcast_in_dim3A_258 = vector.broadcast %broadcast_in_dim3A_257 : f32 to vector<16xf32>
      %scan3A_259 = arith.constant 0 : i32
      %scan3A_260 = arith.constant 32 : i32
      %scan3A_261 = arith.addi %scan3A_259, %scan3A_260 : i32
      %scan3A_262 = arith.constant 1 : i32
      %scan3A_263:16 = scf.for %scan3A_765 = %scan3A_259 to %scan3A_261 step %scan3A_262 iter_args(%scan3A_766 = %broadcast_in_dim3A_228, %scan3A_767 = %broadcast_in_dim3A_230, %scan3A_768 = %broadcast_in_dim3A_232, %scan3A_769 = %broadcast_in_dim3A_234, %scan3A_770 = %broadcast_in_dim3A_236, %scan3A_771 = %broadcast_in_dim3A_238, %scan3A_772 = %broadcast_in_dim3A_240, %scan3A_773 = %broadcast_in_dim3A_242, %scan3A_774 = %broadcast_in_dim3A_244, %scan3A_775 = %broadcast_in_dim3A_246, %scan3A_776 = %broadcast_in_dim3A_248, %scan3A_777 = %broadcast_in_dim3A_250, %scan3A_778 = %broadcast_in_dim3A_252, %scan3A_779 = %broadcast_in_dim3A_254, %scan3A_780 = %broadcast_in_dim3A_256, %scan3A_781 = %broadcast_in_dim3A_258) -> (vector<16xf32>, vector<16xf32>, vector<16xf32>, vector<16xf32>, vector<16xf32>, vector<16xf32>, vector<16xf32>, vector<16xf32>, vector<16xf32>, vector<16xf32>, vector<16xf32>, vector<16xf32>, vector<16xf32>, vector<16xf32>, vector<16xf32>, vector<16xf32>)  : i32 {
        %broadcast_in_dim3A_782 = vector.broadcast %scan3A_765 : i32 to vector<16xi32>
        %gather3A_783 = tpu.vector_load_idx %arg12[%broadcast_in_dim3A_782] : memref<32xf32, #tpu.memory_space<vmem>>[vector<16xi32>], vector<16xf32>,
        %jit3A = arith.constant 16 : i32
        %div3A_784 = arith.divsi %scan3A_765, %jit3A : i32
        %sign3A = arith.constant 0 : i32
        %sign3A_785 = arith.cmpi sgt, %scan3A_765, %sign3A : i32
        %sign3A_786 = arith.extui %sign3A_785 : i1 to i32
        %sign3A_787 = arith.constant 0 : i32
        %sign3A_788 = arith.cmpi slt, %scan3A_765, %sign3A_787 : i32
        %sign3A_789 = arith.extui %sign3A_788 : i1 to i32
        %sign3A_790 = arith.subi %sign3A_786, %sign3A_789 : i32
        %sign3A_791 = arith.constant 0 : i32
        %sign3A_792 = arith.cmpi sgt, %jit3A, %sign3A_791 : i32
        %sign3A_793 = arith.extui %sign3A_792 : i1 to i32
        %sign3A_794 = arith.constant 0 : i32
        %sign3A_795 = arith.cmpi slt, %jit3A, %sign3A_794 : i32
        %sign3A_796 = arith.extui %sign3A_795 : i1 to i32
        %sign3A_797 = arith.subi %sign3A_793, %sign3A_796 : i32
        %ne3A = arith.cmpi ne, %sign3A_790, %sign3A_797 : i32
        %rem3A_798 = arith.remsi %scan3A_765, %jit3A : i32
        %ne3A_799 = arith.constant 0 : i32
        %ne3A_800 = arith.cmpi ne, %rem3A_798, %ne3A_799 : i32
        %and3A = arith.andi %ne3A, %ne3A_800 : i1
        %sub3A_801 = arith.constant 1 : i32
        %sub3A_802 = arith.subi %div3A_784, %sub3A_801 : i32
        %select_n3A = arith.select %and3A, %sub3A_802, %div3A_784 : i32
        %add3A_803 = arith.constant 0 : i32
        %add3A_804 = arith.addi %add3A_803, %select_n3A : i32
        %rem3A_805 = arith.constant 16 : i32
        %rem3A_806 = arith.remsi %scan3A_765, %rem3A_805 : i32
        %get3A_807 = arith.index_cast %add3A_804 : i32 to index
        %get3A_808 = arith.index_cast %rem3A_806 : i32 to index
        %get3A_809 = arith.constant 128 : index
        %get3A_810 = tpu.vector_load %arg10[%get3A_807, %get3A_808, %get3A_809] {strides = array<i32>} : memref<4x16x384xi32, #tpu.memory_space<vmem>>, vector<16xi32>,
        %bitcast3A = vector.bitcast %get3A_810 : vector<16xi32> to vector<32xbf16>
        %unpack3A = tpu.unpack_subelements %bitcast3A, 0 {pack_format = #tpu.pack_format<interleaved>} : vector<32xbf16> -> vector<16xf32>
        %unpack3A_811 = tpu.unpack_subelements %bitcast3A, 1 {pack_format = #tpu.pack_format<interleaved>} : vector<32xbf16> -> vector<16xf32>
        %mul3A_812 = arith.mulf %unpack3A, %gather3A_783 : vector<16xf32>
        %add3A_813 = arith.addf %scan3A_766, %mul3A_812 : vector<16xf32>
        %mul3A_814 = arith.mulf %unpack3A_811, %gather3A_783 : vector<16xf32>
        %add3A_815 = arith.addf %scan3A_767, %mul3A_814 : vector<16xf32>
        %get3A_816 = arith.index_cast %add3A_804 : i32 to index
        %get3A_817 = arith.index_cast %rem3A_806 : i32 to index
        %get3A_818 = arith.constant 144 : index
        %get3A_819 = tpu.vector_load %arg10[%get3A_816, %get3A_817, %get3A_818] {strides = array<i32>} : memref<4x16x384xi32, #tpu.memory_space<vmem>>, vector<16xi32>,
        %bitcast3A_820 = vector.bitcast %get3A_819 : vector<16xi32> to vector<32xbf16>
        %unpack3A_821 = tpu.unpack_subelements %bitcast3A_820, 0 {pack_format = #tpu.pack_format<interleaved>} : vector<32xbf16> -> vector<16xf32>
        %unpack3A_822 = tpu.unpack_subelements %bitcast3A_820, 1 {pack_format = #tpu.pack_format<interleaved>} : vector<32xbf16> -> vector<16xf32>
        %mul3A_823 = arith.mulf %unpack3A_821, %gather3A_783 : vector<16xf32>
        %add3A_824 = arith.addf %scan3A_768, %mul3A_823 : vector<16xf32>
        %mul3A_825 = arith.mulf %unpack3A_822, %gather3A_783 : vector<16xf32>
        %add3A_826 = arith.addf %scan3A_769, %mul3A_825 : vector<16xf32>
        %get3A_827 = arith.index_cast %add3A_804 : i32 to index
        %get3A_828 = arith.index_cast %rem3A_806 : i32 to index
        %get3A_829 = arith.constant 160 : index
        %get3A_830 = tpu.vector_load %arg10[%get3A_827, %get3A_828, %get3A_829] {strides = array<i32>} : memref<4x16x384xi32, #tpu.memory_space<vmem>>, vector<16xi32>,
        %bitcast3A_831 = vector.bitcast %get3A_830 : vector<16xi32> to vector<32xbf16>
        %unpack3A_832 = tpu.unpack_subelements %bitcast3A_831, 0 {pack_format = #tpu.pack_format<interleaved>} : vector<32xbf16> -> vector<16xf32>
        %unpack3A_833 = tpu.unpack_subelements %bitcast3A_831, 1 {pack_format = #tpu.pack_format<interleaved>} : vector<32xbf16> -> vector<16xf32>
        %mul3A_834 = arith.mulf %unpack3A_832, %gather3A_783 : vector<16xf32>
        %add3A_835 = arith.addf %scan3A_770, %mul3A_834 : vector<16xf32>
        %mul3A_836 = arith.mulf %unpack3A_833, %gather3A_783 : vector<16xf32>
        %add3A_837 = arith.addf %scan3A_771, %mul3A_836 : vector<16xf32>
        %get3A_838 = arith.index_cast %add3A_804 : i32 to index
        %get3A_839 = arith.index_cast %rem3A_806 : i32 to index
        %get3A_840 = arith.constant 176 : index
        %get3A_841 = tpu.vector_load %arg10[%get3A_838, %get3A_839, %get3A_840] {strides = array<i32>} : memref<4x16x384xi32, #tpu.memory_space<vmem>>, vector<16xi32>,
        %bitcast3A_842 = vector.bitcast %get3A_841 : vector<16xi32> to vector<32xbf16>
        %unpack3A_843 = tpu.unpack_subelements %bitcast3A_842, 0 {pack_format = #tpu.pack_format<interleaved>} : vector<32xbf16> -> vector<16xf32>
        %unpack3A_844 = tpu.unpack_subelements %bitcast3A_842, 1 {pack_format = #tpu.pack_format<interleaved>} : vector<32xbf16> -> vector<16xf32>
        %mul3A_845 = arith.mulf %unpack3A_843, %gather3A_783 : vector<16xf32>
        %add3A_846 = arith.addf %scan3A_772, %mul3A_845 : vector<16xf32>
        %mul3A_847 = arith.mulf %unpack3A_844, %gather3A_783 : vector<16xf32>
        %add3A_848 = arith.addf %scan3A_773, %mul3A_847 : vector<16xf32>
        %get3A_849 = arith.index_cast %add3A_804 : i32 to index
        %get3A_850 = arith.index_cast %rem3A_806 : i32 to index
        %get3A_851 = arith.constant 192 : index
        %get3A_852 = tpu.vector_load %arg10[%get3A_849, %get3A_850, %get3A_851] {strides = array<i32>} : memref<4x16x384xi32, #tpu.memory_space<vmem>>, vector<16xi32>,
        %bitcast3A_853 = vector.bitcast %get3A_852 : vector<16xi32> to vector<32xbf16>
        %unpack3A_854 = tpu.unpack_subelements %bitcast3A_853, 0 {pack_format = #tpu.pack_format<interleaved>} : vector<32xbf16> -> vector<16xf32>
        %unpack3A_855 = tpu.unpack_subelements %bitcast3A_853, 1 {pack_format = #tpu.pack_format<interleaved>} : vector<32xbf16> -> vector<16xf32>
        %mul3A_856 = arith.mulf %unpack3A_854, %gather3A_783 : vector<16xf32>
        %add3A_857 = arith.addf %scan3A_774, %mul3A_856 : vector<16xf32>
        %mul3A_858 = arith.mulf %unpack3A_855, %gather3A_783 : vector<16xf32>
        %add3A_859 = arith.addf %scan3A_775, %mul3A_858 : vector<16xf32>
        %get3A_860 = arith.index_cast %add3A_804 : i32 to index
        %get3A_861 = arith.index_cast %rem3A_806 : i32 to index
        %get3A_862 = arith.constant 208 : index
        %get3A_863 = tpu.vector_load %arg10[%get3A_860, %get3A_861, %get3A_862] {strides = array<i32>} : memref<4x16x384xi32, #tpu.memory_space<vmem>>, vector<16xi32>,
        %bitcast3A_864 = vector.bitcast %get3A_863 : vector<16xi32> to vector<32xbf16>
        %unpack3A_865 = tpu.unpack_subelements %bitcast3A_864, 0 {pack_format = #tpu.pack_format<interleaved>} : vector<32xbf16> -> vector<16xf32>
        %unpack3A_866 = tpu.unpack_subelements %bitcast3A_864, 1 {pack_format = #tpu.pack_format<interleaved>} : vector<32xbf16> -> vector<16xf32>
        %mul3A_867 = arith.mulf %unpack3A_865, %gather3A_783 : vector<16xf32>
        %add3A_868 = arith.addf %scan3A_776, %mul3A_867 : vector<16xf32>
        %mul3A_869 = arith.mulf %unpack3A_866, %gather3A_783 : vector<16xf32>
        %add3A_870 = arith.addf %scan3A_777, %mul3A_869 : vector<16xf32>
        %get3A_871 = arith.index_cast %add3A_804 : i32 to index
        %get3A_872 = arith.index_cast %rem3A_806 : i32 to index
        %get3A_873 = arith.constant 224 : index
        %get3A_874 = tpu.vector_load %arg10[%get3A_871, %get3A_872, %get3A_873] {strides = array<i32>} : memref<4x16x384xi32, #tpu.memory_space<vmem>>, vector<16xi32>,
        %bitcast3A_875 = vector.bitcast %get3A_874 : vector<16xi32> to vector<32xbf16>
        %unpack3A_876 = tpu.unpack_subelements %bitcast3A_875, 0 {pack_format = #tpu.pack_format<interleaved>} : vector<32xbf16> -> vector<16xf32>
        %unpack3A_877 = tpu.unpack_subelements %bitcast3A_875, 1 {pack_format = #tpu.pack_format<interleaved>} : vector<32xbf16> -> vector<16xf32>
        %mul3A_878 = arith.mulf %unpack3A_876, %gather3A_783 : vector<16xf32>
        %add3A_879 = arith.addf %scan3A_778, %mul3A_878 : vector<16xf32>
        %mul3A_880 = arith.mulf %unpack3A_877, %gather3A_783 : vector<16xf32>
        %add3A_881 = arith.addf %scan3A_779, %mul3A_880 : vector<16xf32>
        %get3A_882 = arith.index_cast %add3A_804 : i32 to index
        %get3A_883 = arith.index_cast %rem3A_806 : i32 to index
        %get3A_884 = arith.constant 240 : index
        %get3A_885 = tpu.vector_load %arg10[%get3A_882, %get3A_883, %get3A_884] {strides = array<i32>} : memref<4x16x384xi32, #tpu.memory_space<vmem>>, vector<16xi32>,
        %bitcast3A_886 = vector.bitcast %get3A_885 : vector<16xi32> to vector<32xbf16>
        %unpack3A_887 = tpu.unpack_subelements %bitcast3A_886, 0 {pack_format = #tpu.pack_format<interleaved>} : vector<32xbf16> -> vector<16xf32>
        %unpack3A_888 = tpu.unpack_subelements %bitcast3A_886, 1 {pack_format = #tpu.pack_format<interleaved>} : vector<32xbf16> -> vector<16xf32>
        %mul3A_889 = arith.mulf %unpack3A_887, %gather3A_783 : vector<16xf32>
        %add3A_890 = arith.addf %scan3A_780, %mul3A_889 : vector<16xf32>
        %mul3A_891 = arith.mulf %unpack3A_888, %gather3A_783 : vector<16xf32>
        %add3A_892 = arith.addf %scan3A_781, %mul3A_891 : vector<16xf32>
        scf.yield %add3A_813, %add3A_815, %add3A_824, %add3A_826, %add3A_835, %add3A_837, %add3A_846, %add3A_848, %add3A_857, %add3A_859, %add3A_868, %add3A_870, %add3A_879, %add3A_881, %add3A_890, %add3A_892 : vector<16xf32>, vector<16xf32>, vector<16xf32>, vector<16xf32>, vector<16xf32>, vector<16xf32>, vector<16xf32>, vector<16xf32>, vector<16xf32>, vector<16xf32>, vector<16xf32>, vector<16xf32>, vector<16xf32>, vector<16xf32>, vector<16xf32>, vector<16xf32>
      }
      %scan3A_264 = arith.constant 32 : i32
      %swap3A_265 = arith.index_cast %rem3A_91 : i32 to index
      %swap3A_266 = arith.constant 256 : index
      %swap3A_267 = tpu.vector_load %arg11[%swap3A_265, %swap3A_266] {strides = array<i32>} : memref<16x768xf32, #tpu.memory_space<vmem>>, vector<16xf32>,
      tpu.vector_store %arg11[%swap3A_265, %swap3A_266], %scan3A_263#0 {strides = array<i32>} : memref<16x768xf32, #tpu.memory_space<vmem>>, vector<16xf32>,
      %swap3A_268 = arith.index_cast %rem3A_91 : i32 to index
      %swap3A_269 = arith.constant 272 : index
      %swap3A_270 = tpu.vector_load %arg11[%swap3A_268, %swap3A_269] {strides = array<i32>} : memref<16x768xf32, #tpu.memory_space<vmem>>, vector<16xf32>,
      tpu.vector_store %arg11[%swap3A_268, %swap3A_269], %scan3A_263#1 {strides = array<i32>} : memref<16x768xf32, #tpu.memory_space<vmem>>, vector<16xf32>,
      %swap3A_271 = arith.index_cast %rem3A_91 : i32 to index
      %swap3A_272 = arith.constant 288 : index
      %swap3A_273 = tpu.vector_load %arg11[%swap3A_271, %swap3A_272] {strides = array<i32>} : memref<16x768xf32, #tpu.memory_space<vmem>>, vector<16xf32>,
      tpu.vector_store %arg11[%swap3A_271, %swap3A_272], %scan3A_263#2 {strides = array<i32>} : memref<16x768xf32, #tpu.memory_space<vmem>>, vector<16xf32>,
      %swap3A_274 = arith.index_cast %rem3A_91 : i32 to index
      %swap3A_275 = arith.constant 304 : index
      %swap3A_276 = tpu.vector_load %arg11[%swap3A_274, %swap3A_275] {strides = array<i32>} : memref<16x768xf32, #tpu.memory_space<vmem>>, vector<16xf32>,
      tpu.vector_store %arg11[%swap3A_274, %swap3A_275], %scan3A_263#3 {strides = array<i32>} : memref<16x768xf32, #tpu.memory_space<vmem>>, vector<16xf32>,
      %swap3A_277 = arith.index_cast %rem3A_91 : i32 to index
      %swap3A_278 = arith.constant 320 : index
      %swap3A_279 = tpu.vector_load %arg11[%swap3A_277, %swap3A_278] {strides = array<i32>} : memref<16x768xf32, #tpu.memory_space<vmem>>, vector<16xf32>,
      tpu.vector_store %arg11[%swap3A_277, %swap3A_278], %scan3A_263#4 {strides = array<i32>} : memref<16x768xf32, #tpu.memory_space<vmem>>, vector<16xf32>,
      %swap3A_280 = arith.index_cast %rem3A_91 : i32 to index
      %swap3A_281 = arith.constant 336 : index
      %swap3A_282 = tpu.vector_load %arg11[%swap3A_280, %swap3A_281] {strides = array<i32>} : memref<16x768xf32, #tpu.memory_space<vmem>>, vector<16xf32>,
      tpu.vector_store %arg11[%swap3A_280, %swap3A_281], %scan3A_263#5 {strides = array<i32>} : memref<16x768xf32, #tpu.memory_space<vmem>>, vector<16xf32>,
      %swap3A_283 = arith.index_cast %rem3A_91 : i32 to index
      %swap3A_284 = arith.constant 352 : index
      %swap3A_285 = tpu.vector_load %arg11[%swap3A_283, %swap3A_284] {strides = array<i32>} : memref<16x768xf32, #tpu.memory_space<vmem>>, vector<16xf32>,
      tpu.vector_store %arg11[%swap3A_283, %swap3A_284], %scan3A_263#6 {strides = array<i32>} : memref<16x768xf32, #tpu.memory_space<vmem>>, vector<16xf32>,
      %swap3A_286 = arith.index_cast %rem3A_91 : i32 to index
      %swap3A_287 = arith.constant 368 : index
      %swap3A_288 = tpu.vector_load %arg11[%swap3A_286, %swap3A_287] {strides = array<i32>} : memref<16x768xf32, #tpu.memory_space<vmem>>, vector<16xf32>,
      tpu.vector_store %arg11[%swap3A_286, %swap3A_287], %scan3A_263#7 {strides = array<i32>} : memref<16x768xf32, #tpu.memory_space<vmem>>, vector<16xf32>,
      %swap3A_289 = arith.index_cast %rem3A_91 : i32 to index
      %swap3A_290 = arith.constant 384 : index
      %swap3A_291 = tpu.vector_load %arg11[%swap3A_289, %swap3A_290] {strides = array<i32>} : memref<16x768xf32, #tpu.memory_space<vmem>>, vector<16xf32>,
      tpu.vector_store %arg11[%swap3A_289, %swap3A_290], %scan3A_263#8 {strides = array<i32>} : memref<16x768xf32, #tpu.memory_space<vmem>>, vector<16xf32>,
      %swap3A_292 = arith.index_cast %rem3A_91 : i32 to index
      %swap3A_293 = arith.constant 400 : index
      %swap3A_294 = tpu.vector_load %arg11[%swap3A_292, %swap3A_293] {strides = array<i32>} : memref<16x768xf32, #tpu.memory_space<vmem>>, vector<16xf32>,
      tpu.vector_store %arg11[%swap3A_292, %swap3A_293], %scan3A_263#9 {strides = array<i32>} : memref<16x768xf32, #tpu.memory_space<vmem>>, vector<16xf32>,
      %swap3A_295 = arith.index_cast %rem3A_91 : i32 to index
      %swap3A_296 = arith.constant 416 : index
      %swap3A_297 = tpu.vector_load %arg11[%swap3A_295, %swap3A_296] {strides = array<i32>} : memref<16x768xf32, #tpu.memory_space<vmem>>, vector<16xf32>,
      tpu.vector_store %arg11[%swap3A_295, %swap3A_296], %scan3A_263#10 {strides = array<i32>} : memref<16x768xf32, #tpu.memory_space<vmem>>, vector<16xf32>,
      %swap3A_298 = arith.index_cast %rem3A_91 : i32 to index
      %swap3A_299 = arith.constant 432 : index
      %swap3A_300 = tpu.vector_load %arg11[%swap3A_298, %swap3A_299] {strides = array<i32>} : memref<16x768xf32, #tpu.memory_space<vmem>>, vector<16xf32>,
      tpu.vector_store %arg11[%swap3A_298, %swap3A_299], %scan3A_263#11 {strides = array<i32>} : memref<16x768xf32, #tpu.memory_space<vmem>>, vector<16xf32>,
      %swap3A_301 = arith.index_cast %rem3A_91 : i32 to index
      %swap3A_302 = arith.constant 448 : index
      %swap3A_303 = tpu.vector_load %arg11[%swap3A_301, %swap3A_302] {strides = array<i32>} : memref<16x768xf32, #tpu.memory_space<vmem>>, vector<16xf32>,
      tpu.vector_store %arg11[%swap3A_301, %swap3A_302], %scan3A_263#12 {strides = array<i32>} : memref<16x768xf32, #tpu.memory_space<vmem>>, vector<16xf32>,
      %swap3A_304 = arith.index_cast %rem3A_91 : i32 to index
      %swap3A_305 = arith.constant 464 : index
      %swap3A_306 = tpu.vector_load %arg11[%swap3A_304, %swap3A_305] {strides = array<i32>} : memref<16x768xf32, #tpu.memory_space<vmem>>, vector<16xf32>,
      tpu.vector_store %arg11[%swap3A_304, %swap3A_305], %scan3A_263#13 {strides = array<i32>} : memref<16x768xf32, #tpu.memory_space<vmem>>, vector<16xf32>,
      %swap3A_307 = arith.index_cast %rem3A_91 : i32 to index
      %swap3A_308 = arith.constant 480 : index
      %swap3A_309 = tpu.vector_load %arg11[%swap3A_307, %swap3A_308] {strides = array<i32>} : memref<16x768xf32, #tpu.memory_space<vmem>>, vector<16xf32>,
      tpu.vector_store %arg11[%swap3A_307, %swap3A_308], %scan3A_263#14 {strides = array<i32>} : memref<16x768xf32, #tpu.memory_space<vmem>>, vector<16xf32>,
      %swap3A_310 = arith.index_cast %rem3A_91 : i32 to index
      %swap3A_311 = arith.constant 496 : index
      %swap3A_312 = tpu.vector_load %arg11[%swap3A_310, %swap3A_311] {strides = array<i32>} : memref<16x768xf32, #tpu.memory_space<vmem>>, vector<16xf32>,
      tpu.vector_store %arg11[%swap3A_310, %swap3A_311], %scan3A_263#15 {strides = array<i32>} : memref<16x768xf32, #tpu.memory_space<vmem>>, vector<16xf32>,
      %broadcast_in_dim3A_313 = arith.constant 0.000000e+00 : f32
      %broadcast_in_dim3A_314 = vector.broadcast %broadcast_in_dim3A_313 : f32 to vector<16xf32>
      %broadcast_in_dim3A_315 = arith.constant 0.000000e+00 : f32
      %broadcast_in_dim3A_316 = vector.broadcast %broadcast_in_dim3A_315 : f32 to vector<16xf32>
      %broadcast_in_dim3A_317 = arith.constant 0.000000e+00 : f32
      %broadcast_in_dim3A_318 = vector.broadcast %broadcast_in_dim3A_317 : f32 to vector<16xf32>
      %broadcast_in_dim3A_319 = arith.constant 0.000000e+00 : f32
      %broadcast_in_dim3A_320 = vector.broadcast %broadcast_in_dim3A_319 : f32 to vector<16xf32>
      %broadcast_in_dim3A_321 = arith.constant 0.000000e+00 : f32
      %broadcast_in_dim3A_322 = vector.broadcast %broadcast_in_dim3A_321 : f32 to vector<16xf32>
      %broadcast_in_dim3A_323 = arith.constant 0.000000e+00 : f32
      %broadcast_in_dim3A_324 = vector.broadcast %broadcast_in_dim3A_323 : f32 to vector<16xf32>
      %broadcast_in_dim3A_325 = arith.constant 0.000000e+00 : f32
      %broadcast_in_dim3A_326 = vector.broadcast %broadcast_in_dim3A_325 : f32 to vector<16xf32>
      %broadcast_in_dim3A_327 = arith.constant 0.000000e+00 : f32
      %broadcast_in_dim3A_328 = vector.broadcast %broadcast_in_dim3A_327 : f32 to vector<16xf32>
      %broadcast_in_dim3A_329 = arith.constant 0.000000e+00 : f32
      %broadcast_in_dim3A_330 = vector.broadcast %broadcast_in_dim3A_329 : f32 to vector<16xf32>
      %broadcast_in_dim3A_331 = arith.constant 0.000000e+00 : f32
      %broadcast_in_dim3A_332 = vector.broadcast %broadcast_in_dim3A_331 : f32 to vector<16xf32>
      %broadcast_in_dim3A_333 = arith.constant 0.000000e+00 : f32
      %broadcast_in_dim3A_334 = vector.broadcast %broadcast_in_dim3A_333 : f32 to vector<16xf32>
      %broadcast_in_dim3A_335 = arith.constant 0.000000e+00 : f32
      %broadcast_in_dim3A_336 = vector.broadcast %broadcast_in_dim3A_335 : f32 to vector<16xf32>
      %broadcast_in_dim3A_337 = arith.constant 0.000000e+00 : f32
      %broadcast_in_dim3A_338 = vector.broadcast %broadcast_in_dim3A_337 : f32 to vector<16xf32>
      %broadcast_in_dim3A_339 = arith.constant 0.000000e+00 : f32
      %broadcast_in_dim3A_340 = vector.broadcast %broadcast_in_dim3A_339 : f32 to vector<16xf32>
      %broadcast_in_dim3A_341 = arith.constant 0.000000e+00 : f32
      %broadcast_in_dim3A_342 = vector.broadcast %broadcast_in_dim3A_341 : f32 to vector<16xf32>
      %broadcast_in_dim3A_343 = arith.constant 0.000000e+00 : f32
      %broadcast_in_dim3A_344 = vector.broadcast %broadcast_in_dim3A_343 : f32 to vector<16xf32>
      %scan3A_345 = arith.constant 0 : i32
      %scan3A_346 = arith.constant 32 : i32
      %scan3A_347 = arith.addi %scan3A_345, %scan3A_346 : i32
      %scan3A_348 = arith.constant 1 : i32
      %scan3A_349:16 = scf.for %scan3A_765 = %scan3A_345 to %scan3A_347 step %scan3A_348 iter_args(%scan3A_766 = %broadcast_in_dim3A_314, %scan3A_767 = %broadcast_in_dim3A_316, %scan3A_768 = %broadcast_in_dim3A_318, %scan3A_769 = %broadcast_in_dim3A_320, %scan3A_770 = %broadcast_in_dim3A_322, %scan3A_771 = %broadcast_in_dim3A_324, %scan3A_772 = %broadcast_in_dim3A_326, %scan3A_773 = %broadcast_in_dim3A_328, %scan3A_774 = %broadcast_in_dim3A_330, %scan3A_775 = %broadcast_in_dim3A_332, %scan3A_776 = %broadcast_in_dim3A_334, %scan3A_777 = %broadcast_in_dim3A_336, %scan3A_778 = %broadcast_in_dim3A_338, %scan3A_779 = %broadcast_in_dim3A_340, %scan3A_780 = %broadcast_in_dim3A_342, %scan3A_781 = %broadcast_in_dim3A_344) -> (vector<16xf32>, vector<16xf32>, vector<16xf32>, vector<16xf32>, vector<16xf32>, vector<16xf32>, vector<16xf32>, vector<16xf32>, vector<16xf32>, vector<16xf32>, vector<16xf32>, vector<16xf32>, vector<16xf32>, vector<16xf32>, vector<16xf32>, vector<16xf32>)  : i32 {
        %broadcast_in_dim3A_782 = vector.broadcast %scan3A_765 : i32 to vector<16xi32>
        %gather3A_783 = tpu.vector_load_idx %arg12[%broadcast_in_dim3A_782] : memref<32xf32, #tpu.memory_space<vmem>>[vector<16xi32>], vector<16xf32>,
        %jit3A = arith.constant 16 : i32
        %div3A_784 = arith.divsi %scan3A_765, %jit3A : i32
        %sign3A = arith.constant 0 : i32
        %sign3A_785 = arith.cmpi sgt, %scan3A_765, %sign3A : i32
        %sign3A_786 = arith.extui %sign3A_785 : i1 to i32
        %sign3A_787 = arith.constant 0 : i32
        %sign3A_788 = arith.cmpi slt, %scan3A_765, %sign3A_787 : i32
        %sign3A_789 = arith.extui %sign3A_788 : i1 to i32
        %sign3A_790 = arith.subi %sign3A_786, %sign3A_789 : i32
        %sign3A_791 = arith.constant 0 : i32
        %sign3A_792 = arith.cmpi sgt, %jit3A, %sign3A_791 : i32
        %sign3A_793 = arith.extui %sign3A_792 : i1 to i32
        %sign3A_794 = arith.constant 0 : i32
        %sign3A_795 = arith.cmpi slt, %jit3A, %sign3A_794 : i32
        %sign3A_796 = arith.extui %sign3A_795 : i1 to i32
        %sign3A_797 = arith.subi %sign3A_793, %sign3A_796 : i32
        %ne3A = arith.cmpi ne, %sign3A_790, %sign3A_797 : i32
        %rem3A_798 = arith.remsi %scan3A_765, %jit3A : i32
        %ne3A_799 = arith.constant 0 : i32
        %ne3A_800 = arith.cmpi ne, %rem3A_798, %ne3A_799 : i32
        %and3A = arith.andi %ne3A, %ne3A_800 : i1
        %sub3A_801 = arith.constant 1 : i32
        %sub3A_802 = arith.subi %div3A_784, %sub3A_801 : i32
        %select_n3A = arith.select %and3A, %sub3A_802, %div3A_784 : i32
        %add3A_803 = arith.constant 0 : i32
        %add3A_804 = arith.addi %add3A_803, %select_n3A : i32
        %rem3A_805 = arith.constant 16 : i32
        %rem3A_806 = arith.remsi %scan3A_765, %rem3A_805 : i32
        %get3A_807 = arith.index_cast %add3A_804 : i32 to index
        %get3A_808 = arith.index_cast %rem3A_806 : i32 to index
        %get3A_809 = arith.constant 256 : index
        %get3A_810 = tpu.vector_load %arg10[%get3A_807, %get3A_808, %get3A_809] {strides = array<i32>} : memref<4x16x384xi32, #tpu.memory_space<vmem>>, vector<16xi32>,
        %bitcast3A = vector.bitcast %get3A_810 : vector<16xi32> to vector<32xbf16>
        %unpack3A = tpu.unpack_subelements %bitcast3A, 0 {pack_format = #tpu.pack_format<interleaved>} : vector<32xbf16> -> vector<16xf32>
        %unpack3A_811 = tpu.unpack_subelements %bitcast3A, 1 {pack_format = #tpu.pack_format<interleaved>} : vector<32xbf16> -> vector<16xf32>
        %mul3A_812 = arith.mulf %unpack3A, %gather3A_783 : vector<16xf32>
        %add3A_813 = arith.addf %scan3A_766, %mul3A_812 : vector<16xf32>
        %mul3A_814 = arith.mulf %unpack3A_811, %gather3A_783 : vector<16xf32>
        %add3A_815 = arith.addf %scan3A_767, %mul3A_814 : vector<16xf32>
        %get3A_816 = arith.index_cast %add3A_804 : i32 to index
        %get3A_817 = arith.index_cast %rem3A_806 : i32 to index
        %get3A_818 = arith.constant 272 : index
        %get3A_819 = tpu.vector_load %arg10[%get3A_816, %get3A_817, %get3A_818] {strides = array<i32>} : memref<4x16x384xi32, #tpu.memory_space<vmem>>, vector<16xi32>,
        %bitcast3A_820 = vector.bitcast %get3A_819 : vector<16xi32> to vector<32xbf16>
        %unpack3A_821 = tpu.unpack_subelements %bitcast3A_820, 0 {pack_format = #tpu.pack_format<interleaved>} : vector<32xbf16> -> vector<16xf32>
        %unpack3A_822 = tpu.unpack_subelements %bitcast3A_820, 1 {pack_format = #tpu.pack_format<interleaved>} : vector<32xbf16> -> vector<16xf32>
        %mul3A_823 = arith.mulf %unpack3A_821, %gather3A_783 : vector<16xf32>
        %add3A_824 = arith.addf %scan3A_768, %mul3A_823 : vector<16xf32>
        %mul3A_825 = arith.mulf %unpack3A_822, %gather3A_783 : vector<16xf32>
        %add3A_826 = arith.addf %scan3A_769, %mul3A_825 : vector<16xf32>
        %get3A_827 = arith.index_cast %add3A_804 : i32 to index
        %get3A_828 = arith.index_cast %rem3A_806 : i32 to index
        %get3A_829 = arith.constant 288 : index
        %get3A_830 = tpu.vector_load %arg10[%get3A_827, %get3A_828, %get3A_829] {strides = array<i32>} : memref<4x16x384xi32, #tpu.memory_space<vmem>>, vector<16xi32>,
        %bitcast3A_831 = vector.bitcast %get3A_830 : vector<16xi32> to vector<32xbf16>
        %unpack3A_832 = tpu.unpack_subelements %bitcast3A_831, 0 {pack_format = #tpu.pack_format<interleaved>} : vector<32xbf16> -> vector<16xf32>
        %unpack3A_833 = tpu.unpack_subelements %bitcast3A_831, 1 {pack_format = #tpu.pack_format<interleaved>} : vector<32xbf16> -> vector<16xf32>
        %mul3A_834 = arith.mulf %unpack3A_832, %gather3A_783 : vector<16xf32>
        %add3A_835 = arith.addf %scan3A_770, %mul3A_834 : vector<16xf32>
        %mul3A_836 = arith.mulf %unpack3A_833, %gather3A_783 : vector<16xf32>
        %add3A_837 = arith.addf %scan3A_771, %mul3A_836 : vector<16xf32>
        %get3A_838 = arith.index_cast %add3A_804 : i32 to index
        %get3A_839 = arith.index_cast %rem3A_806 : i32 to index
        %get3A_840 = arith.constant 304 : index
        %get3A_841 = tpu.vector_load %arg10[%get3A_838, %get3A_839, %get3A_840] {strides = array<i32>} : memref<4x16x384xi32, #tpu.memory_space<vmem>>, vector<16xi32>,
        %bitcast3A_842 = vector.bitcast %get3A_841 : vector<16xi32> to vector<32xbf16>
        %unpack3A_843 = tpu.unpack_subelements %bitcast3A_842, 0 {pack_format = #tpu.pack_format<interleaved>} : vector<32xbf16> -> vector<16xf32>
        %unpack3A_844 = tpu.unpack_subelements %bitcast3A_842, 1 {pack_format = #tpu.pack_format<interleaved>} : vector<32xbf16> -> vector<16xf32>
        %mul3A_845 = arith.mulf %unpack3A_843, %gather3A_783 : vector<16xf32>
        %add3A_846 = arith.addf %scan3A_772, %mul3A_845 : vector<16xf32>
        %mul3A_847 = arith.mulf %unpack3A_844, %gather3A_783 : vector<16xf32>
        %add3A_848 = arith.addf %scan3A_773, %mul3A_847 : vector<16xf32>
        %get3A_849 = arith.index_cast %add3A_804 : i32 to index
        %get3A_850 = arith.index_cast %rem3A_806 : i32 to index
        %get3A_851 = arith.constant 320 : index
        %get3A_852 = tpu.vector_load %arg10[%get3A_849, %get3A_850, %get3A_851] {strides = array<i32>} : memref<4x16x384xi32, #tpu.memory_space<vmem>>, vector<16xi32>,
        %bitcast3A_853 = vector.bitcast %get3A_852 : vector<16xi32> to vector<32xbf16>
        %unpack3A_854 = tpu.unpack_subelements %bitcast3A_853, 0 {pack_format = #tpu.pack_format<interleaved>} : vector<32xbf16> -> vector<16xf32>
        %unpack3A_855 = tpu.unpack_subelements %bitcast3A_853, 1 {pack_format = #tpu.pack_format<interleaved>} : vector<32xbf16> -> vector<16xf32>
        %mul3A_856 = arith.mulf %unpack3A_854, %gather3A_783 : vector<16xf32>
        %add3A_857 = arith.addf %scan3A_774, %mul3A_856 : vector<16xf32>
        %mul3A_858 = arith.mulf %unpack3A_855, %gather3A_783 : vector<16xf32>
        %add3A_859 = arith.addf %scan3A_775, %mul3A_858 : vector<16xf32>
        %get3A_860 = arith.index_cast %add3A_804 : i32 to index
        %get3A_861 = arith.index_cast %rem3A_806 : i32 to index
        %get3A_862 = arith.constant 336 : index
        %get3A_863 = tpu.vector_load %arg10[%get3A_860, %get3A_861, %get3A_862] {strides = array<i32>} : memref<4x16x384xi32, #tpu.memory_space<vmem>>, vector<16xi32>,
        %bitcast3A_864 = vector.bitcast %get3A_863 : vector<16xi32> to vector<32xbf16>
        %unpack3A_865 = tpu.unpack_subelements %bitcast3A_864, 0 {pack_format = #tpu.pack_format<interleaved>} : vector<32xbf16> -> vector<16xf32>
        %unpack3A_866 = tpu.unpack_subelements %bitcast3A_864, 1 {pack_format = #tpu.pack_format<interleaved>} : vector<32xbf16> -> vector<16xf32>
        %mul3A_867 = arith.mulf %unpack3A_865, %gather3A_783 : vector<16xf32>
        %add3A_868 = arith.addf %scan3A_776, %mul3A_867 : vector<16xf32>
        %mul3A_869 = arith.mulf %unpack3A_866, %gather3A_783 : vector<16xf32>
        %add3A_870 = arith.addf %scan3A_777, %mul3A_869 : vector<16xf32>
        %get3A_871 = arith.index_cast %add3A_804 : i32 to index
        %get3A_872 = arith.index_cast %rem3A_806 : i32 to index
        %get3A_873 = arith.constant 352 : index
        %get3A_874 = tpu.vector_load %arg10[%get3A_871, %get3A_872, %get3A_873] {strides = array<i32>} : memref<4x16x384xi32, #tpu.memory_space<vmem>>, vector<16xi32>,
        %bitcast3A_875 = vector.bitcast %get3A_874 : vector<16xi32> to vector<32xbf16>
        %unpack3A_876 = tpu.unpack_subelements %bitcast3A_875, 0 {pack_format = #tpu.pack_format<interleaved>} : vector<32xbf16> -> vector<16xf32>
        %unpack3A_877 = tpu.unpack_subelements %bitcast3A_875, 1 {pack_format = #tpu.pack_format<interleaved>} : vector<32xbf16> -> vector<16xf32>
        %mul3A_878 = arith.mulf %unpack3A_876, %gather3A_783 : vector<16xf32>
        %add3A_879 = arith.addf %scan3A_778, %mul3A_878 : vector<16xf32>
        %mul3A_880 = arith.mulf %unpack3A_877, %gather3A_783 : vector<16xf32>
        %add3A_881 = arith.addf %scan3A_779, %mul3A_880 : vector<16xf32>
        %get3A_882 = arith.index_cast %add3A_804 : i32 to index
        %get3A_883 = arith.index_cast %rem3A_806 : i32 to index
        %get3A_884 = arith.constant 368 : index
        %get3A_885 = tpu.vector_load %arg10[%get3A_882, %get3A_883, %get3A_884] {strides = array<i32>} : memref<4x16x384xi32, #tpu.memory_space<vmem>>, vector<16xi32>,
        %bitcast3A_886 = vector.bitcast %get3A_885 : vector<16xi32> to vector<32xbf16>
        %unpack3A_887 = tpu.unpack_subelements %bitcast3A_886, 0 {pack_format = #tpu.pack_format<interleaved>} : vector<32xbf16> -> vector<16xf32>
        %unpack3A_888 = tpu.unpack_subelements %bitcast3A_886, 1 {pack_format = #tpu.pack_format<interleaved>} : vector<32xbf16> -> vector<16xf32>
        %mul3A_889 = arith.mulf %unpack3A_887, %gather3A_783 : vector<16xf32>
        %add3A_890 = arith.addf %scan3A_780, %mul3A_889 : vector<16xf32>
        %mul3A_891 = arith.mulf %unpack3A_888, %gather3A_783 : vector<16xf32>
        %add3A_892 = arith.addf %scan3A_781, %mul3A_891 : vector<16xf32>
        scf.yield %add3A_813, %add3A_815, %add3A_824, %add3A_826, %add3A_835, %add3A_837, %add3A_846, %add3A_848, %add3A_857, %add3A_859, %add3A_868, %add3A_870, %add3A_879, %add3A_881, %add3A_890, %add3A_892 : vector<16xf32>, vector<16xf32>, vector<16xf32>, vector<16xf32>, vector<16xf32>, vector<16xf32>, vector<16xf32>, vector<16xf32>, vector<16xf32>, vector<16xf32>, vector<16xf32>, vector<16xf32>, vector<16xf32>, vector<16xf32>, vector<16xf32>, vector<16xf32>
      }
      %scan3A_350 = arith.constant 32 : i32
      %swap3A_351 = arith.index_cast %rem3A_91 : i32 to index
      %swap3A_352 = arith.constant 512 : index
      %swap3A_353 = tpu.vector_load %arg11[%swap3A_351, %swap3A_352] {strides = array<i32>} : memref<16x768xf32, #tpu.memory_space<vmem>>, vector<16xf32>,
      tpu.vector_store %arg11[%swap3A_351, %swap3A_352], %scan3A_349#0 {strides = array<i32>} : memref<16x768xf32, #tpu.memory_space<vmem>>, vector<16xf32>,
      %swap3A_354 = arith.index_cast %rem3A_91 : i32 to index
      %swap3A_355 = arith.constant 528 : index
      %swap3A_356 = tpu.vector_load %arg11[%swap3A_354, %swap3A_355] {strides = array<i32>} : memref<16x768xf32, #tpu.memory_space<vmem>>, vector<16xf32>,
      tpu.vector_store %arg11[%swap3A_354, %swap3A_355], %scan3A_349#1 {strides = array<i32>} : memref<16x768xf32, #tpu.memory_space<vmem>>, vector<16xf32>,
      %swap3A_357 = arith.index_cast %rem3A_91 : i32 to index
      %swap3A_358 = arith.constant 544 : index
      %swap3A_359 = tpu.vector_load %arg11[%swap3A_357, %swap3A_358] {strides = array<i32>} : memref<16x768xf32, #tpu.memory_space<vmem>>, vector<16xf32>,
      tpu.vector_store %arg11[%swap3A_357, %swap3A_358], %scan3A_349#2 {strides = array<i32>} : memref<16x768xf32, #tpu.memory_space<vmem>>, vector<16xf32>,
      %swap3A_360 = arith.index_cast %rem3A_91 : i32 to index
      %swap3A_361 = arith.constant 560 : index
      %swap3A_362 = tpu.vector_load %arg11[%swap3A_360, %swap3A_361] {strides = array<i32>} : memref<16x768xf32, #tpu.memory_space<vmem>>, vector<16xf32>,
      tpu.vector_store %arg11[%swap3A_360, %swap3A_361], %scan3A_349#3 {strides = array<i32>} : memref<16x768xf32, #tpu.memory_space<vmem>>, vector<16xf32>,
      %swap3A_363 = arith.index_cast %rem3A_91 : i32 to index
      %swap3A_364 = arith.constant 576 : index
      %swap3A_365 = tpu.vector_load %arg11[%swap3A_363, %swap3A_364] {strides = array<i32>} : memref<16x768xf32, #tpu.memory_space<vmem>>, vector<16xf32>,
      tpu.vector_store %arg11[%swap3A_363, %swap3A_364], %scan3A_349#4 {strides = array<i32>} : memref<16x768xf32, #tpu.memory_space<vmem>>, vector<16xf32>,
      %swap3A_366 = arith.index_cast %rem3A_91 : i32 to index
      %swap3A_367 = arith.constant 592 : index
      %swap3A_368 = tpu.vector_load %arg11[%swap3A_366, %swap3A_367] {strides = array<i32>} : memref<16x768xf32, #tpu.memory_space<vmem>>, vector<16xf32>,
      tpu.vector_store %arg11[%swap3A_366, %swap3A_367], %scan3A_349#5 {strides = array<i32>} : memref<16x768xf32, #tpu.memory_space<vmem>>, vector<16xf32>,
      %swap3A_369 = arith.index_cast %rem3A_91 : i32 to index
      %swap3A_370 = arith.constant 608 : index
      %swap3A_371 = tpu.vector_load %arg11[%swap3A_369, %swap3A_370] {strides = array<i32>} : memref<16x768xf32, #tpu.memory_space<vmem>>, vector<16xf32>,
      tpu.vector_store %arg11[%swap3A_369, %swap3A_370], %scan3A_349#6 {strides = array<i32>} : memref<16x768xf32, #tpu.memory_space<vmem>>, vector<16xf32>,
      %swap3A_372 = arith.index_cast %rem3A_91 : i32 to index
      %swap3A_373 = arith.constant 624 : index
      %swap3A_374 = tpu.vector_load %arg11[%swap3A_372, %swap3A_373] {strides = array<i32>} : memref<16x768xf32, #tpu.memory_space<vmem>>, vector<16xf32>,
      tpu.vector_store %arg11[%swap3A_372, %swap3A_373], %scan3A_349#7 {strides = array<i32>} : memref<16x768xf32, #tpu.memory_space<vmem>>, vector<16xf32>,
      %swap3A_375 = arith.index_cast %rem3A_91 : i32 to index
      %swap3A_376 = arith.constant 640 : index
      %swap3A_377 = tpu.vector_load %arg11[%swap3A_375, %swap3A_376] {strides = array<i32>} : memref<16x768xf32, #tpu.memory_space<vmem>>, vector<16xf32>,
      tpu.vector_store %arg11[%swap3A_375, %swap3A_376], %scan3A_349#8 {strides = array<i32>} : memref<16x768xf32, #tpu.memory_space<vmem>>, vector<16xf32>,
      %swap3A_378 = arith.index_cast %rem3A_91 : i32 to index
      %swap3A_379 = arith.constant 656 : index
      %swap3A_380 = tpu.vector_load %arg11[%swap3A_378, %swap3A_379] {strides = array<i32>} : memref<16x768xf32, #tpu.memory_space<vmem>>, vector<16xf32>,
      tpu.vector_store %arg11[%swap3A_378, %swap3A_379], %scan3A_349#9 {strides = array<i32>} : memref<16x768xf32, #tpu.memory_space<vmem>>, vector<16xf32>,
      %swap3A_381 = arith.index_cast %rem3A_91 : i32 to index
      %swap3A_382 = arith.constant 672 : index
      %swap3A_383 = tpu.vector_load %arg11[%swap3A_381, %swap3A_382] {strides = array<i32>} : memref<16x768xf32, #tpu.memory_space<vmem>>, vector<16xf32>,
      tpu.vector_store %arg11[%swap3A_381, %swap3A_382], %scan3A_349#10 {strides = array<i32>} : memref<16x768xf32, #tpu.memory_space<vmem>>, vector<16xf32>,
      %swap3A_384 = arith.index_cast %rem3A_91 : i32 to index
      %swap3A_385 = arith.constant 688 : index
      %swap3A_386 = tpu.vector_load %arg11[%swap3A_384, %swap3A_385] {strides = array<i32>} : memref<16x768xf32, #tpu.memory_space<vmem>>, vector<16xf32>,
      tpu.vector_store %arg11[%swap3A_384, %swap3A_385], %scan3A_349#11 {strides = array<i32>} : memref<16x768xf32, #tpu.memory_space<vmem>>, vector<16xf32>,
      %swap3A_387 = arith.index_cast %rem3A_91 : i32 to index
      %swap3A_388 = arith.constant 704 : index
      %swap3A_389 = tpu.vector_load %arg11[%swap3A_387, %swap3A_388] {strides = array<i32>} : memref<16x768xf32, #tpu.memory_space<vmem>>, vector<16xf32>,
      tpu.vector_store %arg11[%swap3A_387, %swap3A_388], %scan3A_349#12 {strides = array<i32>} : memref<16x768xf32, #tpu.memory_space<vmem>>, vector<16xf32>,
      %swap3A_390 = arith.index_cast %rem3A_91 : i32 to index
      %swap3A_391 = arith.constant 720 : index
      %swap3A_392 = tpu.vector_load %arg11[%swap3A_390, %swap3A_391] {strides = array<i32>} : memref<16x768xf32, #tpu.memory_space<vmem>>, vector<16xf32>,
      tpu.vector_store %arg11[%swap3A_390, %swap3A_391], %scan3A_349#13 {strides = array<i32>} : memref<16x768xf32, #tpu.memory_space<vmem>>, vector<16xf32>,
      %swap3A_393 = arith.index_cast %rem3A_91 : i32 to index
      %swap3A_394 = arith.constant 736 : index
      %swap3A_395 = tpu.vector_load %arg11[%swap3A_393, %swap3A_394] {strides = array<i32>} : memref<16x768xf32, #tpu.memory_space<vmem>>, vector<16xf32>,
      tpu.vector_store %arg11[%swap3A_393, %swap3A_394], %scan3A_349#14 {strides = array<i32>} : memref<16x768xf32, #tpu.memory_space<vmem>>, vector<16xf32>,
      %swap3A_396 = arith.index_cast %rem3A_91 : i32 to index
      %swap3A_397 = arith.constant 752 : index
      %swap3A_398 = tpu.vector_load %arg11[%swap3A_396, %swap3A_397] {strides = array<i32>} : memref<16x768xf32, #tpu.memory_space<vmem>>, vector<16xf32>,
      tpu.vector_store %arg11[%swap3A_396, %swap3A_397], %scan3A_349#15 {strides = array<i32>} : memref<16x768xf32, #tpu.memory_space<vmem>>, vector<16xf32>,
      %add3A_399 = arith.constant 2 : i32
      %add3A_400 = arith.addi %mul3A_35, %add3A_399 : i32
      %lt3A = arith.constant 512 : i32
      %lt3A_401 = arith.cmpi slt, %add3A_400, %lt3A : i32
      %convert_element_type3A_402 = arith.extui %lt3A_401 : i1 to i32
      %cond3A = arith.constant 0 : i32
      %cond3A_403 = arith.cmpi ne, %convert_element_type3A_402, %cond3A : i32
      scf.if %cond3A_403 {
        %add3A_765 = arith.constant 2 : i32
        %add3A_766 = arith.addi %mul3A_35, %add3A_765 : i32
        %mul3A_767 = arith.constant 32 : i32
        %mul3A_768 = arith.muli %add3A_766, %mul3A_767 : i32
        %dma_start3A_769 = arith.constant 0 : i32
        %dma_start3A_770 = arith.constant 0 : i32
        %dma_start3A_771 = arith.constant 0 : i32
        %dma_start3A_772 = tpu.memref_slice %arg10[%dma_start3A_769, %dma_start3A_770, %dma_start3A_771] : memref<4x16x384xi32, #tpu.memory_space<vmem>> -> memref<1x16x384xi32, #tpu.memory_space<vmem>>
        %dma_start3A_773 = tpu.memref_squeeze %dma_start3A_772 : memref<1x16x384xi32, #tpu.memory_space<vmem>> -> memref<16x384xi32, #tpu.memory_space<vmem>>
        %dma_start3A_774 = tpu.memref_slice %arg7[%mul3A_768] : memref<16384xi32, #tpu.memory_space<vmem>> -> memref<16xi32, #tpu.memory_space<vmem>>
        %dma_start3A_775 = arith.constant 0 : i32
        %dma_start3A_776 = arith.constant 0 : i32
        %dma_start3A_777 = tpu.memref_slice %arg4[%dma_start3A_775, %dma_start3A_776] : memref<30522x384xi32, #tpu.memory_space<hbm>> -> memref<30522x384xi32, #tpu.memory_space<hbm>>
        tpu.enqueue_indirect_dma source(%dma_start3A_777 : memref<30522x384xi32, #tpu.memory_space<hbm>>) target(%dma_start3A_773 : memref<16x384xi32, #tpu.memory_space<vmem>>) offsets(%dma_start3A_774 : memref<16xi32, #tpu.memory_space<vmem>>) semaphore(%arg13 : memref<!tpu.dma_semaphore, #tpu.memory_space<semaphore_mem>>)
        %mul3A_778 = arith.constant 32 : i32
        %mul3A_779 = arith.muli %add3A_766, %mul3A_778 : i32
        %add3A_780 = arith.constant 16 : i32
        %add3A_781 = arith.addi %mul3A_779, %add3A_780 : i32
        %dma_start3A_782 = arith.constant 1 : i32
        %dma_start3A_783 = arith.constant 0 : i32
        %dma_start3A_784 = arith.constant 0 : i32
        %dma_start3A_785 = tpu.memref_slice %arg10[%dma_start3A_782, %dma_start3A_783, %dma_start3A_784] : memref<4x16x384xi32, #tpu.memory_space<vmem>> -> memref<1x16x384xi32, #tpu.memory_space<vmem>>
        %dma_start3A_786 = tpu.memref_squeeze %dma_start3A_785 : memref<1x16x384xi32, #tpu.memory_space<vmem>> -> memref<16x384xi32, #tpu.memory_space<vmem>>
        %dma_start3A_787 = tpu.memref_slice %arg7[%add3A_781] : memref<16384xi32, #tpu.memory_space<vmem>> -> memref<16xi32, #tpu.memory_space<vmem>>
        %dma_start3A_788 = arith.constant 0 : i32
        %dma_start3A_789 = arith.constant 0 : i32
        %dma_start3A_790 = tpu.memref_slice %arg4[%dma_start3A_788, %dma_start3A_789] : memref<30522x384xi32, #tpu.memory_space<hbm>> -> memref<30522x384xi32, #tpu.memory_space<hbm>>
        tpu.enqueue_indirect_dma source(%dma_start3A_790 : memref<30522x384xi32, #tpu.memory_space<hbm>>) target(%dma_start3A_786 : memref<16x384xi32, #tpu.memory_space<vmem>>) offsets(%dma_start3A_787 : memref<16xi32, #tpu.memory_space<vmem>>) semaphore(%arg14 : memref<!tpu.dma_semaphore, #tpu.memory_space<semaphore_mem>>)
      } else {
      }
      %dma_wait3A_404 = arith.constant 2 : i32
      %dma_wait3A_405 = arith.constant 0 : i32
      %dma_wait3A_406 = arith.constant 0 : i32
      %dma_wait3A_407 = tpu.memref_slice %arg10[%dma_wait3A_404, %dma_wait3A_405, %dma_wait3A_406] : memref<4x16x384xi32, #tpu.memory_space<vmem>> -> memref<1x16x384xi32, #tpu.memory_space<vmem>>
      %dma_wait3A_408 = tpu.memref_squeeze %dma_wait3A_407 : memref<1x16x384xi32, #tpu.memory_space<vmem>> -> memref<16x384xi32, #tpu.memory_space<vmem>>
      %dma_wait3A_409 = arith.constant 0 : i32
      %dma_wait3A_410 = arith.constant 0 : i32
      %dma_wait3A_411 = tpu.memref_slice %arg4[%dma_wait3A_409, %dma_wait3A_410] : memref<30522x384xi32, #tpu.memory_space<hbm>> -> memref<16x384xi32, #tpu.memory_space<hbm>>
      %dma_wait3A_412 = arith.constant 0 : i32
      %dma_wait3A_413 = arith.constant 0 : i32
      %dma_wait3A_414 = tpu.memref_slice %arg10[%dma_wait3A_404, %dma_wait3A_412, %dma_wait3A_413] : memref<4x16x384xi32, #tpu.memory_space<vmem>> -> memref<1x16x384xi32, #tpu.memory_space<vmem>>
      %dma_wait3A_415 = tpu.memref_squeeze %dma_wait3A_414 : memref<1x16x384xi32, #tpu.memory_space<vmem>> -> memref<16x384xi32, #tpu.memory_space<vmem>>
      %dma_wait3A_416 = arith.constant 0 : i32
      %dma_wait3A_417 = arith.constant 0 : i32
      %dma_wait3A_418 = tpu.memref_slice %arg4[%dma_wait3A_416, %dma_wait3A_417] : memref<30522x384xi32, #tpu.memory_space<hbm>> -> memref<16x384xi32, #tpu.memory_space<hbm>>
      tpu.wait_dma2 semaphore(%arg15 : memref<!tpu.dma_semaphore, #tpu.memory_space<semaphore_mem>>) src(%dma_wait3A_418 : memref<16x384xi32, #tpu.memory_space<hbm>>) dst(%dma_wait3A_415 : memref<16x384xi32, #tpu.memory_space<vmem>>)
      %dma_wait3A_419 = arith.constant 3 : i32
      %dma_wait3A_420 = arith.constant 0 : i32
      %dma_wait3A_421 = arith.constant 0 : i32
      %dma_wait3A_422 = tpu.memref_slice %arg10[%dma_wait3A_419, %dma_wait3A_420, %dma_wait3A_421] : memref<4x16x384xi32, #tpu.memory_space<vmem>> -> memref<1x16x384xi32, #tpu.memory_space<vmem>>
      %dma_wait3A_423 = tpu.memref_squeeze %dma_wait3A_422 : memref<1x16x384xi32, #tpu.memory_space<vmem>> -> memref<16x384xi32, #tpu.memory_space<vmem>>
      %dma_wait3A_424 = arith.constant 0 : i32
      %dma_wait3A_425 = arith.constant 0 : i32
      %dma_wait3A_426 = tpu.memref_slice %arg4[%dma_wait3A_424, %dma_wait3A_425] : memref<30522x384xi32, #tpu.memory_space<hbm>> -> memref<16x384xi32, #tpu.memory_space<hbm>>
      %dma_wait3A_427 = arith.constant 0 : i32
      %dma_wait3A_428 = arith.constant 0 : i32
      %dma_wait3A_429 = tpu.memref_slice %arg10[%dma_wait3A_419, %dma_wait3A_427, %dma_wait3A_428] : memref<4x16x384xi32, #tpu.memory_space<vmem>> -> memref<1x16x384xi32, #tpu.memory_space<vmem>>
      %dma_wait3A_430 = tpu.memref_squeeze %dma_wait3A_429 : memref<1x16x384xi32, #tpu.memory_space<vmem>> -> memref<16x384xi32, #tpu.memory_space<vmem>>
      %dma_wait3A_431 = arith.constant 0 : i32
      %dma_wait3A_432 = arith.constant 0 : i32
      %dma_wait3A_433 = tpu.memref_slice %arg4[%dma_wait3A_431, %dma_wait3A_432] : memref<30522x384xi32, #tpu.memory_space<hbm>> -> memref<16x384xi32, #tpu.memory_space<hbm>>
      tpu.wait_dma2 semaphore(%arg16 : memref<!tpu.dma_semaphore, #tpu.memory_space<semaphore_mem>>) src(%dma_wait3A_433 : memref<16x384xi32, #tpu.memory_space<hbm>>) dst(%dma_wait3A_430 : memref<16x384xi32, #tpu.memory_space<vmem>>)
      %add3A_434 = arith.constant 1 : i32
      %add3A_435 = arith.addi %mul3A_35, %add3A_434 : i32
      %add3A_436 = arith.constant 1 : i32
      %add3A_437 = arith.addi %mul3A_35, %add3A_436 : i32
      %rem3A_438 = arith.constant 16 : i32
      %rem3A_439 = arith.remsi %add3A_437, %rem3A_438 : i32
      %mul3A_440 = arith.constant 32 : i32
      %mul3A_441 = arith.muli %add3A_435, %mul3A_440 : i32
      %get3A_442 = arith.index_cast %mul3A_441 : i32 to index
      %get3A_443 = tpu.vector_load %arg7[%get3A_442] {strides = array<i32>} : memref<16384xi32, #tpu.memory_space<vmem>>, vector<16xi32>,
      %mul3A_444 = arith.constant 32 : i32
      %mul3A_445 = arith.muli %add3A_435, %mul3A_444 : i32
      %add3A_446 = arith.constant 16 : i32
      %add3A_447 = arith.addi %mul3A_445, %add3A_446 : i32
      %get3A_448 = arith.index_cast %add3A_447 : i32 to index
      %get3A_449 = tpu.vector_load %arg7[%get3A_448] {strides = array<i32>} : memref<16384xi32, #tpu.memory_space<vmem>>, vector<16xi32>,
      %gather3A_450 = tpu.vector_load_idx %arg9[%get3A_443] : memref<30522xf32, #tpu.memory_space<vmem>>[vector<16xi32>], vector<16xf32>,
      %gather3A_451 = tpu.vector_load_idx %arg9[%get3A_449] : memref<30522xf32, #tpu.memory_space<vmem>>[vector<16xi32>], vector<16xf32>,
      %reduce_max3A_452 = arith.constant true
      %reduce_max3A_453 = vector.broadcast %reduce_max3A_452 : i1 to vector<16xi1>
      %reduce_max3A_454 = tpu.scan <max>, %gather3A_450 masked %reduce_max3A_453 : vector<16xf32>, vector<16xi1> -> vector<16xf32>
      %reduce_max3A_455 = vector.extract %reduce_max3A_454[15] : f32 from vector<16xf32>
      %reduce_max3A_456 = arith.constant true
      %reduce_max3A_457 = vector.broadcast %reduce_max3A_456 : i1 to vector<16xi1>
      %reduce_max3A_458 = tpu.scan <max>, %gather3A_451 masked %reduce_max3A_457 : vector<16xf32>, vector<16xi1> -> vector<16xf32>
      %reduce_max3A_459 = vector.extract %reduce_max3A_458[15] : f32 from vector<16xf32>
      %max3A_460 = arith.maximumf %reduce_max3A_455, %reduce_max3A_459 : f32
      %mul3A_461 = arith.constant 32 : i32
      %mul3A_462 = arith.muli %add3A_435, %mul3A_461 : i32
      %get3A_463 = arith.index_cast %mul3A_462 : i32 to index
      %get3A_464 = tpu.vector_load %arg8[%get3A_463] {strides = array<i32>} : memref<16384xi32, #tpu.memory_space<vmem>>, vector<16xi32>,
      %convert_element_type3A_465 = arith.sitofp %get3A_464 : vector<16xi32> to vector<16xf32>
      %mul3A_466 = arith.constant 32 : i32
      %mul3A_467 = arith.muli %add3A_435, %mul3A_466 : i32
      %add3A_468 = arith.constant 16 : i32
      %add3A_469 = arith.addi %mul3A_467, %add3A_468 : i32
      %get3A_470 = arith.index_cast %add3A_469 : i32 to index
      %get3A_471 = tpu.vector_load %arg8[%get3A_470] {strides = array<i32>} : memref<16384xi32, #tpu.memory_space<vmem>>, vector<16xi32>,
      %convert_element_type3A_472 = arith.sitofp %get3A_471 : vector<16xi32> to vector<16xf32>
      %sub3A_473 = vector.broadcast %max3A_460 : f32 to vector<16xf32>
      %sub3A_474 = arith.subf %gather3A_450, %sub3A_473 : vector<16xf32>
      %exp3A_475 = math.exp %sub3A_474 : vector<16xf32>
      %mul3A_476 = arith.mulf %exp3A_475, %convert_element_type3A_465 : vector<16xf32>
      %sub3A_477 = vector.broadcast %max3A_460 : f32 to vector<16xf32>
      %sub3A_478 = arith.subf %gather3A_451, %sub3A_477 : vector<16xf32>
      %exp3A_479 = math.exp %sub3A_478 : vector<16xf32>
      %mul3A_480 = arith.mulf %exp3A_479, %convert_element_type3A_472 : vector<16xf32>
      %reduce_sum3A_481 = arith.constant true
      %reduce_sum3A_482 = vector.broadcast %reduce_sum3A_481 : i1 to vector<16xi1>
      %reduce_sum3A_483 = tpu.scan <sum>, %mul3A_476 masked %reduce_sum3A_482 : vector<16xf32>, vector<16xi1> -> vector<16xf32>
      %reduce_sum3A_484 = vector.extract %reduce_sum3A_483[15] : f32 from vector<16xf32>
      %reduce_sum3A_485 = arith.constant true
      %reduce_sum3A_486 = vector.broadcast %reduce_sum3A_485 : i1 to vector<16xi1>
      %reduce_sum3A_487 = tpu.scan <sum>, %mul3A_480 masked %reduce_sum3A_486 : vector<16xf32>, vector<16xi1> -> vector<16xf32>
      %reduce_sum3A_488 = vector.extract %reduce_sum3A_487[15] : f32 from vector<16xf32>
      %add3A_489 = arith.addf %reduce_sum3A_484, %reduce_sum3A_488 : f32
      %broadcast_in_dim3A_490 = vector.broadcast %add3A_489 : f32 to vector<16xf32>
      %div3A_491 = arith.constant 1.000000e+00 : f32
      %div3A_492 = vector.broadcast %div3A_491 : f32 to vector<16xf32>
      %div3A_493 = arith.divf %div3A_492, %broadcast_in_dim3A_490 : vector<16xf32>
      %mul3A_494 = arith.mulf %mul3A_476, %div3A_493 : vector<16xf32>
      %swap3A_495 = arith.constant 0 : index
      %swap3A_496 = tpu.vector_load %arg12[%swap3A_495] {strides = array<i32>} : memref<32xf32, #tpu.memory_space<vmem>>, vector<16xf32>,
      tpu.vector_store %arg12[%swap3A_495], %mul3A_494 {strides = array<i32>} : memref<32xf32, #tpu.memory_space<vmem>>, vector<16xf32>,
      %mul3A_497 = arith.mulf %mul3A_480, %div3A_493 : vector<16xf32>
      %swap3A_498 = arith.constant 16 : index
      %swap3A_499 = tpu.vector_load %arg12[%swap3A_498] {strides = array<i32>} : memref<32xf32, #tpu.memory_space<vmem>>, vector<16xf32>,
      tpu.vector_store %arg12[%swap3A_498], %mul3A_497 {strides = array<i32>} : memref<32xf32, #tpu.memory_space<vmem>>, vector<16xf32>,
      %broadcast_in_dim3A_500 = arith.constant 0.000000e+00 : f32
      %broadcast_in_dim3A_501 = vector.broadcast %broadcast_in_dim3A_500 : f32 to vector<16xf32>
      %broadcast_in_dim3A_502 = arith.constant 0.000000e+00 : f32
      %broadcast_in_dim3A_503 = vector.broadcast %broadcast_in_dim3A_502 : f32 to vector<16xf32>
      %broadcast_in_dim3A_504 = arith.constant 0.000000e+00 : f32
      %broadcast_in_dim3A_505 = vector.broadcast %broadcast_in_dim3A_504 : f32 to vector<16xf32>
      %broadcast_in_dim3A_506 = arith.constant 0.000000e+00 : f32
      %broadcast_in_dim3A_507 = vector.broadcast %broadcast_in_dim3A_506 : f32 to vector<16xf32>
      %broadcast_in_dim3A_508 = arith.constant 0.000000e+00 : f32
      %broadcast_in_dim3A_509 = vector.broadcast %broadcast_in_dim3A_508 : f32 to vector<16xf32>
      %broadcast_in_dim3A_510 = arith.constant 0.000000e+00 : f32
      %broadcast_in_dim3A_511 = vector.broadcast %broadcast_in_dim3A_510 : f32 to vector<16xf32>
      %broadcast_in_dim3A_512 = arith.constant 0.000000e+00 : f32
      %broadcast_in_dim3A_513 = vector.broadcast %broadcast_in_dim3A_512 : f32 to vector<16xf32>
      %broadcast_in_dim3A_514 = arith.constant 0.000000e+00 : f32
      %broadcast_in_dim3A_515 = vector.broadcast %broadcast_in_dim3A_514 : f32 to vector<16xf32>
      %broadcast_in_dim3A_516 = arith.constant 0.000000e+00 : f32
      %broadcast_in_dim3A_517 = vector.broadcast %broadcast_in_dim3A_516 : f32 to vector<16xf32>
      %broadcast_in_dim3A_518 = arith.constant 0.000000e+00 : f32
      %broadcast_in_dim3A_519 = vector.broadcast %broadcast_in_dim3A_518 : f32 to vector<16xf32>
      %broadcast_in_dim3A_520 = arith.constant 0.000000e+00 : f32
      %broadcast_in_dim3A_521 = vector.broadcast %broadcast_in_dim3A_520 : f32 to vector<16xf32>
      %broadcast_in_dim3A_522 = arith.constant 0.000000e+00 : f32
      %broadcast_in_dim3A_523 = vector.broadcast %broadcast_in_dim3A_522 : f32 to vector<16xf32>
      %broadcast_in_dim3A_524 = arith.constant 0.000000e+00 : f32
      %broadcast_in_dim3A_525 = vector.broadcast %broadcast_in_dim3A_524 : f32 to vector<16xf32>
      %broadcast_in_dim3A_526 = arith.constant 0.000000e+00 : f32
      %broadcast_in_dim3A_527 = vector.broadcast %broadcast_in_dim3A_526 : f32 to vector<16xf32>
      %broadcast_in_dim3A_528 = arith.constant 0.000000e+00 : f32
      %broadcast_in_dim3A_529 = vector.broadcast %broadcast_in_dim3A_528 : f32 to vector<16xf32>
      %broadcast_in_dim3A_530 = arith.constant 0.000000e+00 : f32
      %broadcast_in_dim3A_531 = vector.broadcast %broadcast_in_dim3A_530 : f32 to vector<16xf32>
      %scan3A_532 = arith.constant 0 : i32
      %scan3A_533 = arith.constant 32 : i32
      %scan3A_534 = arith.addi %scan3A_532, %scan3A_533 : i32
      %scan3A_535 = arith.constant 1 : i32
      %scan3A_536:16 = scf.for %scan3A_765 = %scan3A_532 to %scan3A_534 step %scan3A_535 iter_args(%scan3A_766 = %broadcast_in_dim3A_501, %scan3A_767 = %broadcast_in_dim3A_503, %scan3A_768 = %broadcast_in_dim3A_505, %scan3A_769 = %broadcast_in_dim3A_507, %scan3A_770 = %broadcast_in_dim3A_509, %scan3A_771 = %broadcast_in_dim3A_511, %scan3A_772 = %broadcast_in_dim3A_513, %scan3A_773 = %broadcast_in_dim3A_515, %scan3A_774 = %broadcast_in_dim3A_517, %scan3A_775 = %broadcast_in_dim3A_519, %scan3A_776 = %broadcast_in_dim3A_521, %scan3A_777 = %broadcast_in_dim3A_523, %scan3A_778 = %broadcast_in_dim3A_525, %scan3A_779 = %broadcast_in_dim3A_527, %scan3A_780 = %broadcast_in_dim3A_529, %scan3A_781 = %broadcast_in_dim3A_531) -> (vector<16xf32>, vector<16xf32>, vector<16xf32>, vector<16xf32>, vector<16xf32>, vector<16xf32>, vector<16xf32>, vector<16xf32>, vector<16xf32>, vector<16xf32>, vector<16xf32>, vector<16xf32>, vector<16xf32>, vector<16xf32>, vector<16xf32>, vector<16xf32>)  : i32 {
        %broadcast_in_dim3A_782 = vector.broadcast %scan3A_765 : i32 to vector<16xi32>
        %gather3A_783 = tpu.vector_load_idx %arg12[%broadcast_in_dim3A_782] : memref<32xf32, #tpu.memory_space<vmem>>[vector<16xi32>], vector<16xf32>,
        %jit3A = arith.constant 16 : i32
        %div3A_784 = arith.divsi %scan3A_765, %jit3A : i32
        %sign3A = arith.constant 0 : i32
        %sign3A_785 = arith.cmpi sgt, %scan3A_765, %sign3A : i32
        %sign3A_786 = arith.extui %sign3A_785 : i1 to i32
        %sign3A_787 = arith.constant 0 : i32
        %sign3A_788 = arith.cmpi slt, %scan3A_765, %sign3A_787 : i32
        %sign3A_789 = arith.extui %sign3A_788 : i1 to i32
        %sign3A_790 = arith.subi %sign3A_786, %sign3A_789 : i32
        %sign3A_791 = arith.constant 0 : i32
        %sign3A_792 = arith.cmpi sgt, %jit3A, %sign3A_791 : i32
        %sign3A_793 = arith.extui %sign3A_792 : i1 to i32
        %sign3A_794 = arith.constant 0 : i32
        %sign3A_795 = arith.cmpi slt, %jit3A, %sign3A_794 : i32
        %sign3A_796 = arith.extui %sign3A_795 : i1 to i32
        %sign3A_797 = arith.subi %sign3A_793, %sign3A_796 : i32
        %ne3A = arith.cmpi ne, %sign3A_790, %sign3A_797 : i32
        %rem3A_798 = arith.remsi %scan3A_765, %jit3A : i32
        %ne3A_799 = arith.constant 0 : i32
        %ne3A_800 = arith.cmpi ne, %rem3A_798, %ne3A_799 : i32
        %and3A = arith.andi %ne3A, %ne3A_800 : i1
        %sub3A_801 = arith.constant 1 : i32
        %sub3A_802 = arith.subi %div3A_784, %sub3A_801 : i32
        %select_n3A = arith.select %and3A, %sub3A_802, %div3A_784 : i32
        %add3A_803 = arith.constant 2 : i32
        %add3A_804 = arith.addi %add3A_803, %select_n3A : i32
        %rem3A_805 = arith.constant 16 : i32
        %rem3A_806 = arith.remsi %scan3A_765, %rem3A_805 : i32
        %get3A_807 = arith.index_cast %add3A_804 : i32 to index
        %get3A_808 = arith.index_cast %rem3A_806 : i32 to index
        %get3A_809 = arith.constant 0 : index
        %get3A_810 = tpu.vector_load %arg10[%get3A_807, %get3A_808, %get3A_809] {strides = array<i32>} : memref<4x16x384xi32, #tpu.memory_space<vmem>>, vector<16xi32>,
        %bitcast3A = vector.bitcast %get3A_810 : vector<16xi32> to vector<32xbf16>
        %unpack3A = tpu.unpack_subelements %bitcast3A, 0 {pack_format = #tpu.pack_format<interleaved>} : vector<32xbf16> -> vector<16xf32>
        %unpack3A_811 = tpu.unpack_subelements %bitcast3A, 1 {pack_format = #tpu.pack_format<interleaved>} : vector<32xbf16> -> vector<16xf32>
        %mul3A_812 = arith.mulf %unpack3A, %gather3A_783 : vector<16xf32>
        %add3A_813 = arith.addf %scan3A_766, %mul3A_812 : vector<16xf32>
        %mul3A_814 = arith.mulf %unpack3A_811, %gather3A_783 : vector<16xf32>
        %add3A_815 = arith.addf %scan3A_767, %mul3A_814 : vector<16xf32>
        %get3A_816 = arith.index_cast %add3A_804 : i32 to index
        %get3A_817 = arith.index_cast %rem3A_806 : i32 to index
        %get3A_818 = arith.constant 16 : index
        %get3A_819 = tpu.vector_load %arg10[%get3A_816, %get3A_817, %get3A_818] {strides = array<i32>} : memref<4x16x384xi32, #tpu.memory_space<vmem>>, vector<16xi32>,
        %bitcast3A_820 = vector.bitcast %get3A_819 : vector<16xi32> to vector<32xbf16>
        %unpack3A_821 = tpu.unpack_subelements %bitcast3A_820, 0 {pack_format = #tpu.pack_format<interleaved>} : vector<32xbf16> -> vector<16xf32>
        %unpack3A_822 = tpu.unpack_subelements %bitcast3A_820, 1 {pack_format = #tpu.pack_format<interleaved>} : vector<32xbf16> -> vector<16xf32>
        %mul3A_823 = arith.mulf %unpack3A_821, %gather3A_783 : vector<16xf32>
        %add3A_824 = arith.addf %scan3A_768, %mul3A_823 : vector<16xf32>
        %mul3A_825 = arith.mulf %unpack3A_822, %gather3A_783 : vector<16xf32>
        %add3A_826 = arith.addf %scan3A_769, %mul3A_825 : vector<16xf32>
        %get3A_827 = arith.index_cast %add3A_804 : i32 to index
        %get3A_828 = arith.index_cast %rem3A_806 : i32 to index
        %get3A_829 = arith.constant 32 : index
        %get3A_830 = tpu.vector_load %arg10[%get3A_827, %get3A_828, %get3A_829] {strides = array<i32>} : memref<4x16x384xi32, #tpu.memory_space<vmem>>, vector<16xi32>,
        %bitcast3A_831 = vector.bitcast %get3A_830 : vector<16xi32> to vector<32xbf16>
        %unpack3A_832 = tpu.unpack_subelements %bitcast3A_831, 0 {pack_format = #tpu.pack_format<interleaved>} : vector<32xbf16> -> vector<16xf32>
        %unpack3A_833 = tpu.unpack_subelements %bitcast3A_831, 1 {pack_format = #tpu.pack_format<interleaved>} : vector<32xbf16> -> vector<16xf32>
        %mul3A_834 = arith.mulf %unpack3A_832, %gather3A_783 : vector<16xf32>
        %add3A_835 = arith.addf %scan3A_770, %mul3A_834 : vector<16xf32>
        %mul3A_836 = arith.mulf %unpack3A_833, %gather3A_783 : vector<16xf32>
        %add3A_837 = arith.addf %scan3A_771, %mul3A_836 : vector<16xf32>
        %get3A_838 = arith.index_cast %add3A_804 : i32 to index
        %get3A_839 = arith.index_cast %rem3A_806 : i32 to index
        %get3A_840 = arith.constant 48 : index
        %get3A_841 = tpu.vector_load %arg10[%get3A_838, %get3A_839, %get3A_840] {strides = array<i32>} : memref<4x16x384xi32, #tpu.memory_space<vmem>>, vector<16xi32>,
        %bitcast3A_842 = vector.bitcast %get3A_841 : vector<16xi32> to vector<32xbf16>
        %unpack3A_843 = tpu.unpack_subelements %bitcast3A_842, 0 {pack_format = #tpu.pack_format<interleaved>} : vector<32xbf16> -> vector<16xf32>
        %unpack3A_844 = tpu.unpack_subelements %bitcast3A_842, 1 {pack_format = #tpu.pack_format<interleaved>} : vector<32xbf16> -> vector<16xf32>
        %mul3A_845 = arith.mulf %unpack3A_843, %gather3A_783 : vector<16xf32>
        %add3A_846 = arith.addf %scan3A_772, %mul3A_845 : vector<16xf32>
        %mul3A_847 = arith.mulf %unpack3A_844, %gather3A_783 : vector<16xf32>
        %add3A_848 = arith.addf %scan3A_773, %mul3A_847 : vector<16xf32>
        %get3A_849 = arith.index_cast %add3A_804 : i32 to index
        %get3A_850 = arith.index_cast %rem3A_806 : i32 to index
        %get3A_851 = arith.constant 64 : index
        %get3A_852 = tpu.vector_load %arg10[%get3A_849, %get3A_850, %get3A_851] {strides = array<i32>} : memref<4x16x384xi32, #tpu.memory_space<vmem>>, vector<16xi32>,
        %bitcast3A_853 = vector.bitcast %get3A_852 : vector<16xi32> to vector<32xbf16>
        %unpack3A_854 = tpu.unpack_subelements %bitcast3A_853, 0 {pack_format = #tpu.pack_format<interleaved>} : vector<32xbf16> -> vector<16xf32>
        %unpack3A_855 = tpu.unpack_subelements %bitcast3A_853, 1 {pack_format = #tpu.pack_format<interleaved>} : vector<32xbf16> -> vector<16xf32>
        %mul3A_856 = arith.mulf %unpack3A_854, %gather3A_783 : vector<16xf32>
        %add3A_857 = arith.addf %scan3A_774, %mul3A_856 : vector<16xf32>
        %mul3A_858 = arith.mulf %unpack3A_855, %gather3A_783 : vector<16xf32>
        %add3A_859 = arith.addf %scan3A_775, %mul3A_858 : vector<16xf32>
        %get3A_860 = arith.index_cast %add3A_804 : i32 to index
        %get3A_861 = arith.index_cast %rem3A_806 : i32 to index
        %get3A_862 = arith.constant 80 : index
        %get3A_863 = tpu.vector_load %arg10[%get3A_860, %get3A_861, %get3A_862] {strides = array<i32>} : memref<4x16x384xi32, #tpu.memory_space<vmem>>, vector<16xi32>,
        %bitcast3A_864 = vector.bitcast %get3A_863 : vector<16xi32> to vector<32xbf16>
        %unpack3A_865 = tpu.unpack_subelements %bitcast3A_864, 0 {pack_format = #tpu.pack_format<interleaved>} : vector<32xbf16> -> vector<16xf32>
        %unpack3A_866 = tpu.unpack_subelements %bitcast3A_864, 1 {pack_format = #tpu.pack_format<interleaved>} : vector<32xbf16> -> vector<16xf32>
        %mul3A_867 = arith.mulf %unpack3A_865, %gather3A_783 : vector<16xf32>
        %add3A_868 = arith.addf %scan3A_776, %mul3A_867 : vector<16xf32>
        %mul3A_869 = arith.mulf %unpack3A_866, %gather3A_783 : vector<16xf32>
        %add3A_870 = arith.addf %scan3A_777, %mul3A_869 : vector<16xf32>
        %get3A_871 = arith.index_cast %add3A_804 : i32 to index
        %get3A_872 = arith.index_cast %rem3A_806 : i32 to index
        %get3A_873 = arith.constant 96 : index
        %get3A_874 = tpu.vector_load %arg10[%get3A_871, %get3A_872, %get3A_873] {strides = array<i32>} : memref<4x16x384xi32, #tpu.memory_space<vmem>>, vector<16xi32>,
        %bitcast3A_875 = vector.bitcast %get3A_874 : vector<16xi32> to vector<32xbf16>
        %unpack3A_876 = tpu.unpack_subelements %bitcast3A_875, 0 {pack_format = #tpu.pack_format<interleaved>} : vector<32xbf16> -> vector<16xf32>
        %unpack3A_877 = tpu.unpack_subelements %bitcast3A_875, 1 {pack_format = #tpu.pack_format<interleaved>} : vector<32xbf16> -> vector<16xf32>
        %mul3A_878 = arith.mulf %unpack3A_876, %gather3A_783 : vector<16xf32>
        %add3A_879 = arith.addf %scan3A_778, %mul3A_878 : vector<16xf32>
        %mul3A_880 = arith.mulf %unpack3A_877, %gather3A_783 : vector<16xf32>
        %add3A_881 = arith.addf %scan3A_779, %mul3A_880 : vector<16xf32>
        %get3A_882 = arith.index_cast %add3A_804 : i32 to index
        %get3A_883 = arith.index_cast %rem3A_806 : i32 to index
        %get3A_884 = arith.constant 112 : index
        %get3A_885 = tpu.vector_load %arg10[%get3A_882, %get3A_883, %get3A_884] {strides = array<i32>} : memref<4x16x384xi32, #tpu.memory_space<vmem>>, vector<16xi32>,
        %bitcast3A_886 = vector.bitcast %get3A_885 : vector<16xi32> to vector<32xbf16>
        %unpack3A_887 = tpu.unpack_subelements %bitcast3A_886, 0 {pack_format = #tpu.pack_format<interleaved>} : vector<32xbf16> -> vector<16xf32>
        %unpack3A_888 = tpu.unpack_subelements %bitcast3A_886, 1 {pack_format = #tpu.pack_format<interleaved>} : vector<32xbf16> -> vector<16xf32>
        %mul3A_889 = arith.mulf %unpack3A_887, %gather3A_783 : vector<16xf32>
        %add3A_890 = arith.addf %scan3A_780, %mul3A_889 : vector<16xf32>
        %mul3A_891 = arith.mulf %unpack3A_888, %gather3A_783 : vector<16xf32>
        %add3A_892 = arith.addf %scan3A_781, %mul3A_891 : vector<16xf32>
        scf.yield %add3A_813, %add3A_815, %add3A_824, %add3A_826, %add3A_835, %add3A_837, %add3A_846, %add3A_848, %add3A_857, %add3A_859, %add3A_868, %add3A_870, %add3A_879, %add3A_881, %add3A_890, %add3A_892 : vector<16xf32>, vector<16xf32>, vector<16xf32>, vector<16xf32>, vector<16xf32>, vector<16xf32>, vector<16xf32>, vector<16xf32>, vector<16xf32>, vector<16xf32>, vector<16xf32>, vector<16xf32>, vector<16xf32>, vector<16xf32>, vector<16xf32>, vector<16xf32>
      }
      %scan3A_537 = arith.constant 32 : i32
      %swap3A_538 = arith.index_cast %rem3A_439 : i32 to index
      %swap3A_539 = arith.constant 0 : index
      %swap3A_540 = tpu.vector_load %arg11[%swap3A_538, %swap3A_539] {strides = array<i32>} : memref<16x768xf32, #tpu.memory_space<vmem>>, vector<16xf32>,
      tpu.vector_store %arg11[%swap3A_538, %swap3A_539], %scan3A_536#0 {strides = array<i32>} : memref<16x768xf32, #tpu.memory_space<vmem>>, vector<16xf32>,
      %swap3A_541 = arith.index_cast %rem3A_439 : i32 to index
      %swap3A_542 = arith.constant 16 : index
      %swap3A_543 = tpu.vector_load %arg11[%swap3A_541, %swap3A_542] {strides = array<i32>} : memref<16x768xf32, #tpu.memory_space<vmem>>, vector<16xf32>,
      tpu.vector_store %arg11[%swap3A_541, %swap3A_542], %scan3A_536#1 {strides = array<i32>} : memref<16x768xf32, #tpu.memory_space<vmem>>, vector<16xf32>,
      %swap3A_544 = arith.index_cast %rem3A_439 : i32 to index
      %swap3A_545 = arith.constant 32 : index
      %swap3A_546 = tpu.vector_load %arg11[%swap3A_544, %swap3A_545] {strides = array<i32>} : memref<16x768xf32, #tpu.memory_space<vmem>>, vector<16xf32>,
      tpu.vector_store %arg11[%swap3A_544, %swap3A_545], %scan3A_536#2 {strides = array<i32>} : memref<16x768xf32, #tpu.memory_space<vmem>>, vector<16xf32>,
      %swap3A_547 = arith.index_cast %rem3A_439 : i32 to index
      %swap3A_548 = arith.constant 48 : index
      %swap3A_549 = tpu.vector_load %arg11[%swap3A_547, %swap3A_548] {strides = array<i32>} : memref<16x768xf32, #tpu.memory_space<vmem>>, vector<16xf32>,
      tpu.vector_store %arg11[%swap3A_547, %swap3A_548], %scan3A_536#3 {strides = array<i32>} : memref<16x768xf32, #tpu.memory_space<vmem>>, vector<16xf32>,
      %swap3A_550 = arith.index_cast %rem3A_439 : i32 to index
      %swap3A_551 = arith.constant 64 : index
      %swap3A_552 = tpu.vector_load %arg11[%swap3A_550, %swap3A_551] {strides = array<i32>} : memref<16x768xf32, #tpu.memory_space<vmem>>, vector<16xf32>,
      tpu.vector_store %arg11[%swap3A_550, %swap3A_551], %scan3A_536#4 {strides = array<i32>} : memref<16x768xf32, #tpu.memory_space<vmem>>, vector<16xf32>,
      %swap3A_553 = arith.index_cast %rem3A_439 : i32 to index
      %swap3A_554 = arith.constant 80 : index
      %swap3A_555 = tpu.vector_load %arg11[%swap3A_553, %swap3A_554] {strides = array<i32>} : memref<16x768xf32, #tpu.memory_space<vmem>>, vector<16xf32>,
      tpu.vector_store %arg11[%swap3A_553, %swap3A_554], %scan3A_536#5 {strides = array<i32>} : memref<16x768xf32, #tpu.memory_space<vmem>>, vector<16xf32>,
      %swap3A_556 = arith.index_cast %rem3A_439 : i32 to index
      %swap3A_557 = arith.constant 96 : index
      %swap3A_558 = tpu.vector_load %arg11[%swap3A_556, %swap3A_557] {strides = array<i32>} : memref<16x768xf32, #tpu.memory_space<vmem>>, vector<16xf32>,
      tpu.vector_store %arg11[%swap3A_556, %swap3A_557], %scan3A_536#6 {strides = array<i32>} : memref<16x768xf32, #tpu.memory_space<vmem>>, vector<16xf32>,
      %swap3A_559 = arith.index_cast %rem3A_439 : i32 to index
      %swap3A_560 = arith.constant 112 : index
      %swap3A_561 = tpu.vector_load %arg11[%swap3A_559, %swap3A_560] {strides = array<i32>} : memref<16x768xf32, #tpu.memory_space<vmem>>, vector<16xf32>,
      tpu.vector_store %arg11[%swap3A_559, %swap3A_560], %scan3A_536#7 {strides = array<i32>} : memref<16x768xf32, #tpu.memory_space<vmem>>, vector<16xf32>,
      %swap3A_562 = arith.index_cast %rem3A_439 : i32 to index
      %swap3A_563 = arith.constant 128 : index
      %swap3A_564 = tpu.vector_load %arg11[%swap3A_562, %swap3A_563] {strides = array<i32>} : memref<16x768xf32, #tpu.memory_space<vmem>>, vector<16xf32>,
      tpu.vector_store %arg11[%swap3A_562, %swap3A_563], %scan3A_536#8 {strides = array<i32>} : memref<16x768xf32, #tpu.memory_space<vmem>>, vector<16xf32>,
      %swap3A_565 = arith.index_cast %rem3A_439 : i32 to index
      %swap3A_566 = arith.constant 144 : index
      %swap3A_567 = tpu.vector_load %arg11[%swap3A_565, %swap3A_566] {strides = array<i32>} : memref<16x768xf32, #tpu.memory_space<vmem>>, vector<16xf32>,
      tpu.vector_store %arg11[%swap3A_565, %swap3A_566], %scan3A_536#9 {strides = array<i32>} : memref<16x768xf32, #tpu.memory_space<vmem>>, vector<16xf32>,
      %swap3A_568 = arith.index_cast %rem3A_439 : i32 to index
      %swap3A_569 = arith.constant 160 : index
      %swap3A_570 = tpu.vector_load %arg11[%swap3A_568, %swap3A_569] {strides = array<i32>} : memref<16x768xf32, #tpu.memory_space<vmem>>, vector<16xf32>,
      tpu.vector_store %arg11[%swap3A_568, %swap3A_569], %scan3A_536#10 {strides = array<i32>} : memref<16x768xf32, #tpu.memory_space<vmem>>, vector<16xf32>,
      %swap3A_571 = arith.index_cast %rem3A_439 : i32 to index
      %swap3A_572 = arith.constant 176 : index
      %swap3A_573 = tpu.vector_load %arg11[%swap3A_571, %swap3A_572] {strides = array<i32>} : memref<16x768xf32, #tpu.memory_space<vmem>>, vector<16xf32>,
      tpu.vector_store %arg11[%swap3A_571, %swap3A_572], %scan3A_536#11 {strides = array<i32>} : memref<16x768xf32, #tpu.memory_space<vmem>>, vector<16xf32>,
      %swap3A_574 = arith.index_cast %rem3A_439 : i32 to index
      %swap3A_575 = arith.constant 192 : index
      %swap3A_576 = tpu.vector_load %arg11[%swap3A_574, %swap3A_575] {strides = array<i32>} : memref<16x768xf32, #tpu.memory_space<vmem>>, vector<16xf32>,
      tpu.vector_store %arg11[%swap3A_574, %swap3A_575], %scan3A_536#12 {strides = array<i32>} : memref<16x768xf32, #tpu.memory_space<vmem>>, vector<16xf32>,
      %swap3A_577 = arith.index_cast %rem3A_439 : i32 to index
      %swap3A_578 = arith.constant 208 : index
      %swap3A_579 = tpu.vector_load %arg11[%swap3A_577, %swap3A_578] {strides = array<i32>} : memref<16x768xf32, #tpu.memory_space<vmem>>, vector<16xf32>,
      tpu.vector_store %arg11[%swap3A_577, %swap3A_578], %scan3A_536#13 {strides = array<i32>} : memref<16x768xf32, #tpu.memory_space<vmem>>, vector<16xf32>,
      %swap3A_580 = arith.index_cast %rem3A_439 : i32 to index
      %swap3A_581 = arith.constant 224 : index
      %swap3A_582 = tpu.vector_load %arg11[%swap3A_580, %swap3A_581] {strides = array<i32>} : memref<16x768xf32, #tpu.memory_space<vmem>>, vector<16xf32>,
      tpu.vector_store %arg11[%swap3A_580, %swap3A_581], %scan3A_536#14 {strides = array<i32>} : memref<16x768xf32, #tpu.memory_space<vmem>>, vector<16xf32>,
      %swap3A_583 = arith.index_cast %rem3A_439 : i32 to index
      %swap3A_584 = arith.constant 240 : index
      %swap3A_585 = tpu.vector_load %arg11[%swap3A_583, %swap3A_584] {strides = array<i32>} : memref<16x768xf32, #tpu.memory_space<vmem>>, vector<16xf32>,
      tpu.vector_store %arg11[%swap3A_583, %swap3A_584], %scan3A_536#15 {strides = array<i32>} : memref<16x768xf32, #tpu.memory_space<vmem>>, vector<16xf32>,
      %broadcast_in_dim3A_586 = arith.constant 0.000000e+00 : f32
      %broadcast_in_dim3A_587 = vector.broadcast %broadcast_in_dim3A_586 : f32 to vector<16xf32>
      %broadcast_in_dim3A_588 = arith.constant 0.000000e+00 : f32
      %broadcast_in_dim3A_589 = vector.broadcast %broadcast_in_dim3A_588 : f32 to vector<16xf32>
      %broadcast_in_dim3A_590 = arith.constant 0.000000e+00 : f32
      %broadcast_in_dim3A_591 = vector.broadcast %broadcast_in_dim3A_590 : f32 to vector<16xf32>
      %broadcast_in_dim3A_592 = arith.constant 0.000000e+00 : f32
      %broadcast_in_dim3A_593 = vector.broadcast %broadcast_in_dim3A_592 : f32 to vector<16xf32>
      %broadcast_in_dim3A_594 = arith.constant 0.000000e+00 : f32
      %broadcast_in_dim3A_595 = vector.broadcast %broadcast_in_dim3A_594 : f32 to vector<16xf32>
      %broadcast_in_dim3A_596 = arith.constant 0.000000e+00 : f32
      %broadcast_in_dim3A_597 = vector.broadcast %broadcast_in_dim3A_596 : f32 to vector<16xf32>
      %broadcast_in_dim3A_598 = arith.constant 0.000000e+00 : f32
      %broadcast_in_dim3A_599 = vector.broadcast %broadcast_in_dim3A_598 : f32 to vector<16xf32>
      %broadcast_in_dim3A_600 = arith.constant 0.000000e+00 : f32
      %broadcast_in_dim3A_601 = vector.broadcast %broadcast_in_dim3A_600 : f32 to vector<16xf32>
      %broadcast_in_dim3A_602 = arith.constant 0.000000e+00 : f32
      %broadcast_in_dim3A_603 = vector.broadcast %broadcast_in_dim3A_602 : f32 to vector<16xf32>
      %broadcast_in_dim3A_604 = arith.constant 0.000000e+00 : f32
      %broadcast_in_dim3A_605 = vector.broadcast %broadcast_in_dim3A_604 : f32 to vector<16xf32>
      %broadcast_in_dim3A_606 = arith.constant 0.000000e+00 : f32
      %broadcast_in_dim3A_607 = vector.broadcast %broadcast_in_dim3A_606 : f32 to vector<16xf32>
      %broadcast_in_dim3A_608 = arith.constant 0.000000e+00 : f32
      %broadcast_in_dim3A_609 = vector.broadcast %broadcast_in_dim3A_608 : f32 to vector<16xf32>
      %broadcast_in_dim3A_610 = arith.constant 0.000000e+00 : f32
      %broadcast_in_dim3A_611 = vector.broadcast %broadcast_in_dim3A_610 : f32 to vector<16xf32>
      %broadcast_in_dim3A_612 = arith.constant 0.000000e+00 : f32
      %broadcast_in_dim3A_613 = vector.broadcast %broadcast_in_dim3A_612 : f32 to vector<16xf32>
      %broadcast_in_dim3A_614 = arith.constant 0.000000e+00 : f32
      %broadcast_in_dim3A_615 = vector.broadcast %broadcast_in_dim3A_614 : f32 to vector<16xf32>
      %broadcast_in_dim3A_616 = arith.constant 0.000000e+00 : f32
      %broadcast_in_dim3A_617 = vector.broadcast %broadcast_in_dim3A_616 : f32 to vector<16xf32>
      %scan3A_618 = arith.constant 0 : i32
      %scan3A_619 = arith.constant 32 : i32
      %scan3A_620 = arith.addi %scan3A_618, %scan3A_619 : i32
      %scan3A_621 = arith.constant 1 : i32
      %scan3A_622:16 = scf.for %scan3A_765 = %scan3A_618 to %scan3A_620 step %scan3A_621 iter_args(%scan3A_766 = %broadcast_in_dim3A_587, %scan3A_767 = %broadcast_in_dim3A_589, %scan3A_768 = %broadcast_in_dim3A_591, %scan3A_769 = %broadcast_in_dim3A_593, %scan3A_770 = %broadcast_in_dim3A_595, %scan3A_771 = %broadcast_in_dim3A_597, %scan3A_772 = %broadcast_in_dim3A_599, %scan3A_773 = %broadcast_in_dim3A_601, %scan3A_774 = %broadcast_in_dim3A_603, %scan3A_775 = %broadcast_in_dim3A_605, %scan3A_776 = %broadcast_in_dim3A_607, %scan3A_777 = %broadcast_in_dim3A_609, %scan3A_778 = %broadcast_in_dim3A_611, %scan3A_779 = %broadcast_in_dim3A_613, %scan3A_780 = %broadcast_in_dim3A_615, %scan3A_781 = %broadcast_in_dim3A_617) -> (vector<16xf32>, vector<16xf32>, vector<16xf32>, vector<16xf32>, vector<16xf32>, vector<16xf32>, vector<16xf32>, vector<16xf32>, vector<16xf32>, vector<16xf32>, vector<16xf32>, vector<16xf32>, vector<16xf32>, vector<16xf32>, vector<16xf32>, vector<16xf32>)  : i32 {
        %broadcast_in_dim3A_782 = vector.broadcast %scan3A_765 : i32 to vector<16xi32>
        %gather3A_783 = tpu.vector_load_idx %arg12[%broadcast_in_dim3A_782] : memref<32xf32, #tpu.memory_space<vmem>>[vector<16xi32>], vector<16xf32>,
        %jit3A = arith.constant 16 : i32
        %div3A_784 = arith.divsi %scan3A_765, %jit3A : i32
        %sign3A = arith.constant 0 : i32
        %sign3A_785 = arith.cmpi sgt, %scan3A_765, %sign3A : i32
        %sign3A_786 = arith.extui %sign3A_785 : i1 to i32
        %sign3A_787 = arith.constant 0 : i32
        %sign3A_788 = arith.cmpi slt, %scan3A_765, %sign3A_787 : i32
        %sign3A_789 = arith.extui %sign3A_788 : i1 to i32
        %sign3A_790 = arith.subi %sign3A_786, %sign3A_789 : i32
        %sign3A_791 = arith.constant 0 : i32
        %sign3A_792 = arith.cmpi sgt, %jit3A, %sign3A_791 : i32
        %sign3A_793 = arith.extui %sign3A_792 : i1 to i32
        %sign3A_794 = arith.constant 0 : i32
        %sign3A_795 = arith.cmpi slt, %jit3A, %sign3A_794 : i32
        %sign3A_796 = arith.extui %sign3A_795 : i1 to i32
        %sign3A_797 = arith.subi %sign3A_793, %sign3A_796 : i32
        %ne3A = arith.cmpi ne, %sign3A_790, %sign3A_797 : i32
        %rem3A_798 = arith.remsi %scan3A_765, %jit3A : i32
        %ne3A_799 = arith.constant 0 : i32
        %ne3A_800 = arith.cmpi ne, %rem3A_798, %ne3A_799 : i32
        %and3A = arith.andi %ne3A, %ne3A_800 : i1
        %sub3A_801 = arith.constant 1 : i32
        %sub3A_802 = arith.subi %div3A_784, %sub3A_801 : i32
        %select_n3A = arith.select %and3A, %sub3A_802, %div3A_784 : i32
        %add3A_803 = arith.constant 2 : i32
        %add3A_804 = arith.addi %add3A_803, %select_n3A : i32
        %rem3A_805 = arith.constant 16 : i32
        %rem3A_806 = arith.remsi %scan3A_765, %rem3A_805 : i32
        %get3A_807 = arith.index_cast %add3A_804 : i32 to index
        %get3A_808 = arith.index_cast %rem3A_806 : i32 to index
        %get3A_809 = arith.constant 128 : index
        %get3A_810 = tpu.vector_load %arg10[%get3A_807, %get3A_808, %get3A_809] {strides = array<i32>} : memref<4x16x384xi32, #tpu.memory_space<vmem>>, vector<16xi32>,
        %bitcast3A = vector.bitcast %get3A_810 : vector<16xi32> to vector<32xbf16>
        %unpack3A = tpu.unpack_subelements %bitcast3A, 0 {pack_format = #tpu.pack_format<interleaved>} : vector<32xbf16> -> vector<16xf32>
        %unpack3A_811 = tpu.unpack_subelements %bitcast3A, 1 {pack_format = #tpu.pack_format<interleaved>} : vector<32xbf16> -> vector<16xf32>
        %mul3A_812 = arith.mulf %unpack3A, %gather3A_783 : vector<16xf32>
        %add3A_813 = arith.addf %scan3A_766, %mul3A_812 : vector<16xf32>
        %mul3A_814 = arith.mulf %unpack3A_811, %gather3A_783 : vector<16xf32>
        %add3A_815 = arith.addf %scan3A_767, %mul3A_814 : vector<16xf32>
        %get3A_816 = arith.index_cast %add3A_804 : i32 to index
        %get3A_817 = arith.index_cast %rem3A_806 : i32 to index
        %get3A_818 = arith.constant 144 : index
        %get3A_819 = tpu.vector_load %arg10[%get3A_816, %get3A_817, %get3A_818] {strides = array<i32>} : memref<4x16x384xi32, #tpu.memory_space<vmem>>, vector<16xi32>,
        %bitcast3A_820 = vector.bitcast %get3A_819 : vector<16xi32> to vector<32xbf16>
        %unpack3A_821 = tpu.unpack_subelements %bitcast3A_820, 0 {pack_format = #tpu.pack_format<interleaved>} : vector<32xbf16> -> vector<16xf32>
        %unpack3A_822 = tpu.unpack_subelements %bitcast3A_820, 1 {pack_format = #tpu.pack_format<interleaved>} : vector<32xbf16> -> vector<16xf32>
        %mul3A_823 = arith.mulf %unpack3A_821, %gather3A_783 : vector<16xf32>
        %add3A_824 = arith.addf %scan3A_768, %mul3A_823 : vector<16xf32>
        %mul3A_825 = arith.mulf %unpack3A_822, %gather3A_783 : vector<16xf32>
        %add3A_826 = arith.addf %scan3A_769, %mul3A_825 : vector<16xf32>
        %get3A_827 = arith.index_cast %add3A_804 : i32 to index
        %get3A_828 = arith.index_cast %rem3A_806 : i32 to index
        %get3A_829 = arith.constant 160 : index
        %get3A_830 = tpu.vector_load %arg10[%get3A_827, %get3A_828, %get3A_829] {strides = array<i32>} : memref<4x16x384xi32, #tpu.memory_space<vmem>>, vector<16xi32>,
        %bitcast3A_831 = vector.bitcast %get3A_830 : vector<16xi32> to vector<32xbf16>
        %unpack3A_832 = tpu.unpack_subelements %bitcast3A_831, 0 {pack_format = #tpu.pack_format<interleaved>} : vector<32xbf16> -> vector<16xf32>
        %unpack3A_833 = tpu.unpack_subelements %bitcast3A_831, 1 {pack_format = #tpu.pack_format<interleaved>} : vector<32xbf16> -> vector<16xf32>
        %mul3A_834 = arith.mulf %unpack3A_832, %gather3A_783 : vector<16xf32>
        %add3A_835 = arith.addf %scan3A_770, %mul3A_834 : vector<16xf32>
        %mul3A_836 = arith.mulf %unpack3A_833, %gather3A_783 : vector<16xf32>
        %add3A_837 = arith.addf %scan3A_771, %mul3A_836 : vector<16xf32>
        %get3A_838 = arith.index_cast %add3A_804 : i32 to index
        %get3A_839 = arith.index_cast %rem3A_806 : i32 to index
        %get3A_840 = arith.constant 176 : index
        %get3A_841 = tpu.vector_load %arg10[%get3A_838, %get3A_839, %get3A_840] {strides = array<i32>} : memref<4x16x384xi32, #tpu.memory_space<vmem>>, vector<16xi32>,
        %bitcast3A_842 = vector.bitcast %get3A_841 : vector<16xi32> to vector<32xbf16>
        %unpack3A_843 = tpu.unpack_subelements %bitcast3A_842, 0 {pack_format = #tpu.pack_format<interleaved>} : vector<32xbf16> -> vector<16xf32>
        %unpack3A_844 = tpu.unpack_subelements %bitcast3A_842, 1 {pack_format = #tpu.pack_format<interleaved>} : vector<32xbf16> -> vector<16xf32>
        %mul3A_845 = arith.mulf %unpack3A_843, %gather3A_783 : vector<16xf32>
        %add3A_846 = arith.addf %scan3A_772, %mul3A_845 : vector<16xf32>
        %mul3A_847 = arith.mulf %unpack3A_844, %gather3A_783 : vector<16xf32>
        %add3A_848 = arith.addf %scan3A_773, %mul3A_847 : vector<16xf32>
        %get3A_849 = arith.index_cast %add3A_804 : i32 to index
        %get3A_850 = arith.index_cast %rem3A_806 : i32 to index
        %get3A_851 = arith.constant 192 : index
        %get3A_852 = tpu.vector_load %arg10[%get3A_849, %get3A_850, %get3A_851] {strides = array<i32>} : memref<4x16x384xi32, #tpu.memory_space<vmem>>, vector<16xi32>,
        %bitcast3A_853 = vector.bitcast %get3A_852 : vector<16xi32> to vector<32xbf16>
        %unpack3A_854 = tpu.unpack_subelements %bitcast3A_853, 0 {pack_format = #tpu.pack_format<interleaved>} : vector<32xbf16> -> vector<16xf32>
        %unpack3A_855 = tpu.unpack_subelements %bitcast3A_853, 1 {pack_format = #tpu.pack_format<interleaved>} : vector<32xbf16> -> vector<16xf32>
        %mul3A_856 = arith.mulf %unpack3A_854, %gather3A_783 : vector<16xf32>
        %add3A_857 = arith.addf %scan3A_774, %mul3A_856 : vector<16xf32>
        %mul3A_858 = arith.mulf %unpack3A_855, %gather3A_783 : vector<16xf32>
        %add3A_859 = arith.addf %scan3A_775, %mul3A_858 : vector<16xf32>
        %get3A_860 = arith.index_cast %add3A_804 : i32 to index
        %get3A_861 = arith.index_cast %rem3A_806 : i32 to index
        %get3A_862 = arith.constant 208 : index
        %get3A_863 = tpu.vector_load %arg10[%get3A_860, %get3A_861, %get3A_862] {strides = array<i32>} : memref<4x16x384xi32, #tpu.memory_space<vmem>>, vector<16xi32>,
        %bitcast3A_864 = vector.bitcast %get3A_863 : vector<16xi32> to vector<32xbf16>
        %unpack3A_865 = tpu.unpack_subelements %bitcast3A_864, 0 {pack_format = #tpu.pack_format<interleaved>} : vector<32xbf16> -> vector<16xf32>
        %unpack3A_866 = tpu.unpack_subelements %bitcast3A_864, 1 {pack_format = #tpu.pack_format<interleaved>} : vector<32xbf16> -> vector<16xf32>
        %mul3A_867 = arith.mulf %unpack3A_865, %gather3A_783 : vector<16xf32>
        %add3A_868 = arith.addf %scan3A_776, %mul3A_867 : vector<16xf32>
        %mul3A_869 = arith.mulf %unpack3A_866, %gather3A_783 : vector<16xf32>
        %add3A_870 = arith.addf %scan3A_777, %mul3A_869 : vector<16xf32>
        %get3A_871 = arith.index_cast %add3A_804 : i32 to index
        %get3A_872 = arith.index_cast %rem3A_806 : i32 to index
        %get3A_873 = arith.constant 224 : index
        %get3A_874 = tpu.vector_load %arg10[%get3A_871, %get3A_872, %get3A_873] {strides = array<i32>} : memref<4x16x384xi32, #tpu.memory_space<vmem>>, vector<16xi32>,
        %bitcast3A_875 = vector.bitcast %get3A_874 : vector<16xi32> to vector<32xbf16>
        %unpack3A_876 = tpu.unpack_subelements %bitcast3A_875, 0 {pack_format = #tpu.pack_format<interleaved>} : vector<32xbf16> -> vector<16xf32>
        %unpack3A_877 = tpu.unpack_subelements %bitcast3A_875, 1 {pack_format = #tpu.pack_format<interleaved>} : vector<32xbf16> -> vector<16xf32>
        %mul3A_878 = arith.mulf %unpack3A_876, %gather3A_783 : vector<16xf32>
        %add3A_879 = arith.addf %scan3A_778, %mul3A_878 : vector<16xf32>
        %mul3A_880 = arith.mulf %unpack3A_877, %gather3A_783 : vector<16xf32>
        %add3A_881 = arith.addf %scan3A_779, %mul3A_880 : vector<16xf32>
        %get3A_882 = arith.index_cast %add3A_804 : i32 to index
        %get3A_883 = arith.index_cast %rem3A_806 : i32 to index
        %get3A_884 = arith.constant 240 : index
        %get3A_885 = tpu.vector_load %arg10[%get3A_882, %get3A_883, %get3A_884] {strides = array<i32>} : memref<4x16x384xi32, #tpu.memory_space<vmem>>, vector<16xi32>,
        %bitcast3A_886 = vector.bitcast %get3A_885 : vector<16xi32> to vector<32xbf16>
        %unpack3A_887 = tpu.unpack_subelements %bitcast3A_886, 0 {pack_format = #tpu.pack_format<interleaved>} : vector<32xbf16> -> vector<16xf32>
        %unpack3A_888 = tpu.unpack_subelements %bitcast3A_886, 1 {pack_format = #tpu.pack_format<interleaved>} : vector<32xbf16> -> vector<16xf32>
        %mul3A_889 = arith.mulf %unpack3A_887, %gather3A_783 : vector<16xf32>
        %add3A_890 = arith.addf %scan3A_780, %mul3A_889 : vector<16xf32>
        %mul3A_891 = arith.mulf %unpack3A_888, %gather3A_783 : vector<16xf32>
        %add3A_892 = arith.addf %scan3A_781, %mul3A_891 : vector<16xf32>
        scf.yield %add3A_813, %add3A_815, %add3A_824, %add3A_826, %add3A_835, %add3A_837, %add3A_846, %add3A_848, %add3A_857, %add3A_859, %add3A_868, %add3A_870, %add3A_879, %add3A_881, %add3A_890, %add3A_892 : vector<16xf32>, vector<16xf32>, vector<16xf32>, vector<16xf32>, vector<16xf32>, vector<16xf32>, vector<16xf32>, vector<16xf32>, vector<16xf32>, vector<16xf32>, vector<16xf32>, vector<16xf32>, vector<16xf32>, vector<16xf32>, vector<16xf32>, vector<16xf32>
      }
      %scan3A_623 = arith.constant 32 : i32
      %swap3A_624 = arith.index_cast %rem3A_439 : i32 to index
      %swap3A_625 = arith.constant 256 : index
      %swap3A_626 = tpu.vector_load %arg11[%swap3A_624, %swap3A_625] {strides = array<i32>} : memref<16x768xf32, #tpu.memory_space<vmem>>, vector<16xf32>,
      tpu.vector_store %arg11[%swap3A_624, %swap3A_625], %scan3A_622#0 {strides = array<i32>} : memref<16x768xf32, #tpu.memory_space<vmem>>, vector<16xf32>,
      %swap3A_627 = arith.index_cast %rem3A_439 : i32 to index
      %swap3A_628 = arith.constant 272 : index
      %swap3A_629 = tpu.vector_load %arg11[%swap3A_627, %swap3A_628] {strides = array<i32>} : memref<16x768xf32, #tpu.memory_space<vmem>>, vector<16xf32>,
      tpu.vector_store %arg11[%swap3A_627, %swap3A_628], %scan3A_622#1 {strides = array<i32>} : memref<16x768xf32, #tpu.memory_space<vmem>>, vector<16xf32>,
      %swap3A_630 = arith.index_cast %rem3A_439 : i32 to index
      %swap3A_631 = arith.constant 288 : index
      %swap3A_632 = tpu.vector_load %arg11[%swap3A_630, %swap3A_631] {strides = array<i32>} : memref<16x768xf32, #tpu.memory_space<vmem>>, vector<16xf32>,
      tpu.vector_store %arg11[%swap3A_630, %swap3A_631], %scan3A_622#2 {strides = array<i32>} : memref<16x768xf32, #tpu.memory_space<vmem>>, vector<16xf32>,
      %swap3A_633 = arith.index_cast %rem3A_439 : i32 to index
      %swap3A_634 = arith.constant 304 : index
      %swap3A_635 = tpu.vector_load %arg11[%swap3A_633, %swap3A_634] {strides = array<i32>} : memref<16x768xf32, #tpu.memory_space<vmem>>, vector<16xf32>,
      tpu.vector_store %arg11[%swap3A_633, %swap3A_634], %scan3A_622#3 {strides = array<i32>} : memref<16x768xf32, #tpu.memory_space<vmem>>, vector<16xf32>,
      %swap3A_636 = arith.index_cast %rem3A_439 : i32 to index
      %swap3A_637 = arith.constant 320 : index
      %swap3A_638 = tpu.vector_load %arg11[%swap3A_636, %swap3A_637] {strides = array<i32>} : memref<16x768xf32, #tpu.memory_space<vmem>>, vector<16xf32>,
      tpu.vector_store %arg11[%swap3A_636, %swap3A_637], %scan3A_622#4 {strides = array<i32>} : memref<16x768xf32, #tpu.memory_space<vmem>>, vector<16xf32>,
      %swap3A_639 = arith.index_cast %rem3A_439 : i32 to index
      %swap3A_640 = arith.constant 336 : index
      %swap3A_641 = tpu.vector_load %arg11[%swap3A_639, %swap3A_640] {strides = array<i32>} : memref<16x768xf32, #tpu.memory_space<vmem>>, vector<16xf32>,
      tpu.vector_store %arg11[%swap3A_639, %swap3A_640], %scan3A_622#5 {strides = array<i32>} : memref<16x768xf32, #tpu.memory_space<vmem>>, vector<16xf32>,
      %swap3A_642 = arith.index_cast %rem3A_439 : i32 to index
      %swap3A_643 = arith.constant 352 : index
      %swap3A_644 = tpu.vector_load %arg11[%swap3A_642, %swap3A_643] {strides = array<i32>} : memref<16x768xf32, #tpu.memory_space<vmem>>, vector<16xf32>,
      tpu.vector_store %arg11[%swap3A_642, %swap3A_643], %scan3A_622#6 {strides = array<i32>} : memref<16x768xf32, #tpu.memory_space<vmem>>, vector<16xf32>,
      %swap3A_645 = arith.index_cast %rem3A_439 : i32 to index
      %swap3A_646 = arith.constant 368 : index
      %swap3A_647 = tpu.vector_load %arg11[%swap3A_645, %swap3A_646] {strides = array<i32>} : memref<16x768xf32, #tpu.memory_space<vmem>>, vector<16xf32>,
      tpu.vector_store %arg11[%swap3A_645, %swap3A_646], %scan3A_622#7 {strides = array<i32>} : memref<16x768xf32, #tpu.memory_space<vmem>>, vector<16xf32>,
      %swap3A_648 = arith.index_cast %rem3A_439 : i32 to index
      %swap3A_649 = arith.constant 384 : index
      %swap3A_650 = tpu.vector_load %arg11[%swap3A_648, %swap3A_649] {strides = array<i32>} : memref<16x768xf32, #tpu.memory_space<vmem>>, vector<16xf32>,
      tpu.vector_store %arg11[%swap3A_648, %swap3A_649], %scan3A_622#8 {strides = array<i32>} : memref<16x768xf32, #tpu.memory_space<vmem>>, vector<16xf32>,
      %swap3A_651 = arith.index_cast %rem3A_439 : i32 to index
      %swap3A_652 = arith.constant 400 : index
      %swap3A_653 = tpu.vector_load %arg11[%swap3A_651, %swap3A_652] {strides = array<i32>} : memref<16x768xf32, #tpu.memory_space<vmem>>, vector<16xf32>,
      tpu.vector_store %arg11[%swap3A_651, %swap3A_652], %scan3A_622#9 {strides = array<i32>} : memref<16x768xf32, #tpu.memory_space<vmem>>, vector<16xf32>,
      %swap3A_654 = arith.index_cast %rem3A_439 : i32 to index
      %swap3A_655 = arith.constant 416 : index
      %swap3A_656 = tpu.vector_load %arg11[%swap3A_654, %swap3A_655] {strides = array<i32>} : memref<16x768xf32, #tpu.memory_space<vmem>>, vector<16xf32>,
      tpu.vector_store %arg11[%swap3A_654, %swap3A_655], %scan3A_622#10 {strides = array<i32>} : memref<16x768xf32, #tpu.memory_space<vmem>>, vector<16xf32>,
      %swap3A_657 = arith.index_cast %rem3A_439 : i32 to index
      %swap3A_658 = arith.constant 432 : index
      %swap3A_659 = tpu.vector_load %arg11[%swap3A_657, %swap3A_658] {strides = array<i32>} : memref<16x768xf32, #tpu.memory_space<vmem>>, vector<16xf32>,
      tpu.vector_store %arg11[%swap3A_657, %swap3A_658], %scan3A_622#11 {strides = array<i32>} : memref<16x768xf32, #tpu.memory_space<vmem>>, vector<16xf32>,
      %swap3A_660 = arith.index_cast %rem3A_439 : i32 to index
      %swap3A_661 = arith.constant 448 : index
      %swap3A_662 = tpu.vector_load %arg11[%swap3A_660, %swap3A_661] {strides = array<i32>} : memref<16x768xf32, #tpu.memory_space<vmem>>, vector<16xf32>,
      tpu.vector_store %arg11[%swap3A_660, %swap3A_661], %scan3A_622#12 {strides = array<i32>} : memref<16x768xf32, #tpu.memory_space<vmem>>, vector<16xf32>,
      %swap3A_663 = arith.index_cast %rem3A_439 : i32 to index
      %swap3A_664 = arith.constant 464 : index
      %swap3A_665 = tpu.vector_load %arg11[%swap3A_663, %swap3A_664] {strides = array<i32>} : memref<16x768xf32, #tpu.memory_space<vmem>>, vector<16xf32>,
      tpu.vector_store %arg11[%swap3A_663, %swap3A_664], %scan3A_622#13 {strides = array<i32>} : memref<16x768xf32, #tpu.memory_space<vmem>>, vector<16xf32>,
      %swap3A_666 = arith.index_cast %rem3A_439 : i32 to index
      %swap3A_667 = arith.constant 480 : index
      %swap3A_668 = tpu.vector_load %arg11[%swap3A_666, %swap3A_667] {strides = array<i32>} : memref<16x768xf32, #tpu.memory_space<vmem>>, vector<16xf32>,
      tpu.vector_store %arg11[%swap3A_666, %swap3A_667], %scan3A_622#14 {strides = array<i32>} : memref<16x768xf32, #tpu.memory_space<vmem>>, vector<16xf32>,
      %swap3A_669 = arith.index_cast %rem3A_439 : i32 to index
      %swap3A_670 = arith.constant 496 : index
      %swap3A_671 = tpu.vector_load %arg11[%swap3A_669, %swap3A_670] {strides = array<i32>} : memref<16x768xf32, #tpu.memory_space<vmem>>, vector<16xf32>,
      tpu.vector_store %arg11[%swap3A_669, %swap3A_670], %scan3A_622#15 {strides = array<i32>} : memref<16x768xf32, #tpu.memory_space<vmem>>, vector<16xf32>,
      %broadcast_in_dim3A_672 = arith.constant 0.000000e+00 : f32
      %broadcast_in_dim3A_673 = vector.broadcast %broadcast_in_dim3A_672 : f32 to vector<16xf32>
      %broadcast_in_dim3A_674 = arith.constant 0.000000e+00 : f32
      %broadcast_in_dim3A_675 = vector.broadcast %broadcast_in_dim3A_674 : f32 to vector<16xf32>
      %broadcast_in_dim3A_676 = arith.constant 0.000000e+00 : f32
      %broadcast_in_dim3A_677 = vector.broadcast %broadcast_in_dim3A_676 : f32 to vector<16xf32>
      %broadcast_in_dim3A_678 = arith.constant 0.000000e+00 : f32
      %broadcast_in_dim3A_679 = vector.broadcast %broadcast_in_dim3A_678 : f32 to vector<16xf32>
      %broadcast_in_dim3A_680 = arith.constant 0.000000e+00 : f32
      %broadcast_in_dim3A_681 = vector.broadcast %broadcast_in_dim3A_680 : f32 to vector<16xf32>
      %broadcast_in_dim3A_682 = arith.constant 0.000000e+00 : f32
      %broadcast_in_dim3A_683 = vector.broadcast %broadcast_in_dim3A_682 : f32 to vector<16xf32>
      %broadcast_in_dim3A_684 = arith.constant 0.000000e+00 : f32
      %broadcast_in_dim3A_685 = vector.broadcast %broadcast_in_dim3A_684 : f32 to vector<16xf32>
      %broadcast_in_dim3A_686 = arith.constant 0.000000e+00 : f32
      %broadcast_in_dim3A_687 = vector.broadcast %broadcast_in_dim3A_686 : f32 to vector<16xf32>
      %broadcast_in_dim3A_688 = arith.constant 0.000000e+00 : f32
      %broadcast_in_dim3A_689 = vector.broadcast %broadcast_in_dim3A_688 : f32 to vector<16xf32>
      %broadcast_in_dim3A_690 = arith.constant 0.000000e+00 : f32
      %broadcast_in_dim3A_691 = vector.broadcast %broadcast_in_dim3A_690 : f32 to vector<16xf32>
      %broadcast_in_dim3A_692 = arith.constant 0.000000e+00 : f32
      %broadcast_in_dim3A_693 = vector.broadcast %broadcast_in_dim3A_692 : f32 to vector<16xf32>
      %broadcast_in_dim3A_694 = arith.constant 0.000000e+00 : f32
      %broadcast_in_dim3A_695 = vector.broadcast %broadcast_in_dim3A_694 : f32 to vector<16xf32>
      %broadcast_in_dim3A_696 = arith.constant 0.000000e+00 : f32
      %broadcast_in_dim3A_697 = vector.broadcast %broadcast_in_dim3A_696 : f32 to vector<16xf32>
      %broadcast_in_dim3A_698 = arith.constant 0.000000e+00 : f32
      %broadcast_in_dim3A_699 = vector.broadcast %broadcast_in_dim3A_698 : f32 to vector<16xf32>
      %broadcast_in_dim3A_700 = arith.constant 0.000000e+00 : f32
      %broadcast_in_dim3A_701 = vector.broadcast %broadcast_in_dim3A_700 : f32 to vector<16xf32>
      %broadcast_in_dim3A_702 = arith.constant 0.000000e+00 : f32
      %broadcast_in_dim3A_703 = vector.broadcast %broadcast_in_dim3A_702 : f32 to vector<16xf32>
      %scan3A_704 = arith.constant 0 : i32
      %scan3A_705 = arith.constant 32 : i32
      %scan3A_706 = arith.addi %scan3A_704, %scan3A_705 : i32
      %scan3A_707 = arith.constant 1 : i32
      %scan3A_708:16 = scf.for %scan3A_765 = %scan3A_704 to %scan3A_706 step %scan3A_707 iter_args(%scan3A_766 = %broadcast_in_dim3A_673, %scan3A_767 = %broadcast_in_dim3A_675, %scan3A_768 = %broadcast_in_dim3A_677, %scan3A_769 = %broadcast_in_dim3A_679, %scan3A_770 = %broadcast_in_dim3A_681, %scan3A_771 = %broadcast_in_dim3A_683, %scan3A_772 = %broadcast_in_dim3A_685, %scan3A_773 = %broadcast_in_dim3A_687, %scan3A_774 = %broadcast_in_dim3A_689, %scan3A_775 = %broadcast_in_dim3A_691, %scan3A_776 = %broadcast_in_dim3A_693, %scan3A_777 = %broadcast_in_dim3A_695, %scan3A_778 = %broadcast_in_dim3A_697, %scan3A_779 = %broadcast_in_dim3A_699, %scan3A_780 = %broadcast_in_dim3A_701, %scan3A_781 = %broadcast_in_dim3A_703) -> (vector<16xf32>, vector<16xf32>, vector<16xf32>, vector<16xf32>, vector<16xf32>, vector<16xf32>, vector<16xf32>, vector<16xf32>, vector<16xf32>, vector<16xf32>, vector<16xf32>, vector<16xf32>, vector<16xf32>, vector<16xf32>, vector<16xf32>, vector<16xf32>)  : i32 {
        %broadcast_in_dim3A_782 = vector.broadcast %scan3A_765 : i32 to vector<16xi32>
        %gather3A_783 = tpu.vector_load_idx %arg12[%broadcast_in_dim3A_782] : memref<32xf32, #tpu.memory_space<vmem>>[vector<16xi32>], vector<16xf32>,
        %jit3A = arith.constant 16 : i32
        %div3A_784 = arith.divsi %scan3A_765, %jit3A : i32
        %sign3A = arith.constant 0 : i32
        %sign3A_785 = arith.cmpi sgt, %scan3A_765, %sign3A : i32
        %sign3A_786 = arith.extui %sign3A_785 : i1 to i32
        %sign3A_787 = arith.constant 0 : i32
        %sign3A_788 = arith.cmpi slt, %scan3A_765, %sign3A_787 : i32
        %sign3A_789 = arith.extui %sign3A_788 : i1 to i32
        %sign3A_790 = arith.subi %sign3A_786, %sign3A_789 : i32
        %sign3A_791 = arith.constant 0 : i32
        %sign3A_792 = arith.cmpi sgt, %jit3A, %sign3A_791 : i32
        %sign3A_793 = arith.extui %sign3A_792 : i1 to i32
        %sign3A_794 = arith.constant 0 : i32
        %sign3A_795 = arith.cmpi slt, %jit3A, %sign3A_794 : i32
        %sign3A_796 = arith.extui %sign3A_795 : i1 to i32
        %sign3A_797 = arith.subi %sign3A_793, %sign3A_796 : i32
        %ne3A = arith.cmpi ne, %sign3A_790, %sign3A_797 : i32
        %rem3A_798 = arith.remsi %scan3A_765, %jit3A : i32
        %ne3A_799 = arith.constant 0 : i32
        %ne3A_800 = arith.cmpi ne, %rem3A_798, %ne3A_799 : i32
        %and3A = arith.andi %ne3A, %ne3A_800 : i1
        %sub3A_801 = arith.constant 1 : i32
        %sub3A_802 = arith.subi %div3A_784, %sub3A_801 : i32
        %select_n3A = arith.select %and3A, %sub3A_802, %div3A_784 : i32
        %add3A_803 = arith.constant 2 : i32
        %add3A_804 = arith.addi %add3A_803, %select_n3A : i32
        %rem3A_805 = arith.constant 16 : i32
        %rem3A_806 = arith.remsi %scan3A_765, %rem3A_805 : i32
        %get3A_807 = arith.index_cast %add3A_804 : i32 to index
        %get3A_808 = arith.index_cast %rem3A_806 : i32 to index
        %get3A_809 = arith.constant 256 : index
        %get3A_810 = tpu.vector_load %arg10[%get3A_807, %get3A_808, %get3A_809] {strides = array<i32>} : memref<4x16x384xi32, #tpu.memory_space<vmem>>, vector<16xi32>,
        %bitcast3A = vector.bitcast %get3A_810 : vector<16xi32> to vector<32xbf16>
        %unpack3A = tpu.unpack_subelements %bitcast3A, 0 {pack_format = #tpu.pack_format<interleaved>} : vector<32xbf16> -> vector<16xf32>
        %unpack3A_811 = tpu.unpack_subelements %bitcast3A, 1 {pack_format = #tpu.pack_format<interleaved>} : vector<32xbf16> -> vector<16xf32>
        %mul3A_812 = arith.mulf %unpack3A, %gather3A_783 : vector<16xf32>
        %add3A_813 = arith.addf %scan3A_766, %mul3A_812 : vector<16xf32>
        %mul3A_814 = arith.mulf %unpack3A_811, %gather3A_783 : vector<16xf32>
        %add3A_815 = arith.addf %scan3A_767, %mul3A_814 : vector<16xf32>
        %get3A_816 = arith.index_cast %add3A_804 : i32 to index
        %get3A_817 = arith.index_cast %rem3A_806 : i32 to index
        %get3A_818 = arith.constant 272 : index
        %get3A_819 = tpu.vector_load %arg10[%get3A_816, %get3A_817, %get3A_818] {strides = array<i32>} : memref<4x16x384xi32, #tpu.memory_space<vmem>>, vector<16xi32>,
        %bitcast3A_820 = vector.bitcast %get3A_819 : vector<16xi32> to vector<32xbf16>
        %unpack3A_821 = tpu.unpack_subelements %bitcast3A_820, 0 {pack_format = #tpu.pack_format<interleaved>} : vector<32xbf16> -> vector<16xf32>
        %unpack3A_822 = tpu.unpack_subelements %bitcast3A_820, 1 {pack_format = #tpu.pack_format<interleaved>} : vector<32xbf16> -> vector<16xf32>
        %mul3A_823 = arith.mulf %unpack3A_821, %gather3A_783 : vector<16xf32>
        %add3A_824 = arith.addf %scan3A_768, %mul3A_823 : vector<16xf32>
        %mul3A_825 = arith.mulf %unpack3A_822, %gather3A_783 : vector<16xf32>
        %add3A_826 = arith.addf %scan3A_769, %mul3A_825 : vector<16xf32>
        %get3A_827 = arith.index_cast %add3A_804 : i32 to index
        %get3A_828 = arith.index_cast %rem3A_806 : i32 to index
        %get3A_829 = arith.constant 288 : index
        %get3A_830 = tpu.vector_load %arg10[%get3A_827, %get3A_828, %get3A_829] {strides = array<i32>} : memref<4x16x384xi32, #tpu.memory_space<vmem>>, vector<16xi32>,
        %bitcast3A_831 = vector.bitcast %get3A_830 : vector<16xi32> to vector<32xbf16>
        %unpack3A_832 = tpu.unpack_subelements %bitcast3A_831, 0 {pack_format = #tpu.pack_format<interleaved>} : vector<32xbf16> -> vector<16xf32>
        %unpack3A_833 = tpu.unpack_subelements %bitcast3A_831, 1 {pack_format = #tpu.pack_format<interleaved>} : vector<32xbf16> -> vector<16xf32>
        %mul3A_834 = arith.mulf %unpack3A_832, %gather3A_783 : vector<16xf32>
        %add3A_835 = arith.addf %scan3A_770, %mul3A_834 : vector<16xf32>
        %mul3A_836 = arith.mulf %unpack3A_833, %gather3A_783 : vector<16xf32>
        %add3A_837 = arith.addf %scan3A_771, %mul3A_836 : vector<16xf32>
        %get3A_838 = arith.index_cast %add3A_804 : i32 to index
        %get3A_839 = arith.index_cast %rem3A_806 : i32 to index
        %get3A_840 = arith.constant 304 : index
        %get3A_841 = tpu.vector_load %arg10[%get3A_838, %get3A_839, %get3A_840] {strides = array<i32>} : memref<4x16x384xi32, #tpu.memory_space<vmem>>, vector<16xi32>,
        %bitcast3A_842 = vector.bitcast %get3A_841 : vector<16xi32> to vector<32xbf16>
        %unpack3A_843 = tpu.unpack_subelements %bitcast3A_842, 0 {pack_format = #tpu.pack_format<interleaved>} : vector<32xbf16> -> vector<16xf32>
        %unpack3A_844 = tpu.unpack_subelements %bitcast3A_842, 1 {pack_format = #tpu.pack_format<interleaved>} : vector<32xbf16> -> vector<16xf32>
        %mul3A_845 = arith.mulf %unpack3A_843, %gather3A_783 : vector<16xf32>
        %add3A_846 = arith.addf %scan3A_772, %mul3A_845 : vector<16xf32>
        %mul3A_847 = arith.mulf %unpack3A_844, %gather3A_783 : vector<16xf32>
        %add3A_848 = arith.addf %scan3A_773, %mul3A_847 : vector<16xf32>
        %get3A_849 = arith.index_cast %add3A_804 : i32 to index
        %get3A_850 = arith.index_cast %rem3A_806 : i32 to index
        %get3A_851 = arith.constant 320 : index
        %get3A_852 = tpu.vector_load %arg10[%get3A_849, %get3A_850, %get3A_851] {strides = array<i32>} : memref<4x16x384xi32, #tpu.memory_space<vmem>>, vector<16xi32>,
        %bitcast3A_853 = vector.bitcast %get3A_852 : vector<16xi32> to vector<32xbf16>
        %unpack3A_854 = tpu.unpack_subelements %bitcast3A_853, 0 {pack_format = #tpu.pack_format<interleaved>} : vector<32xbf16> -> vector<16xf32>
        %unpack3A_855 = tpu.unpack_subelements %bitcast3A_853, 1 {pack_format = #tpu.pack_format<interleaved>} : vector<32xbf16> -> vector<16xf32>
        %mul3A_856 = arith.mulf %unpack3A_854, %gather3A_783 : vector<16xf32>
        %add3A_857 = arith.addf %scan3A_774, %mul3A_856 : vector<16xf32>
        %mul3A_858 = arith.mulf %unpack3A_855, %gather3A_783 : vector<16xf32>
        %add3A_859 = arith.addf %scan3A_775, %mul3A_858 : vector<16xf32>
        %get3A_860 = arith.index_cast %add3A_804 : i32 to index
        %get3A_861 = arith.index_cast %rem3A_806 : i32 to index
        %get3A_862 = arith.constant 336 : index
        %get3A_863 = tpu.vector_load %arg10[%get3A_860, %get3A_861, %get3A_862] {strides = array<i32>} : memref<4x16x384xi32, #tpu.memory_space<vmem>>, vector<16xi32>,
        %bitcast3A_864 = vector.bitcast %get3A_863 : vector<16xi32> to vector<32xbf16>
        %unpack3A_865 = tpu.unpack_subelements %bitcast3A_864, 0 {pack_format = #tpu.pack_format<interleaved>} : vector<32xbf16> -> vector<16xf32>
        %unpack3A_866 = tpu.unpack_subelements %bitcast3A_864, 1 {pack_format = #tpu.pack_format<interleaved>} : vector<32xbf16> -> vector<16xf32>
        %mul3A_867 = arith.mulf %unpack3A_865, %gather3A_783 : vector<16xf32>
        %add3A_868 = arith.addf %scan3A_776, %mul3A_867 : vector<16xf32>
        %mul3A_869 = arith.mulf %unpack3A_866, %gather3A_783 : vector<16xf32>
        %add3A_870 = arith.addf %scan3A_777, %mul3A_869 : vector<16xf32>
        %get3A_871 = arith.index_cast %add3A_804 : i32 to index
        %get3A_872 = arith.index_cast %rem3A_806 : i32 to index
        %get3A_873 = arith.constant 352 : index
        %get3A_874 = tpu.vector_load %arg10[%get3A_871, %get3A_872, %get3A_873] {strides = array<i32>} : memref<4x16x384xi32, #tpu.memory_space<vmem>>, vector<16xi32>,
        %bitcast3A_875 = vector.bitcast %get3A_874 : vector<16xi32> to vector<32xbf16>
        %unpack3A_876 = tpu.unpack_subelements %bitcast3A_875, 0 {pack_format = #tpu.pack_format<interleaved>} : vector<32xbf16> -> vector<16xf32>
        %unpack3A_877 = tpu.unpack_subelements %bitcast3A_875, 1 {pack_format = #tpu.pack_format<interleaved>} : vector<32xbf16> -> vector<16xf32>
        %mul3A_878 = arith.mulf %unpack3A_876, %gather3A_783 : vector<16xf32>
        %add3A_879 = arith.addf %scan3A_778, %mul3A_878 : vector<16xf32>
        %mul3A_880 = arith.mulf %unpack3A_877, %gather3A_783 : vector<16xf32>
        %add3A_881 = arith.addf %scan3A_779, %mul3A_880 : vector<16xf32>
        %get3A_882 = arith.index_cast %add3A_804 : i32 to index
        %get3A_883 = arith.index_cast %rem3A_806 : i32 to index
        %get3A_884 = arith.constant 368 : index
        %get3A_885 = tpu.vector_load %arg10[%get3A_882, %get3A_883, %get3A_884] {strides = array<i32>} : memref<4x16x384xi32, #tpu.memory_space<vmem>>, vector<16xi32>,
        %bitcast3A_886 = vector.bitcast %get3A_885 : vector<16xi32> to vector<32xbf16>
        %unpack3A_887 = tpu.unpack_subelements %bitcast3A_886, 0 {pack_format = #tpu.pack_format<interleaved>} : vector<32xbf16> -> vector<16xf32>
        %unpack3A_888 = tpu.unpack_subelements %bitcast3A_886, 1 {pack_format = #tpu.pack_format<interleaved>} : vector<32xbf16> -> vector<16xf32>
        %mul3A_889 = arith.mulf %unpack3A_887, %gather3A_783 : vector<16xf32>
        %add3A_890 = arith.addf %scan3A_780, %mul3A_889 : vector<16xf32>
        %mul3A_891 = arith.mulf %unpack3A_888, %gather3A_783 : vector<16xf32>
        %add3A_892 = arith.addf %scan3A_781, %mul3A_891 : vector<16xf32>
        scf.yield %add3A_813, %add3A_815, %add3A_824, %add3A_826, %add3A_835, %add3A_837, %add3A_846, %add3A_848, %add3A_857, %add3A_859, %add3A_868, %add3A_870, %add3A_879, %add3A_881, %add3A_890, %add3A_892 : vector<16xf32>, vector<16xf32>, vector<16xf32>, vector<16xf32>, vector<16xf32>, vector<16xf32>, vector<16xf32>, vector<16xf32>, vector<16xf32>, vector<16xf32>, vector<16xf32>, vector<16xf32>, vector<16xf32>, vector<16xf32>, vector<16xf32>, vector<16xf32>
      }
      %scan3A_709 = arith.constant 32 : i32
      %swap3A_710 = arith.index_cast %rem3A_439 : i32 to index
      %swap3A_711 = arith.constant 512 : index
      %swap3A_712 = tpu.vector_load %arg11[%swap3A_710, %swap3A_711] {strides = array<i32>} : memref<16x768xf32, #tpu.memory_space<vmem>>, vector<16xf32>,
      tpu.vector_store %arg11[%swap3A_710, %swap3A_711], %scan3A_708#0 {strides = array<i32>} : memref<16x768xf32, #tpu.memory_space<vmem>>, vector<16xf32>,
      %swap3A_713 = arith.index_cast %rem3A_439 : i32 to index
      %swap3A_714 = arith.constant 528 : index
      %swap3A_715 = tpu.vector_load %arg11[%swap3A_713, %swap3A_714] {strides = array<i32>} : memref<16x768xf32, #tpu.memory_space<vmem>>, vector<16xf32>,
      tpu.vector_store %arg11[%swap3A_713, %swap3A_714], %scan3A_708#1 {strides = array<i32>} : memref<16x768xf32, #tpu.memory_space<vmem>>, vector<16xf32>,
      %swap3A_716 = arith.index_cast %rem3A_439 : i32 to index
      %swap3A_717 = arith.constant 544 : index
      %swap3A_718 = tpu.vector_load %arg11[%swap3A_716, %swap3A_717] {strides = array<i32>} : memref<16x768xf32, #tpu.memory_space<vmem>>, vector<16xf32>,
      tpu.vector_store %arg11[%swap3A_716, %swap3A_717], %scan3A_708#2 {strides = array<i32>} : memref<16x768xf32, #tpu.memory_space<vmem>>, vector<16xf32>,
      %swap3A_719 = arith.index_cast %rem3A_439 : i32 to index
      %swap3A_720 = arith.constant 560 : index
      %swap3A_721 = tpu.vector_load %arg11[%swap3A_719, %swap3A_720] {strides = array<i32>} : memref<16x768xf32, #tpu.memory_space<vmem>>, vector<16xf32>,
      tpu.vector_store %arg11[%swap3A_719, %swap3A_720], %scan3A_708#3 {strides = array<i32>} : memref<16x768xf32, #tpu.memory_space<vmem>>, vector<16xf32>,
      %swap3A_722 = arith.index_cast %rem3A_439 : i32 to index
      %swap3A_723 = arith.constant 576 : index
      %swap3A_724 = tpu.vector_load %arg11[%swap3A_722, %swap3A_723] {strides = array<i32>} : memref<16x768xf32, #tpu.memory_space<vmem>>, vector<16xf32>,
      tpu.vector_store %arg11[%swap3A_722, %swap3A_723], %scan3A_708#4 {strides = array<i32>} : memref<16x768xf32, #tpu.memory_space<vmem>>, vector<16xf32>,
      %swap3A_725 = arith.index_cast %rem3A_439 : i32 to index
      %swap3A_726 = arith.constant 592 : index
      %swap3A_727 = tpu.vector_load %arg11[%swap3A_725, %swap3A_726] {strides = array<i32>} : memref<16x768xf32, #tpu.memory_space<vmem>>, vector<16xf32>,
      tpu.vector_store %arg11[%swap3A_725, %swap3A_726], %scan3A_708#5 {strides = array<i32>} : memref<16x768xf32, #tpu.memory_space<vmem>>, vector<16xf32>,
      %swap3A_728 = arith.index_cast %rem3A_439 : i32 to index
      %swap3A_729 = arith.constant 608 : index
      %swap3A_730 = tpu.vector_load %arg11[%swap3A_728, %swap3A_729] {strides = array<i32>} : memref<16x768xf32, #tpu.memory_space<vmem>>, vector<16xf32>,
      tpu.vector_store %arg11[%swap3A_728, %swap3A_729], %scan3A_708#6 {strides = array<i32>} : memref<16x768xf32, #tpu.memory_space<vmem>>, vector<16xf32>,
      %swap3A_731 = arith.index_cast %rem3A_439 : i32 to index
      %swap3A_732 = arith.constant 624 : index
      %swap3A_733 = tpu.vector_load %arg11[%swap3A_731, %swap3A_732] {strides = array<i32>} : memref<16x768xf32, #tpu.memory_space<vmem>>, vector<16xf32>,
      tpu.vector_store %arg11[%swap3A_731, %swap3A_732], %scan3A_708#7 {strides = array<i32>} : memref<16x768xf32, #tpu.memory_space<vmem>>, vector<16xf32>,
      %swap3A_734 = arith.index_cast %rem3A_439 : i32 to index
      %swap3A_735 = arith.constant 640 : index
      %swap3A_736 = tpu.vector_load %arg11[%swap3A_734, %swap3A_735] {strides = array<i32>} : memref<16x768xf32, #tpu.memory_space<vmem>>, vector<16xf32>,
      tpu.vector_store %arg11[%swap3A_734, %swap3A_735], %scan3A_708#8 {strides = array<i32>} : memref<16x768xf32, #tpu.memory_space<vmem>>, vector<16xf32>,
      %swap3A_737 = arith.index_cast %rem3A_439 : i32 to index
      %swap3A_738 = arith.constant 656 : index
      %swap3A_739 = tpu.vector_load %arg11[%swap3A_737, %swap3A_738] {strides = array<i32>} : memref<16x768xf32, #tpu.memory_space<vmem>>, vector<16xf32>,
      tpu.vector_store %arg11[%swap3A_737, %swap3A_738], %scan3A_708#9 {strides = array<i32>} : memref<16x768xf32, #tpu.memory_space<vmem>>, vector<16xf32>,
      %swap3A_740 = arith.index_cast %rem3A_439 : i32 to index
      %swap3A_741 = arith.constant 672 : index
      %swap3A_742 = tpu.vector_load %arg11[%swap3A_740, %swap3A_741] {strides = array<i32>} : memref<16x768xf32, #tpu.memory_space<vmem>>, vector<16xf32>,
      tpu.vector_store %arg11[%swap3A_740, %swap3A_741], %scan3A_708#10 {strides = array<i32>} : memref<16x768xf32, #tpu.memory_space<vmem>>, vector<16xf32>,
      %swap3A_743 = arith.index_cast %rem3A_439 : i32 to index
      %swap3A_744 = arith.constant 688 : index
      %swap3A_745 = tpu.vector_load %arg11[%swap3A_743, %swap3A_744] {strides = array<i32>} : memref<16x768xf32, #tpu.memory_space<vmem>>, vector<16xf32>,
      tpu.vector_store %arg11[%swap3A_743, %swap3A_744], %scan3A_708#11 {strides = array<i32>} : memref<16x768xf32, #tpu.memory_space<vmem>>, vector<16xf32>,
      %swap3A_746 = arith.index_cast %rem3A_439 : i32 to index
      %swap3A_747 = arith.constant 704 : index
      %swap3A_748 = tpu.vector_load %arg11[%swap3A_746, %swap3A_747] {strides = array<i32>} : memref<16x768xf32, #tpu.memory_space<vmem>>, vector<16xf32>,
      tpu.vector_store %arg11[%swap3A_746, %swap3A_747], %scan3A_708#12 {strides = array<i32>} : memref<16x768xf32, #tpu.memory_space<vmem>>, vector<16xf32>,
      %swap3A_749 = arith.index_cast %rem3A_439 : i32 to index
      %swap3A_750 = arith.constant 720 : index
      %swap3A_751 = tpu.vector_load %arg11[%swap3A_749, %swap3A_750] {strides = array<i32>} : memref<16x768xf32, #tpu.memory_space<vmem>>, vector<16xf32>,
      tpu.vector_store %arg11[%swap3A_749, %swap3A_750], %scan3A_708#13 {strides = array<i32>} : memref<16x768xf32, #tpu.memory_space<vmem>>, vector<16xf32>,
      %swap3A_752 = arith.index_cast %rem3A_439 : i32 to index
      %swap3A_753 = arith.constant 736 : index
      %swap3A_754 = tpu.vector_load %arg11[%swap3A_752, %swap3A_753] {strides = array<i32>} : memref<16x768xf32, #tpu.memory_space<vmem>>, vector<16xf32>,
      tpu.vector_store %arg11[%swap3A_752, %swap3A_753], %scan3A_708#14 {strides = array<i32>} : memref<16x768xf32, #tpu.memory_space<vmem>>, vector<16xf32>,
      %swap3A_755 = arith.index_cast %rem3A_439 : i32 to index
      %swap3A_756 = arith.constant 752 : index
      %swap3A_757 = tpu.vector_load %arg11[%swap3A_755, %swap3A_756] {strides = array<i32>} : memref<16x768xf32, #tpu.memory_space<vmem>>, vector<16xf32>,
      tpu.vector_store %arg11[%swap3A_755, %swap3A_756], %scan3A_708#15 {strides = array<i32>} : memref<16x768xf32, #tpu.memory_space<vmem>>, vector<16xf32>,
      %rem3A_758 = arith.constant 8 : i32
      %rem3A_759 = arith.remsi %scan3A_32, %rem3A_758 : i32
      %eq3A = arith.constant 7 : i32
      %eq3A_760 = arith.cmpi eq, %rem3A_759, %eq3A : i32
      %convert_element_type3A_761 = arith.extui %eq3A_760 : i1 to i32
      %cond3A_762 = arith.constant 0 : i32
      %cond3A_763 = arith.cmpi ne, %convert_element_type3A_761, %cond3A_762 : i32
      scf.if %cond3A_763 {
        %jit3A = arith.constant 8 : i32
        %div3A_765 = arith.divsi %scan3A_32, %jit3A : i32
        %sign3A = arith.constant 0 : i32
        %sign3A_766 = arith.cmpi sgt, %scan3A_32, %sign3A : i32
        %sign3A_767 = arith.extui %sign3A_766 : i1 to i32
        %sign3A_768 = arith.constant 0 : i32
        %sign3A_769 = arith.cmpi slt, %scan3A_32, %sign3A_768 : i32
        %sign3A_770 = arith.extui %sign3A_769 : i1 to i32
        %sign3A_771 = arith.subi %sign3A_767, %sign3A_770 : i32
        %sign3A_772 = arith.constant 0 : i32
        %sign3A_773 = arith.cmpi sgt, %jit3A, %sign3A_772 : i32
        %sign3A_774 = arith.extui %sign3A_773 : i1 to i32
        %sign3A_775 = arith.constant 0 : i32
        %sign3A_776 = arith.cmpi slt, %jit3A, %sign3A_775 : i32
        %sign3A_777 = arith.extui %sign3A_776 : i1 to i32
        %sign3A_778 = arith.subi %sign3A_774, %sign3A_777 : i32
        %ne3A = arith.cmpi ne, %sign3A_771, %sign3A_778 : i32
        %rem3A_779 = arith.remsi %scan3A_32, %jit3A : i32
        %ne3A_780 = arith.constant 0 : i32
        %ne3A_781 = arith.cmpi ne, %rem3A_779, %ne3A_780 : i32
        %and3A = arith.andi %ne3A, %ne3A_781 : i1
        %sub3A_782 = arith.constant 1 : i32
        %sub3A_783 = arith.subi %div3A_765, %sub3A_782 : i32
        %select_n3A = arith.select %and3A, %sub3A_783, %div3A_765 : i32
        %mul3A_784 = arith.constant 16 : i32
        %mul3A_785 = arith.muli %select_n3A, %mul3A_784 : i32
        %add3A_786 = arith.addi %mul3A_2, %mul3A_785 : i32
        "tpu.region"() ({
          %run_scoped3A = tpu.sem_alloc : memref<!tpu.dma_semaphore, #tpu.memory_space<semaphore_mem>>
          %dma_start3A_787 = arith.constant 0 : i32
          %dma_start3A_788 = tpu.memref_slice %arg6[%add3A_786, %dma_start3A_787] : memref<16384x768xf32, #tpu.memory_space<hbm>> -> memref<16x768xf32, #tpu.memory_space<hbm>>
          %dma_start3A_789 = arith.constant 0 : i32
          %dma_start3A_790 = tpu.memref_slice %arg6[%add3A_786, %dma_start3A_789] : memref<16384x768xf32, #tpu.memory_space<hbm>> -> memref<16x768xf32, #tpu.memory_space<hbm>>
          tpu.enqueue_dma source(%arg11 : memref<16x768xf32, #tpu.memory_space<vmem>>) target(%dma_start3A_790 : memref<16x768xf32, #tpu.memory_space<hbm>>) target_semaphore(%run_scoped3A : memref<!tpu.dma_semaphore, #tpu.memory_space<semaphore_mem>>)
          %dma_wait3A_791 = arith.constant 0 : i32
          %dma_wait3A_792 = tpu.memref_slice %arg6[%add3A_786, %dma_wait3A_791] : memref<16384x768xf32, #tpu.memory_space<hbm>> -> memref<16x768xf32, #tpu.memory_space<hbm>>
          %dma_wait3A_793 = arith.constant 0 : i32
          %dma_wait3A_794 = tpu.memref_slice %arg6[%add3A_786, %dma_wait3A_793] : memref<16384x768xf32, #tpu.memory_space<hbm>> -> memref<16x768xf32, #tpu.memory_space<hbm>>
          tpu.wait_dma2 semaphore(%run_scoped3A : memref<!tpu.dma_semaphore, #tpu.memory_space<semaphore_mem>>) src(%arg11 : memref<16x768xf32, #tpu.memory_space<vmem>>) dst(%dma_wait3A_794 : memref<16x768xf32, #tpu.memory_space<hbm>>)
          tpu.yield
        }) : () -> ()
      } else {
      }
      %scan3A_764 = arith.constant 0 : i32
      scf.yield %scan3A_764 : i32
    }
    %scan3A_31 = arith.constant 256 : i32
    return
  }
}

#map = affine_map<(d0, d1) -> (0, 0)>
module attributes {stable_mosaic.version = 14 : i64} {
  func.func @_sc_pack_table(%arg0: i32, %arg1: i32, %arg2: memref<30522x768xf32, #tpu.memory_space<hbm>>, %arg3: memref<30522x384xi32, #tpu.memory_space<hbm>>, %arg4: memref<2x32x768xf32, #tpu.memory_space<vmem>>, %arg5: memref<2x32x384xi32, #tpu.memory_space<vmem>>, %arg6: memref<!tpu.dma_semaphore, #tpu.memory_space<semaphore_mem>>, %arg7: memref<!tpu.dma_semaphore, #tpu.memory_space<semaphore_mem>>, %arg8: memref<!tpu.dma_semaphore, #tpu.memory_space<semaphore_mem>>, %arg9: memref<!tpu.dma_semaphore, #tpu.memory_space<semaphore_mem>>) attributes {dimension_semantics = [#tpu.dimension_semantics<core_parallel>, #tpu.dimension_semantics<subcore_parallel>], iteration_bounds = array<i64: 2, 16>, scalar_prefetch = 0 : i64, scratch_operands = 6 : i64, tpu.core_type = #tpu.core_type<sc_vector_subcore>, window_params = [{transform_indices = #map}, {transform_indices = #map}]} {
    %mul3A = arith.constant 2 : i32
    %mul3A_0 = arith.muli %arg1, %mul3A : i32
    %add3A = arith.addi %mul3A_0, %arg0 : i32
    %mul3A_1 = arith.constant 960 : i32
    %mul3A_2 = arith.muli %add3A, %mul3A_1 : i32
    %add3A_3 = arith.constant 0 : i32
    %add3A_4 = arith.addi %mul3A_2, %add3A_3 : i32
    %min3A = arith.constant 30488 : i32
    %min3A_5 = arith.minsi %add3A_4, %min3A : i32
    %dma_start3A = arith.constant 0 : i32
    %dma_start3A_6 = arith.constant 0 : i32
    %dma_start3A_7 = arith.constant 0 : i32
    %dma_start3A_8 = tpu.memref_slice %arg4[%dma_start3A, %dma_start3A_6, %dma_start3A_7] : memref<2x32x768xf32, #tpu.memory_space<vmem>> -> memref<1x32x768xf32, #tpu.memory_space<vmem>>
    %dma_start3A_9 = tpu.memref_squeeze %dma_start3A_8 : memref<1x32x768xf32, #tpu.memory_space<vmem>> -> memref<32x768xf32, #tpu.memory_space<vmem>>
    %dma_start3A_10 = arith.constant 0 : i32
    %dma_start3A_11 = tpu.memref_slice %arg2[%min3A_5, %dma_start3A_10] : memref<30522x768xf32, #tpu.memory_space<hbm>> -> memref<32x768xf32, #tpu.memory_space<hbm>>
    %dma_start3A_12 = arith.constant 0 : i32
    %dma_start3A_13 = arith.constant 0 : i32
    %dma_start3A_14 = tpu.memref_slice %arg4[%dma_start3A, %dma_start3A_12, %dma_start3A_13] : memref<2x32x768xf32, #tpu.memory_space<vmem>> -> memref<1x32x768xf32, #tpu.memory_space<vmem>>
    %dma_start3A_15 = tpu.memref_squeeze %dma_start3A_14 : memref<1x32x768xf32, #tpu.memory_space<vmem>> -> memref<32x768xf32, #tpu.memory_space<vmem>>
    %dma_start3A_16 = arith.constant 0 : i32
    %dma_start3A_17 = tpu.memref_slice %arg2[%min3A_5, %dma_start3A_16] : memref<30522x768xf32, #tpu.memory_space<hbm>> -> memref<32x768xf32, #tpu.memory_space<hbm>>
    tpu.enqueue_dma source(%dma_start3A_17 : memref<32x768xf32, #tpu.memory_space<hbm>>) target(%dma_start3A_15 : memref<32x768xf32, #tpu.memory_space<vmem>>) target_semaphore(%arg6 : memref<!tpu.dma_semaphore, #tpu.memory_space<semaphore_mem>>)
    %scan3A = arith.constant 0 : i32
    %scan3A_18 = arith.constant 0 : i32
    %scan3A_19 = arith.constant 15 : i32
    %scan3A_20 = arith.addi %scan3A_18, %scan3A_19 : i32
    %scan3A_21 = arith.constant 1 : i32
    %scan3A_22 = scf.for %scan3A_55 = %scan3A_18 to %scan3A_20 step %scan3A_21 iter_args(%scan3A_56 = %scan3A) -> (i32)  : i32 {
      %mul3A_57 = arith.constant 2 : i32
      %mul3A_58 = arith.muli %mul3A_57, %scan3A_55 : i32
      %add3A_59 = arith.constant 1 : i32
      %add3A_60 = arith.addi %mul3A_58, %add3A_59 : i32
      %mul3A_61 = arith.constant 32 : i32
      %mul3A_62 = arith.muli %add3A_60, %mul3A_61 : i32
      %add3A_63 = arith.addi %mul3A_2, %mul3A_62 : i32
      %min3A_64 = arith.constant 30488 : i32
      %min3A_65 = arith.minsi %add3A_63, %min3A_64 : i32
      %dma_start3A_66 = arith.constant 1 : i32
      %dma_start3A_67 = arith.constant 0 : i32
      %dma_start3A_68 = arith.constant 0 : i32
      %dma_start3A_69 = tpu.memref_slice %arg4[%dma_start3A_66, %dma_start3A_67, %dma_start3A_68] : memref<2x32x768xf32, #tpu.memory_space<vmem>> -> memref<1x32x768xf32, #tpu.memory_space<vmem>>
      %dma_start3A_70 = tpu.memref_squeeze %dma_start3A_69 : memref<1x32x768xf32, #tpu.memory_space<vmem>> -> memref<32x768xf32, #tpu.memory_space<vmem>>
      %dma_start3A_71 = arith.constant 0 : i32
      %dma_start3A_72 = tpu.memref_slice %arg2[%min3A_65, %dma_start3A_71] : memref<30522x768xf32, #tpu.memory_space<hbm>> -> memref<32x768xf32, #tpu.memory_space<hbm>>
      %dma_start3A_73 = arith.constant 0 : i32
      %dma_start3A_74 = arith.constant 0 : i32
      %dma_start3A_75 = tpu.memref_slice %arg4[%dma_start3A_66, %dma_start3A_73, %dma_start3A_74] : memref<2x32x768xf32, #tpu.memory_space<vmem>> -> memref<1x32x768xf32, #tpu.memory_space<vmem>>
      %dma_start3A_76 = tpu.memref_squeeze %dma_start3A_75 : memref<1x32x768xf32, #tpu.memory_space<vmem>> -> memref<32x768xf32, #tpu.memory_space<vmem>>
      %dma_start3A_77 = arith.constant 0 : i32
      %dma_start3A_78 = tpu.memref_slice %arg2[%min3A_65, %dma_start3A_77] : memref<30522x768xf32, #tpu.memory_space<hbm>> -> memref<32x768xf32, #tpu.memory_space<hbm>>
      tpu.enqueue_dma source(%dma_start3A_78 : memref<32x768xf32, #tpu.memory_space<hbm>>) target(%dma_start3A_76 : memref<32x768xf32, #tpu.memory_space<vmem>>) target_semaphore(%arg7 : memref<!tpu.dma_semaphore, #tpu.memory_space<semaphore_mem>>)
      %dma_wait3A_79 = arith.constant 0 : i32
      %dma_wait3A_80 = arith.constant 0 : i32
      %dma_wait3A_81 = arith.constant 0 : i32
      %dma_wait3A_82 = tpu.memref_slice %arg4[%dma_wait3A_79, %dma_wait3A_80, %dma_wait3A_81] : memref<2x32x768xf32, #tpu.memory_space<vmem>> -> memref<1x32x768xf32, #tpu.memory_space<vmem>>
      %dma_wait3A_83 = tpu.memref_squeeze %dma_wait3A_82 : memref<1x32x768xf32, #tpu.memory_space<vmem>> -> memref<32x768xf32, #tpu.memory_space<vmem>>
      %dma_wait3A_84 = arith.constant 0 : i32
      %dma_wait3A_85 = arith.constant 0 : i32
      %dma_wait3A_86 = tpu.memref_slice %arg2[%dma_wait3A_84, %dma_wait3A_85] : memref<30522x768xf32, #tpu.memory_space<hbm>> -> memref<32x768xf32, #tpu.memory_space<hbm>>
      %dma_wait3A_87 = arith.constant 0 : i32
      %dma_wait3A_88 = arith.constant 0 : i32
      %dma_wait3A_89 = tpu.memref_slice %arg4[%dma_wait3A_79, %dma_wait3A_87, %dma_wait3A_88] : memref<2x32x768xf32, #tpu.memory_space<vmem>> -> memref<1x32x768xf32, #tpu.memory_space<vmem>>
      %dma_wait3A_90 = tpu.memref_squeeze %dma_wait3A_89 : memref<1x32x768xf32, #tpu.memory_space<vmem>> -> memref<32x768xf32, #tpu.memory_space<vmem>>
      %dma_wait3A_91 = arith.constant 0 : i32
      %dma_wait3A_92 = arith.constant 0 : i32
      %dma_wait3A_93 = tpu.memref_slice %arg2[%dma_wait3A_91, %dma_wait3A_92] : memref<30522x768xf32, #tpu.memory_space<hbm>> -> memref<32x768xf32, #tpu.memory_space<hbm>>
      tpu.wait_dma2 semaphore(%arg6 : memref<!tpu.dma_semaphore, #tpu.memory_space<semaphore_mem>>) src(%dma_wait3A_93 : memref<32x768xf32, #tpu.memory_space<hbm>>) dst(%dma_wait3A_90 : memref<32x768xf32, #tpu.memory_space<vmem>>)
      %ge3A = arith.constant 2 : i32
      %ge3A_94 = arith.cmpi sge, %mul3A_58, %ge3A : i32
      %convert_element_type3A_95 = arith.extui %ge3A_94 : i1 to i32
      %cond3A_96 = arith.constant 0 : i32
      %cond3A_97 = arith.cmpi ne, %convert_element_type3A_95, %cond3A_96 : i32
      scf.if %cond3A_97 {
        %dma_wait3A_177 = arith.constant 0 : i32
        %dma_wait3A_178 = arith.constant 0 : i32
        %dma_wait3A_179 = arith.constant 0 : i32
        %dma_wait3A_180 = tpu.memref_slice %arg5[%dma_wait3A_177, %dma_wait3A_178, %dma_wait3A_179] : memref<2x32x384xi32, #tpu.memory_space<vmem>> -> memref<1x32x384xi32, #tpu.memory_space<vmem>>
        %dma_wait3A_181 = tpu.memref_squeeze %dma_wait3A_180 : memref<1x32x384xi32, #tpu.memory_space<vmem>> -> memref<32x384xi32, #tpu.memory_space<vmem>>
        %dma_wait3A_182 = arith.constant 0 : i32
        %dma_wait3A_183 = arith.constant 0 : i32
        %dma_wait3A_184 = tpu.memref_slice %arg3[%dma_wait3A_182, %dma_wait3A_183] : memref<30522x384xi32, #tpu.memory_space<hbm>> -> memref<32x384xi32, #tpu.memory_space<hbm>>
        %dma_wait3A_185 = arith.constant 0 : i32
        %dma_wait3A_186 = arith.constant 0 : i32
        %dma_wait3A_187 = tpu.memref_slice %arg3[%dma_wait3A_185, %dma_wait3A_186] : memref<30522x384xi32, #tpu.memory_space<hbm>> -> memref<32x384xi32, #tpu.memory_space<hbm>>
        %dma_wait3A_188 = arith.constant 0 : i32
        %dma_wait3A_189 = arith.constant 0 : i32
        %dma_wait3A_190 = tpu.memref_slice %arg5[%dma_wait3A_177, %dma_wait3A_188, %dma_wait3A_189] : memref<2x32x384xi32, #tpu.memory_space<vmem>> -> memref<1x32x384xi32, #tpu.memory_space<vmem>>
        %dma_wait3A_191 = tpu.memref_squeeze %dma_wait3A_190 : memref<1x32x384xi32, #tpu.memory_space<vmem>> -> memref<32x384xi32, #tpu.memory_space<vmem>>
        tpu.wait_dma2 semaphore(%arg8 : memref<!tpu.dma_semaphore, #tpu.memory_space<semaphore_mem>>) src(%dma_wait3A_191 : memref<32x384xi32, #tpu.memory_space<vmem>>) dst(%dma_wait3A_187 : memref<32x384xi32, #tpu.memory_space<hbm>>)
      } else {
      }
      %scan3A_98 = arith.constant 0 : i32
      %scan3A_99 = arith.constant 0 : i32
      %scan3A_100 = arith.constant 32 : i32
      %scan3A_101 = arith.addi %scan3A_99, %scan3A_100 : i32
      %scan3A_102 = arith.constant 1 : i32
      %scan3A_103 = scf.for %scan3A_177 = %scan3A_99 to %scan3A_101 step %scan3A_102 iter_args(%scan3A_178 = %scan3A_98) -> (i32)  : i32 {
        %get3A = arith.constant 0 : i32
        %get3A_179 = arith.index_cast %get3A : i32 to index
        %get3A_180 = arith.index_cast %scan3A_177 : i32 to index
        %get3A_181 = arith.constant 0 : index
        %get3A_182 = tpu.vector_load %arg4[%get3A_179, %get3A_180, %get3A_181] {strides = array<i32>} : memref<2x32x768xf32, #tpu.memory_space<vmem>>, vector<16xf32>,
        %get3A_183 = arith.constant 0 : i32
        %get3A_184 = arith.index_cast %get3A_183 : i32 to index
        %get3A_185 = arith.index_cast %scan3A_177 : i32 to index
        %get3A_186 = arith.constant 16 : index
        %get3A_187 = tpu.vector_load %arg4[%get3A_184, %get3A_185, %get3A_186] {strides = array<i32>} : memref<2x32x768xf32, #tpu.memory_space<vmem>>, vector<16xf32>,
        %pack3A = tpu.pack_subelements %get3A_182, %get3A_187 {pack_format = #tpu.pack_format<interleaved>, positions = array<i32: 0, 1>} : vector<16xf32>, vector<16xf32> -> vector<32xbf16>
        %bitcast3A = vector.bitcast %pack3A : vector<32xbf16> to vector<16xi32>
        %swap3A = arith.constant 0 : i32
        %swap3A_188 = arith.index_cast %swap3A : i32 to index
        %swap3A_189 = arith.index_cast %scan3A_177 : i32 to index
        %swap3A_190 = arith.constant 0 : index
        %swap3A_191 = tpu.vector_load %arg5[%swap3A_188, %swap3A_189, %swap3A_190] {strides = array<i32>} : memref<2x32x384xi32, #tpu.memory_space<vmem>>, vector<16xi32>,
        tpu.vector_store %arg5[%swap3A_188, %swap3A_189, %swap3A_190], %bitcast3A {strides = array<i32>} : memref<2x32x384xi32, #tpu.memory_space<vmem>>, vector<16xi32>,
        %get3A_192 = arith.constant 0 : i32
        %get3A_193 = arith.index_cast %get3A_192 : i32 to index
        %get3A_194 = arith.index_cast %scan3A_177 : i32 to index
        %get3A_195 = arith.constant 32 : index
        %get3A_196 = tpu.vector_load %arg4[%get3A_193, %get3A_194, %get3A_195] {strides = array<i32>} : memref<2x32x768xf32, #tpu.memory_space<vmem>>, vector<16xf32>,
        %get3A_197 = arith.constant 0 : i32
        %get3A_198 = arith.index_cast %get3A_197 : i32 to index
        %get3A_199 = arith.index_cast %scan3A_177 : i32 to index
        %get3A_200 = arith.constant 48 : index
        %get3A_201 = tpu.vector_load %arg4[%get3A_198, %get3A_199, %get3A_200] {strides = array<i32>} : memref<2x32x768xf32, #tpu.memory_space<vmem>>, vector<16xf32>,
        %pack3A_202 = tpu.pack_subelements %get3A_196, %get3A_201 {pack_format = #tpu.pack_format<interleaved>, positions = array<i32: 0, 1>} : vector<16xf32>, vector<16xf32> -> vector<32xbf16>
        %bitcast3A_203 = vector.bitcast %pack3A_202 : vector<32xbf16> to vector<16xi32>
        %swap3A_204 = arith.constant 0 : i32
        %swap3A_205 = arith.index_cast %swap3A_204 : i32 to index
        %swap3A_206 = arith.index_cast %scan3A_177 : i32 to index
        %swap3A_207 = arith.constant 16 : index
        %swap3A_208 = tpu.vector_load %arg5[%swap3A_205, %swap3A_206, %swap3A_207] {strides = array<i32>} : memref<2x32x384xi32, #tpu.memory_space<vmem>>, vector<16xi32>,
        tpu.vector_store %arg5[%swap3A_205, %swap3A_206, %swap3A_207], %bitcast3A_203 {strides = array<i32>} : memref<2x32x384xi32, #tpu.memory_space<vmem>>, vector<16xi32>,
        %get3A_209 = arith.constant 0 : i32
        %get3A_210 = arith.index_cast %get3A_209 : i32 to index
        %get3A_211 = arith.index_cast %scan3A_177 : i32 to index
        %get3A_212 = arith.constant 64 : index
        %get3A_213 = tpu.vector_load %arg4[%get3A_210, %get3A_211, %get3A_212] {strides = array<i32>} : memref<2x32x768xf32, #tpu.memory_space<vmem>>, vector<16xf32>,
        %get3A_214 = arith.constant 0 : i32
        %get3A_215 = arith.index_cast %get3A_214 : i32 to index
        %get3A_216 = arith.index_cast %scan3A_177 : i32 to index
        %get3A_217 = arith.constant 80 : index
        %get3A_218 = tpu.vector_load %arg4[%get3A_215, %get3A_216, %get3A_217] {strides = array<i32>} : memref<2x32x768xf32, #tpu.memory_space<vmem>>, vector<16xf32>,
        %pack3A_219 = tpu.pack_subelements %get3A_213, %get3A_218 {pack_format = #tpu.pack_format<interleaved>, positions = array<i32: 0, 1>} : vector<16xf32>, vector<16xf32> -> vector<32xbf16>
        %bitcast3A_220 = vector.bitcast %pack3A_219 : vector<32xbf16> to vector<16xi32>
        %swap3A_221 = arith.constant 0 : i32
        %swap3A_222 = arith.index_cast %swap3A_221 : i32 to index
        %swap3A_223 = arith.index_cast %scan3A_177 : i32 to index
        %swap3A_224 = arith.constant 32 : index
        %swap3A_225 = tpu.vector_load %arg5[%swap3A_222, %swap3A_223, %swap3A_224] {strides = array<i32>} : memref<2x32x384xi32, #tpu.memory_space<vmem>>, vector<16xi32>,
        tpu.vector_store %arg5[%swap3A_222, %swap3A_223, %swap3A_224], %bitcast3A_220 {strides = array<i32>} : memref<2x32x384xi32, #tpu.memory_space<vmem>>, vector<16xi32>,
        %get3A_226 = arith.constant 0 : i32
        %get3A_227 = arith.index_cast %get3A_226 : i32 to index
        %get3A_228 = arith.index_cast %scan3A_177 : i32 to index
        %get3A_229 = arith.constant 96 : index
        %get3A_230 = tpu.vector_load %arg4[%get3A_227, %get3A_228, %get3A_229] {strides = array<i32>} : memref<2x32x768xf32, #tpu.memory_space<vmem>>, vector<16xf32>,
        %get3A_231 = arith.constant 0 : i32
        %get3A_232 = arith.index_cast %get3A_231 : i32 to index
        %get3A_233 = arith.index_cast %scan3A_177 : i32 to index
        %get3A_234 = arith.constant 112 : index
        %get3A_235 = tpu.vector_load %arg4[%get3A_232, %get3A_233, %get3A_234] {strides = array<i32>} : memref<2x32x768xf32, #tpu.memory_space<vmem>>, vector<16xf32>,
        %pack3A_236 = tpu.pack_subelements %get3A_230, %get3A_235 {pack_format = #tpu.pack_format<interleaved>, positions = array<i32: 0, 1>} : vector<16xf32>, vector<16xf32> -> vector<32xbf16>
        %bitcast3A_237 = vector.bitcast %pack3A_236 : vector<32xbf16> to vector<16xi32>
        %swap3A_238 = arith.constant 0 : i32
        %swap3A_239 = arith.index_cast %swap3A_238 : i32 to index
        %swap3A_240 = arith.index_cast %scan3A_177 : i32 to index
        %swap3A_241 = arith.constant 48 : index
        %swap3A_242 = tpu.vector_load %arg5[%swap3A_239, %swap3A_240, %swap3A_241] {strides = array<i32>} : memref<2x32x384xi32, #tpu.memory_space<vmem>>, vector<16xi32>,
        tpu.vector_store %arg5[%swap3A_239, %swap3A_240, %swap3A_241], %bitcast3A_237 {strides = array<i32>} : memref<2x32x384xi32, #tpu.memory_space<vmem>>, vector<16xi32>,
        %get3A_243 = arith.constant 0 : i32
        %get3A_244 = arith.index_cast %get3A_243 : i32 to index
        %get3A_245 = arith.index_cast %scan3A_177 : i32 to index
        %get3A_246 = arith.constant 128 : index
        %get3A_247 = tpu.vector_load %arg4[%get3A_244, %get3A_245, %get3A_246] {strides = array<i32>} : memref<2x32x768xf32, #tpu.memory_space<vmem>>, vector<16xf32>,
        %get3A_248 = arith.constant 0 : i32
        %get3A_249 = arith.index_cast %get3A_248 : i32 to index
        %get3A_250 = arith.index_cast %scan3A_177 : i32 to index
        %get3A_251 = arith.constant 144 : index
        %get3A_252 = tpu.vector_load %arg4[%get3A_249, %get3A_250, %get3A_251] {strides = array<i32>} : memref<2x32x768xf32, #tpu.memory_space<vmem>>, vector<16xf32>,
        %pack3A_253 = tpu.pack_subelements %get3A_247, %get3A_252 {pack_format = #tpu.pack_format<interleaved>, positions = array<i32: 0, 1>} : vector<16xf32>, vector<16xf32> -> vector<32xbf16>
        %bitcast3A_254 = vector.bitcast %pack3A_253 : vector<32xbf16> to vector<16xi32>
        %swap3A_255 = arith.constant 0 : i32
        %swap3A_256 = arith.index_cast %swap3A_255 : i32 to index
        %swap3A_257 = arith.index_cast %scan3A_177 : i32 to index
        %swap3A_258 = arith.constant 64 : index
        %swap3A_259 = tpu.vector_load %arg5[%swap3A_256, %swap3A_257, %swap3A_258] {strides = array<i32>} : memref<2x32x384xi32, #tpu.memory_space<vmem>>, vector<16xi32>,
        tpu.vector_store %arg5[%swap3A_256, %swap3A_257, %swap3A_258], %bitcast3A_254 {strides = array<i32>} : memref<2x32x384xi32, #tpu.memory_space<vmem>>, vector<16xi32>,
        %get3A_260 = arith.constant 0 : i32
        %get3A_261 = arith.index_cast %get3A_260 : i32 to index
        %get3A_262 = arith.index_cast %scan3A_177 : i32 to index
        %get3A_263 = arith.constant 160 : index
        %get3A_264 = tpu.vector_load %arg4[%get3A_261, %get3A_262, %get3A_263] {strides = array<i32>} : memref<2x32x768xf32, #tpu.memory_space<vmem>>, vector<16xf32>,
        %get3A_265 = arith.constant 0 : i32
        %get3A_266 = arith.index_cast %get3A_265 : i32 to index
        %get3A_267 = arith.index_cast %scan3A_177 : i32 to index
        %get3A_268 = arith.constant 176 : index
        %get3A_269 = tpu.vector_load %arg4[%get3A_266, %get3A_267, %get3A_268] {strides = array<i32>} : memref<2x32x768xf32, #tpu.memory_space<vmem>>, vector<16xf32>,
        %pack3A_270 = tpu.pack_subelements %get3A_264, %get3A_269 {pack_format = #tpu.pack_format<interleaved>, positions = array<i32: 0, 1>} : vector<16xf32>, vector<16xf32> -> vector<32xbf16>
        %bitcast3A_271 = vector.bitcast %pack3A_270 : vector<32xbf16> to vector<16xi32>
        %swap3A_272 = arith.constant 0 : i32
        %swap3A_273 = arith.index_cast %swap3A_272 : i32 to index
        %swap3A_274 = arith.index_cast %scan3A_177 : i32 to index
        %swap3A_275 = arith.constant 80 : index
        %swap3A_276 = tpu.vector_load %arg5[%swap3A_273, %swap3A_274, %swap3A_275] {strides = array<i32>} : memref<2x32x384xi32, #tpu.memory_space<vmem>>, vector<16xi32>,
        tpu.vector_store %arg5[%swap3A_273, %swap3A_274, %swap3A_275], %bitcast3A_271 {strides = array<i32>} : memref<2x32x384xi32, #tpu.memory_space<vmem>>, vector<16xi32>,
        %get3A_277 = arith.constant 0 : i32
        %get3A_278 = arith.index_cast %get3A_277 : i32 to index
        %get3A_279 = arith.index_cast %scan3A_177 : i32 to index
        %get3A_280 = arith.constant 192 : index
        %get3A_281 = tpu.vector_load %arg4[%get3A_278, %get3A_279, %get3A_280] {strides = array<i32>} : memref<2x32x768xf32, #tpu.memory_space<vmem>>, vector<16xf32>,
        %get3A_282 = arith.constant 0 : i32
        %get3A_283 = arith.index_cast %get3A_282 : i32 to index
        %get3A_284 = arith.index_cast %scan3A_177 : i32 to index
        %get3A_285 = arith.constant 208 : index
        %get3A_286 = tpu.vector_load %arg4[%get3A_283, %get3A_284, %get3A_285] {strides = array<i32>} : memref<2x32x768xf32, #tpu.memory_space<vmem>>, vector<16xf32>,
        %pack3A_287 = tpu.pack_subelements %get3A_281, %get3A_286 {pack_format = #tpu.pack_format<interleaved>, positions = array<i32: 0, 1>} : vector<16xf32>, vector<16xf32> -> vector<32xbf16>
        %bitcast3A_288 = vector.bitcast %pack3A_287 : vector<32xbf16> to vector<16xi32>
        %swap3A_289 = arith.constant 0 : i32
        %swap3A_290 = arith.index_cast %swap3A_289 : i32 to index
        %swap3A_291 = arith.index_cast %scan3A_177 : i32 to index
        %swap3A_292 = arith.constant 96 : index
        %swap3A_293 = tpu.vector_load %arg5[%swap3A_290, %swap3A_291, %swap3A_292] {strides = array<i32>} : memref<2x32x384xi32, #tpu.memory_space<vmem>>, vector<16xi32>,
        tpu.vector_store %arg5[%swap3A_290, %swap3A_291, %swap3A_292], %bitcast3A_288 {strides = array<i32>} : memref<2x32x384xi32, #tpu.memory_space<vmem>>, vector<16xi32>,
        %get3A_294 = arith.constant 0 : i32
        %get3A_295 = arith.index_cast %get3A_294 : i32 to index
        %get3A_296 = arith.index_cast %scan3A_177 : i32 to index
        %get3A_297 = arith.constant 224 : index
        %get3A_298 = tpu.vector_load %arg4[%get3A_295, %get3A_296, %get3A_297] {strides = array<i32>} : memref<2x32x768xf32, #tpu.memory_space<vmem>>, vector<16xf32>,
        %get3A_299 = arith.constant 0 : i32
        %get3A_300 = arith.index_cast %get3A_299 : i32 to index
        %get3A_301 = arith.index_cast %scan3A_177 : i32 to index
        %get3A_302 = arith.constant 240 : index
        %get3A_303 = tpu.vector_load %arg4[%get3A_300, %get3A_301, %get3A_302] {strides = array<i32>} : memref<2x32x768xf32, #tpu.memory_space<vmem>>, vector<16xf32>,
        %pack3A_304 = tpu.pack_subelements %get3A_298, %get3A_303 {pack_format = #tpu.pack_format<interleaved>, positions = array<i32: 0, 1>} : vector<16xf32>, vector<16xf32> -> vector<32xbf16>
        %bitcast3A_305 = vector.bitcast %pack3A_304 : vector<32xbf16> to vector<16xi32>
        %swap3A_306 = arith.constant 0 : i32
        %swap3A_307 = arith.index_cast %swap3A_306 : i32 to index
        %swap3A_308 = arith.index_cast %scan3A_177 : i32 to index
        %swap3A_309 = arith.constant 112 : index
        %swap3A_310 = tpu.vector_load %arg5[%swap3A_307, %swap3A_308, %swap3A_309] {strides = array<i32>} : memref<2x32x384xi32, #tpu.memory_space<vmem>>, vector<16xi32>,
        tpu.vector_store %arg5[%swap3A_307, %swap3A_308, %swap3A_309], %bitcast3A_305 {strides = array<i32>} : memref<2x32x384xi32, #tpu.memory_space<vmem>>, vector<16xi32>,
        %get3A_311 = arith.constant 0 : i32
        %get3A_312 = arith.index_cast %get3A_311 : i32 to index
        %get3A_313 = arith.index_cast %scan3A_177 : i32 to index
        %get3A_314 = arith.constant 256 : index
        %get3A_315 = tpu.vector_load %arg4[%get3A_312, %get3A_313, %get3A_314] {strides = array<i32>} : memref<2x32x768xf32, #tpu.memory_space<vmem>>, vector<16xf32>,
        %get3A_316 = arith.constant 0 : i32
        %get3A_317 = arith.index_cast %get3A_316 : i32 to index
        %get3A_318 = arith.index_cast %scan3A_177 : i32 to index
        %get3A_319 = arith.constant 272 : index
        %get3A_320 = tpu.vector_load %arg4[%get3A_317, %get3A_318, %get3A_319] {strides = array<i32>} : memref<2x32x768xf32, #tpu.memory_space<vmem>>, vector<16xf32>,
        %pack3A_321 = tpu.pack_subelements %get3A_315, %get3A_320 {pack_format = #tpu.pack_format<interleaved>, positions = array<i32: 0, 1>} : vector<16xf32>, vector<16xf32> -> vector<32xbf16>
        %bitcast3A_322 = vector.bitcast %pack3A_321 : vector<32xbf16> to vector<16xi32>
        %swap3A_323 = arith.constant 0 : i32
        %swap3A_324 = arith.index_cast %swap3A_323 : i32 to index
        %swap3A_325 = arith.index_cast %scan3A_177 : i32 to index
        %swap3A_326 = arith.constant 128 : index
        %swap3A_327 = tpu.vector_load %arg5[%swap3A_324, %swap3A_325, %swap3A_326] {strides = array<i32>} : memref<2x32x384xi32, #tpu.memory_space<vmem>>, vector<16xi32>,
        tpu.vector_store %arg5[%swap3A_324, %swap3A_325, %swap3A_326], %bitcast3A_322 {strides = array<i32>} : memref<2x32x384xi32, #tpu.memory_space<vmem>>, vector<16xi32>,
        %get3A_328 = arith.constant 0 : i32
        %get3A_329 = arith.index_cast %get3A_328 : i32 to index
        %get3A_330 = arith.index_cast %scan3A_177 : i32 to index
        %get3A_331 = arith.constant 288 : index
        %get3A_332 = tpu.vector_load %arg4[%get3A_329, %get3A_330, %get3A_331] {strides = array<i32>} : memref<2x32x768xf32, #tpu.memory_space<vmem>>, vector<16xf32>,
        %get3A_333 = arith.constant 0 : i32
        %get3A_334 = arith.index_cast %get3A_333 : i32 to index
        %get3A_335 = arith.index_cast %scan3A_177 : i32 to index
        %get3A_336 = arith.constant 304 : index
        %get3A_337 = tpu.vector_load %arg4[%get3A_334, %get3A_335, %get3A_336] {strides = array<i32>} : memref<2x32x768xf32, #tpu.memory_space<vmem>>, vector<16xf32>,
        %pack3A_338 = tpu.pack_subelements %get3A_332, %get3A_337 {pack_format = #tpu.pack_format<interleaved>, positions = array<i32: 0, 1>} : vector<16xf32>, vector<16xf32> -> vector<32xbf16>
        %bitcast3A_339 = vector.bitcast %pack3A_338 : vector<32xbf16> to vector<16xi32>
        %swap3A_340 = arith.constant 0 : i32
        %swap3A_341 = arith.index_cast %swap3A_340 : i32 to index
        %swap3A_342 = arith.index_cast %scan3A_177 : i32 to index
        %swap3A_343 = arith.constant 144 : index
        %swap3A_344 = tpu.vector_load %arg5[%swap3A_341, %swap3A_342, %swap3A_343] {strides = array<i32>} : memref<2x32x384xi32, #tpu.memory_space<vmem>>, vector<16xi32>,
        tpu.vector_store %arg5[%swap3A_341, %swap3A_342, %swap3A_343], %bitcast3A_339 {strides = array<i32>} : memref<2x32x384xi32, #tpu.memory_space<vmem>>, vector<16xi32>,
        %get3A_345 = arith.constant 0 : i32
        %get3A_346 = arith.index_cast %get3A_345 : i32 to index
        %get3A_347 = arith.index_cast %scan3A_177 : i32 to index
        %get3A_348 = arith.constant 320 : index
        %get3A_349 = tpu.vector_load %arg4[%get3A_346, %get3A_347, %get3A_348] {strides = array<i32>} : memref<2x32x768xf32, #tpu.memory_space<vmem>>, vector<16xf32>,
        %get3A_350 = arith.constant 0 : i32
        %get3A_351 = arith.index_cast %get3A_350 : i32 to index
        %get3A_352 = arith.index_cast %scan3A_177 : i32 to index
        %get3A_353 = arith.constant 336 : index
        %get3A_354 = tpu.vector_load %arg4[%get3A_351, %get3A_352, %get3A_353] {strides = array<i32>} : memref<2x32x768xf32, #tpu.memory_space<vmem>>, vector<16xf32>,
        %pack3A_355 = tpu.pack_subelements %get3A_349, %get3A_354 {pack_format = #tpu.pack_format<interleaved>, positions = array<i32: 0, 1>} : vector<16xf32>, vector<16xf32> -> vector<32xbf16>
        %bitcast3A_356 = vector.bitcast %pack3A_355 : vector<32xbf16> to vector<16xi32>
        %swap3A_357 = arith.constant 0 : i32
        %swap3A_358 = arith.index_cast %swap3A_357 : i32 to index
        %swap3A_359 = arith.index_cast %scan3A_177 : i32 to index
        %swap3A_360 = arith.constant 160 : index
        %swap3A_361 = tpu.vector_load %arg5[%swap3A_358, %swap3A_359, %swap3A_360] {strides = array<i32>} : memref<2x32x384xi32, #tpu.memory_space<vmem>>, vector<16xi32>,
        tpu.vector_store %arg5[%swap3A_358, %swap3A_359, %swap3A_360], %bitcast3A_356 {strides = array<i32>} : memref<2x32x384xi32, #tpu.memory_space<vmem>>, vector<16xi32>,
        %get3A_362 = arith.constant 0 : i32
        %get3A_363 = arith.index_cast %get3A_362 : i32 to index
        %get3A_364 = arith.index_cast %scan3A_177 : i32 to index
        %get3A_365 = arith.constant 352 : index
        %get3A_366 = tpu.vector_load %arg4[%get3A_363, %get3A_364, %get3A_365] {strides = array<i32>} : memref<2x32x768xf32, #tpu.memory_space<vmem>>, vector<16xf32>,
        %get3A_367 = arith.constant 0 : i32
        %get3A_368 = arith.index_cast %get3A_367 : i32 to index
        %get3A_369 = arith.index_cast %scan3A_177 : i32 to index
        %get3A_370 = arith.constant 368 : index
        %get3A_371 = tpu.vector_load %arg4[%get3A_368, %get3A_369, %get3A_370] {strides = array<i32>} : memref<2x32x768xf32, #tpu.memory_space<vmem>>, vector<16xf32>,
        %pack3A_372 = tpu.pack_subelements %get3A_366, %get3A_371 {pack_format = #tpu.pack_format<interleaved>, positions = array<i32: 0, 1>} : vector<16xf32>, vector<16xf32> -> vector<32xbf16>
        %bitcast3A_373 = vector.bitcast %pack3A_372 : vector<32xbf16> to vector<16xi32>
        %swap3A_374 = arith.constant 0 : i32
        %swap3A_375 = arith.index_cast %swap3A_374 : i32 to index
        %swap3A_376 = arith.index_cast %scan3A_177 : i32 to index
        %swap3A_377 = arith.constant 176 : index
        %swap3A_378 = tpu.vector_load %arg5[%swap3A_375, %swap3A_376, %swap3A_377] {strides = array<i32>} : memref<2x32x384xi32, #tpu.memory_space<vmem>>, vector<16xi32>,
        tpu.vector_store %arg5[%swap3A_375, %swap3A_376, %swap3A_377], %bitcast3A_373 {strides = array<i32>} : memref<2x32x384xi32, #tpu.memory_space<vmem>>, vector<16xi32>,
        %get3A_379 = arith.constant 0 : i32
        %get3A_380 = arith.index_cast %get3A_379 : i32 to index
        %get3A_381 = arith.index_cast %scan3A_177 : i32 to index
        %get3A_382 = arith.constant 384 : index
        %get3A_383 = tpu.vector_load %arg4[%get3A_380, %get3A_381, %get3A_382] {strides = array<i32>} : memref<2x32x768xf32, #tpu.memory_space<vmem>>, vector<16xf32>,
        %get3A_384 = arith.constant 0 : i32
        %get3A_385 = arith.index_cast %get3A_384 : i32 to index
        %get3A_386 = arith.index_cast %scan3A_177 : i32 to index
        %get3A_387 = arith.constant 400 : index
        %get3A_388 = tpu.vector_load %arg4[%get3A_385, %get3A_386, %get3A_387] {strides = array<i32>} : memref<2x32x768xf32, #tpu.memory_space<vmem>>, vector<16xf32>,
        %pack3A_389 = tpu.pack_subelements %get3A_383, %get3A_388 {pack_format = #tpu.pack_format<interleaved>, positions = array<i32: 0, 1>} : vector<16xf32>, vector<16xf32> -> vector<32xbf16>
        %bitcast3A_390 = vector.bitcast %pack3A_389 : vector<32xbf16> to vector<16xi32>
        %swap3A_391 = arith.constant 0 : i32
        %swap3A_392 = arith.index_cast %swap3A_391 : i32 to index
        %swap3A_393 = arith.index_cast %scan3A_177 : i32 to index
        %swap3A_394 = arith.constant 192 : index
        %swap3A_395 = tpu.vector_load %arg5[%swap3A_392, %swap3A_393, %swap3A_394] {strides = array<i32>} : memref<2x32x384xi32, #tpu.memory_space<vmem>>, vector<16xi32>,
        tpu.vector_store %arg5[%swap3A_392, %swap3A_393, %swap3A_394], %bitcast3A_390 {strides = array<i32>} : memref<2x32x384xi32, #tpu.memory_space<vmem>>, vector<16xi32>,
        %get3A_396 = arith.constant 0 : i32
        %get3A_397 = arith.index_cast %get3A_396 : i32 to index
        %get3A_398 = arith.index_cast %scan3A_177 : i32 to index
        %get3A_399 = arith.constant 416 : index
        %get3A_400 = tpu.vector_load %arg4[%get3A_397, %get3A_398, %get3A_399] {strides = array<i32>} : memref<2x32x768xf32, #tpu.memory_space<vmem>>, vector<16xf32>,
        %get3A_401 = arith.constant 0 : i32
        %get3A_402 = arith.index_cast %get3A_401 : i32 to index
        %get3A_403 = arith.index_cast %scan3A_177 : i32 to index
        %get3A_404 = arith.constant 432 : index
        %get3A_405 = tpu.vector_load %arg4[%get3A_402, %get3A_403, %get3A_404] {strides = array<i32>} : memref<2x32x768xf32, #tpu.memory_space<vmem>>, vector<16xf32>,
        %pack3A_406 = tpu.pack_subelements %get3A_400, %get3A_405 {pack_format = #tpu.pack_format<interleaved>, positions = array<i32: 0, 1>} : vector<16xf32>, vector<16xf32> -> vector<32xbf16>
        %bitcast3A_407 = vector.bitcast %pack3A_406 : vector<32xbf16> to vector<16xi32>
        %swap3A_408 = arith.constant 0 : i32
        %swap3A_409 = arith.index_cast %swap3A_408 : i32 to index
        %swap3A_410 = arith.index_cast %scan3A_177 : i32 to index
        %swap3A_411 = arith.constant 208 : index
        %swap3A_412 = tpu.vector_load %arg5[%swap3A_409, %swap3A_410, %swap3A_411] {strides = array<i32>} : memref<2x32x384xi32, #tpu.memory_space<vmem>>, vector<16xi32>,
        tpu.vector_store %arg5[%swap3A_409, %swap3A_410, %swap3A_411], %bitcast3A_407 {strides = array<i32>} : memref<2x32x384xi32, #tpu.memory_space<vmem>>, vector<16xi32>,
        %get3A_413 = arith.constant 0 : i32
        %get3A_414 = arith.index_cast %get3A_413 : i32 to index
        %get3A_415 = arith.index_cast %scan3A_177 : i32 to index
        %get3A_416 = arith.constant 448 : index
        %get3A_417 = tpu.vector_load %arg4[%get3A_414, %get3A_415, %get3A_416] {strides = array<i32>} : memref<2x32x768xf32, #tpu.memory_space<vmem>>, vector<16xf32>,
        %get3A_418 = arith.constant 0 : i32
        %get3A_419 = arith.index_cast %get3A_418 : i32 to index
        %get3A_420 = arith.index_cast %scan3A_177 : i32 to index
        %get3A_421 = arith.constant 464 : index
        %get3A_422 = tpu.vector_load %arg4[%get3A_419, %get3A_420, %get3A_421] {strides = array<i32>} : memref<2x32x768xf32, #tpu.memory_space<vmem>>, vector<16xf32>,
        %pack3A_423 = tpu.pack_subelements %get3A_417, %get3A_422 {pack_format = #tpu.pack_format<interleaved>, positions = array<i32: 0, 1>} : vector<16xf32>, vector<16xf32> -> vector<32xbf16>
        %bitcast3A_424 = vector.bitcast %pack3A_423 : vector<32xbf16> to vector<16xi32>
        %swap3A_425 = arith.constant 0 : i32
        %swap3A_426 = arith.index_cast %swap3A_425 : i32 to index
        %swap3A_427 = arith.index_cast %scan3A_177 : i32 to index
        %swap3A_428 = arith.constant 224 : index
        %swap3A_429 = tpu.vector_load %arg5[%swap3A_426, %swap3A_427, %swap3A_428] {strides = array<i32>} : memref<2x32x384xi32, #tpu.memory_space<vmem>>, vector<16xi32>,
        tpu.vector_store %arg5[%swap3A_426, %swap3A_427, %swap3A_428], %bitcast3A_424 {strides = array<i32>} : memref<2x32x384xi32, #tpu.memory_space<vmem>>, vector<16xi32>,
        %get3A_430 = arith.constant 0 : i32
        %get3A_431 = arith.index_cast %get3A_430 : i32 to index
        %get3A_432 = arith.index_cast %scan3A_177 : i32 to index
        %get3A_433 = arith.constant 480 : index
        %get3A_434 = tpu.vector_load %arg4[%get3A_431, %get3A_432, %get3A_433] {strides = array<i32>} : memref<2x32x768xf32, #tpu.memory_space<vmem>>, vector<16xf32>,
        %get3A_435 = arith.constant 0 : i32
        %get3A_436 = arith.index_cast %get3A_435 : i32 to index
        %get3A_437 = arith.index_cast %scan3A_177 : i32 to index
        %get3A_438 = arith.constant 496 : index
        %get3A_439 = tpu.vector_load %arg4[%get3A_436, %get3A_437, %get3A_438] {strides = array<i32>} : memref<2x32x768xf32, #tpu.memory_space<vmem>>, vector<16xf32>,
        %pack3A_440 = tpu.pack_subelements %get3A_434, %get3A_439 {pack_format = #tpu.pack_format<interleaved>, positions = array<i32: 0, 1>} : vector<16xf32>, vector<16xf32> -> vector<32xbf16>
        %bitcast3A_441 = vector.bitcast %pack3A_440 : vector<32xbf16> to vector<16xi32>
        %swap3A_442 = arith.constant 0 : i32
        %swap3A_443 = arith.index_cast %swap3A_442 : i32 to index
        %swap3A_444 = arith.index_cast %scan3A_177 : i32 to index
        %swap3A_445 = arith.constant 240 : index
        %swap3A_446 = tpu.vector_load %arg5[%swap3A_443, %swap3A_444, %swap3A_445] {strides = array<i32>} : memref<2x32x384xi32, #tpu.memory_space<vmem>>, vector<16xi32>,
        tpu.vector_store %arg5[%swap3A_443, %swap3A_444, %swap3A_445], %bitcast3A_441 {strides = array<i32>} : memref<2x32x384xi32, #tpu.memory_space<vmem>>, vector<16xi32>,
        %get3A_447 = arith.constant 0 : i32
        %get3A_448 = arith.index_cast %get3A_447 : i32 to index
        %get3A_449 = arith.index_cast %scan3A_177 : i32 to index
        %get3A_450 = arith.constant 512 : index
        %get3A_451 = tpu.vector_load %arg4[%get3A_448, %get3A_449, %get3A_450] {strides = array<i32>} : memref<2x32x768xf32, #tpu.memory_space<vmem>>, vector<16xf32>,
        %get3A_452 = arith.constant 0 : i32
        %get3A_453 = arith.index_cast %get3A_452 : i32 to index
        %get3A_454 = arith.index_cast %scan3A_177 : i32 to index
        %get3A_455 = arith.constant 528 : index
        %get3A_456 = tpu.vector_load %arg4[%get3A_453, %get3A_454, %get3A_455] {strides = array<i32>} : memref<2x32x768xf32, #tpu.memory_space<vmem>>, vector<16xf32>,
        %pack3A_457 = tpu.pack_subelements %get3A_451, %get3A_456 {pack_format = #tpu.pack_format<interleaved>, positions = array<i32: 0, 1>} : vector<16xf32>, vector<16xf32> -> vector<32xbf16>
        %bitcast3A_458 = vector.bitcast %pack3A_457 : vector<32xbf16> to vector<16xi32>
        %swap3A_459 = arith.constant 0 : i32
        %swap3A_460 = arith.index_cast %swap3A_459 : i32 to index
        %swap3A_461 = arith.index_cast %scan3A_177 : i32 to index
        %swap3A_462 = arith.constant 256 : index
        %swap3A_463 = tpu.vector_load %arg5[%swap3A_460, %swap3A_461, %swap3A_462] {strides = array<i32>} : memref<2x32x384xi32, #tpu.memory_space<vmem>>, vector<16xi32>,
        tpu.vector_store %arg5[%swap3A_460, %swap3A_461, %swap3A_462], %bitcast3A_458 {strides = array<i32>} : memref<2x32x384xi32, #tpu.memory_space<vmem>>, vector<16xi32>,
        %get3A_464 = arith.constant 0 : i32
        %get3A_465 = arith.index_cast %get3A_464 : i32 to index
        %get3A_466 = arith.index_cast %scan3A_177 : i32 to index
        %get3A_467 = arith.constant 544 : index
        %get3A_468 = tpu.vector_load %arg4[%get3A_465, %get3A_466, %get3A_467] {strides = array<i32>} : memref<2x32x768xf32, #tpu.memory_space<vmem>>, vector<16xf32>,
        %get3A_469 = arith.constant 0 : i32
        %get3A_470 = arith.index_cast %get3A_469 : i32 to index
        %get3A_471 = arith.index_cast %scan3A_177 : i32 to index
        %get3A_472 = arith.constant 560 : index
        %get3A_473 = tpu.vector_load %arg4[%get3A_470, %get3A_471, %get3A_472] {strides = array<i32>} : memref<2x32x768xf32, #tpu.memory_space<vmem>>, vector<16xf32>,
        %pack3A_474 = tpu.pack_subelements %get3A_468, %get3A_473 {pack_format = #tpu.pack_format<interleaved>, positions = array<i32: 0, 1>} : vector<16xf32>, vector<16xf32> -> vector<32xbf16>
        %bitcast3A_475 = vector.bitcast %pack3A_474 : vector<32xbf16> to vector<16xi32>
        %swap3A_476 = arith.constant 0 : i32
        %swap3A_477 = arith.index_cast %swap3A_476 : i32 to index
        %swap3A_478 = arith.index_cast %scan3A_177 : i32 to index
        %swap3A_479 = arith.constant 272 : index
        %swap3A_480 = tpu.vector_load %arg5[%swap3A_477, %swap3A_478, %swap3A_479] {strides = array<i32>} : memref<2x32x384xi32, #tpu.memory_space<vmem>>, vector<16xi32>,
        tpu.vector_store %arg5[%swap3A_477, %swap3A_478, %swap3A_479], %bitcast3A_475 {strides = array<i32>} : memref<2x32x384xi32, #tpu.memory_space<vmem>>, vector<16xi32>,
        %get3A_481 = arith.constant 0 : i32
        %get3A_482 = arith.index_cast %get3A_481 : i32 to index
        %get3A_483 = arith.index_cast %scan3A_177 : i32 to index
        %get3A_484 = arith.constant 576 : index
        %get3A_485 = tpu.vector_load %arg4[%get3A_482, %get3A_483, %get3A_484] {strides = array<i32>} : memref<2x32x768xf32, #tpu.memory_space<vmem>>, vector<16xf32>,
        %get3A_486 = arith.constant 0 : i32
        %get3A_487 = arith.index_cast %get3A_486 : i32 to index
        %get3A_488 = arith.index_cast %scan3A_177 : i32 to index
        %get3A_489 = arith.constant 592 : index
        %get3A_490 = tpu.vector_load %arg4[%get3A_487, %get3A_488, %get3A_489] {strides = array<i32>} : memref<2x32x768xf32, #tpu.memory_space<vmem>>, vector<16xf32>,
        %pack3A_491 = tpu.pack_subelements %get3A_485, %get3A_490 {pack_format = #tpu.pack_format<interleaved>, positions = array<i32: 0, 1>} : vector<16xf32>, vector<16xf32> -> vector<32xbf16>
        %bitcast3A_492 = vector.bitcast %pack3A_491 : vector<32xbf16> to vector<16xi32>
        %swap3A_493 = arith.constant 0 : i32
        %swap3A_494 = arith.index_cast %swap3A_493 : i32 to index
        %swap3A_495 = arith.index_cast %scan3A_177 : i32 to index
        %swap3A_496 = arith.constant 288 : index
        %swap3A_497 = tpu.vector_load %arg5[%swap3A_494, %swap3A_495, %swap3A_496] {strides = array<i32>} : memref<2x32x384xi32, #tpu.memory_space<vmem>>, vector<16xi32>,
        tpu.vector_store %arg5[%swap3A_494, %swap3A_495, %swap3A_496], %bitcast3A_492 {strides = array<i32>} : memref<2x32x384xi32, #tpu.memory_space<vmem>>, vector<16xi32>,
        %get3A_498 = arith.constant 0 : i32
        %get3A_499 = arith.index_cast %get3A_498 : i32 to index
        %get3A_500 = arith.index_cast %scan3A_177 : i32 to index
        %get3A_501 = arith.constant 608 : index
        %get3A_502 = tpu.vector_load %arg4[%get3A_499, %get3A_500, %get3A_501] {strides = array<i32>} : memref<2x32x768xf32, #tpu.memory_space<vmem>>, vector<16xf32>,
        %get3A_503 = arith.constant 0 : i32
        %get3A_504 = arith.index_cast %get3A_503 : i32 to index
        %get3A_505 = arith.index_cast %scan3A_177 : i32 to index
        %get3A_506 = arith.constant 624 : index
        %get3A_507 = tpu.vector_load %arg4[%get3A_504, %get3A_505, %get3A_506] {strides = array<i32>} : memref<2x32x768xf32, #tpu.memory_space<vmem>>, vector<16xf32>,
        %pack3A_508 = tpu.pack_subelements %get3A_502, %get3A_507 {pack_format = #tpu.pack_format<interleaved>, positions = array<i32: 0, 1>} : vector<16xf32>, vector<16xf32> -> vector<32xbf16>
        %bitcast3A_509 = vector.bitcast %pack3A_508 : vector<32xbf16> to vector<16xi32>
        %swap3A_510 = arith.constant 0 : i32
        %swap3A_511 = arith.index_cast %swap3A_510 : i32 to index
        %swap3A_512 = arith.index_cast %scan3A_177 : i32 to index
        %swap3A_513 = arith.constant 304 : index
        %swap3A_514 = tpu.vector_load %arg5[%swap3A_511, %swap3A_512, %swap3A_513] {strides = array<i32>} : memref<2x32x384xi32, #tpu.memory_space<vmem>>, vector<16xi32>,
        tpu.vector_store %arg5[%swap3A_511, %swap3A_512, %swap3A_513], %bitcast3A_509 {strides = array<i32>} : memref<2x32x384xi32, #tpu.memory_space<vmem>>, vector<16xi32>,
        %get3A_515 = arith.constant 0 : i32
        %get3A_516 = arith.index_cast %get3A_515 : i32 to index
        %get3A_517 = arith.index_cast %scan3A_177 : i32 to index
        %get3A_518 = arith.constant 640 : index
        %get3A_519 = tpu.vector_load %arg4[%get3A_516, %get3A_517, %get3A_518] {strides = array<i32>} : memref<2x32x768xf32, #tpu.memory_space<vmem>>, vector<16xf32>,
        %get3A_520 = arith.constant 0 : i32
        %get3A_521 = arith.index_cast %get3A_520 : i32 to index
        %get3A_522 = arith.index_cast %scan3A_177 : i32 to index
        %get3A_523 = arith.constant 656 : index
        %get3A_524 = tpu.vector_load %arg4[%get3A_521, %get3A_522, %get3A_523] {strides = array<i32>} : memref<2x32x768xf32, #tpu.memory_space<vmem>>, vector<16xf32>,
        %pack3A_525 = tpu.pack_subelements %get3A_519, %get3A_524 {pack_format = #tpu.pack_format<interleaved>, positions = array<i32: 0, 1>} : vector<16xf32>, vector<16xf32> -> vector<32xbf16>
        %bitcast3A_526 = vector.bitcast %pack3A_525 : vector<32xbf16> to vector<16xi32>
        %swap3A_527 = arith.constant 0 : i32
        %swap3A_528 = arith.index_cast %swap3A_527 : i32 to index
        %swap3A_529 = arith.index_cast %scan3A_177 : i32 to index
        %swap3A_530 = arith.constant 320 : index
        %swap3A_531 = tpu.vector_load %arg5[%swap3A_528, %swap3A_529, %swap3A_530] {strides = array<i32>} : memref<2x32x384xi32, #tpu.memory_space<vmem>>, vector<16xi32>,
        tpu.vector_store %arg5[%swap3A_528, %swap3A_529, %swap3A_530], %bitcast3A_526 {strides = array<i32>} : memref<2x32x384xi32, #tpu.memory_space<vmem>>, vector<16xi32>,
        %get3A_532 = arith.constant 0 : i32
        %get3A_533 = arith.index_cast %get3A_532 : i32 to index
        %get3A_534 = arith.index_cast %scan3A_177 : i32 to index
        %get3A_535 = arith.constant 672 : index
        %get3A_536 = tpu.vector_load %arg4[%get3A_533, %get3A_534, %get3A_535] {strides = array<i32>} : memref<2x32x768xf32, #tpu.memory_space<vmem>>, vector<16xf32>,
        %get3A_537 = arith.constant 0 : i32
        %get3A_538 = arith.index_cast %get3A_537 : i32 to index
        %get3A_539 = arith.index_cast %scan3A_177 : i32 to index
        %get3A_540 = arith.constant 688 : index
        %get3A_541 = tpu.vector_load %arg4[%get3A_538, %get3A_539, %get3A_540] {strides = array<i32>} : memref<2x32x768xf32, #tpu.memory_space<vmem>>, vector<16xf32>,
        %pack3A_542 = tpu.pack_subelements %get3A_536, %get3A_541 {pack_format = #tpu.pack_format<interleaved>, positions = array<i32: 0, 1>} : vector<16xf32>, vector<16xf32> -> vector<32xbf16>
        %bitcast3A_543 = vector.bitcast %pack3A_542 : vector<32xbf16> to vector<16xi32>
        %swap3A_544 = arith.constant 0 : i32
        %swap3A_545 = arith.index_cast %swap3A_544 : i32 to index
        %swap3A_546 = arith.index_cast %scan3A_177 : i32 to index
        %swap3A_547 = arith.constant 336 : index
        %swap3A_548 = tpu.vector_load %arg5[%swap3A_545, %swap3A_546, %swap3A_547] {strides = array<i32>} : memref<2x32x384xi32, #tpu.memory_space<vmem>>, vector<16xi32>,
        tpu.vector_store %arg5[%swap3A_545, %swap3A_546, %swap3A_547], %bitcast3A_543 {strides = array<i32>} : memref<2x32x384xi32, #tpu.memory_space<vmem>>, vector<16xi32>,
        %get3A_549 = arith.constant 0 : i32
        %get3A_550 = arith.index_cast %get3A_549 : i32 to index
        %get3A_551 = arith.index_cast %scan3A_177 : i32 to index
        %get3A_552 = arith.constant 704 : index
        %get3A_553 = tpu.vector_load %arg4[%get3A_550, %get3A_551, %get3A_552] {strides = array<i32>} : memref<2x32x768xf32, #tpu.memory_space<vmem>>, vector<16xf32>,
        %get3A_554 = arith.constant 0 : i32
        %get3A_555 = arith.index_cast %get3A_554 : i32 to index
        %get3A_556 = arith.index_cast %scan3A_177 : i32 to index
        %get3A_557 = arith.constant 720 : index
        %get3A_558 = tpu.vector_load %arg4[%get3A_555, %get3A_556, %get3A_557] {strides = array<i32>} : memref<2x32x768xf32, #tpu.memory_space<vmem>>, vector<16xf32>,
        %pack3A_559 = tpu.pack_subelements %get3A_553, %get3A_558 {pack_format = #tpu.pack_format<interleaved>, positions = array<i32: 0, 1>} : vector<16xf32>, vector<16xf32> -> vector<32xbf16>
        %bitcast3A_560 = vector.bitcast %pack3A_559 : vector<32xbf16> to vector<16xi32>
        %swap3A_561 = arith.constant 0 : i32
        %swap3A_562 = arith.index_cast %swap3A_561 : i32 to index
        %swap3A_563 = arith.index_cast %scan3A_177 : i32 to index
        %swap3A_564 = arith.constant 352 : index
        %swap3A_565 = tpu.vector_load %arg5[%swap3A_562, %swap3A_563, %swap3A_564] {strides = array<i32>} : memref<2x32x384xi32, #tpu.memory_space<vmem>>, vector<16xi32>,
        tpu.vector_store %arg5[%swap3A_562, %swap3A_563, %swap3A_564], %bitcast3A_560 {strides = array<i32>} : memref<2x32x384xi32, #tpu.memory_space<vmem>>, vector<16xi32>,
        %get3A_566 = arith.constant 0 : i32
        %get3A_567 = arith.index_cast %get3A_566 : i32 to index
        %get3A_568 = arith.index_cast %scan3A_177 : i32 to index
        %get3A_569 = arith.constant 736 : index
        %get3A_570 = tpu.vector_load %arg4[%get3A_567, %get3A_568, %get3A_569] {strides = array<i32>} : memref<2x32x768xf32, #tpu.memory_space<vmem>>, vector<16xf32>,
        %get3A_571 = arith.constant 0 : i32
        %get3A_572 = arith.index_cast %get3A_571 : i32 to index
        %get3A_573 = arith.index_cast %scan3A_177 : i32 to index
        %get3A_574 = arith.constant 752 : index
        %get3A_575 = tpu.vector_load %arg4[%get3A_572, %get3A_573, %get3A_574] {strides = array<i32>} : memref<2x32x768xf32, #tpu.memory_space<vmem>>, vector<16xf32>,
        %pack3A_576 = tpu.pack_subelements %get3A_570, %get3A_575 {pack_format = #tpu.pack_format<interleaved>, positions = array<i32: 0, 1>} : vector<16xf32>, vector<16xf32> -> vector<32xbf16>
        %bitcast3A_577 = vector.bitcast %pack3A_576 : vector<32xbf16> to vector<16xi32>
        %swap3A_578 = arith.constant 0 : i32
        %swap3A_579 = arith.index_cast %swap3A_578 : i32 to index
        %swap3A_580 = arith.index_cast %scan3A_177 : i32 to index
        %swap3A_581 = arith.constant 368 : index
        %swap3A_582 = tpu.vector_load %arg5[%swap3A_579, %swap3A_580, %swap3A_581] {strides = array<i32>} : memref<2x32x384xi32, #tpu.memory_space<vmem>>, vector<16xi32>,
        tpu.vector_store %arg5[%swap3A_579, %swap3A_580, %swap3A_581], %bitcast3A_577 {strides = array<i32>} : memref<2x32x384xi32, #tpu.memory_space<vmem>>, vector<16xi32>,
        %scan3A_583 = arith.constant 0 : i32
        scf.yield %scan3A_583 : i32
      }
      %scan3A_104 = arith.constant 32 : i32
      %mul3A_105 = arith.constant 32 : i32
      %mul3A_106 = arith.muli %mul3A_58, %mul3A_105 : i32
      %add3A_107 = arith.addi %mul3A_2, %mul3A_106 : i32
      %min3A_108 = arith.constant 30488 : i32
      %min3A_109 = arith.minsi %add3A_107, %min3A_108 : i32
      %dma_start3A_110 = arith.constant 0 : i32
      %dma_start3A_111 = arith.constant 0 : i32
      %dma_start3A_112 = arith.constant 0 : i32
      %dma_start3A_113 = tpu.memref_slice %arg5[%dma_start3A_110, %dma_start3A_111, %dma_start3A_112] : memref<2x32x384xi32, #tpu.memory_space<vmem>> -> memref<1x32x384xi32, #tpu.memory_space<vmem>>
      %dma_start3A_114 = tpu.memref_squeeze %dma_start3A_113 : memref<1x32x384xi32, #tpu.memory_space<vmem>> -> memref<32x384xi32, #tpu.memory_space<vmem>>
      %dma_start3A_115 = arith.constant 0 : i32
      %dma_start3A_116 = tpu.memref_slice %arg3[%min3A_109, %dma_start3A_115] : memref<30522x384xi32, #tpu.memory_space<hbm>> -> memref<32x384xi32, #tpu.memory_space<hbm>>
      %dma_start3A_117 = arith.constant 0 : i32
      %dma_start3A_118 = tpu.memref_slice %arg3[%min3A_109, %dma_start3A_117] : memref<30522x384xi32, #tpu.memory_space<hbm>> -> memref<32x384xi32, #tpu.memory_space<hbm>>
      %dma_start3A_119 = arith.constant 0 : i32
      %dma_start3A_120 = arith.constant 0 : i32
      %dma_start3A_121 = tpu.memref_slice %arg5[%dma_start3A_110, %dma_start3A_119, %dma_start3A_120] : memref<2x32x384xi32, #tpu.memory_space<vmem>> -> memref<1x32x384xi32, #tpu.memory_space<vmem>>
      %dma_start3A_122 = tpu.memref_squeeze %dma_start3A_121 : memref<1x32x384xi32, #tpu.memory_space<vmem>> -> memref<32x384xi32, #tpu.memory_space<vmem>>
      tpu.enqueue_dma source(%dma_start3A_122 : memref<32x384xi32, #tpu.memory_space<vmem>>) target(%dma_start3A_118 : memref<32x384xi32, #tpu.memory_space<hbm>>) target_semaphore(%arg8 : memref<!tpu.dma_semaphore, #tpu.memory_space<semaphore_mem>>)
      %add3A_123 = arith.constant 2 : i32
      %add3A_124 = arith.addi %mul3A_58, %add3A_123 : i32
      %lt3A = arith.constant 30 : i32
      %lt3A_125 = arith.cmpi slt, %add3A_124, %lt3A : i32
      %convert_element_type3A_126 = arith.extui %lt3A_125 : i1 to i32
      %cond3A_127 = arith.constant 0 : i32
      %cond3A_128 = arith.cmpi ne, %convert_element_type3A_126, %cond3A_127 : i32
      scf.if %cond3A_128 {
        %add3A_177 = arith.constant 2 : i32
        %add3A_178 = arith.addi %mul3A_58, %add3A_177 : i32
        %mul3A_179 = arith.constant 32 : i32
        %mul3A_180 = arith.muli %add3A_178, %mul3A_179 : i32
        %add3A_181 = arith.addi %mul3A_2, %mul3A_180 : i32
        %min3A_182 = arith.constant 30488 : i32
        %min3A_183 = arith.minsi %add3A_181, %min3A_182 : i32
        %dma_start3A_184 = arith.constant 0 : i32
        %dma_start3A_185 = arith.constant 0 : i32
        %dma_start3A_186 = arith.constant 0 : i32
        %dma_start3A_187 = tpu.memref_slice %arg4[%dma_start3A_184, %dma_start3A_185, %dma_start3A_186] : memref<2x32x768xf32, #tpu.memory_space<vmem>> -> memref<1x32x768xf32, #tpu.memory_space<vmem>>
        %dma_start3A_188 = tpu.memref_squeeze %dma_start3A_187 : memref<1x32x768xf32, #tpu.memory_space<vmem>> -> memref<32x768xf32, #tpu.memory_space<vmem>>
        %dma_start3A_189 = arith.constant 0 : i32
        %dma_start3A_190 = tpu.memref_slice %arg2[%min3A_183, %dma_start3A_189] : memref<30522x768xf32, #tpu.memory_space<hbm>> -> memref<32x768xf32, #tpu.memory_space<hbm>>
        %dma_start3A_191 = arith.constant 0 : i32
        %dma_start3A_192 = arith.constant 0 : i32
        %dma_start3A_193 = tpu.memref_slice %arg4[%dma_start3A_184, %dma_start3A_191, %dma_start3A_192] : memref<2x32x768xf32, #tpu.memory_space<vmem>> -> memref<1x32x768xf32, #tpu.memory_space<vmem>>
        %dma_start3A_194 = tpu.memref_squeeze %dma_start3A_193 : memref<1x32x768xf32, #tpu.memory_space<vmem>> -> memref<32x768xf32, #tpu.memory_space<vmem>>
        %dma_start3A_195 = arith.constant 0 : i32
        %dma_start3A_196 = tpu.memref_slice %arg2[%min3A_183, %dma_start3A_195] : memref<30522x768xf32, #tpu.memory_space<hbm>> -> memref<32x768xf32, #tpu.memory_space<hbm>>
        tpu.enqueue_dma source(%dma_start3A_196 : memref<32x768xf32, #tpu.memory_space<hbm>>) target(%dma_start3A_194 : memref<32x768xf32, #tpu.memory_space<vmem>>) target_semaphore(%arg6 : memref<!tpu.dma_semaphore, #tpu.memory_space<semaphore_mem>>)
      } else {
      }
      %add3A_129 = arith.constant 1 : i32
      %add3A_130 = arith.addi %mul3A_58, %add3A_129 : i32
      %dma_wait3A_131 = arith.constant 1 : i32
      %dma_wait3A_132 = arith.constant 0 : i32
      %dma_wait3A_133 = arith.constant 0 : i32
      %dma_wait3A_134 = tpu.memref_slice %arg4[%dma_wait3A_131, %dma_wait3A_132, %dma_wait3A_133] : memref<2x32x768xf32, #tpu.memory_space<vmem>> -> memref<1x32x768xf32, #tpu.memory_space<vmem>>
      %dma_wait3A_135 = tpu.memref_squeeze %dma_wait3A_134 : memref<1x32x768xf32, #tpu.memory_space<vmem>> -> memref<32x768xf32, #tpu.memory_space<vmem>>
      %dma_wait3A_136 = arith.constant 0 : i32
      %dma_wait3A_137 = arith.constant 0 : i32
      %dma_wait3A_138 = tpu.memref_slice %arg2[%dma_wait3A_136, %dma_wait3A_137] : memref<30522x768xf32, #tpu.memory_space<hbm>> -> memref<32x768xf32, #tpu.memory_space<hbm>>
      %dma_wait3A_139 = arith.constant 0 : i32
      %dma_wait3A_140 = arith.constant 0 : i32
      %dma_wait3A_141 = tpu.memref_slice %arg4[%dma_wait3A_131, %dma_wait3A_139, %dma_wait3A_140] : memref<2x32x768xf32, #tpu.memory_space<vmem>> -> memref<1x32x768xf32, #tpu.memory_space<vmem>>
      %dma_wait3A_142 = tpu.memref_squeeze %dma_wait3A_141 : memref<1x32x768xf32, #tpu.memory_space<vmem>> -> memref<32x768xf32, #tpu.memory_space<vmem>>
      %dma_wait3A_143 = arith.constant 0 : i32
      %dma_wait3A_144 = arith.constant 0 : i32
      %dma_wait3A_145 = tpu.memref_slice %arg2[%dma_wait3A_143, %dma_wait3A_144] : memref<30522x768xf32, #tpu.memory_space<hbm>> -> memref<32x768xf32, #tpu.memory_space<hbm>>
      tpu.wait_dma2 semaphore(%arg7 : memref<!tpu.dma_semaphore, #tpu.memory_space<semaphore_mem>>) src(%dma_wait3A_145 : memref<32x768xf32, #tpu.memory_space<hbm>>) dst(%dma_wait3A_142 : memref<32x768xf32, #tpu.memory_space<vmem>>)
      %ge3A_146 = arith.constant 2 : i32
      %ge3A_147 = arith.cmpi sge, %add3A_130, %ge3A_146 : i32
      %convert_element_type3A_148 = arith.extui %ge3A_147 : i1 to i32
      %cond3A_149 = arith.constant 0 : i32
      %cond3A_150 = arith.cmpi ne, %convert_element_type3A_148, %cond3A_149 : i32
      scf.if %cond3A_150 {
        %dma_wait3A_177 = arith.constant 1 : i32
        %dma_wait3A_178 = arith.constant 0 : i32
        %dma_wait3A_179 = arith.constant 0 : i32
        %dma_wait3A_180 = tpu.memref_slice %arg5[%dma_wait3A_177, %dma_wait3A_178, %dma_wait3A_179] : memref<2x32x384xi32, #tpu.memory_space<vmem>> -> memref<1x32x384xi32, #tpu.memory_space<vmem>>
        %dma_wait3A_181 = tpu.memref_squeeze %dma_wait3A_180 : memref<1x32x384xi32, #tpu.memory_space<vmem>> -> memref<32x384xi32, #tpu.memory_space<vmem>>
        %dma_wait3A_182 = arith.constant 0 : i32
        %dma_wait3A_183 = arith.constant 0 : i32
        %dma_wait3A_184 = tpu.memref_slice %arg3[%dma_wait3A_182, %dma_wait3A_183] : memref<30522x384xi32, #tpu.memory_space<hbm>> -> memref<32x384xi32, #tpu.memory_space<hbm>>
        %dma_wait3A_185 = arith.constant 0 : i32
        %dma_wait3A_186 = arith.constant 0 : i32
        %dma_wait3A_187 = tpu.memref_slice %arg3[%dma_wait3A_185, %dma_wait3A_186] : memref<30522x384xi32, #tpu.memory_space<hbm>> -> memref<32x384xi32, #tpu.memory_space<hbm>>
        %dma_wait3A_188 = arith.constant 0 : i32
        %dma_wait3A_189 = arith.constant 0 : i32
        %dma_wait3A_190 = tpu.memref_slice %arg5[%dma_wait3A_177, %dma_wait3A_188, %dma_wait3A_189] : memref<2x32x384xi32, #tpu.memory_space<vmem>> -> memref<1x32x384xi32, #tpu.memory_space<vmem>>
        %dma_wait3A_191 = tpu.memref_squeeze %dma_wait3A_190 : memref<1x32x384xi32, #tpu.memory_space<vmem>> -> memref<32x384xi32, #tpu.memory_space<vmem>>
        tpu.wait_dma2 semaphore(%arg9 : memref<!tpu.dma_semaphore, #tpu.memory_space<semaphore_mem>>) src(%dma_wait3A_191 : memref<32x384xi32, #tpu.memory_space<vmem>>) dst(%dma_wait3A_187 : memref<32x384xi32, #tpu.memory_space<hbm>>)
      } else {
      }
      %scan3A_151 = arith.constant 0 : i32
      %scan3A_152 = arith.constant 0 : i32
      %scan3A_153 = arith.constant 32 : i32
      %scan3A_154 = arith.addi %scan3A_152, %scan3A_153 : i32
      %scan3A_155 = arith.constant 1 : i32
      %scan3A_156 = scf.for %scan3A_177 = %scan3A_152 to %scan3A_154 step %scan3A_155 iter_args(%scan3A_178 = %scan3A_151) -> (i32)  : i32 {
        %get3A = arith.constant 1 : i32
        %get3A_179 = arith.index_cast %get3A : i32 to index
        %get3A_180 = arith.index_cast %scan3A_177 : i32 to index
        %get3A_181 = arith.constant 0 : index
        %get3A_182 = tpu.vector_load %arg4[%get3A_179, %get3A_180, %get3A_181] {strides = array<i32>} : memref<2x32x768xf32, #tpu.memory_space<vmem>>, vector<16xf32>,
        %get3A_183 = arith.constant 1 : i32
        %get3A_184 = arith.index_cast %get3A_183 : i32 to index
        %get3A_185 = arith.index_cast %scan3A_177 : i32 to index
        %get3A_186 = arith.constant 16 : index
        %get3A_187 = tpu.vector_load %arg4[%get3A_184, %get3A_185, %get3A_186] {strides = array<i32>} : memref<2x32x768xf32, #tpu.memory_space<vmem>>, vector<16xf32>,
        %pack3A = tpu.pack_subelements %get3A_182, %get3A_187 {pack_format = #tpu.pack_format<interleaved>, positions = array<i32: 0, 1>} : vector<16xf32>, vector<16xf32> -> vector<32xbf16>
        %bitcast3A = vector.bitcast %pack3A : vector<32xbf16> to vector<16xi32>
        %swap3A = arith.constant 1 : i32
        %swap3A_188 = arith.index_cast %swap3A : i32 to index
        %swap3A_189 = arith.index_cast %scan3A_177 : i32 to index
        %swap3A_190 = arith.constant 0 : index
        %swap3A_191 = tpu.vector_load %arg5[%swap3A_188, %swap3A_189, %swap3A_190] {strides = array<i32>} : memref<2x32x384xi32, #tpu.memory_space<vmem>>, vector<16xi32>,
        tpu.vector_store %arg5[%swap3A_188, %swap3A_189, %swap3A_190], %bitcast3A {strides = array<i32>} : memref<2x32x384xi32, #tpu.memory_space<vmem>>, vector<16xi32>,
        %get3A_192 = arith.constant 1 : i32
        %get3A_193 = arith.index_cast %get3A_192 : i32 to index
        %get3A_194 = arith.index_cast %scan3A_177 : i32 to index
        %get3A_195 = arith.constant 32 : index
        %get3A_196 = tpu.vector_load %arg4[%get3A_193, %get3A_194, %get3A_195] {strides = array<i32>} : memref<2x32x768xf32, #tpu.memory_space<vmem>>, vector<16xf32>,
        %get3A_197 = arith.constant 1 : i32
        %get3A_198 = arith.index_cast %get3A_197 : i32 to index
        %get3A_199 = arith.index_cast %scan3A_177 : i32 to index
        %get3A_200 = arith.constant 48 : index
        %get3A_201 = tpu.vector_load %arg4[%get3A_198, %get3A_199, %get3A_200] {strides = array<i32>} : memref<2x32x768xf32, #tpu.memory_space<vmem>>, vector<16xf32>,
        %pack3A_202 = tpu.pack_subelements %get3A_196, %get3A_201 {pack_format = #tpu.pack_format<interleaved>, positions = array<i32: 0, 1>} : vector<16xf32>, vector<16xf32> -> vector<32xbf16>
        %bitcast3A_203 = vector.bitcast %pack3A_202 : vector<32xbf16> to vector<16xi32>
        %swap3A_204 = arith.constant 1 : i32
        %swap3A_205 = arith.index_cast %swap3A_204 : i32 to index
        %swap3A_206 = arith.index_cast %scan3A_177 : i32 to index
        %swap3A_207 = arith.constant 16 : index
        %swap3A_208 = tpu.vector_load %arg5[%swap3A_205, %swap3A_206, %swap3A_207] {strides = array<i32>} : memref<2x32x384xi32, #tpu.memory_space<vmem>>, vector<16xi32>,
        tpu.vector_store %arg5[%swap3A_205, %swap3A_206, %swap3A_207], %bitcast3A_203 {strides = array<i32>} : memref<2x32x384xi32, #tpu.memory_space<vmem>>, vector<16xi32>,
        %get3A_209 = arith.constant 1 : i32
        %get3A_210 = arith.index_cast %get3A_209 : i32 to index
        %get3A_211 = arith.index_cast %scan3A_177 : i32 to index
        %get3A_212 = arith.constant 64 : index
        %get3A_213 = tpu.vector_load %arg4[%get3A_210, %get3A_211, %get3A_212] {strides = array<i32>} : memref<2x32x768xf32, #tpu.memory_space<vmem>>, vector<16xf32>,
        %get3A_214 = arith.constant 1 : i32
        %get3A_215 = arith.index_cast %get3A_214 : i32 to index
        %get3A_216 = arith.index_cast %scan3A_177 : i32 to index
        %get3A_217 = arith.constant 80 : index
        %get3A_218 = tpu.vector_load %arg4[%get3A_215, %get3A_216, %get3A_217] {strides = array<i32>} : memref<2x32x768xf32, #tpu.memory_space<vmem>>, vector<16xf32>,
        %pack3A_219 = tpu.pack_subelements %get3A_213, %get3A_218 {pack_format = #tpu.pack_format<interleaved>, positions = array<i32: 0, 1>} : vector<16xf32>, vector<16xf32> -> vector<32xbf16>
        %bitcast3A_220 = vector.bitcast %pack3A_219 : vector<32xbf16> to vector<16xi32>
        %swap3A_221 = arith.constant 1 : i32
        %swap3A_222 = arith.index_cast %swap3A_221 : i32 to index
        %swap3A_223 = arith.index_cast %scan3A_177 : i32 to index
        %swap3A_224 = arith.constant 32 : index
        %swap3A_225 = tpu.vector_load %arg5[%swap3A_222, %swap3A_223, %swap3A_224] {strides = array<i32>} : memref<2x32x384xi32, #tpu.memory_space<vmem>>, vector<16xi32>,
        tpu.vector_store %arg5[%swap3A_222, %swap3A_223, %swap3A_224], %bitcast3A_220 {strides = array<i32>} : memref<2x32x384xi32, #tpu.memory_space<vmem>>, vector<16xi32>,
        %get3A_226 = arith.constant 1 : i32
        %get3A_227 = arith.index_cast %get3A_226 : i32 to index
        %get3A_228 = arith.index_cast %scan3A_177 : i32 to index
        %get3A_229 = arith.constant 96 : index
        %get3A_230 = tpu.vector_load %arg4[%get3A_227, %get3A_228, %get3A_229] {strides = array<i32>} : memref<2x32x768xf32, #tpu.memory_space<vmem>>, vector<16xf32>,
        %get3A_231 = arith.constant 1 : i32
        %get3A_232 = arith.index_cast %get3A_231 : i32 to index
        %get3A_233 = arith.index_cast %scan3A_177 : i32 to index
        %get3A_234 = arith.constant 112 : index
        %get3A_235 = tpu.vector_load %arg4[%get3A_232, %get3A_233, %get3A_234] {strides = array<i32>} : memref<2x32x768xf32, #tpu.memory_space<vmem>>, vector<16xf32>,
        %pack3A_236 = tpu.pack_subelements %get3A_230, %get3A_235 {pack_format = #tpu.pack_format<interleaved>, positions = array<i32: 0, 1>} : vector<16xf32>, vector<16xf32> -> vector<32xbf16>
        %bitcast3A_237 = vector.bitcast %pack3A_236 : vector<32xbf16> to vector<16xi32>
        %swap3A_238 = arith.constant 1 : i32
        %swap3A_239 = arith.index_cast %swap3A_238 : i32 to index
        %swap3A_240 = arith.index_cast %scan3A_177 : i32 to index
        %swap3A_241 = arith.constant 48 : index
        %swap3A_242 = tpu.vector_load %arg5[%swap3A_239, %swap3A_240, %swap3A_241] {strides = array<i32>} : memref<2x32x384xi32, #tpu.memory_space<vmem>>, vector<16xi32>,
        tpu.vector_store %arg5[%swap3A_239, %swap3A_240, %swap3A_241], %bitcast3A_237 {strides = array<i32>} : memref<2x32x384xi32, #tpu.memory_space<vmem>>, vector<16xi32>,
        %get3A_243 = arith.constant 1 : i32
        %get3A_244 = arith.index_cast %get3A_243 : i32 to index
        %get3A_245 = arith.index_cast %scan3A_177 : i32 to index
        %get3A_246 = arith.constant 128 : index
        %get3A_247 = tpu.vector_load %arg4[%get3A_244, %get3A_245, %get3A_246] {strides = array<i32>} : memref<2x32x768xf32, #tpu.memory_space<vmem>>, vector<16xf32>,
        %get3A_248 = arith.constant 1 : i32
        %get3A_249 = arith.index_cast %get3A_248 : i32 to index
        %get3A_250 = arith.index_cast %scan3A_177 : i32 to index
        %get3A_251 = arith.constant 144 : index
        %get3A_252 = tpu.vector_load %arg4[%get3A_249, %get3A_250, %get3A_251] {strides = array<i32>} : memref<2x32x768xf32, #tpu.memory_space<vmem>>, vector<16xf32>,
        %pack3A_253 = tpu.pack_subelements %get3A_247, %get3A_252 {pack_format = #tpu.pack_format<interleaved>, positions = array<i32: 0, 1>} : vector<16xf32>, vector<16xf32> -> vector<32xbf16>
        %bitcast3A_254 = vector.bitcast %pack3A_253 : vector<32xbf16> to vector<16xi32>
        %swap3A_255 = arith.constant 1 : i32
        %swap3A_256 = arith.index_cast %swap3A_255 : i32 to index
        %swap3A_257 = arith.index_cast %scan3A_177 : i32 to index
        %swap3A_258 = arith.constant 64 : index
        %swap3A_259 = tpu.vector_load %arg5[%swap3A_256, %swap3A_257, %swap3A_258] {strides = array<i32>} : memref<2x32x384xi32, #tpu.memory_space<vmem>>, vector<16xi32>,
        tpu.vector_store %arg5[%swap3A_256, %swap3A_257, %swap3A_258], %bitcast3A_254 {strides = array<i32>} : memref<2x32x384xi32, #tpu.memory_space<vmem>>, vector<16xi32>,
        %get3A_260 = arith.constant 1 : i32
        %get3A_261 = arith.index_cast %get3A_260 : i32 to index
        %get3A_262 = arith.index_cast %scan3A_177 : i32 to index
        %get3A_263 = arith.constant 160 : index
        %get3A_264 = tpu.vector_load %arg4[%get3A_261, %get3A_262, %get3A_263] {strides = array<i32>} : memref<2x32x768xf32, #tpu.memory_space<vmem>>, vector<16xf32>,
        %get3A_265 = arith.constant 1 : i32
        %get3A_266 = arith.index_cast %get3A_265 : i32 to index
        %get3A_267 = arith.index_cast %scan3A_177 : i32 to index
        %get3A_268 = arith.constant 176 : index
        %get3A_269 = tpu.vector_load %arg4[%get3A_266, %get3A_267, %get3A_268] {strides = array<i32>} : memref<2x32x768xf32, #tpu.memory_space<vmem>>, vector<16xf32>,
        %pack3A_270 = tpu.pack_subelements %get3A_264, %get3A_269 {pack_format = #tpu.pack_format<interleaved>, positions = array<i32: 0, 1>} : vector<16xf32>, vector<16xf32> -> vector<32xbf16>
        %bitcast3A_271 = vector.bitcast %pack3A_270 : vector<32xbf16> to vector<16xi32>
        %swap3A_272 = arith.constant 1 : i32
        %swap3A_273 = arith.index_cast %swap3A_272 : i32 to index
        %swap3A_274 = arith.index_cast %scan3A_177 : i32 to index
        %swap3A_275 = arith.constant 80 : index
        %swap3A_276 = tpu.vector_load %arg5[%swap3A_273, %swap3A_274, %swap3A_275] {strides = array<i32>} : memref<2x32x384xi32, #tpu.memory_space<vmem>>, vector<16xi32>,
        tpu.vector_store %arg5[%swap3A_273, %swap3A_274, %swap3A_275], %bitcast3A_271 {strides = array<i32>} : memref<2x32x384xi32, #tpu.memory_space<vmem>>, vector<16xi32>,
        %get3A_277 = arith.constant 1 : i32
        %get3A_278 = arith.index_cast %get3A_277 : i32 to index
        %get3A_279 = arith.index_cast %scan3A_177 : i32 to index
        %get3A_280 = arith.constant 192 : index
        %get3A_281 = tpu.vector_load %arg4[%get3A_278, %get3A_279, %get3A_280] {strides = array<i32>} : memref<2x32x768xf32, #tpu.memory_space<vmem>>, vector<16xf32>,
        %get3A_282 = arith.constant 1 : i32
        %get3A_283 = arith.index_cast %get3A_282 : i32 to index
        %get3A_284 = arith.index_cast %scan3A_177 : i32 to index
        %get3A_285 = arith.constant 208 : index
        %get3A_286 = tpu.vector_load %arg4[%get3A_283, %get3A_284, %get3A_285] {strides = array<i32>} : memref<2x32x768xf32, #tpu.memory_space<vmem>>, vector<16xf32>,
        %pack3A_287 = tpu.pack_subelements %get3A_281, %get3A_286 {pack_format = #tpu.pack_format<interleaved>, positions = array<i32: 0, 1>} : vector<16xf32>, vector<16xf32> -> vector<32xbf16>
        %bitcast3A_288 = vector.bitcast %pack3A_287 : vector<32xbf16> to vector<16xi32>
        %swap3A_289 = arith.constant 1 : i32
        %swap3A_290 = arith.index_cast %swap3A_289 : i32 to index
        %swap3A_291 = arith.index_cast %scan3A_177 : i32 to index
        %swap3A_292 = arith.constant 96 : index
        %swap3A_293 = tpu.vector_load %arg5[%swap3A_290, %swap3A_291, %swap3A_292] {strides = array<i32>} : memref<2x32x384xi32, #tpu.memory_space<vmem>>, vector<16xi32>,
        tpu.vector_store %arg5[%swap3A_290, %swap3A_291, %swap3A_292], %bitcast3A_288 {strides = array<i32>} : memref<2x32x384xi32, #tpu.memory_space<vmem>>, vector<16xi32>,
        %get3A_294 = arith.constant 1 : i32
        %get3A_295 = arith.index_cast %get3A_294 : i32 to index
        %get3A_296 = arith.index_cast %scan3A_177 : i32 to index
        %get3A_297 = arith.constant 224 : index
        %get3A_298 = tpu.vector_load %arg4[%get3A_295, %get3A_296, %get3A_297] {strides = array<i32>} : memref<2x32x768xf32, #tpu.memory_space<vmem>>, vector<16xf32>,
        %get3A_299 = arith.constant 1 : i32
        %get3A_300 = arith.index_cast %get3A_299 : i32 to index
        %get3A_301 = arith.index_cast %scan3A_177 : i32 to index
        %get3A_302 = arith.constant 240 : index
        %get3A_303 = tpu.vector_load %arg4[%get3A_300, %get3A_301, %get3A_302] {strides = array<i32>} : memref<2x32x768xf32, #tpu.memory_space<vmem>>, vector<16xf32>,
        %pack3A_304 = tpu.pack_subelements %get3A_298, %get3A_303 {pack_format = #tpu.pack_format<interleaved>, positions = array<i32: 0, 1>} : vector<16xf32>, vector<16xf32> -> vector<32xbf16>
        %bitcast3A_305 = vector.bitcast %pack3A_304 : vector<32xbf16> to vector<16xi32>
        %swap3A_306 = arith.constant 1 : i32
        %swap3A_307 = arith.index_cast %swap3A_306 : i32 to index
        %swap3A_308 = arith.index_cast %scan3A_177 : i32 to index
        %swap3A_309 = arith.constant 112 : index
        %swap3A_310 = tpu.vector_load %arg5[%swap3A_307, %swap3A_308, %swap3A_309] {strides = array<i32>} : memref<2x32x384xi32, #tpu.memory_space<vmem>>, vector<16xi32>,
        tpu.vector_store %arg5[%swap3A_307, %swap3A_308, %swap3A_309], %bitcast3A_305 {strides = array<i32>} : memref<2x32x384xi32, #tpu.memory_space<vmem>>, vector<16xi32>,
        %get3A_311 = arith.constant 1 : i32
        %get3A_312 = arith.index_cast %get3A_311 : i32 to index
        %get3A_313 = arith.index_cast %scan3A_177 : i32 to index
        %get3A_314 = arith.constant 256 : index
        %get3A_315 = tpu.vector_load %arg4[%get3A_312, %get3A_313, %get3A_314] {strides = array<i32>} : memref<2x32x768xf32, #tpu.memory_space<vmem>>, vector<16xf32>,
        %get3A_316 = arith.constant 1 : i32
        %get3A_317 = arith.index_cast %get3A_316 : i32 to index
        %get3A_318 = arith.index_cast %scan3A_177 : i32 to index
        %get3A_319 = arith.constant 272 : index
        %get3A_320 = tpu.vector_load %arg4[%get3A_317, %get3A_318, %get3A_319] {strides = array<i32>} : memref<2x32x768xf32, #tpu.memory_space<vmem>>, vector<16xf32>,
        %pack3A_321 = tpu.pack_subelements %get3A_315, %get3A_320 {pack_format = #tpu.pack_format<interleaved>, positions = array<i32: 0, 1>} : vector<16xf32>, vector<16xf32> -> vector<32xbf16>
        %bitcast3A_322 = vector.bitcast %pack3A_321 : vector<32xbf16> to vector<16xi32>
        %swap3A_323 = arith.constant 1 : i32
        %swap3A_324 = arith.index_cast %swap3A_323 : i32 to index
        %swap3A_325 = arith.index_cast %scan3A_177 : i32 to index
        %swap3A_326 = arith.constant 128 : index
        %swap3A_327 = tpu.vector_load %arg5[%swap3A_324, %swap3A_325, %swap3A_326] {strides = array<i32>} : memref<2x32x384xi32, #tpu.memory_space<vmem>>, vector<16xi32>,
        tpu.vector_store %arg5[%swap3A_324, %swap3A_325, %swap3A_326], %bitcast3A_322 {strides = array<i32>} : memref<2x32x384xi32, #tpu.memory_space<vmem>>, vector<16xi32>,
        %get3A_328 = arith.constant 1 : i32
        %get3A_329 = arith.index_cast %get3A_328 : i32 to index
        %get3A_330 = arith.index_cast %scan3A_177 : i32 to index
        %get3A_331 = arith.constant 288 : index
        %get3A_332 = tpu.vector_load %arg4[%get3A_329, %get3A_330, %get3A_331] {strides = array<i32>} : memref<2x32x768xf32, #tpu.memory_space<vmem>>, vector<16xf32>,
        %get3A_333 = arith.constant 1 : i32
        %get3A_334 = arith.index_cast %get3A_333 : i32 to index
        %get3A_335 = arith.index_cast %scan3A_177 : i32 to index
        %get3A_336 = arith.constant 304 : index
        %get3A_337 = tpu.vector_load %arg4[%get3A_334, %get3A_335, %get3A_336] {strides = array<i32>} : memref<2x32x768xf32, #tpu.memory_space<vmem>>, vector<16xf32>,
        %pack3A_338 = tpu.pack_subelements %get3A_332, %get3A_337 {pack_format = #tpu.pack_format<interleaved>, positions = array<i32: 0, 1>} : vector<16xf32>, vector<16xf32> -> vector<32xbf16>
        %bitcast3A_339 = vector.bitcast %pack3A_338 : vector<32xbf16> to vector<16xi32>
        %swap3A_340 = arith.constant 1 : i32
        %swap3A_341 = arith.index_cast %swap3A_340 : i32 to index
        %swap3A_342 = arith.index_cast %scan3A_177 : i32 to index
        %swap3A_343 = arith.constant 144 : index
        %swap3A_344 = tpu.vector_load %arg5[%swap3A_341, %swap3A_342, %swap3A_343] {strides = array<i32>} : memref<2x32x384xi32, #tpu.memory_space<vmem>>, vector<16xi32>,
        tpu.vector_store %arg5[%swap3A_341, %swap3A_342, %swap3A_343], %bitcast3A_339 {strides = array<i32>} : memref<2x32x384xi32, #tpu.memory_space<vmem>>, vector<16xi32>,
        %get3A_345 = arith.constant 1 : i32
        %get3A_346 = arith.index_cast %get3A_345 : i32 to index
        %get3A_347 = arith.index_cast %scan3A_177 : i32 to index
        %get3A_348 = arith.constant 320 : index
        %get3A_349 = tpu.vector_load %arg4[%get3A_346, %get3A_347, %get3A_348] {strides = array<i32>} : memref<2x32x768xf32, #tpu.memory_space<vmem>>, vector<16xf32>,
        %get3A_350 = arith.constant 1 : i32
        %get3A_351 = arith.index_cast %get3A_350 : i32 to index
        %get3A_352 = arith.index_cast %scan3A_177 : i32 to index
        %get3A_353 = arith.constant 336 : index
        %get3A_354 = tpu.vector_load %arg4[%get3A_351, %get3A_352, %get3A_353] {strides = array<i32>} : memref<2x32x768xf32, #tpu.memory_space<vmem>>, vector<16xf32>,
        %pack3A_355 = tpu.pack_subelements %get3A_349, %get3A_354 {pack_format = #tpu.pack_format<interleaved>, positions = array<i32: 0, 1>} : vector<16xf32>, vector<16xf32> -> vector<32xbf16>
        %bitcast3A_356 = vector.bitcast %pack3A_355 : vector<32xbf16> to vector<16xi32>
        %swap3A_357 = arith.constant 1 : i32
        %swap3A_358 = arith.index_cast %swap3A_357 : i32 to index
        %swap3A_359 = arith.index_cast %scan3A_177 : i32 to index
        %swap3A_360 = arith.constant 160 : index
        %swap3A_361 = tpu.vector_load %arg5[%swap3A_358, %swap3A_359, %swap3A_360] {strides = array<i32>} : memref<2x32x384xi32, #tpu.memory_space<vmem>>, vector<16xi32>,
        tpu.vector_store %arg5[%swap3A_358, %swap3A_359, %swap3A_360], %bitcast3A_356 {strides = array<i32>} : memref<2x32x384xi32, #tpu.memory_space<vmem>>, vector<16xi32>,
        %get3A_362 = arith.constant 1 : i32
        %get3A_363 = arith.index_cast %get3A_362 : i32 to index
        %get3A_364 = arith.index_cast %scan3A_177 : i32 to index
        %get3A_365 = arith.constant 352 : index
        %get3A_366 = tpu.vector_load %arg4[%get3A_363, %get3A_364, %get3A_365] {strides = array<i32>} : memref<2x32x768xf32, #tpu.memory_space<vmem>>, vector<16xf32>,
        %get3A_367 = arith.constant 1 : i32
        %get3A_368 = arith.index_cast %get3A_367 : i32 to index
        %get3A_369 = arith.index_cast %scan3A_177 : i32 to index
        %get3A_370 = arith.constant 368 : index
        %get3A_371 = tpu.vector_load %arg4[%get3A_368, %get3A_369, %get3A_370] {strides = array<i32>} : memref<2x32x768xf32, #tpu.memory_space<vmem>>, vector<16xf32>,
        %pack3A_372 = tpu.pack_subelements %get3A_366, %get3A_371 {pack_format = #tpu.pack_format<interleaved>, positions = array<i32: 0, 1>} : vector<16xf32>, vector<16xf32> -> vector<32xbf16>
        %bitcast3A_373 = vector.bitcast %pack3A_372 : vector<32xbf16> to vector<16xi32>
        %swap3A_374 = arith.constant 1 : i32
        %swap3A_375 = arith.index_cast %swap3A_374 : i32 to index
        %swap3A_376 = arith.index_cast %scan3A_177 : i32 to index
        %swap3A_377 = arith.constant 176 : index
        %swap3A_378 = tpu.vector_load %arg5[%swap3A_375, %swap3A_376, %swap3A_377] {strides = array<i32>} : memref<2x32x384xi32, #tpu.memory_space<vmem>>, vector<16xi32>,
        tpu.vector_store %arg5[%swap3A_375, %swap3A_376, %swap3A_377], %bitcast3A_373 {strides = array<i32>} : memref<2x32x384xi32, #tpu.memory_space<vmem>>, vector<16xi32>,
        %get3A_379 = arith.constant 1 : i32
        %get3A_380 = arith.index_cast %get3A_379 : i32 to index
        %get3A_381 = arith.index_cast %scan3A_177 : i32 to index
        %get3A_382 = arith.constant 384 : index
        %get3A_383 = tpu.vector_load %arg4[%get3A_380, %get3A_381, %get3A_382] {strides = array<i32>} : memref<2x32x768xf32, #tpu.memory_space<vmem>>, vector<16xf32>,
        %get3A_384 = arith.constant 1 : i32
        %get3A_385 = arith.index_cast %get3A_384 : i32 to index
        %get3A_386 = arith.index_cast %scan3A_177 : i32 to index
        %get3A_387 = arith.constant 400 : index
        %get3A_388 = tpu.vector_load %arg4[%get3A_385, %get3A_386, %get3A_387] {strides = array<i32>} : memref<2x32x768xf32, #tpu.memory_space<vmem>>, vector<16xf32>,
        %pack3A_389 = tpu.pack_subelements %get3A_383, %get3A_388 {pack_format = #tpu.pack_format<interleaved>, positions = array<i32: 0, 1>} : vector<16xf32>, vector<16xf32> -> vector<32xbf16>
        %bitcast3A_390 = vector.bitcast %pack3A_389 : vector<32xbf16> to vector<16xi32>
        %swap3A_391 = arith.constant 1 : i32
        %swap3A_392 = arith.index_cast %swap3A_391 : i32 to index
        %swap3A_393 = arith.index_cast %scan3A_177 : i32 to index
        %swap3A_394 = arith.constant 192 : index
        %swap3A_395 = tpu.vector_load %arg5[%swap3A_392, %swap3A_393, %swap3A_394] {strides = array<i32>} : memref<2x32x384xi32, #tpu.memory_space<vmem>>, vector<16xi32>,
        tpu.vector_store %arg5[%swap3A_392, %swap3A_393, %swap3A_394], %bitcast3A_390 {strides = array<i32>} : memref<2x32x384xi32, #tpu.memory_space<vmem>>, vector<16xi32>,
        %get3A_396 = arith.constant 1 : i32
        %get3A_397 = arith.index_cast %get3A_396 : i32 to index
        %get3A_398 = arith.index_cast %scan3A_177 : i32 to index
        %get3A_399 = arith.constant 416 : index
        %get3A_400 = tpu.vector_load %arg4[%get3A_397, %get3A_398, %get3A_399] {strides = array<i32>} : memref<2x32x768xf32, #tpu.memory_space<vmem>>, vector<16xf32>,
        %get3A_401 = arith.constant 1 : i32
        %get3A_402 = arith.index_cast %get3A_401 : i32 to index
        %get3A_403 = arith.index_cast %scan3A_177 : i32 to index
        %get3A_404 = arith.constant 432 : index
        %get3A_405 = tpu.vector_load %arg4[%get3A_402, %get3A_403, %get3A_404] {strides = array<i32>} : memref<2x32x768xf32, #tpu.memory_space<vmem>>, vector<16xf32>,
        %pack3A_406 = tpu.pack_subelements %get3A_400, %get3A_405 {pack_format = #tpu.pack_format<interleaved>, positions = array<i32: 0, 1>} : vector<16xf32>, vector<16xf32> -> vector<32xbf16>
        %bitcast3A_407 = vector.bitcast %pack3A_406 : vector<32xbf16> to vector<16xi32>
        %swap3A_408 = arith.constant 1 : i32
        %swap3A_409 = arith.index_cast %swap3A_408 : i32 to index
        %swap3A_410 = arith.index_cast %scan3A_177 : i32 to index
        %swap3A_411 = arith.constant 208 : index
        %swap3A_412 = tpu.vector_load %arg5[%swap3A_409, %swap3A_410, %swap3A_411] {strides = array<i32>} : memref<2x32x384xi32, #tpu.memory_space<vmem>>, vector<16xi32>,
        tpu.vector_store %arg5[%swap3A_409, %swap3A_410, %swap3A_411], %bitcast3A_407 {strides = array<i32>} : memref<2x32x384xi32, #tpu.memory_space<vmem>>, vector<16xi32>,
        %get3A_413 = arith.constant 1 : i32
        %get3A_414 = arith.index_cast %get3A_413 : i32 to index
        %get3A_415 = arith.index_cast %scan3A_177 : i32 to index
        %get3A_416 = arith.constant 448 : index
        %get3A_417 = tpu.vector_load %arg4[%get3A_414, %get3A_415, %get3A_416] {strides = array<i32>} : memref<2x32x768xf32, #tpu.memory_space<vmem>>, vector<16xf32>,
        %get3A_418 = arith.constant 1 : i32
        %get3A_419 = arith.index_cast %get3A_418 : i32 to index
        %get3A_420 = arith.index_cast %scan3A_177 : i32 to index
        %get3A_421 = arith.constant 464 : index
        %get3A_422 = tpu.vector_load %arg4[%get3A_419, %get3A_420, %get3A_421] {strides = array<i32>} : memref<2x32x768xf32, #tpu.memory_space<vmem>>, vector<16xf32>,
        %pack3A_423 = tpu.pack_subelements %get3A_417, %get3A_422 {pack_format = #tpu.pack_format<interleaved>, positions = array<i32: 0, 1>} : vector<16xf32>, vector<16xf32> -> vector<32xbf16>
        %bitcast3A_424 = vector.bitcast %pack3A_423 : vector<32xbf16> to vector<16xi32>
        %swap3A_425 = arith.constant 1 : i32
        %swap3A_426 = arith.index_cast %swap3A_425 : i32 to index
        %swap3A_427 = arith.index_cast %scan3A_177 : i32 to index
        %swap3A_428 = arith.constant 224 : index
        %swap3A_429 = tpu.vector_load %arg5[%swap3A_426, %swap3A_427, %swap3A_428] {strides = array<i32>} : memref<2x32x384xi32, #tpu.memory_space<vmem>>, vector<16xi32>,
        tpu.vector_store %arg5[%swap3A_426, %swap3A_427, %swap3A_428], %bitcast3A_424 {strides = array<i32>} : memref<2x32x384xi32, #tpu.memory_space<vmem>>, vector<16xi32>,
        %get3A_430 = arith.constant 1 : i32
        %get3A_431 = arith.index_cast %get3A_430 : i32 to index
        %get3A_432 = arith.index_cast %scan3A_177 : i32 to index
        %get3A_433 = arith.constant 480 : index
        %get3A_434 = tpu.vector_load %arg4[%get3A_431, %get3A_432, %get3A_433] {strides = array<i32>} : memref<2x32x768xf32, #tpu.memory_space<vmem>>, vector<16xf32>,
        %get3A_435 = arith.constant 1 : i32
        %get3A_436 = arith.index_cast %get3A_435 : i32 to index
        %get3A_437 = arith.index_cast %scan3A_177 : i32 to index
        %get3A_438 = arith.constant 496 : index
        %get3A_439 = tpu.vector_load %arg4[%get3A_436, %get3A_437, %get3A_438] {strides = array<i32>} : memref<2x32x768xf32, #tpu.memory_space<vmem>>, vector<16xf32>,
        %pack3A_440 = tpu.pack_subelements %get3A_434, %get3A_439 {pack_format = #tpu.pack_format<interleaved>, positions = array<i32: 0, 1>} : vector<16xf32>, vector<16xf32> -> vector<32xbf16>
        %bitcast3A_441 = vector.bitcast %pack3A_440 : vector<32xbf16> to vector<16xi32>
        %swap3A_442 = arith.constant 1 : i32
        %swap3A_443 = arith.index_cast %swap3A_442 : i32 to index
        %swap3A_444 = arith.index_cast %scan3A_177 : i32 to index
        %swap3A_445 = arith.constant 240 : index
        %swap3A_446 = tpu.vector_load %arg5[%swap3A_443, %swap3A_444, %swap3A_445] {strides = array<i32>} : memref<2x32x384xi32, #tpu.memory_space<vmem>>, vector<16xi32>,
        tpu.vector_store %arg5[%swap3A_443, %swap3A_444, %swap3A_445], %bitcast3A_441 {strides = array<i32>} : memref<2x32x384xi32, #tpu.memory_space<vmem>>, vector<16xi32>,
        %get3A_447 = arith.constant 1 : i32
        %get3A_448 = arith.index_cast %get3A_447 : i32 to index
        %get3A_449 = arith.index_cast %scan3A_177 : i32 to index
        %get3A_450 = arith.constant 512 : index
        %get3A_451 = tpu.vector_load %arg4[%get3A_448, %get3A_449, %get3A_450] {strides = array<i32>} : memref<2x32x768xf32, #tpu.memory_space<vmem>>, vector<16xf32>,
        %get3A_452 = arith.constant 1 : i32
        %get3A_453 = arith.index_cast %get3A_452 : i32 to index
        %get3A_454 = arith.index_cast %scan3A_177 : i32 to index
        %get3A_455 = arith.constant 528 : index
        %get3A_456 = tpu.vector_load %arg4[%get3A_453, %get3A_454, %get3A_455] {strides = array<i32>} : memref<2x32x768xf32, #tpu.memory_space<vmem>>, vector<16xf32>,
        %pack3A_457 = tpu.pack_subelements %get3A_451, %get3A_456 {pack_format = #tpu.pack_format<interleaved>, positions = array<i32: 0, 1>} : vector<16xf32>, vector<16xf32> -> vector<32xbf16>
        %bitcast3A_458 = vector.bitcast %pack3A_457 : vector<32xbf16> to vector<16xi32>
        %swap3A_459 = arith.constant 1 : i32
        %swap3A_460 = arith.index_cast %swap3A_459 : i32 to index
        %swap3A_461 = arith.index_cast %scan3A_177 : i32 to index
        %swap3A_462 = arith.constant 256 : index
        %swap3A_463 = tpu.vector_load %arg5[%swap3A_460, %swap3A_461, %swap3A_462] {strides = array<i32>} : memref<2x32x384xi32, #tpu.memory_space<vmem>>, vector<16xi32>,
        tpu.vector_store %arg5[%swap3A_460, %swap3A_461, %swap3A_462], %bitcast3A_458 {strides = array<i32>} : memref<2x32x384xi32, #tpu.memory_space<vmem>>, vector<16xi32>,
        %get3A_464 = arith.constant 1 : i32
        %get3A_465 = arith.index_cast %get3A_464 : i32 to index
        %get3A_466 = arith.index_cast %scan3A_177 : i32 to index
        %get3A_467 = arith.constant 544 : index
        %get3A_468 = tpu.vector_load %arg4[%get3A_465, %get3A_466, %get3A_467] {strides = array<i32>} : memref<2x32x768xf32, #tpu.memory_space<vmem>>, vector<16xf32>,
        %get3A_469 = arith.constant 1 : i32
        %get3A_470 = arith.index_cast %get3A_469 : i32 to index
        %get3A_471 = arith.index_cast %scan3A_177 : i32 to index
        %get3A_472 = arith.constant 560 : index
        %get3A_473 = tpu.vector_load %arg4[%get3A_470, %get3A_471, %get3A_472] {strides = array<i32>} : memref<2x32x768xf32, #tpu.memory_space<vmem>>, vector<16xf32>,
        %pack3A_474 = tpu.pack_subelements %get3A_468, %get3A_473 {pack_format = #tpu.pack_format<interleaved>, positions = array<i32: 0, 1>} : vector<16xf32>, vector<16xf32> -> vector<32xbf16>
        %bitcast3A_475 = vector.bitcast %pack3A_474 : vector<32xbf16> to vector<16xi32>
        %swap3A_476 = arith.constant 1 : i32
        %swap3A_477 = arith.index_cast %swap3A_476 : i32 to index
        %swap3A_478 = arith.index_cast %scan3A_177 : i32 to index
        %swap3A_479 = arith.constant 272 : index
        %swap3A_480 = tpu.vector_load %arg5[%swap3A_477, %swap3A_478, %swap3A_479] {strides = array<i32>} : memref<2x32x384xi32, #tpu.memory_space<vmem>>, vector<16xi32>,
        tpu.vector_store %arg5[%swap3A_477, %swap3A_478, %swap3A_479], %bitcast3A_475 {strides = array<i32>} : memref<2x32x384xi32, #tpu.memory_space<vmem>>, vector<16xi32>,
        %get3A_481 = arith.constant 1 : i32
        %get3A_482 = arith.index_cast %get3A_481 : i32 to index
        %get3A_483 = arith.index_cast %scan3A_177 : i32 to index
        %get3A_484 = arith.constant 576 : index
        %get3A_485 = tpu.vector_load %arg4[%get3A_482, %get3A_483, %get3A_484] {strides = array<i32>} : memref<2x32x768xf32, #tpu.memory_space<vmem>>, vector<16xf32>,
        %get3A_486 = arith.constant 1 : i32
        %get3A_487 = arith.index_cast %get3A_486 : i32 to index
        %get3A_488 = arith.index_cast %scan3A_177 : i32 to index
        %get3A_489 = arith.constant 592 : index
        %get3A_490 = tpu.vector_load %arg4[%get3A_487, %get3A_488, %get3A_489] {strides = array<i32>} : memref<2x32x768xf32, #tpu.memory_space<vmem>>, vector<16xf32>,
        %pack3A_491 = tpu.pack_subelements %get3A_485, %get3A_490 {pack_format = #tpu.pack_format<interleaved>, positions = array<i32: 0, 1>} : vector<16xf32>, vector<16xf32> -> vector<32xbf16>
        %bitcast3A_492 = vector.bitcast %pack3A_491 : vector<32xbf16> to vector<16xi32>
        %swap3A_493 = arith.constant 1 : i32
        %swap3A_494 = arith.index_cast %swap3A_493 : i32 to index
        %swap3A_495 = arith.index_cast %scan3A_177 : i32 to index
        %swap3A_496 = arith.constant 288 : index
        %swap3A_497 = tpu.vector_load %arg5[%swap3A_494, %swap3A_495, %swap3A_496] {strides = array<i32>} : memref<2x32x384xi32, #tpu.memory_space<vmem>>, vector<16xi32>,
        tpu.vector_store %arg5[%swap3A_494, %swap3A_495, %swap3A_496], %bitcast3A_492 {strides = array<i32>} : memref<2x32x384xi32, #tpu.memory_space<vmem>>, vector<16xi32>,
        %get3A_498 = arith.constant 1 : i32
        %get3A_499 = arith.index_cast %get3A_498 : i32 to index
        %get3A_500 = arith.index_cast %scan3A_177 : i32 to index
        %get3A_501 = arith.constant 608 : index
        %get3A_502 = tpu.vector_load %arg4[%get3A_499, %get3A_500, %get3A_501] {strides = array<i32>} : memref<2x32x768xf32, #tpu.memory_space<vmem>>, vector<16xf32>,
        %get3A_503 = arith.constant 1 : i32
        %get3A_504 = arith.index_cast %get3A_503 : i32 to index
        %get3A_505 = arith.index_cast %scan3A_177 : i32 to index
        %get3A_506 = arith.constant 624 : index
        %get3A_507 = tpu.vector_load %arg4[%get3A_504, %get3A_505, %get3A_506] {strides = array<i32>} : memref<2x32x768xf32, #tpu.memory_space<vmem>>, vector<16xf32>,
        %pack3A_508 = tpu.pack_subelements %get3A_502, %get3A_507 {pack_format = #tpu.pack_format<interleaved>, positions = array<i32: 0, 1>} : vector<16xf32>, vector<16xf32> -> vector<32xbf16>
        %bitcast3A_509 = vector.bitcast %pack3A_508 : vector<32xbf16> to vector<16xi32>
        %swap3A_510 = arith.constant 1 : i32
        %swap3A_511 = arith.index_cast %swap3A_510 : i32 to index
        %swap3A_512 = arith.index_cast %scan3A_177 : i32 to index
        %swap3A_513 = arith.constant 304 : index
        %swap3A_514 = tpu.vector_load %arg5[%swap3A_511, %swap3A_512, %swap3A_513] {strides = array<i32>} : memref<2x32x384xi32, #tpu.memory_space<vmem>>, vector<16xi32>,
        tpu.vector_store %arg5[%swap3A_511, %swap3A_512, %swap3A_513], %bitcast3A_509 {strides = array<i32>} : memref<2x32x384xi32, #tpu.memory_space<vmem>>, vector<16xi32>,
        %get3A_515 = arith.constant 1 : i32
        %get3A_516 = arith.index_cast %get3A_515 : i32 to index
        %get3A_517 = arith.index_cast %scan3A_177 : i32 to index
        %get3A_518 = arith.constant 640 : index
        %get3A_519 = tpu.vector_load %arg4[%get3A_516, %get3A_517, %get3A_518] {strides = array<i32>} : memref<2x32x768xf32, #tpu.memory_space<vmem>>, vector<16xf32>,
        %get3A_520 = arith.constant 1 : i32
        %get3A_521 = arith.index_cast %get3A_520 : i32 to index
        %get3A_522 = arith.index_cast %scan3A_177 : i32 to index
        %get3A_523 = arith.constant 656 : index
        %get3A_524 = tpu.vector_load %arg4[%get3A_521, %get3A_522, %get3A_523] {strides = array<i32>} : memref<2x32x768xf32, #tpu.memory_space<vmem>>, vector<16xf32>,
        %pack3A_525 = tpu.pack_subelements %get3A_519, %get3A_524 {pack_format = #tpu.pack_format<interleaved>, positions = array<i32: 0, 1>} : vector<16xf32>, vector<16xf32> -> vector<32xbf16>
        %bitcast3A_526 = vector.bitcast %pack3A_525 : vector<32xbf16> to vector<16xi32>
        %swap3A_527 = arith.constant 1 : i32
        %swap3A_528 = arith.index_cast %swap3A_527 : i32 to index
        %swap3A_529 = arith.index_cast %scan3A_177 : i32 to index
        %swap3A_530 = arith.constant 320 : index
        %swap3A_531 = tpu.vector_load %arg5[%swap3A_528, %swap3A_529, %swap3A_530] {strides = array<i32>} : memref<2x32x384xi32, #tpu.memory_space<vmem>>, vector<16xi32>,
        tpu.vector_store %arg5[%swap3A_528, %swap3A_529, %swap3A_530], %bitcast3A_526 {strides = array<i32>} : memref<2x32x384xi32, #tpu.memory_space<vmem>>, vector<16xi32>,
        %get3A_532 = arith.constant 1 : i32
        %get3A_533 = arith.index_cast %get3A_532 : i32 to index
        %get3A_534 = arith.index_cast %scan3A_177 : i32 to index
        %get3A_535 = arith.constant 672 : index
        %get3A_536 = tpu.vector_load %arg4[%get3A_533, %get3A_534, %get3A_535] {strides = array<i32>} : memref<2x32x768xf32, #tpu.memory_space<vmem>>, vector<16xf32>,
        %get3A_537 = arith.constant 1 : i32
        %get3A_538 = arith.index_cast %get3A_537 : i32 to index
        %get3A_539 = arith.index_cast %scan3A_177 : i32 to index
        %get3A_540 = arith.constant 688 : index
        %get3A_541 = tpu.vector_load %arg4[%get3A_538, %get3A_539, %get3A_540] {strides = array<i32>} : memref<2x32x768xf32, #tpu.memory_space<vmem>>, vector<16xf32>,
        %pack3A_542 = tpu.pack_subelements %get3A_536, %get3A_541 {pack_format = #tpu.pack_format<interleaved>, positions = array<i32: 0, 1>} : vector<16xf32>, vector<16xf32> -> vector<32xbf16>
        %bitcast3A_543 = vector.bitcast %pack3A_542 : vector<32xbf16> to vector<16xi32>
        %swap3A_544 = arith.constant 1 : i32
        %swap3A_545 = arith.index_cast %swap3A_544 : i32 to index
        %swap3A_546 = arith.index_cast %scan3A_177 : i32 to index
        %swap3A_547 = arith.constant 336 : index
        %swap3A_548 = tpu.vector_load %arg5[%swap3A_545, %swap3A_546, %swap3A_547] {strides = array<i32>} : memref<2x32x384xi32, #tpu.memory_space<vmem>>, vector<16xi32>,
        tpu.vector_store %arg5[%swap3A_545, %swap3A_546, %swap3A_547], %bitcast3A_543 {strides = array<i32>} : memref<2x32x384xi32, #tpu.memory_space<vmem>>, vector<16xi32>,
        %get3A_549 = arith.constant 1 : i32
        %get3A_550 = arith.index_cast %get3A_549 : i32 to index
        %get3A_551 = arith.index_cast %scan3A_177 : i32 to index
        %get3A_552 = arith.constant 704 : index
        %get3A_553 = tpu.vector_load %arg4[%get3A_550, %get3A_551, %get3A_552] {strides = array<i32>} : memref<2x32x768xf32, #tpu.memory_space<vmem>>, vector<16xf32>,
        %get3A_554 = arith.constant 1 : i32
        %get3A_555 = arith.index_cast %get3A_554 : i32 to index
        %get3A_556 = arith.index_cast %scan3A_177 : i32 to index
        %get3A_557 = arith.constant 720 : index
        %get3A_558 = tpu.vector_load %arg4[%get3A_555, %get3A_556, %get3A_557] {strides = array<i32>} : memref<2x32x768xf32, #tpu.memory_space<vmem>>, vector<16xf32>,
        %pack3A_559 = tpu.pack_subelements %get3A_553, %get3A_558 {pack_format = #tpu.pack_format<interleaved>, positions = array<i32: 0, 1>} : vector<16xf32>, vector<16xf32> -> vector<32xbf16>
        %bitcast3A_560 = vector.bitcast %pack3A_559 : vector<32xbf16> to vector<16xi32>
        %swap3A_561 = arith.constant 1 : i32
        %swap3A_562 = arith.index_cast %swap3A_561 : i32 to index
        %swap3A_563 = arith.index_cast %scan3A_177 : i32 to index
        %swap3A_564 = arith.constant 352 : index
        %swap3A_565 = tpu.vector_load %arg5[%swap3A_562, %swap3A_563, %swap3A_564] {strides = array<i32>} : memref<2x32x384xi32, #tpu.memory_space<vmem>>, vector<16xi32>,
        tpu.vector_store %arg5[%swap3A_562, %swap3A_563, %swap3A_564], %bitcast3A_560 {strides = array<i32>} : memref<2x32x384xi32, #tpu.memory_space<vmem>>, vector<16xi32>,
        %get3A_566 = arith.constant 1 : i32
        %get3A_567 = arith.index_cast %get3A_566 : i32 to index
        %get3A_568 = arith.index_cast %scan3A_177 : i32 to index
        %get3A_569 = arith.constant 736 : index
        %get3A_570 = tpu.vector_load %arg4[%get3A_567, %get3A_568, %get3A_569] {strides = array<i32>} : memref<2x32x768xf32, #tpu.memory_space<vmem>>, vector<16xf32>,
        %get3A_571 = arith.constant 1 : i32
        %get3A_572 = arith.index_cast %get3A_571 : i32 to index
        %get3A_573 = arith.index_cast %scan3A_177 : i32 to index
        %get3A_574 = arith.constant 752 : index
        %get3A_575 = tpu.vector_load %arg4[%get3A_572, %get3A_573, %get3A_574] {strides = array<i32>} : memref<2x32x768xf32, #tpu.memory_space<vmem>>, vector<16xf32>,
        %pack3A_576 = tpu.pack_subelements %get3A_570, %get3A_575 {pack_format = #tpu.pack_format<interleaved>, positions = array<i32: 0, 1>} : vector<16xf32>, vector<16xf32> -> vector<32xbf16>
        %bitcast3A_577 = vector.bitcast %pack3A_576 : vector<32xbf16> to vector<16xi32>
        %swap3A_578 = arith.constant 1 : i32
        %swap3A_579 = arith.index_cast %swap3A_578 : i32 to index
        %swap3A_580 = arith.index_cast %scan3A_177 : i32 to index
        %swap3A_581 = arith.constant 368 : index
        %swap3A_582 = tpu.vector_load %arg5[%swap3A_579, %swap3A_580, %swap3A_581] {strides = array<i32>} : memref<2x32x384xi32, #tpu.memory_space<vmem>>, vector<16xi32>,
        tpu.vector_store %arg5[%swap3A_579, %swap3A_580, %swap3A_581], %bitcast3A_577 {strides = array<i32>} : memref<2x32x384xi32, #tpu.memory_space<vmem>>, vector<16xi32>,
        %scan3A_583 = arith.constant 0 : i32
        scf.yield %scan3A_583 : i32
      }
      %scan3A_157 = arith.constant 32 : i32
      %mul3A_158 = arith.constant 32 : i32
      %mul3A_159 = arith.muli %add3A_130, %mul3A_158 : i32
      %add3A_160 = arith.addi %mul3A_2, %mul3A_159 : i32
      %min3A_161 = arith.constant 30488 : i32
      %min3A_162 = arith.minsi %add3A_160, %min3A_161 : i32
      %dma_start3A_163 = arith.constant 1 : i32
      %dma_start3A_164 = arith.constant 0 : i32
      %dma_start3A_165 = arith.constant 0 : i32
      %dma_start3A_166 = tpu.memref_slice %arg5[%dma_start3A_163, %dma_start3A_164, %dma_start3A_165] : memref<2x32x384xi32, #tpu.memory_space<vmem>> -> memref<1x32x384xi32, #tpu.memory_space<vmem>>
      %dma_start3A_167 = tpu.memref_squeeze %dma_start3A_166 : memref<1x32x384xi32, #tpu.memory_space<vmem>> -> memref<32x384xi32, #tpu.memory_space<vmem>>
      %dma_start3A_168 = arith.constant 0 : i32
      %dma_start3A_169 = tpu.memref_slice %arg3[%min3A_162, %dma_start3A_168] : memref<30522x384xi32, #tpu.memory_space<hbm>> -> memref<32x384xi32, #tpu.memory_space<hbm>>
      %dma_start3A_170 = arith.constant 0 : i32
      %dma_start3A_171 = tpu.memref_slice %arg3[%min3A_162, %dma_start3A_170] : memref<30522x384xi32, #tpu.memory_space<hbm>> -> memref<32x384xi32, #tpu.memory_space<hbm>>
      %dma_start3A_172 = arith.constant 0 : i32
      %dma_start3A_173 = arith.constant 0 : i32
      %dma_start3A_174 = tpu.memref_slice %arg5[%dma_start3A_163, %dma_start3A_172, %dma_start3A_173] : memref<2x32x384xi32, #tpu.memory_space<vmem>> -> memref<1x32x384xi32, #tpu.memory_space<vmem>>
      %dma_start3A_175 = tpu.memref_squeeze %dma_start3A_174 : memref<1x32x384xi32, #tpu.memory_space<vmem>> -> memref<32x384xi32, #tpu.memory_space<vmem>>
      tpu.enqueue_dma source(%dma_start3A_175 : memref<32x384xi32, #tpu.memory_space<vmem>>) target(%dma_start3A_171 : memref<32x384xi32, #tpu.memory_space<hbm>>) target_semaphore(%arg9 : memref<!tpu.dma_semaphore, #tpu.memory_space<semaphore_mem>>)
      %scan3A_176 = arith.constant 0 : i32
      scf.yield %scan3A_176 : i32
    }
    %scan3A_23 = arith.constant 15 : i32
    %dma_wait3A = arith.constant 0 : i32
    %dma_wait3A_24 = arith.constant 0 : i32
    %dma_wait3A_25 = arith.constant 0 : i32
    %dma_wait3A_26 = tpu.memref_slice %arg5[%dma_wait3A, %dma_wait3A_24, %dma_wait3A_25] : memref<2x32x384xi32, #tpu.memory_space<vmem>> -> memref<1x32x384xi32, #tpu.memory_space<vmem>>
    %dma_wait3A_27 = tpu.memref_squeeze %dma_wait3A_26 : memref<1x32x384xi32, #tpu.memory_space<vmem>> -> memref<32x384xi32, #tpu.memory_space<vmem>>
    %dma_wait3A_28 = arith.constant 0 : i32
    %dma_wait3A_29 = arith.constant 0 : i32
    %dma_wait3A_30 = tpu.memref_slice %arg3[%dma_wait3A_28, %dma_wait3A_29] : memref<30522x384xi32, #tpu.memory_space<hbm>> -> memref<32x384xi32, #tpu.memory_space<hbm>>
    %dma_wait3A_31 = arith.constant 0 : i32
    %dma_wait3A_32 = arith.constant 0 : i32
    %dma_wait3A_33 = tpu.memref_slice %arg3[%dma_wait3A_31, %dma_wait3A_32] : memref<30522x384xi32, #tpu.memory_space<hbm>> -> memref<32x384xi32, #tpu.memory_space<hbm>>
    %dma_wait3A_34 = arith.constant 0 : i32
    %dma_wait3A_35 = arith.constant 0 : i32
    %dma_wait3A_36 = tpu.memref_slice %arg5[%dma_wait3A, %dma_wait3A_34, %dma_wait3A_35] : memref<2x32x384xi32, #tpu.memory_space<vmem>> -> memref<1x32x384xi32, #tpu.memory_space<vmem>>
    %dma_wait3A_37 = tpu.memref_squeeze %dma_wait3A_36 : memref<1x32x384xi32, #tpu.memory_space<vmem>> -> memref<32x384xi32, #tpu.memory_space<vmem>>
    tpu.wait_dma2 semaphore(%arg8 : memref<!tpu.dma_semaphore, #tpu.memory_space<semaphore_mem>>) src(%dma_wait3A_37 : memref<32x384xi32, #tpu.memory_space<vmem>>) dst(%dma_wait3A_33 : memref<32x384xi32, #tpu.memory_space<hbm>>)
    %dma_wait3A_38 = arith.constant 1 : i32
    %dma_wait3A_39 = arith.constant 0 : i32
    %dma_wait3A_40 = arith.constant 0 : i32
    %dma_wait3A_41 = tpu.memref_slice %arg5[%dma_wait3A_38, %dma_wait3A_39, %dma_wait3A_40] : memref<2x32x384xi32, #tpu.memory_space<vmem>> -> memref<1x32x384xi32, #tpu.memory_space<vmem>>
    %dma_wait3A_42 = tpu.memref_squeeze %dma_wait3A_41 : memref<1x32x384xi32, #tpu.memory_space<vmem>> -> memref<32x384xi32, #tpu.memory_space<vmem>>
    %dma_wait3A_43 = arith.constant 0 : i32
    %dma_wait3A_44 = arith.constant 0 : i32
    %dma_wait3A_45 = tpu.memref_slice %arg3[%dma_wait3A_43, %dma_wait3A_44] : memref<30522x384xi32, #tpu.memory_space<hbm>> -> memref<32x384xi32, #tpu.memory_space<hbm>>
    %dma_wait3A_46 = arith.constant 0 : i32
    %dma_wait3A_47 = arith.constant 0 : i32
    %dma_wait3A_48 = tpu.memref_slice %arg3[%dma_wait3A_46, %dma_wait3A_47] : memref<30522x384xi32, #tpu.memory_space<hbm>> -> memref<32x384xi32, #tpu.memory_space<hbm>>
    %dma_wait3A_49 = arith.constant 0 : i32
    %dma_wait3A_50 = arith.constant 0 : i32
    %dma_wait3A_51 = tpu.memref_slice %arg5[%dma_wait3A_38, %dma_wait3A_49, %dma_wait3A_50] : memref<2x32x384xi32, #tpu.memory_space<vmem>> -> memref<1x32x384xi32, #tpu.memory_space<vmem>>
    %dma_wait3A_52 = tpu.memref_squeeze %dma_wait3A_51 : memref<1x32x384xi32, #tpu.memory_space<vmem>> -> memref<32x384xi32, #tpu.memory_space<vmem>>
    tpu.wait_dma2 semaphore(%arg9 : memref<!tpu.dma_semaphore, #tpu.memory_space<semaphore_mem>>) src(%dma_wait3A_52 : memref<32x384xi32, #tpu.memory_space<vmem>>) dst(%dma_wait3A_48 : memref<32x384xi32, #tpu.memory_space<hbm>>)
    %eq3A = arith.constant 0 : i32
    %eq3A_53 = arith.cmpi eq, %add3A, %eq3A : i32
    %convert_element_type3A = arith.extui %eq3A_53 : i1 to i32
    %cond3A = arith.constant 0 : i32
    %cond3A_54 = arith.cmpi ne, %convert_element_type3A, %cond3A : i32
    scf.if %cond3A_54 {
      %run_scoped3A = arith.constant 0 : i32
      "tpu.region"() ({
        %run_scoped3A_63 = tpu.sem_alloc : memref<!tpu.dma_semaphore, #tpu.memory_space<semaphore_mem>>
        %dma_start3A_64 = arith.constant 0 : i32
        %dma_start3A_65 = arith.constant 0 : i32
        %dma_start3A_66 = tpu.memref_slice %arg4[%run_scoped3A, %dma_start3A_64, %dma_start3A_65] : memref<2x32x768xf32, #tpu.memory_space<vmem>> -> memref<1x2x768xf32, #tpu.memory_space<vmem>>
        %dma_start3A_67 = tpu.memref_squeeze %dma_start3A_66 : memref<1x2x768xf32, #tpu.memory_space<vmem>> -> memref<2x768xf32, #tpu.memory_space<vmem>>
        %dma_start3A_68 = arith.constant 30520 : i32
        %dma_start3A_69 = arith.constant 0 : i32
        %dma_start3A_70 = tpu.memref_slice %arg2[%dma_start3A_68, %dma_start3A_69] : memref<30522x768xf32, #tpu.memory_space<hbm>> -> memref<2x768xf32, #tpu.memory_space<hbm>>
        %dma_start3A_71 = arith.constant 0 : i32
        %dma_start3A_72 = arith.constant 0 : i32
        %dma_start3A_73 = tpu.memref_slice %arg4[%run_scoped3A, %dma_start3A_71, %dma_start3A_72] : memref<2x32x768xf32, #tpu.memory_space<vmem>> -> memref<1x2x768xf32, #tpu.memory_space<vmem>>
        %dma_start3A_74 = tpu.memref_squeeze %dma_start3A_73 : memref<1x2x768xf32, #tpu.memory_space<vmem>> -> memref<2x768xf32, #tpu.memory_space<vmem>>
        %dma_start3A_75 = arith.constant 30520 : i32
        %dma_start3A_76 = arith.constant 0 : i32
        %dma_start3A_77 = tpu.memref_slice %arg2[%dma_start3A_75, %dma_start3A_76] : memref<30522x768xf32, #tpu.memory_space<hbm>> -> memref<2x768xf32, #tpu.memory_space<hbm>>
        tpu.enqueue_dma source(%dma_start3A_77 : memref<2x768xf32, #tpu.memory_space<hbm>>) target(%dma_start3A_74 : memref<2x768xf32, #tpu.memory_space<vmem>>) target_semaphore(%run_scoped3A_63 : memref<!tpu.dma_semaphore, #tpu.memory_space<semaphore_mem>>)
        %dma_wait3A_78 = arith.constant 0 : i32
        %dma_wait3A_79 = arith.constant 0 : i32
        %dma_wait3A_80 = tpu.memref_slice %arg4[%run_scoped3A, %dma_wait3A_78, %dma_wait3A_79] : memref<2x32x768xf32, #tpu.memory_space<vmem>> -> memref<1x2x768xf32, #tpu.memory_space<vmem>>
        %dma_wait3A_81 = tpu.memref_squeeze %dma_wait3A_80 : memref<1x2x768xf32, #tpu.memory_space<vmem>> -> memref<2x768xf32, #tpu.memory_space<vmem>>
        %dma_wait3A_82 = arith.constant 30520 : i32
        %dma_wait3A_83 = arith.constant 0 : i32
        %dma_wait3A_84 = tpu.memref_slice %arg2[%dma_wait3A_82, %dma_wait3A_83] : memref<30522x768xf32, #tpu.memory_space<hbm>> -> memref<2x768xf32, #tpu.memory_space<hbm>>
        %dma_wait3A_85 = arith.constant 0 : i32
        %dma_wait3A_86 = arith.constant 0 : i32
        %dma_wait3A_87 = tpu.memref_slice %arg4[%run_scoped3A, %dma_wait3A_85, %dma_wait3A_86] : memref<2x32x768xf32, #tpu.memory_space<vmem>> -> memref<1x2x768xf32, #tpu.memory_space<vmem>>
        %dma_wait3A_88 = tpu.memref_squeeze %dma_wait3A_87 : memref<1x2x768xf32, #tpu.memory_space<vmem>> -> memref<2x768xf32, #tpu.memory_space<vmem>>
        %dma_wait3A_89 = arith.constant 30520 : i32
        %dma_wait3A_90 = arith.constant 0 : i32
        %dma_wait3A_91 = tpu.memref_slice %arg2[%dma_wait3A_89, %dma_wait3A_90] : memref<30522x768xf32, #tpu.memory_space<hbm>> -> memref<2x768xf32, #tpu.memory_space<hbm>>
        tpu.wait_dma2 semaphore(%run_scoped3A_63 : memref<!tpu.dma_semaphore, #tpu.memory_space<semaphore_mem>>) src(%dma_wait3A_91 : memref<2x768xf32, #tpu.memory_space<hbm>>) dst(%dma_wait3A_88 : memref<2x768xf32, #tpu.memory_space<vmem>>)
        tpu.yield
      }) : () -> ()
      %scan3A_55 = arith.constant 0 : i32
      %scan3A_56 = arith.constant 0 : i32
      %scan3A_57 = arith.constant 2 : i32
      %scan3A_58 = arith.addi %scan3A_56, %scan3A_57 : i32
      %scan3A_59 = arith.constant 1 : i32
      %scan3A_60 = scf.for %scan3A_63 = %scan3A_56 to %scan3A_58 step %scan3A_59 iter_args(%scan3A_64 = %scan3A_55) -> (i32)  : i32 {
        %get3A = arith.constant 0 : i32
        %get3A_65 = arith.index_cast %get3A : i32 to index
        %get3A_66 = arith.index_cast %scan3A_63 : i32 to index
        %get3A_67 = arith.constant 0 : index
        %get3A_68 = tpu.vector_load %arg4[%get3A_65, %get3A_66, %get3A_67] {strides = array<i32>} : memref<2x32x768xf32, #tpu.memory_space<vmem>>, vector<16xf32>,
        %get3A_69 = arith.constant 0 : i32
        %get3A_70 = arith.index_cast %get3A_69 : i32 to index
        %get3A_71 = arith.index_cast %scan3A_63 : i32 to index
        %get3A_72 = arith.constant 16 : index
        %get3A_73 = tpu.vector_load %arg4[%get3A_70, %get3A_71, %get3A_72] {strides = array<i32>} : memref<2x32x768xf32, #tpu.memory_space<vmem>>, vector<16xf32>,
        %pack3A = tpu.pack_subelements %get3A_68, %get3A_73 {pack_format = #tpu.pack_format<interleaved>, positions = array<i32: 0, 1>} : vector<16xf32>, vector<16xf32> -> vector<32xbf16>
        %bitcast3A = vector.bitcast %pack3A : vector<32xbf16> to vector<16xi32>
        %swap3A = arith.constant 0 : i32
        %swap3A_74 = arith.index_cast %swap3A : i32 to index
        %swap3A_75 = arith.index_cast %scan3A_63 : i32 to index
        %swap3A_76 = arith.constant 0 : index
        %swap3A_77 = tpu.vector_load %arg5[%swap3A_74, %swap3A_75, %swap3A_76] {strides = array<i32>} : memref<2x32x384xi32, #tpu.memory_space<vmem>>, vector<16xi32>,
        tpu.vector_store %arg5[%swap3A_74, %swap3A_75, %swap3A_76], %bitcast3A {strides = array<i32>} : memref<2x32x384xi32, #tpu.memory_space<vmem>>, vector<16xi32>,
        %get3A_78 = arith.constant 0 : i32
        %get3A_79 = arith.index_cast %get3A_78 : i32 to index
        %get3A_80 = arith.index_cast %scan3A_63 : i32 to index
        %get3A_81 = arith.constant 32 : index
        %get3A_82 = tpu.vector_load %arg4[%get3A_79, %get3A_80, %get3A_81] {strides = array<i32>} : memref<2x32x768xf32, #tpu.memory_space<vmem>>, vector<16xf32>,
        %get3A_83 = arith.constant 0 : i32
        %get3A_84 = arith.index_cast %get3A_83 : i32 to index
        %get3A_85 = arith.index_cast %scan3A_63 : i32 to index
        %get3A_86 = arith.constant 48 : index
        %get3A_87 = tpu.vector_load %arg4[%get3A_84, %get3A_85, %get3A_86] {strides = array<i32>} : memref<2x32x768xf32, #tpu.memory_space<vmem>>, vector<16xf32>,
        %pack3A_88 = tpu.pack_subelements %get3A_82, %get3A_87 {pack_format = #tpu.pack_format<interleaved>, positions = array<i32: 0, 1>} : vector<16xf32>, vector<16xf32> -> vector<32xbf16>
        %bitcast3A_89 = vector.bitcast %pack3A_88 : vector<32xbf16> to vector<16xi32>
        %swap3A_90 = arith.constant 0 : i32
        %swap3A_91 = arith.index_cast %swap3A_90 : i32 to index
        %swap3A_92 = arith.index_cast %scan3A_63 : i32 to index
        %swap3A_93 = arith.constant 16 : index
        %swap3A_94 = tpu.vector_load %arg5[%swap3A_91, %swap3A_92, %swap3A_93] {strides = array<i32>} : memref<2x32x384xi32, #tpu.memory_space<vmem>>, vector<16xi32>,
        tpu.vector_store %arg5[%swap3A_91, %swap3A_92, %swap3A_93], %bitcast3A_89 {strides = array<i32>} : memref<2x32x384xi32, #tpu.memory_space<vmem>>, vector<16xi32>,
        %get3A_95 = arith.constant 0 : i32
        %get3A_96 = arith.index_cast %get3A_95 : i32 to index
        %get3A_97 = arith.index_cast %scan3A_63 : i32 to index
        %get3A_98 = arith.constant 64 : index
        %get3A_99 = tpu.vector_load %arg4[%get3A_96, %get3A_97, %get3A_98] {strides = array<i32>} : memref<2x32x768xf32, #tpu.memory_space<vmem>>, vector<16xf32>,
        %get3A_100 = arith.constant 0 : i32
        %get3A_101 = arith.index_cast %get3A_100 : i32 to index
        %get3A_102 = arith.index_cast %scan3A_63 : i32 to index
        %get3A_103 = arith.constant 80 : index
        %get3A_104 = tpu.vector_load %arg4[%get3A_101, %get3A_102, %get3A_103] {strides = array<i32>} : memref<2x32x768xf32, #tpu.memory_space<vmem>>, vector<16xf32>,
        %pack3A_105 = tpu.pack_subelements %get3A_99, %get3A_104 {pack_format = #tpu.pack_format<interleaved>, positions = array<i32: 0, 1>} : vector<16xf32>, vector<16xf32> -> vector<32xbf16>
        %bitcast3A_106 = vector.bitcast %pack3A_105 : vector<32xbf16> to vector<16xi32>
        %swap3A_107 = arith.constant 0 : i32
        %swap3A_108 = arith.index_cast %swap3A_107 : i32 to index
        %swap3A_109 = arith.index_cast %scan3A_63 : i32 to index
        %swap3A_110 = arith.constant 32 : index
        %swap3A_111 = tpu.vector_load %arg5[%swap3A_108, %swap3A_109, %swap3A_110] {strides = array<i32>} : memref<2x32x384xi32, #tpu.memory_space<vmem>>, vector<16xi32>,
        tpu.vector_store %arg5[%swap3A_108, %swap3A_109, %swap3A_110], %bitcast3A_106 {strides = array<i32>} : memref<2x32x384xi32, #tpu.memory_space<vmem>>, vector<16xi32>,
        %get3A_112 = arith.constant 0 : i32
        %get3A_113 = arith.index_cast %get3A_112 : i32 to index
        %get3A_114 = arith.index_cast %scan3A_63 : i32 to index
        %get3A_115 = arith.constant 96 : index
        %get3A_116 = tpu.vector_load %arg4[%get3A_113, %get3A_114, %get3A_115] {strides = array<i32>} : memref<2x32x768xf32, #tpu.memory_space<vmem>>, vector<16xf32>,
        %get3A_117 = arith.constant 0 : i32
        %get3A_118 = arith.index_cast %get3A_117 : i32 to index
        %get3A_119 = arith.index_cast %scan3A_63 : i32 to index
        %get3A_120 = arith.constant 112 : index
        %get3A_121 = tpu.vector_load %arg4[%get3A_118, %get3A_119, %get3A_120] {strides = array<i32>} : memref<2x32x768xf32, #tpu.memory_space<vmem>>, vector<16xf32>,
        %pack3A_122 = tpu.pack_subelements %get3A_116, %get3A_121 {pack_format = #tpu.pack_format<interleaved>, positions = array<i32: 0, 1>} : vector<16xf32>, vector<16xf32> -> vector<32xbf16>
        %bitcast3A_123 = vector.bitcast %pack3A_122 : vector<32xbf16> to vector<16xi32>
        %swap3A_124 = arith.constant 0 : i32
        %swap3A_125 = arith.index_cast %swap3A_124 : i32 to index
        %swap3A_126 = arith.index_cast %scan3A_63 : i32 to index
        %swap3A_127 = arith.constant 48 : index
        %swap3A_128 = tpu.vector_load %arg5[%swap3A_125, %swap3A_126, %swap3A_127] {strides = array<i32>} : memref<2x32x384xi32, #tpu.memory_space<vmem>>, vector<16xi32>,
        tpu.vector_store %arg5[%swap3A_125, %swap3A_126, %swap3A_127], %bitcast3A_123 {strides = array<i32>} : memref<2x32x384xi32, #tpu.memory_space<vmem>>, vector<16xi32>,
        %get3A_129 = arith.constant 0 : i32
        %get3A_130 = arith.index_cast %get3A_129 : i32 to index
        %get3A_131 = arith.index_cast %scan3A_63 : i32 to index
        %get3A_132 = arith.constant 128 : index
        %get3A_133 = tpu.vector_load %arg4[%get3A_130, %get3A_131, %get3A_132] {strides = array<i32>} : memref<2x32x768xf32, #tpu.memory_space<vmem>>, vector<16xf32>,
        %get3A_134 = arith.constant 0 : i32
        %get3A_135 = arith.index_cast %get3A_134 : i32 to index
        %get3A_136 = arith.index_cast %scan3A_63 : i32 to index
        %get3A_137 = arith.constant 144 : index
        %get3A_138 = tpu.vector_load %arg4[%get3A_135, %get3A_136, %get3A_137] {strides = array<i32>} : memref<2x32x768xf32, #tpu.memory_space<vmem>>, vector<16xf32>,
        %pack3A_139 = tpu.pack_subelements %get3A_133, %get3A_138 {pack_format = #tpu.pack_format<interleaved>, positions = array<i32: 0, 1>} : vector<16xf32>, vector<16xf32> -> vector<32xbf16>
        %bitcast3A_140 = vector.bitcast %pack3A_139 : vector<32xbf16> to vector<16xi32>
        %swap3A_141 = arith.constant 0 : i32
        %swap3A_142 = arith.index_cast %swap3A_141 : i32 to index
        %swap3A_143 = arith.index_cast %scan3A_63 : i32 to index
        %swap3A_144 = arith.constant 64 : index
        %swap3A_145 = tpu.vector_load %arg5[%swap3A_142, %swap3A_143, %swap3A_144] {strides = array<i32>} : memref<2x32x384xi32, #tpu.memory_space<vmem>>, vector<16xi32>,
        tpu.vector_store %arg5[%swap3A_142, %swap3A_143, %swap3A_144], %bitcast3A_140 {strides = array<i32>} : memref<2x32x384xi32, #tpu.memory_space<vmem>>, vector<16xi32>,
        %get3A_146 = arith.constant 0 : i32
        %get3A_147 = arith.index_cast %get3A_146 : i32 to index
        %get3A_148 = arith.index_cast %scan3A_63 : i32 to index
        %get3A_149 = arith.constant 160 : index
        %get3A_150 = tpu.vector_load %arg4[%get3A_147, %get3A_148, %get3A_149] {strides = array<i32>} : memref<2x32x768xf32, #tpu.memory_space<vmem>>, vector<16xf32>,
        %get3A_151 = arith.constant 0 : i32
        %get3A_152 = arith.index_cast %get3A_151 : i32 to index
        %get3A_153 = arith.index_cast %scan3A_63 : i32 to index
        %get3A_154 = arith.constant 176 : index
        %get3A_155 = tpu.vector_load %arg4[%get3A_152, %get3A_153, %get3A_154] {strides = array<i32>} : memref<2x32x768xf32, #tpu.memory_space<vmem>>, vector<16xf32>,
        %pack3A_156 = tpu.pack_subelements %get3A_150, %get3A_155 {pack_format = #tpu.pack_format<interleaved>, positions = array<i32: 0, 1>} : vector<16xf32>, vector<16xf32> -> vector<32xbf16>
        %bitcast3A_157 = vector.bitcast %pack3A_156 : vector<32xbf16> to vector<16xi32>
        %swap3A_158 = arith.constant 0 : i32
        %swap3A_159 = arith.index_cast %swap3A_158 : i32 to index
        %swap3A_160 = arith.index_cast %scan3A_63 : i32 to index
        %swap3A_161 = arith.constant 80 : index
        %swap3A_162 = tpu.vector_load %arg5[%swap3A_159, %swap3A_160, %swap3A_161] {strides = array<i32>} : memref<2x32x384xi32, #tpu.memory_space<vmem>>, vector<16xi32>,
        tpu.vector_store %arg5[%swap3A_159, %swap3A_160, %swap3A_161], %bitcast3A_157 {strides = array<i32>} : memref<2x32x384xi32, #tpu.memory_space<vmem>>, vector<16xi32>,
        %get3A_163 = arith.constant 0 : i32
        %get3A_164 = arith.index_cast %get3A_163 : i32 to index
        %get3A_165 = arith.index_cast %scan3A_63 : i32 to index
        %get3A_166 = arith.constant 192 : index
        %get3A_167 = tpu.vector_load %arg4[%get3A_164, %get3A_165, %get3A_166] {strides = array<i32>} : memref<2x32x768xf32, #tpu.memory_space<vmem>>, vector<16xf32>,
        %get3A_168 = arith.constant 0 : i32
        %get3A_169 = arith.index_cast %get3A_168 : i32 to index
        %get3A_170 = arith.index_cast %scan3A_63 : i32 to index
        %get3A_171 = arith.constant 208 : index
        %get3A_172 = tpu.vector_load %arg4[%get3A_169, %get3A_170, %get3A_171] {strides = array<i32>} : memref<2x32x768xf32, #tpu.memory_space<vmem>>, vector<16xf32>,
        %pack3A_173 = tpu.pack_subelements %get3A_167, %get3A_172 {pack_format = #tpu.pack_format<interleaved>, positions = array<i32: 0, 1>} : vector<16xf32>, vector<16xf32> -> vector<32xbf16>
        %bitcast3A_174 = vector.bitcast %pack3A_173 : vector<32xbf16> to vector<16xi32>
        %swap3A_175 = arith.constant 0 : i32
        %swap3A_176 = arith.index_cast %swap3A_175 : i32 to index
        %swap3A_177 = arith.index_cast %scan3A_63 : i32 to index
        %swap3A_178 = arith.constant 96 : index
        %swap3A_179 = tpu.vector_load %arg5[%swap3A_176, %swap3A_177, %swap3A_178] {strides = array<i32>} : memref<2x32x384xi32, #tpu.memory_space<vmem>>, vector<16xi32>,
        tpu.vector_store %arg5[%swap3A_176, %swap3A_177, %swap3A_178], %bitcast3A_174 {strides = array<i32>} : memref<2x32x384xi32, #tpu.memory_space<vmem>>, vector<16xi32>,
        %get3A_180 = arith.constant 0 : i32
        %get3A_181 = arith.index_cast %get3A_180 : i32 to index
        %get3A_182 = arith.index_cast %scan3A_63 : i32 to index
        %get3A_183 = arith.constant 224 : index
        %get3A_184 = tpu.vector_load %arg4[%get3A_181, %get3A_182, %get3A_183] {strides = array<i32>} : memref<2x32x768xf32, #tpu.memory_space<vmem>>, vector<16xf32>,
        %get3A_185 = arith.constant 0 : i32
        %get3A_186 = arith.index_cast %get3A_185 : i32 to index
        %get3A_187 = arith.index_cast %scan3A_63 : i32 to index
        %get3A_188 = arith.constant 240 : index
        %get3A_189 = tpu.vector_load %arg4[%get3A_186, %get3A_187, %get3A_188] {strides = array<i32>} : memref<2x32x768xf32, #tpu.memory_space<vmem>>, vector<16xf32>,
        %pack3A_190 = tpu.pack_subelements %get3A_184, %get3A_189 {pack_format = #tpu.pack_format<interleaved>, positions = array<i32: 0, 1>} : vector<16xf32>, vector<16xf32> -> vector<32xbf16>
        %bitcast3A_191 = vector.bitcast %pack3A_190 : vector<32xbf16> to vector<16xi32>
        %swap3A_192 = arith.constant 0 : i32
        %swap3A_193 = arith.index_cast %swap3A_192 : i32 to index
        %swap3A_194 = arith.index_cast %scan3A_63 : i32 to index
        %swap3A_195 = arith.constant 112 : index
        %swap3A_196 = tpu.vector_load %arg5[%swap3A_193, %swap3A_194, %swap3A_195] {strides = array<i32>} : memref<2x32x384xi32, #tpu.memory_space<vmem>>, vector<16xi32>,
        tpu.vector_store %arg5[%swap3A_193, %swap3A_194, %swap3A_195], %bitcast3A_191 {strides = array<i32>} : memref<2x32x384xi32, #tpu.memory_space<vmem>>, vector<16xi32>,
        %get3A_197 = arith.constant 0 : i32
        %get3A_198 = arith.index_cast %get3A_197 : i32 to index
        %get3A_199 = arith.index_cast %scan3A_63 : i32 to index
        %get3A_200 = arith.constant 256 : index
        %get3A_201 = tpu.vector_load %arg4[%get3A_198, %get3A_199, %get3A_200] {strides = array<i32>} : memref<2x32x768xf32, #tpu.memory_space<vmem>>, vector<16xf32>,
        %get3A_202 = arith.constant 0 : i32
        %get3A_203 = arith.index_cast %get3A_202 : i32 to index
        %get3A_204 = arith.index_cast %scan3A_63 : i32 to index
        %get3A_205 = arith.constant 272 : index
        %get3A_206 = tpu.vector_load %arg4[%get3A_203, %get3A_204, %get3A_205] {strides = array<i32>} : memref<2x32x768xf32, #tpu.memory_space<vmem>>, vector<16xf32>,
        %pack3A_207 = tpu.pack_subelements %get3A_201, %get3A_206 {pack_format = #tpu.pack_format<interleaved>, positions = array<i32: 0, 1>} : vector<16xf32>, vector<16xf32> -> vector<32xbf16>
        %bitcast3A_208 = vector.bitcast %pack3A_207 : vector<32xbf16> to vector<16xi32>
        %swap3A_209 = arith.constant 0 : i32
        %swap3A_210 = arith.index_cast %swap3A_209 : i32 to index
        %swap3A_211 = arith.index_cast %scan3A_63 : i32 to index
        %swap3A_212 = arith.constant 128 : index
        %swap3A_213 = tpu.vector_load %arg5[%swap3A_210, %swap3A_211, %swap3A_212] {strides = array<i32>} : memref<2x32x384xi32, #tpu.memory_space<vmem>>, vector<16xi32>,
        tpu.vector_store %arg5[%swap3A_210, %swap3A_211, %swap3A_212], %bitcast3A_208 {strides = array<i32>} : memref<2x32x384xi32, #tpu.memory_space<vmem>>, vector<16xi32>,
        %get3A_214 = arith.constant 0 : i32
        %get3A_215 = arith.index_cast %get3A_214 : i32 to index
        %get3A_216 = arith.index_cast %scan3A_63 : i32 to index
        %get3A_217 = arith.constant 288 : index
        %get3A_218 = tpu.vector_load %arg4[%get3A_215, %get3A_216, %get3A_217] {strides = array<i32>} : memref<2x32x768xf32, #tpu.memory_space<vmem>>, vector<16xf32>,
        %get3A_219 = arith.constant 0 : i32
        %get3A_220 = arith.index_cast %get3A_219 : i32 to index
        %get3A_221 = arith.index_cast %scan3A_63 : i32 to index
        %get3A_222 = arith.constant 304 : index
        %get3A_223 = tpu.vector_load %arg4[%get3A_220, %get3A_221, %get3A_222] {strides = array<i32>} : memref<2x32x768xf32, #tpu.memory_space<vmem>>, vector<16xf32>,
        %pack3A_224 = tpu.pack_subelements %get3A_218, %get3A_223 {pack_format = #tpu.pack_format<interleaved>, positions = array<i32: 0, 1>} : vector<16xf32>, vector<16xf32> -> vector<32xbf16>
        %bitcast3A_225 = vector.bitcast %pack3A_224 : vector<32xbf16> to vector<16xi32>
        %swap3A_226 = arith.constant 0 : i32
        %swap3A_227 = arith.index_cast %swap3A_226 : i32 to index
        %swap3A_228 = arith.index_cast %scan3A_63 : i32 to index
        %swap3A_229 = arith.constant 144 : index
        %swap3A_230 = tpu.vector_load %arg5[%swap3A_227, %swap3A_228, %swap3A_229] {strides = array<i32>} : memref<2x32x384xi32, #tpu.memory_space<vmem>>, vector<16xi32>,
        tpu.vector_store %arg5[%swap3A_227, %swap3A_228, %swap3A_229], %bitcast3A_225 {strides = array<i32>} : memref<2x32x384xi32, #tpu.memory_space<vmem>>, vector<16xi32>,
        %get3A_231 = arith.constant 0 : i32
        %get3A_232 = arith.index_cast %get3A_231 : i32 to index
        %get3A_233 = arith.index_cast %scan3A_63 : i32 to index
        %get3A_234 = arith.constant 320 : index
        %get3A_235 = tpu.vector_load %arg4[%get3A_232, %get3A_233, %get3A_234] {strides = array<i32>} : memref<2x32x768xf32, #tpu.memory_space<vmem>>, vector<16xf32>,
        %get3A_236 = arith.constant 0 : i32
        %get3A_237 = arith.index_cast %get3A_236 : i32 to index
        %get3A_238 = arith.index_cast %scan3A_63 : i32 to index
        %get3A_239 = arith.constant 336 : index
        %get3A_240 = tpu.vector_load %arg4[%get3A_237, %get3A_238, %get3A_239] {strides = array<i32>} : memref<2x32x768xf32, #tpu.memory_space<vmem>>, vector<16xf32>,
        %pack3A_241 = tpu.pack_subelements %get3A_235, %get3A_240 {pack_format = #tpu.pack_format<interleaved>, positions = array<i32: 0, 1>} : vector<16xf32>, vector<16xf32> -> vector<32xbf16>
        %bitcast3A_242 = vector.bitcast %pack3A_241 : vector<32xbf16> to vector<16xi32>
        %swap3A_243 = arith.constant 0 : i32
        %swap3A_244 = arith.index_cast %swap3A_243 : i32 to index
        %swap3A_245 = arith.index_cast %scan3A_63 : i32 to index
        %swap3A_246 = arith.constant 160 : index
        %swap3A_247 = tpu.vector_load %arg5[%swap3A_244, %swap3A_245, %swap3A_246] {strides = array<i32>} : memref<2x32x384xi32, #tpu.memory_space<vmem>>, vector<16xi32>,
        tpu.vector_store %arg5[%swap3A_244, %swap3A_245, %swap3A_246], %bitcast3A_242 {strides = array<i32>} : memref<2x32x384xi32, #tpu.memory_space<vmem>>, vector<16xi32>,
        %get3A_248 = arith.constant 0 : i32
        %get3A_249 = arith.index_cast %get3A_248 : i32 to index
        %get3A_250 = arith.index_cast %scan3A_63 : i32 to index
        %get3A_251 = arith.constant 352 : index
        %get3A_252 = tpu.vector_load %arg4[%get3A_249, %get3A_250, %get3A_251] {strides = array<i32>} : memref<2x32x768xf32, #tpu.memory_space<vmem>>, vector<16xf32>,
        %get3A_253 = arith.constant 0 : i32
        %get3A_254 = arith.index_cast %get3A_253 : i32 to index
        %get3A_255 = arith.index_cast %scan3A_63 : i32 to index
        %get3A_256 = arith.constant 368 : index
        %get3A_257 = tpu.vector_load %arg4[%get3A_254, %get3A_255, %get3A_256] {strides = array<i32>} : memref<2x32x768xf32, #tpu.memory_space<vmem>>, vector<16xf32>,
        %pack3A_258 = tpu.pack_subelements %get3A_252, %get3A_257 {pack_format = #tpu.pack_format<interleaved>, positions = array<i32: 0, 1>} : vector<16xf32>, vector<16xf32> -> vector<32xbf16>
        %bitcast3A_259 = vector.bitcast %pack3A_258 : vector<32xbf16> to vector<16xi32>
        %swap3A_260 = arith.constant 0 : i32
        %swap3A_261 = arith.index_cast %swap3A_260 : i32 to index
        %swap3A_262 = arith.index_cast %scan3A_63 : i32 to index
        %swap3A_263 = arith.constant 176 : index
        %swap3A_264 = tpu.vector_load %arg5[%swap3A_261, %swap3A_262, %swap3A_263] {strides = array<i32>} : memref<2x32x384xi32, #tpu.memory_space<vmem>>, vector<16xi32>,
        tpu.vector_store %arg5[%swap3A_261, %swap3A_262, %swap3A_263], %bitcast3A_259 {strides = array<i32>} : memref<2x32x384xi32, #tpu.memory_space<vmem>>, vector<16xi32>,
        %get3A_265 = arith.constant 0 : i32
        %get3A_266 = arith.index_cast %get3A_265 : i32 to index
        %get3A_267 = arith.index_cast %scan3A_63 : i32 to index
        %get3A_268 = arith.constant 384 : index
        %get3A_269 = tpu.vector_load %arg4[%get3A_266, %get3A_267, %get3A_268] {strides = array<i32>} : memref<2x32x768xf32, #tpu.memory_space<vmem>>, vector<16xf32>,
        %get3A_270 = arith.constant 0 : i32
        %get3A_271 = arith.index_cast %get3A_270 : i32 to index
        %get3A_272 = arith.index_cast %scan3A_63 : i32 to index
        %get3A_273 = arith.constant 400 : index
        %get3A_274 = tpu.vector_load %arg4[%get3A_271, %get3A_272, %get3A_273] {strides = array<i32>} : memref<2x32x768xf32, #tpu.memory_space<vmem>>, vector<16xf32>,
        %pack3A_275 = tpu.pack_subelements %get3A_269, %get3A_274 {pack_format = #tpu.pack_format<interleaved>, positions = array<i32: 0, 1>} : vector<16xf32>, vector<16xf32> -> vector<32xbf16>
        %bitcast3A_276 = vector.bitcast %pack3A_275 : vector<32xbf16> to vector<16xi32>
        %swap3A_277 = arith.constant 0 : i32
        %swap3A_278 = arith.index_cast %swap3A_277 : i32 to index
        %swap3A_279 = arith.index_cast %scan3A_63 : i32 to index
        %swap3A_280 = arith.constant 192 : index
        %swap3A_281 = tpu.vector_load %arg5[%swap3A_278, %swap3A_279, %swap3A_280] {strides = array<i32>} : memref<2x32x384xi32, #tpu.memory_space<vmem>>, vector<16xi32>,
        tpu.vector_store %arg5[%swap3A_278, %swap3A_279, %swap3A_280], %bitcast3A_276 {strides = array<i32>} : memref<2x32x384xi32, #tpu.memory_space<vmem>>, vector<16xi32>,
        %get3A_282 = arith.constant 0 : i32
        %get3A_283 = arith.index_cast %get3A_282 : i32 to index
        %get3A_284 = arith.index_cast %scan3A_63 : i32 to index
        %get3A_285 = arith.constant 416 : index
        %get3A_286 = tpu.vector_load %arg4[%get3A_283, %get3A_284, %get3A_285] {strides = array<i32>} : memref<2x32x768xf32, #tpu.memory_space<vmem>>, vector<16xf32>,
        %get3A_287 = arith.constant 0 : i32
        %get3A_288 = arith.index_cast %get3A_287 : i32 to index
        %get3A_289 = arith.index_cast %scan3A_63 : i32 to index
        %get3A_290 = arith.constant 432 : index
        %get3A_291 = tpu.vector_load %arg4[%get3A_288, %get3A_289, %get3A_290] {strides = array<i32>} : memref<2x32x768xf32, #tpu.memory_space<vmem>>, vector<16xf32>,
        %pack3A_292 = tpu.pack_subelements %get3A_286, %get3A_291 {pack_format = #tpu.pack_format<interleaved>, positions = array<i32: 0, 1>} : vector<16xf32>, vector<16xf32> -> vector<32xbf16>
        %bitcast3A_293 = vector.bitcast %pack3A_292 : vector<32xbf16> to vector<16xi32>
        %swap3A_294 = arith.constant 0 : i32
        %swap3A_295 = arith.index_cast %swap3A_294 : i32 to index
        %swap3A_296 = arith.index_cast %scan3A_63 : i32 to index
        %swap3A_297 = arith.constant 208 : index
        %swap3A_298 = tpu.vector_load %arg5[%swap3A_295, %swap3A_296, %swap3A_297] {strides = array<i32>} : memref<2x32x384xi32, #tpu.memory_space<vmem>>, vector<16xi32>,
        tpu.vector_store %arg5[%swap3A_295, %swap3A_296, %swap3A_297], %bitcast3A_293 {strides = array<i32>} : memref<2x32x384xi32, #tpu.memory_space<vmem>>, vector<16xi32>,
        %get3A_299 = arith.constant 0 : i32
        %get3A_300 = arith.index_cast %get3A_299 : i32 to index
        %get3A_301 = arith.index_cast %scan3A_63 : i32 to index
        %get3A_302 = arith.constant 448 : index
        %get3A_303 = tpu.vector_load %arg4[%get3A_300, %get3A_301, %get3A_302] {strides = array<i32>} : memref<2x32x768xf32, #tpu.memory_space<vmem>>, vector<16xf32>,
        %get3A_304 = arith.constant 0 : i32
        %get3A_305 = arith.index_cast %get3A_304 : i32 to index
        %get3A_306 = arith.index_cast %scan3A_63 : i32 to index
        %get3A_307 = arith.constant 464 : index
        %get3A_308 = tpu.vector_load %arg4[%get3A_305, %get3A_306, %get3A_307] {strides = array<i32>} : memref<2x32x768xf32, #tpu.memory_space<vmem>>, vector<16xf32>,
        %pack3A_309 = tpu.pack_subelements %get3A_303, %get3A_308 {pack_format = #tpu.pack_format<interleaved>, positions = array<i32: 0, 1>} : vector<16xf32>, vector<16xf32> -> vector<32xbf16>
        %bitcast3A_310 = vector.bitcast %pack3A_309 : vector<32xbf16> to vector<16xi32>
        %swap3A_311 = arith.constant 0 : i32
        %swap3A_312 = arith.index_cast %swap3A_311 : i32 to index
        %swap3A_313 = arith.index_cast %scan3A_63 : i32 to index
        %swap3A_314 = arith.constant 224 : index
        %swap3A_315 = tpu.vector_load %arg5[%swap3A_312, %swap3A_313, %swap3A_314] {strides = array<i32>} : memref<2x32x384xi32, #tpu.memory_space<vmem>>, vector<16xi32>,
        tpu.vector_store %arg5[%swap3A_312, %swap3A_313, %swap3A_314], %bitcast3A_310 {strides = array<i32>} : memref<2x32x384xi32, #tpu.memory_space<vmem>>, vector<16xi32>,
        %get3A_316 = arith.constant 0 : i32
        %get3A_317 = arith.index_cast %get3A_316 : i32 to index
        %get3A_318 = arith.index_cast %scan3A_63 : i32 to index
        %get3A_319 = arith.constant 480 : index
        %get3A_320 = tpu.vector_load %arg4[%get3A_317, %get3A_318, %get3A_319] {strides = array<i32>} : memref<2x32x768xf32, #tpu.memory_space<vmem>>, vector<16xf32>,
        %get3A_321 = arith.constant 0 : i32
        %get3A_322 = arith.index_cast %get3A_321 : i32 to index
        %get3A_323 = arith.index_cast %scan3A_63 : i32 to index
        %get3A_324 = arith.constant 496 : index
        %get3A_325 = tpu.vector_load %arg4[%get3A_322, %get3A_323, %get3A_324] {strides = array<i32>} : memref<2x32x768xf32, #tpu.memory_space<vmem>>, vector<16xf32>,
        %pack3A_326 = tpu.pack_subelements %get3A_320, %get3A_325 {pack_format = #tpu.pack_format<interleaved>, positions = array<i32: 0, 1>} : vector<16xf32>, vector<16xf32> -> vector<32xbf16>
        %bitcast3A_327 = vector.bitcast %pack3A_326 : vector<32xbf16> to vector<16xi32>
        %swap3A_328 = arith.constant 0 : i32
        %swap3A_329 = arith.index_cast %swap3A_328 : i32 to index
        %swap3A_330 = arith.index_cast %scan3A_63 : i32 to index
        %swap3A_331 = arith.constant 240 : index
        %swap3A_332 = tpu.vector_load %arg5[%swap3A_329, %swap3A_330, %swap3A_331] {strides = array<i32>} : memref<2x32x384xi32, #tpu.memory_space<vmem>>, vector<16xi32>,
        tpu.vector_store %arg5[%swap3A_329, %swap3A_330, %swap3A_331], %bitcast3A_327 {strides = array<i32>} : memref<2x32x384xi32, #tpu.memory_space<vmem>>, vector<16xi32>,
        %get3A_333 = arith.constant 0 : i32
        %get3A_334 = arith.index_cast %get3A_333 : i32 to index
        %get3A_335 = arith.index_cast %scan3A_63 : i32 to index
        %get3A_336 = arith.constant 512 : index
        %get3A_337 = tpu.vector_load %arg4[%get3A_334, %get3A_335, %get3A_336] {strides = array<i32>} : memref<2x32x768xf32, #tpu.memory_space<vmem>>, vector<16xf32>,
        %get3A_338 = arith.constant 0 : i32
        %get3A_339 = arith.index_cast %get3A_338 : i32 to index
        %get3A_340 = arith.index_cast %scan3A_63 : i32 to index
        %get3A_341 = arith.constant 528 : index
        %get3A_342 = tpu.vector_load %arg4[%get3A_339, %get3A_340, %get3A_341] {strides = array<i32>} : memref<2x32x768xf32, #tpu.memory_space<vmem>>, vector<16xf32>,
        %pack3A_343 = tpu.pack_subelements %get3A_337, %get3A_342 {pack_format = #tpu.pack_format<interleaved>, positions = array<i32: 0, 1>} : vector<16xf32>, vector<16xf32> -> vector<32xbf16>
        %bitcast3A_344 = vector.bitcast %pack3A_343 : vector<32xbf16> to vector<16xi32>
        %swap3A_345 = arith.constant 0 : i32
        %swap3A_346 = arith.index_cast %swap3A_345 : i32 to index
        %swap3A_347 = arith.index_cast %scan3A_63 : i32 to index
        %swap3A_348 = arith.constant 256 : index
        %swap3A_349 = tpu.vector_load %arg5[%swap3A_346, %swap3A_347, %swap3A_348] {strides = array<i32>} : memref<2x32x384xi32, #tpu.memory_space<vmem>>, vector<16xi32>,
        tpu.vector_store %arg5[%swap3A_346, %swap3A_347, %swap3A_348], %bitcast3A_344 {strides = array<i32>} : memref<2x32x384xi32, #tpu.memory_space<vmem>>, vector<16xi32>,
        %get3A_350 = arith.constant 0 : i32
        %get3A_351 = arith.index_cast %get3A_350 : i32 to index
        %get3A_352 = arith.index_cast %scan3A_63 : i32 to index
        %get3A_353 = arith.constant 544 : index
        %get3A_354 = tpu.vector_load %arg4[%get3A_351, %get3A_352, %get3A_353] {strides = array<i32>} : memref<2x32x768xf32, #tpu.memory_space<vmem>>, vector<16xf32>,
        %get3A_355 = arith.constant 0 : i32
        %get3A_356 = arith.index_cast %get3A_355 : i32 to index
        %get3A_357 = arith.index_cast %scan3A_63 : i32 to index
        %get3A_358 = arith.constant 560 : index
        %get3A_359 = tpu.vector_load %arg4[%get3A_356, %get3A_357, %get3A_358] {strides = array<i32>} : memref<2x32x768xf32, #tpu.memory_space<vmem>>, vector<16xf32>,
        %pack3A_360 = tpu.pack_subelements %get3A_354, %get3A_359 {pack_format = #tpu.pack_format<interleaved>, positions = array<i32: 0, 1>} : vector<16xf32>, vector<16xf32> -> vector<32xbf16>
        %bitcast3A_361 = vector.bitcast %pack3A_360 : vector<32xbf16> to vector<16xi32>
        %swap3A_362 = arith.constant 0 : i32
        %swap3A_363 = arith.index_cast %swap3A_362 : i32 to index
        %swap3A_364 = arith.index_cast %scan3A_63 : i32 to index
        %swap3A_365 = arith.constant 272 : index
        %swap3A_366 = tpu.vector_load %arg5[%swap3A_363, %swap3A_364, %swap3A_365] {strides = array<i32>} : memref<2x32x384xi32, #tpu.memory_space<vmem>>, vector<16xi32>,
        tpu.vector_store %arg5[%swap3A_363, %swap3A_364, %swap3A_365], %bitcast3A_361 {strides = array<i32>} : memref<2x32x384xi32, #tpu.memory_space<vmem>>, vector<16xi32>,
        %get3A_367 = arith.constant 0 : i32
        %get3A_368 = arith.index_cast %get3A_367 : i32 to index
        %get3A_369 = arith.index_cast %scan3A_63 : i32 to index
        %get3A_370 = arith.constant 576 : index
        %get3A_371 = tpu.vector_load %arg4[%get3A_368, %get3A_369, %get3A_370] {strides = array<i32>} : memref<2x32x768xf32, #tpu.memory_space<vmem>>, vector<16xf32>,
        %get3A_372 = arith.constant 0 : i32
        %get3A_373 = arith.index_cast %get3A_372 : i32 to index
        %get3A_374 = arith.index_cast %scan3A_63 : i32 to index
        %get3A_375 = arith.constant 592 : index
        %get3A_376 = tpu.vector_load %arg4[%get3A_373, %get3A_374, %get3A_375] {strides = array<i32>} : memref<2x32x768xf32, #tpu.memory_space<vmem>>, vector<16xf32>,
        %pack3A_377 = tpu.pack_subelements %get3A_371, %get3A_376 {pack_format = #tpu.pack_format<interleaved>, positions = array<i32: 0, 1>} : vector<16xf32>, vector<16xf32> -> vector<32xbf16>
        %bitcast3A_378 = vector.bitcast %pack3A_377 : vector<32xbf16> to vector<16xi32>
        %swap3A_379 = arith.constant 0 : i32
        %swap3A_380 = arith.index_cast %swap3A_379 : i32 to index
        %swap3A_381 = arith.index_cast %scan3A_63 : i32 to index
        %swap3A_382 = arith.constant 288 : index
        %swap3A_383 = tpu.vector_load %arg5[%swap3A_380, %swap3A_381, %swap3A_382] {strides = array<i32>} : memref<2x32x384xi32, #tpu.memory_space<vmem>>, vector<16xi32>,
        tpu.vector_store %arg5[%swap3A_380, %swap3A_381, %swap3A_382], %bitcast3A_378 {strides = array<i32>} : memref<2x32x384xi32, #tpu.memory_space<vmem>>, vector<16xi32>,
        %get3A_384 = arith.constant 0 : i32
        %get3A_385 = arith.index_cast %get3A_384 : i32 to index
        %get3A_386 = arith.index_cast %scan3A_63 : i32 to index
        %get3A_387 = arith.constant 608 : index
        %get3A_388 = tpu.vector_load %arg4[%get3A_385, %get3A_386, %get3A_387] {strides = array<i32>} : memref<2x32x768xf32, #tpu.memory_space<vmem>>, vector<16xf32>,
        %get3A_389 = arith.constant 0 : i32
        %get3A_390 = arith.index_cast %get3A_389 : i32 to index
        %get3A_391 = arith.index_cast %scan3A_63 : i32 to index
        %get3A_392 = arith.constant 624 : index
        %get3A_393 = tpu.vector_load %arg4[%get3A_390, %get3A_391, %get3A_392] {strides = array<i32>} : memref<2x32x768xf32, #tpu.memory_space<vmem>>, vector<16xf32>,
        %pack3A_394 = tpu.pack_subelements %get3A_388, %get3A_393 {pack_format = #tpu.pack_format<interleaved>, positions = array<i32: 0, 1>} : vector<16xf32>, vector<16xf32> -> vector<32xbf16>
        %bitcast3A_395 = vector.bitcast %pack3A_394 : vector<32xbf16> to vector<16xi32>
        %swap3A_396 = arith.constant 0 : i32
        %swap3A_397 = arith.index_cast %swap3A_396 : i32 to index
        %swap3A_398 = arith.index_cast %scan3A_63 : i32 to index
        %swap3A_399 = arith.constant 304 : index
        %swap3A_400 = tpu.vector_load %arg5[%swap3A_397, %swap3A_398, %swap3A_399] {strides = array<i32>} : memref<2x32x384xi32, #tpu.memory_space<vmem>>, vector<16xi32>,
        tpu.vector_store %arg5[%swap3A_397, %swap3A_398, %swap3A_399], %bitcast3A_395 {strides = array<i32>} : memref<2x32x384xi32, #tpu.memory_space<vmem>>, vector<16xi32>,
        %get3A_401 = arith.constant 0 : i32
        %get3A_402 = arith.index_cast %get3A_401 : i32 to index
        %get3A_403 = arith.index_cast %scan3A_63 : i32 to index
        %get3A_404 = arith.constant 640 : index
        %get3A_405 = tpu.vector_load %arg4[%get3A_402, %get3A_403, %get3A_404] {strides = array<i32>} : memref<2x32x768xf32, #tpu.memory_space<vmem>>, vector<16xf32>,
        %get3A_406 = arith.constant 0 : i32
        %get3A_407 = arith.index_cast %get3A_406 : i32 to index
        %get3A_408 = arith.index_cast %scan3A_63 : i32 to index
        %get3A_409 = arith.constant 656 : index
        %get3A_410 = tpu.vector_load %arg4[%get3A_407, %get3A_408, %get3A_409] {strides = array<i32>} : memref<2x32x768xf32, #tpu.memory_space<vmem>>, vector<16xf32>,
        %pack3A_411 = tpu.pack_subelements %get3A_405, %get3A_410 {pack_format = #tpu.pack_format<interleaved>, positions = array<i32: 0, 1>} : vector<16xf32>, vector<16xf32> -> vector<32xbf16>
        %bitcast3A_412 = vector.bitcast %pack3A_411 : vector<32xbf16> to vector<16xi32>
        %swap3A_413 = arith.constant 0 : i32
        %swap3A_414 = arith.index_cast %swap3A_413 : i32 to index
        %swap3A_415 = arith.index_cast %scan3A_63 : i32 to index
        %swap3A_416 = arith.constant 320 : index
        %swap3A_417 = tpu.vector_load %arg5[%swap3A_414, %swap3A_415, %swap3A_416] {strides = array<i32>} : memref<2x32x384xi32, #tpu.memory_space<vmem>>, vector<16xi32>,
        tpu.vector_store %arg5[%swap3A_414, %swap3A_415, %swap3A_416], %bitcast3A_412 {strides = array<i32>} : memref<2x32x384xi32, #tpu.memory_space<vmem>>, vector<16xi32>,
        %get3A_418 = arith.constant 0 : i32
        %get3A_419 = arith.index_cast %get3A_418 : i32 to index
        %get3A_420 = arith.index_cast %scan3A_63 : i32 to index
        %get3A_421 = arith.constant 672 : index
        %get3A_422 = tpu.vector_load %arg4[%get3A_419, %get3A_420, %get3A_421] {strides = array<i32>} : memref<2x32x768xf32, #tpu.memory_space<vmem>>, vector<16xf32>,
        %get3A_423 = arith.constant 0 : i32
        %get3A_424 = arith.index_cast %get3A_423 : i32 to index
        %get3A_425 = arith.index_cast %scan3A_63 : i32 to index
        %get3A_426 = arith.constant 688 : index
        %get3A_427 = tpu.vector_load %arg4[%get3A_424, %get3A_425, %get3A_426] {strides = array<i32>} : memref<2x32x768xf32, #tpu.memory_space<vmem>>, vector<16xf32>,
        %pack3A_428 = tpu.pack_subelements %get3A_422, %get3A_427 {pack_format = #tpu.pack_format<interleaved>, positions = array<i32: 0, 1>} : vector<16xf32>, vector<16xf32> -> vector<32xbf16>
        %bitcast3A_429 = vector.bitcast %pack3A_428 : vector<32xbf16> to vector<16xi32>
        %swap3A_430 = arith.constant 0 : i32
        %swap3A_431 = arith.index_cast %swap3A_430 : i32 to index
        %swap3A_432 = arith.index_cast %scan3A_63 : i32 to index
        %swap3A_433 = arith.constant 336 : index
        %swap3A_434 = tpu.vector_load %arg5[%swap3A_431, %swap3A_432, %swap3A_433] {strides = array<i32>} : memref<2x32x384xi32, #tpu.memory_space<vmem>>, vector<16xi32>,
        tpu.vector_store %arg5[%swap3A_431, %swap3A_432, %swap3A_433], %bitcast3A_429 {strides = array<i32>} : memref<2x32x384xi32, #tpu.memory_space<vmem>>, vector<16xi32>,
        %get3A_435 = arith.constant 0 : i32
        %get3A_436 = arith.index_cast %get3A_435 : i32 to index
        %get3A_437 = arith.index_cast %scan3A_63 : i32 to index
        %get3A_438 = arith.constant 704 : index
        %get3A_439 = tpu.vector_load %arg4[%get3A_436, %get3A_437, %get3A_438] {strides = array<i32>} : memref<2x32x768xf32, #tpu.memory_space<vmem>>, vector<16xf32>,
        %get3A_440 = arith.constant 0 : i32
        %get3A_441 = arith.index_cast %get3A_440 : i32 to index
        %get3A_442 = arith.index_cast %scan3A_63 : i32 to index
        %get3A_443 = arith.constant 720 : index
        %get3A_444 = tpu.vector_load %arg4[%get3A_441, %get3A_442, %get3A_443] {strides = array<i32>} : memref<2x32x768xf32, #tpu.memory_space<vmem>>, vector<16xf32>,
        %pack3A_445 = tpu.pack_subelements %get3A_439, %get3A_444 {pack_format = #tpu.pack_format<interleaved>, positions = array<i32: 0, 1>} : vector<16xf32>, vector<16xf32> -> vector<32xbf16>
        %bitcast3A_446 = vector.bitcast %pack3A_445 : vector<32xbf16> to vector<16xi32>
        %swap3A_447 = arith.constant 0 : i32
        %swap3A_448 = arith.index_cast %swap3A_447 : i32 to index
        %swap3A_449 = arith.index_cast %scan3A_63 : i32 to index
        %swap3A_450 = arith.constant 352 : index
        %swap3A_451 = tpu.vector_load %arg5[%swap3A_448, %swap3A_449, %swap3A_450] {strides = array<i32>} : memref<2x32x384xi32, #tpu.memory_space<vmem>>, vector<16xi32>,
        tpu.vector_store %arg5[%swap3A_448, %swap3A_449, %swap3A_450], %bitcast3A_446 {strides = array<i32>} : memref<2x32x384xi32, #tpu.memory_space<vmem>>, vector<16xi32>,
        %get3A_452 = arith.constant 0 : i32
        %get3A_453 = arith.index_cast %get3A_452 : i32 to index
        %get3A_454 = arith.index_cast %scan3A_63 : i32 to index
        %get3A_455 = arith.constant 736 : index
        %get3A_456 = tpu.vector_load %arg4[%get3A_453, %get3A_454, %get3A_455] {strides = array<i32>} : memref<2x32x768xf32, #tpu.memory_space<vmem>>, vector<16xf32>,
        %get3A_457 = arith.constant 0 : i32
        %get3A_458 = arith.index_cast %get3A_457 : i32 to index
        %get3A_459 = arith.index_cast %scan3A_63 : i32 to index
        %get3A_460 = arith.constant 752 : index
        %get3A_461 = tpu.vector_load %arg4[%get3A_458, %get3A_459, %get3A_460] {strides = array<i32>} : memref<2x32x768xf32, #tpu.memory_space<vmem>>, vector<16xf32>,
        %pack3A_462 = tpu.pack_subelements %get3A_456, %get3A_461 {pack_format = #tpu.pack_format<interleaved>, positions = array<i32: 0, 1>} : vector<16xf32>, vector<16xf32> -> vector<32xbf16>
        %bitcast3A_463 = vector.bitcast %pack3A_462 : vector<32xbf16> to vector<16xi32>
        %swap3A_464 = arith.constant 0 : i32
        %swap3A_465 = arith.index_cast %swap3A_464 : i32 to index
        %swap3A_466 = arith.index_cast %scan3A_63 : i32 to index
        %swap3A_467 = arith.constant 368 : index
        %swap3A_468 = tpu.vector_load %arg5[%swap3A_465, %swap3A_466, %swap3A_467] {strides = array<i32>} : memref<2x32x384xi32, #tpu.memory_space<vmem>>, vector<16xi32>,
        tpu.vector_store %arg5[%swap3A_465, %swap3A_466, %swap3A_467], %bitcast3A_463 {strides = array<i32>} : memref<2x32x384xi32, #tpu.memory_space<vmem>>, vector<16xi32>,
        %scan3A_469 = arith.constant 0 : i32
        scf.yield %scan3A_469 : i32
      }
      %scan3A_61 = arith.constant 2 : i32
      %run_scoped3A_62 = arith.constant 0 : i32
      "tpu.region"() ({
        %run_scoped3A_63 = tpu.sem_alloc : memref<!tpu.dma_semaphore, #tpu.memory_space<semaphore_mem>>
        %dma_start3A_64 = arith.constant 0 : i32
        %dma_start3A_65 = arith.constant 0 : i32
        %dma_start3A_66 = tpu.memref_slice %arg5[%run_scoped3A_62, %dma_start3A_64, %dma_start3A_65] : memref<2x32x384xi32, #tpu.memory_space<vmem>> -> memref<1x2x384xi32, #tpu.memory_space<vmem>>
        %dma_start3A_67 = tpu.memref_squeeze %dma_start3A_66 : memref<1x2x384xi32, #tpu.memory_space<vmem>> -> memref<2x384xi32, #tpu.memory_space<vmem>>
        %dma_start3A_68 = arith.constant 30520 : i32
        %dma_start3A_69 = arith.constant 0 : i32
        %dma_start3A_70 = tpu.memref_slice %arg3[%dma_start3A_68, %dma_start3A_69] : memref<30522x384xi32, #tpu.memory_space<hbm>> -> memref<2x384xi32, #tpu.memory_space<hbm>>
        %dma_start3A_71 = arith.constant 30520 : i32
        %dma_start3A_72 = arith.constant 0 : i32
        %dma_start3A_73 = tpu.memref_slice %arg3[%dma_start3A_71, %dma_start3A_72] : memref<30522x384xi32, #tpu.memory_space<hbm>> -> memref<2x384xi32, #tpu.memory_space<hbm>>
        %dma_start3A_74 = arith.constant 0 : i32
        %dma_start3A_75 = arith.constant 0 : i32
        %dma_start3A_76 = tpu.memref_slice %arg5[%run_scoped3A_62, %dma_start3A_74, %dma_start3A_75] : memref<2x32x384xi32, #tpu.memory_space<vmem>> -> memref<1x2x384xi32, #tpu.memory_space<vmem>>
        %dma_start3A_77 = tpu.memref_squeeze %dma_start3A_76 : memref<1x2x384xi32, #tpu.memory_space<vmem>> -> memref<2x384xi32, #tpu.memory_space<vmem>>
        tpu.enqueue_dma source(%dma_start3A_77 : memref<2x384xi32, #tpu.memory_space<vmem>>) target(%dma_start3A_73 : memref<2x384xi32, #tpu.memory_space<hbm>>) target_semaphore(%run_scoped3A_63 : memref<!tpu.dma_semaphore, #tpu.memory_space<semaphore_mem>>)
        %dma_wait3A_78 = arith.constant 0 : i32
        %dma_wait3A_79 = arith.constant 0 : i32
        %dma_wait3A_80 = tpu.memref_slice %arg5[%run_scoped3A_62, %dma_wait3A_78, %dma_wait3A_79] : memref<2x32x384xi32, #tpu.memory_space<vmem>> -> memref<1x2x384xi32, #tpu.memory_space<vmem>>
        %dma_wait3A_81 = tpu.memref_squeeze %dma_wait3A_80 : memref<1x2x384xi32, #tpu.memory_space<vmem>> -> memref<2x384xi32, #tpu.memory_space<vmem>>
        %dma_wait3A_82 = arith.constant 30520 : i32
        %dma_wait3A_83 = arith.constant 0 : i32
        %dma_wait3A_84 = tpu.memref_slice %arg3[%dma_wait3A_82, %dma_wait3A_83] : memref<30522x384xi32, #tpu.memory_space<hbm>> -> memref<2x384xi32, #tpu.memory_space<hbm>>
        %dma_wait3A_85 = arith.constant 30520 : i32
        %dma_wait3A_86 = arith.constant 0 : i32
        %dma_wait3A_87 = tpu.memref_slice %arg3[%dma_wait3A_85, %dma_wait3A_86] : memref<30522x384xi32, #tpu.memory_space<hbm>> -> memref<2x384xi32, #tpu.memory_space<hbm>>
        %dma_wait3A_88 = arith.constant 0 : i32
        %dma_wait3A_89 = arith.constant 0 : i32
        %dma_wait3A_90 = tpu.memref_slice %arg5[%run_scoped3A_62, %dma_wait3A_88, %dma_wait3A_89] : memref<2x32x384xi32, #tpu.memory_space<vmem>> -> memref<1x2x384xi32, #tpu.memory_space<vmem>>
        %dma_wait3A_91 = tpu.memref_squeeze %dma_wait3A_90 : memref<1x2x384xi32, #tpu.memory_space<vmem>> -> memref<2x384xi32, #tpu.memory_space<vmem>>
        tpu.wait_dma2 semaphore(%run_scoped3A_63 : memref<!tpu.dma_semaphore, #tpu.memory_space<semaphore_mem>>) src(%dma_wait3A_91 : memref<2x384xi32, #tpu.memory_space<vmem>>) dst(%dma_wait3A_87 : memref<2x384xi32, #tpu.memory_space<hbm>>)
        tpu.yield
      }) : () -> ()
    } else {
    }
    return
  }
}

</mosaic_0001>

<sc_bundles>
// kernel: kernel.4.cloned.1.call-start
scs
__scs_entry_jumppad:
0x0: {  	(pc) =	sbr.rel $0x88, $3  }
0x1: {  	(tag) =	ssettag $0x0;
	lr =	simm.s32 $0x1  }
0x2: {  	[smem:$0x3F9D] =	sst lr;
	_ =	strace $0xD0000000  }
0x3: {  	_ = 	snop  }
0x4: {  	_ = 	snop  }
0x5: {  	_ = 	snop  }
0x6: {  	_ = 	snop  }
0x7: {  	_ = 	snop  }
__scs_overlays_trampoline_lowered:
0x8: {  	[smem:$0x3FAC] =	sst s0  }
0x9: {  	[smem:$0x3FAD] =	sst s1  }
0xa: {  	[smem:$0x3FAE] =	sst s2  }
0xb: {  	[smem:$0x3FAF] =	sst s3  }
0xc: {  	[smem:$0x3FB0] =	sst s4  }
0xd: {  	[smem:$0x3FB1] =	sst s5  }
0xe: {  	[smem:$0x3FB2] =	sst s6  }
0xf: {  	[smem:$0x3FB3] =	sst s7  }
0x10: {  	[smem:$0x3FB4] =	sst s8  }
0x11: {  	[smem:$0x3FB5] =	sst s9;
	s0 =	simm.s32 @!p0 $0x0  }
0x12: {  	s1 =	sld [smem:$0x3F9B];
	s0 =	simm.s32 @p0 $0x1  }
0x13: {  	[smem:$0x3FB6] =	sst s0;
	s0 =	simm.s32 @!p1 $0x0  }
0x14: {  	s2 =	sld [smem:$0x3F9A];
	s0 =	simm.s32 @p1 $0x1  }
0x15: {  	[smem:$0x3FB7] =	sst s0;
	s0 =	simm.s32 @!p2 $0x0  }
0x16: {  	s3 =	sld [smem:$0x3FDB];
	s0 =	simm.s32 @p2 $0x1  }
0x17: {  	s4 =	simm.s32 $0x1BF5;
	[smem:$0x3FB9] =	sst s0  }
0x18: {  	s0 =	sld [smem:$0x3F9C];
	_ =	swait.ge [sflag:s4], $0x0  }
0x19: {  	s7 =	sld [smem:$0x3F9D]  }
0x1a: {  	s8 =	sadd.s32 $0xFFFFE003, lr  }
0x1b: {  	s9 =	sadd.s32 $0xFFFFFEF7, lr;
	s5 =	simm.s32 $0xFFFFFFFF;
	p2 =	slt.u32 s8, $0xFFFFF086  }
0x1c: {  	p1 =	slt.u32 s9, $0xF7A;
	s5 =	simm.s32 @!p2 $0x0  }
0x1d: {  	s5 =	simm.s32 @p1 $0x1;
	p0 =	seq.s32 s7, s2  }
0x1e: {  	s7 =	smul.u32 @!p0 $0xF7A, s2;
	p2 =	seq.s32 @!p0 s5, $0x0  }
0x1f: {  	s9 =	smul.u32 $0xF7A, s1;
	s8 =	simm.s32 @!p0 $0x1BF5;
	p2 =	por !p2, p0  }
0x20: {  	[sflag:s8] =	ssyncset.s32 @!p0 $0xFFFFF086;
	s6 =	sadd.s32 @!p0 s3, s7;
	s7 =	simm.s32 @!p0 $0x108  }
0x21: {  	s3 =	sadd.s32 s3, s9;
	s6 =	sadd.s32 @!p0 $0x88, s6;
	s7 =	simm.s32 @p2 $0x1082  }
0x22: {  	[simem:s7], [sflag:s8] =	dma.local @!p0 [hbm:s6], $0xF7A  }
0x23: {  	s9 =	sor.u32 $0xD0000000, s2;
	s6 =	simm.s32 $0x108;
	_ =	swait.ge @!p0 [sflag:s8], $0x0  }
0x24: {  	s3 =	sadd.s32 $0x88, s3;
	s6 =	simm.s32 @!p1 $0x1082;
	[sflag:s4] =	ssyncset.s32 $0xFFFFF086  }
0x25: {  	[simem:s6], [sflag:s4] =	dma.local [hbm:s3], $0xF7A  }
0x26: {  	[smem:$0x3F9D] =	sst s1;
	(tag) =	ssettag s2;
	_ =	strace s9  }
0x27: {  	s1 =	sld [smem:$0x3FAD]  }
0x28: {  	s2 =	sld [smem:$0x3FAE]  }
0x29: {  	s4 =	sld [smem:$0x3FB0]  }
0x2a: {  	p0 =	seq.s32 s5, $0x0;
	s5 =	sld [smem:$0x3FB1]  }
0x2b: {  	s6 =	sld [smem:$0x3FB2]  }
0x2c: {  	s7 =	sld [smem:$0x3FB3]  }
0x2d: {  	s3 =	simm.s32 $0x108;
	s8 =	sld [smem:$0x3FB4]  }
0x2e: {  	s3 =	simm.s32 @!p0 $0x1082;
	s9 =	sld [smem:$0x3FB5]  }
0x2f: {  	lr =	sadd.s32 s0, s3;
	s0 =	sld [smem:$0x3FAC]  }
0x30: {  	s3 =	sld [smem:$0x3FAF]  }
0x31: {  	[smem:$0x3FB8] =	sst s10  }
0x32: {  	s10 =	sld [smem:$0x3FB6];
	_ =	sdelay $0x3  }
0x33: {  	p0 =	seq.s32 s10, $0x1;
	s10 =	sld [smem:$0x3FB8];
	_ =	sdelay $0x3  }
0x34: {  	[smem:$0x3FB8] =	sst s10  }
0x35: {  	s10 =	sld [smem:$0x3FB7];
	_ =	sdelay $0x3  }
0x36: {  	p1 =	seq.s32 s10, $0x1;
	s10 =	sld [smem:$0x3FB8];
	_ =	sdelay $0x3  }
0x37: {  	[smem:$0x3FB8] =	sst s10  }
0x38: {  	s10 =	sld [smem:$0x3FB9]  }
0x39: {  	_ = 	snop;
	(pc) =	sbr.ind lr, $3  }
0x3a: {  	_ = 	snop  }
0x3b: {  	_ = 	snop  }
0x3c: {  	p2 =	seq.s32 s10, $0x1;
	s10 =	sld [smem:$0x3FB8]  }
0x3d: {  	_ =	shalt  }
0x3e: {  	_ =	shalt  }
0x3f: {  	_ =	shalt  }
0x40: {  	_ =	shalt  }
0x41: {  	_ =	shalt  }
0x42: {  	_ =	shalt  }
0x43: {  	_ =	shalt  }
0x44: {  	_ =	shalt  }
0x45: {  	_ =	shalt  }
0x46: {  	_ =	shalt  }
0x47: {  	_ =	shalt  }
0x48: {  	_ =	shalt  }
0x49: {  	_ =	shalt  }
0x4a: {  	_ =	shalt  }
0x4b: {  	_ =	shalt  }
0x4c: {  	_ =	shalt  }
0x4d: {  	_ =	shalt  }
0x4e: {  	_ =	shalt  }
0x4f: {  	_ =	shalt  }
0x50: {  	_ =	shalt  }
0x51: {  	_ =	shalt  }
0x52: {  	_ =	shalt  }
0x53: {  	_ =	shalt  }
0x54: {  	_ =	shalt  }
0x55: {  	_ =	shalt  }
0x56: {  	_ =	shalt  }
0x57: {  	_ =	shalt  }
0x58: {  	_ =	shalt  }
0x59: {  	_ =	shalt  }
0x5a: {  	_ =	shalt  }
0x5b: {  	_ =	shalt  }
0x5c: {  	_ =	shalt  }
0x5d: {  	_ =	shalt  }
0x5e: {  	_ =	shalt  }
0x5f: {  	_ =	shalt  }
0x60: {  	_ =	shalt  }
0x61: {  	_ =	shalt  }
0x62: {  	_ =	shalt  }
0x63: {  	_ =	shalt  }
0x64: {  	_ =	shalt  }
0x65: {  	_ =	shalt  }
0x66: {  	_ =	shalt  }
0x67: {  	_ =	shalt  }
0x68: {  	_ =	shalt  }
0x69: {  	_ =	shalt  }
0x6a: {  	_ =	shalt  }
0x6b: {  	_ =	shalt  }
0x6c: {  	_ =	shalt  }
0x6d: {  	_ =	shalt  }
0x6e: {  	_ =	shalt  }
0x6f: {  	_ =	shalt  }
0x70: {  	_ =	shalt  }
0x71: {  	_ =	shalt  }
0x72: {  	_ =	shalt  }
0x73: {  	_ =	shalt  }
0x74: {  	_ =	shalt  }
0x75: {  	_ =	shalt  }
0x76: {  	_ =	shalt  }
0x77: {  	_ =	shalt  }
0x78: {  	_ =	shalt  }
0x79: {  	_ =	shalt  }
0x7a: {  	_ =	shalt  }
0x7b: {  	_ =	shalt  }
0x7c: {  	_ =	shalt  }
0x7d: {  	_ =	shalt  }
0x7e: {  	_ =	shalt  }
0x7f: {  	_ =	shalt  }
0x80: {  	_ =	shalt  }
0x81: {  	_ =	shalt  }
0x82: {  	_ =	shalt  }
0x83: {  	_ =	shalt  }
0x84: {  	_ =	shalt  }
0x85: {  	_ =	shalt  }
0x86: {  	_ =	shalt  }
0x87: {  	_ =	shalt  }
.Lfunc_end0:
.L_simem_size_0:
called_computation_lowered:
.L_overlay_start_0:
0x88: {  	s2 =	sld [smem:$0x3FD9]  }
0x89: {  	s3 =	sld [smem:$0x3FFE];
	_ =	sdelay $0x1  }
0x8a: {  	s1 =	srdreg.scid  }
0x8b: {  	s0 =	sand.u32 $0x1, s1  }
0x8c: {  	s17 =	sshll.u32 s0, $0xA;
	s2 =	sadd.s32 s3, s2  }
0x8d: {  	s2 =	sadd.s32 s2, s17  }
0x8e: {  	[smem:$0x3FC4] =	sst s2  }
0x8f: {  	_ = 	snop  }
0x90: {  	s2 =	sld [smem:$0x3FC7];
	(tm) =	ssettm $0x1  }
0x91: {  	s18 =	sld [smem:$0x3FFB];
	_ =	sdelay $0x3  }
0x92: {  	_ =	strace s18  }
0x93: {  	s3 =	sld [smem:$0x3FFC];
	_ =	sdelay $0x3  }
0x94: {  	_ =	strace s3  }
0x95: {  	s3 =	sld [smem:$0x3FFD];
	_ =	sdelay $0x3  }
0x96: {  	_ =	strace s3  }
0x97: {  	_ =	strace $0x8FFFFFFF  }
0x98: {  	s19 =	sld [smem:$0x3FDB];
	_ =	sdelay $0x1  }
0x99: {  	s4 =	simm.s32 $_scs_section_size  }
0x9a: {  	s5 =	simm.s32 $_size__tile_overlayer_lowered;
	s6 =	simm.s32 $_tile_overlayer_lowered  }
0x9b: {  	s22 =	simm.s32 $0x1BFF;
	s21 =	sshll.u32 s6, $0x1;
	s3 =	sadd.s32 s4, s19  }
0x9c: {  	s7 =	simm.s32 $0x0;
	s20 =	sshll.u32 s5, $0x1;
	s5 =	sadd.s32 s21, s3  }
0x9d: {  	[timem:s7], [sflag:s22] =	dma.local [hbm:s5], s20  }
0x9e: {  	_ =	swait.ge [sflag:s22], s20  }
0x9f: {  	s4 =	ssub.s32 $0x0, s20;
	[sflag:s22] =	ssyncset.done $0x0  }
0xa0: {  	[sflag:s22] =	ssyncadd.s32 s4;
	_ =	sdelay $0x1  }
0xa1: {  	s23 =	simm.s32 $0x1B8B  }
0xa2: {  	_ =	swait.ge [sflag:s23], $0x1  }
0xa3: {  	[sflag:s23] =	ssyncset.done $0x0  }
0xa4: {  	s25 =	simm.s32 $0x1B8E;
	s24 =	sld [smem:$0x3FFE];
	[sflag:s23] =	ssyncadd.s32 $0xFFFFFFFF  }
0xa5: {  	s26 =	simm.s32 $execute0_lowered;
	[smem:$0x3FD2] =	sst s25  }
0xa6: {  	s5 =	sshll.u32 s26, $0x1;
	_ =	strace $0x80000046;
	[dreg:$0x1] =	wrdreg $0xFFFFFFFF  }
0xa7: {  	s28 =	simm.s32 $_size_execute0_lowered;
	s3 =	sadd.s32 s3, s5;
	[dreg:$0x0] =	wrdreg $0x0  }
0xa8: {  	s5 =	sshll.u32 s28, $0x1;
	[dreg:$0x2] =	wrdreg s3  }
0xa9: {  	[dreg:$0x3] =	wrdreg s5  }
0xaa: {  	[dreg:$0x4] =	wrdreg $0xC0  }
0xab: {  	_ =	task [dreg:s7], $0x5FFFF  }
0xac: {  	[dreg:$0x1] =	wrdreg $0xFFFFFFFF  }
0xad: {  	[dreg:$0x0] =	wrdreg $0x60  }
0xae: {  	[dreg:$0x2] =	wrdreg s2  }
0xaf: {  	[dreg:$0x3] =	wrdreg s24  }
0xb0: {  	[dreg:$0x4] =	wrdreg $0x9  }
0xb1: {  	_ =	task.clear_ibuf [dreg:s7], $0x5FFFF;
	_ =	strace $0x90000046  }
0xb2: {  	s29 =	simm.s32 $0x9;
	_ =	strace $0x80000048  }
0xb3: {  	_ =	swait.ge [sflag:s29], $0x1  }
0xb4: {  	[sflag:s29] =	ssyncadd.s32 $0xFFFFFFFF  }
0xb5: {  	_ =	strace $0x90000048  }
0xb6: {  	_ =	sfence  }
0xb7: {  	s30 =	sld [smem:$0x0];
	_ =	sdelay $0x2  }
0xb8: {  	s31 =	sshll.u32 s1, $0xD;
	s1 =	sshrl.u32 s1, $0x2  }
0xb9: {  	s3 =	sand.u32 $0x4000, s31;
	s1 =	sadd.s32 s1, s30  }
0xba: {  	s0 =	sor.u32 s3, s0;
	s1 =	sshll.u32 s1, $0x11  }
0xbb: {  	s0 =	sor.u32 s1, s0  }
0xbc: {  	s0 =	sadd.s32 $0x8F2B, s0  }
0xbd: {  	[sflag:s0] =	ssyncadd.remote.s32 $0x1  }
0xbe: {  	_ =	sfence.sel $0xFFFF  }
0xbf: {  	[dreg:$0x0] =	wrdreg $0xFFFFFFFF;
	(pc) =	sbr.abs _section_cstart, $3  }
0xc0: {  	[dreg:$0x1] =	wrdreg $0xFFFFFFFF  }
0xc1: {  	_ =	task.clear_ibuf [dreg:s7], $0x2FFFF;
	_ =	strace $0x9FFFFFFF  }
0xc2: {  	(tm) =	ssettm $0x7FFFFFFF  }
0xc3: {  	_ =	shalt  }
tec
execute0_lowered:
.L_overlay_start_1:
0x0: {  	(tag) =	ssettag $0x1  }
0x1: {  	s0 =	srdreg.scid  }
0x2: {  	s1 =	stileid.u32;
	s2 =	rddreg [dreg:$0x0]  }
0x3: {  	s10 =	rddreg [dreg:$0x1];
	s4 =	simm.s32 $0x0;
	s12 =	simm.s32 $0x6000  }
0x4: {  	s13 =	simm.s32 $0x1;
	s14 =	simm.s32 $0xC000;
	s15 =	simm.s32 $0x2  }
0x5: {  	s16 =	simm.s32 $0x4;
	s17 =	simm.s32 $0xF000;
	s18 =	simm.s32 $0x3  }
0x6: {  	s24 =	simm.s32 $0x5;
	s0 =	sand.u32 $0x1, s0;
	s1 =	sshll.u32 s1, $0x1  }
0x7: {  	s25 =	simm.s32 $0xC400;
	s26 =	simm.s32 $0xC800;
	s1 =	sor.u32 s0, s1  }
0x8: {  	s28 =	simm.s32 $0x0;
	[smem:$0x7FF] =	sst s4;
	s3 =	smul.u32 $0x3C0, s1  }
.Ltmp0:
0x9: {  	s9 =	sadd.s32 $0x2CB500, s2;
	s0 =	ssub.s32 $0x2, s0;
	(pc) =	sbr.rel .LBB2_1-.Ltmp0, $4  }
0xa: {  	_ =	strace $0x80000047;
	s7 =	sshrl.u32 s0, $0x1;
	s5 =	sshrl.u32 s3, $0x3  }
0xb: {  	p0 =	sne.s32 s1, $0x0;
	s0 =	ssub.s32 s0, s7;
	s6 =	smul.u32 $0x300, s5  }
0xc: {  	s7 =	sor.u32 $0x20, s3;
	s8 =	sadd.s32 $0x40, s3;
	s11 =	smax.u32 s0, $0x1  }
0xd: {  	s5 =	sadd.s32 $0xC00, s10;
	s10 =	sadd.s32 $0x166680, s10;
	s6 =	sadd.s32 s2, s6  }
.LBB2_15:
0xe: {  	s28 =	sadd.s32 $0x1, s28  }
0xf: {  	p1 =	sne.s32 s28, s11  }
.Ltmp1:
0x10: {  	_ = 	snop;
	(pc) =	sbr.rel @!p1 .LBB2_16-.Ltmp1, $1  }
0x11: {  	_ =	sdelay $0x3  }
.LBB2_1:
0x12: {  	[tilespmem:s4], [sflag:$0x1] =	stream.linear.gather [hbm4b:s6+s4], $0x6000, $0x38;
	[tilespmem:$0x12000] =	vst v63  }
0x13: {  	s29 =	simm.s32 $0x0  }
.LBB2_2:
0x14: {  	s31 =	sshll.u32 s29, $0x6  }
0x15: {  	s0 =	sadd.s32 s31, s7  }
0x16: {  	s0 =	smin.u32 s0, $0x7718  }
0x17: {  	s30 =	sshrl.u32 s0, $0x3  }
0x18: {  	s0 =	smul.u32 $0x300, s30;
	_ =	sdelay $0x1  }
0x19: {  	s0 =	sadd.s32 s2, s0  }
0x1a: {  	[tilespmem:s12], [sflag:$0x2] =	stream.linear.gather [hbm4b:s0+s4], $0x6000, $0x38;
	[tilespmem:$0x12000] =	vst v63  }
0x1b: {  	_ =	swait.ge [sflag:s13], $0x6000  }
0x1c: {  	p1 =	seq.s32 s29, $0x0;
	s23 =	simm.s32 $0x0;
	[sflag:s13] =	ssyncset.done $0x0  }
0x1d: {  	s19 =	simm.s32 @!p1 $0x3;
	s20 =	smul.u32 $0x6000, s23;
	[sflag:s13] =	ssyncadd.s32 $0xFFFFA000  }
0x1e: {  	s1 =	simm.s32 $0x0;
	_ =	swait.ge @!p1 [sflag:s19], $0x3000  }
0x1f: {  	s21 =	sand.u32 $0x380, s1;
	s20 =	sshra.s32 s20, $0x2;
	[sflag:s19] =	ssyncset.done @!p1 $0x0  }
0x20: {  	[sflag:s19] =	ssyncadd.s32 @!p1 $0xFFFFD000;
	s19 =	sor.u32 s21, s20  }
0x21: {  	v0 =	vld [tilespmem:s19+$0x0]  }
0x22: {  	v1 =	vld [tilespmem:s19+$0x10];
	_ =	sdelay $0x1  }
0x23: {  	s0 =	smul.u32 $0x3000, s23;
	_ =	sdelay $0x1  }
0x24: {  	s0 =	sshra.s32 s0, $0x2  }
0x25: {  	s0 =	sor.u32 s21, s0;
	v0 =	vpack.i.f32.bf16 v1, v0  }
0x26: {  	[tilespmem:s0+$0xC000] =	vst v0  }
0x27: {  	v0 =	vld [tilespmem:s19+$0x20]  }
0x28: {  	v1 =	vld [tilespmem:s19+$0x30];
	_ =	sdelay $0x4  }
0x29: {  	v0 =	vpack.i.f32.bf16 v1, v0  }
0x2a: {  	[tilespmem:s0+$0xC010] =	vst v0  }
0x2b: {  	v0 =	vld [tilespmem:s19+$0x40]  }
0x2c: {  	v1 =	vld [tilespmem:s19+$0x50];
	_ =	sdelay $0x4  }
0x2d: {  	v0 =	vpack.i.f32.bf16 v1, v0  }
0x2e: {  	[tilespmem:s0+$0xC020] =	vst v0  }
0x2f: {  	v0 =	vld [tilespmem:s19+$0x60]  }
0x30: {  	v1 =	vld [tilespmem:s19+$0x70];
	_ =	sdelay $0x4  }
0x31: {  	v0 =	vpack.i.f32.bf16 v1, v0  }
0x32: {  	[tilespmem:s0+$0xC030] =	vst v0  }
0x33: {  	v0 =	vld [tilespmem:s19+$0x400]  }
0x34: {  	v1 =	vld [tilespmem:s19+$0x410];
	_ =	sdelay $0x4  }
0x35: {  	v0 =	vpack.i.f32.bf16 v1, v0  }
0x36: {  	[tilespmem:s0+$0xC040] =	vst v0  }
0x37: {  	v0 =	vld [tilespmem:s19+$0x420]  }
0x38: {  	v1 =	vld [tilespmem:s19+$0x430];
	_ =	sdelay $0x4  }
0x39: {  	v0 =	vpack.i.f32.bf16 v1, v0  }
0x3a: {  	[tilespmem:s0+$0xC050] =	vst v0  }
0x3b: {  	v0 =	vld [tilespmem:s19+$0x440]  }
0x3c: {  	v1 =	vld [tilespmem:s19+$0x450];
	_ =	sdelay $0x4  }
0x3d: {  	v0 =	vpack.i.f32.bf16 v1, v0  }
0x3e: {  	[tilespmem:s0+$0xC060] =	vst v0  }
0x3f: {  	v0 =	vld [tilespmem:s19+$0x460]  }
0x40: {  	v1 =	vld [tilespmem:s19+$0x470];
	_ =	sdelay $0x4  }
0x41: {  	v0 =	vpack.i.f32.bf16 v1, v0  }
0x42: {  	[tilespmem:s0+$0xC070] =	vst v0  }
0x43: {  	v0 =	vld [tilespmem:s19+$0x800]  }
0x44: {  	v1 =	vld [tilespmem:s19+$0x810];
	_ =	sdelay $0x4  }
0x45: {  	v0 =	vpack.i.f32.bf16 v1, v0  }
0x46: {  	[tilespmem:s0+$0xC400] =	vst v0  }
0x47: {  	v0 =	vld [tilespmem:s19+$0x820]  }
0x48: {  	v1 =	vld [tilespmem:s19+$0x830];
	_ =	sdelay $0x4  }
0x49: {  	v0 =	vpack.i.f32.bf16 v1, v0  }
0x4a: {  	[tilespmem:s0+$0xC410] =	vst v0  }
0x4b: {  	v0 =	vld [tilespmem:s19+$0x840]  }
0x4c: {  	v1 =	vld [tilespmem:s19+$0x850];
	_ =	sdelay $0x4  }
0x4d: {  	v0 =	vpack.i.f32.bf16 v1, v0  }
0x4e: {  	[tilespmem:s0+$0xC420] =	vst v0  }
0x4f: {  	v0 =	vld [tilespmem:s19+$0x860]  }
0x50: {  	v1 =	vld [tilespmem:s19+$0x870];
	_ =	sdelay $0x4  }
0x51: {  	v0 =	vpack.i.f32.bf16 v1, v0  }
0x52: {  	[tilespmem:s0+$0xC430] =	vst v0  }
0x53: {  	v0 =	vld [tilespmem:s19+$0xC00]  }
0x54: {  	v1 =	vld [tilespmem:s19+$0xC10];
	_ =	sdelay $0x4  }
0x55: {  	v0 =	vpack.i.f32.bf16 v1, v0  }
0x56: {  	[tilespmem:s0+$0xC440] =	vst v0  }
0x57: {  	v0 =	vld [tilespmem:s19+$0xC20]  }
0x58: {  	v1 =	vld [tilespmem:s19+$0xC30];
	_ =	sdelay $0x4  }
0x59: {  	v0 =	vpack.i.f32.bf16 v1, v0  }
0x5a: {  	[tilespmem:s0+$0xC450] =	vst v0  }
0x5b: {  	v0 =	vld [tilespmem:s19+$0xC40]  }
0x5c: {  	v1 =	vld [tilespmem:s19+$0xC50];
	_ =	sdelay $0x4  }
0x5d: {  	v0 =	vpack.i.f32.bf16 v1, v0  }
0x5e: {  	[tilespmem:s0+$0xC460] =	vst v0  }
0x5f: {  	v0 =	vld [tilespmem:s19+$0xC60]  }
0x60: {  	v1 =	vld [tilespmem:s19+$0xC70];
	_ =	sdelay $0x4  }
0x61: {  	v0 =	vpack.i.f32.bf16 v1, v0  }
0x62: {  	[tilespmem:s0+$0xC470] =	vst v0  }
0x63: {  	v0 =	vld [tilespmem:s19+$0x1000]  }
0x64: {  	v1 =	vld [tilespmem:s19+$0x1010];
	_ =	sdelay $0x4  }
0x65: {  	v0 =	vpack.i.f32.bf16 v1, v0  }
0x66: {  	[tilespmem:s0+$0xC800] =	vst v0  }
0x67: {  	v0 =	vld [tilespmem:s19+$0x1020]  }
0x68: {  	v1 =	vld [tilespmem:s19+$0x1030];
	_ =	sdelay $0x4  }
0x69: {  	v0 =	vpack.i.f32.bf16 v1, v0  }
0x6a: {  	[tilespmem:s0+$0xC810] =	vst v0  }
0x6b: {  	v0 =	vld [tilespmem:s19+$0x1040]  }
0x6c: {  	v1 =	vld [tilespmem:s19+$0x1050];
	_ =	sdelay $0x4  }
0x6d: {  	v0 =	vpack.i.f32.bf16 v1, v0  }
0x6e: {  	[tilespmem:s0+$0xC820] =	vst v0  }
0x6f: {  	v0 =	vld [tilespmem:s19+$0x1060]  }
0x70: {  	v1 =	vld [tilespmem:s19+$0x1070];
	_ =	sdelay $0x4  }
0x71: {  	v0 =	vpack.i.f32.bf16 v1, v0  }
0x72: {  	[tilespmem:s0+$0xC830] =	vst v0  }
0x73: {  	v0 =	vld [tilespmem:s19+$0x1400]  }
0x74: {  	v1 =	vld [tilespmem:s19+$0x1410];
	_ =	sdelay $0x4  }
0x75: {  	s20 =	simm.s32 $0x1;
	v0 =	vpack.i.f32.bf16 v1, v0  }
.LBB2_3:
0x76: {  	p2 =	sne.s32 s20, $0x1F  }
0x77: {  	[tilespmem:s0+$0xC840] =	vst v0;
	s1 =	sadd.s32 $0x80, s1;
	s21 =	smov.u32 s20;
	s20 =	sadd.s32 $0x1, s20  }
0x78: {  	v0 =	vld [tilespmem:s19+$0x1420]  }
0x79: {  	v1 =	vld [tilespmem:s19+$0x1430];
	_ =	sdelay $0x4  }
0x7a: {  	v0 =	vpack.i.f32.bf16 v1, v0  }
0x7b: {  	[tilespmem:s0+$0xC850] =	vst v0  }
0x7c: {  	v0 =	vld [tilespmem:s19+$0x1440]  }
0x7d: {  	v1 =	vld [tilespmem:s19+$0x1450];
	_ =	sdelay $0x4  }
0x7e: {  	v0 =	vpack.i.f32.bf16 v1, v0  }
0x7f: {  	[tilespmem:s0+$0xC860] =	vst v0  }
0x80: {  	v0 =	vld [tilespmem:s19+$0x1460]  }
0x81: {  	v1 =	vld [tilespmem:s19+$0x1470];
	_ =	sdelay $0x1  }
0x82: {  	s19 =	sshrl.u32 s21, $0x3  }
0x83: {  	s21 =	smul.u32 $0x6000, s19  }
0x84: {  	s22 =	smul.u32 $0x3000, s19  }
0x85: {  	s23 =	sand.u32 $0x380, s1;
	s19 =	sshra.s32 s21, $0x2;
	v0 =	vpack.i.f32.bf16 v1, v0  }
0x86: {  	s21 =	sshra.s32 s22, $0x2;
	s19 =	sor.u32 s23, s19;
	[tilespmem:s0+$0xC870] =	vst v0  }
0x87: {  	v0 =	vld [tilespmem:s19+$0x0]  }
0x88: {  	v1 =	vld [tilespmem:s19+$0x10];
	_ =	sdelay $0x3  }
0x89: {  	s0 =	sor.u32 s23, s21  }
0x8a: {  	v0 =	vpack.i.f32.bf16 v1, v0  }
0x8b: {  	[tilespmem:s0+$0xC000] =	vst v0  }
0x8c: {  	v0 =	vld [tilespmem:s19+$0x20]  }
0x8d: {  	v1 =	vld [tilespmem:s19+$0x30];
	_ =	sdelay $0x4  }
0x8e: {  	v0 =	vpack.i.f32.bf16 v1, v0  }
0x8f: {  	[tilespmem:s0+$0xC010] =	vst v0  }
0x90: {  	v0 =	vld [tilespmem:s19+$0x40]  }
0x91: {  	v1 =	vld [tilespmem:s19+$0x50];
	_ =	sdelay $0x4  }
0x92: {  	v0 =	vpack.i.f32.bf16 v1, v0  }
0x93: {  	[tilespmem:s0+$0xC020] =	vst v0  }
0x94: {  	v0 =	vld [tilespmem:s19+$0x60]  }
0x95: {  	v1 =	vld [tilespmem:s19+$0x70];
	_ =	sdelay $0x4  }
0x96: {  	v0 =	vpack.i.f32.bf16 v1, v0  }
0x97: {  	[tilespmem:s0+$0xC030] =	vst v0  }
0x98: {  	v0 =	vld [tilespmem:s19+$0x400]  }
0x99: {  	v1 =	vld [tilespmem:s19+$0x410];
	_ =	sdelay $0x4  }
0x9a: {  	v0 =	vpack.i.f32.bf16 v1, v0  }
0x9b: {  	[tilespmem:s0+$0xC040] =	vst v0  }
0x9c: {  	v0 =	vld [tilespmem:s19+$0x420]  }
0x9d: {  	v1 =	vld [tilespmem:s19+$0x430];
	_ =	sdelay $0x4  }
0x9e: {  	v0 =	vpack.i.f32.bf16 v1, v0  }
0x9f: {  	[tilespmem:s0+$0xC050] =	vst v0  }
0xa0: {  	v0 =	vld [tilespmem:s19+$0x440]  }
0xa1: {  	v1 =	vld [tilespmem:s19+$0x450];
	_ =	sdelay $0x4  }
0xa2: {  	v0 =	vpack.i.f32.bf16 v1, v0  }
0xa3: {  	[tilespmem:s0+$0xC060] =	vst v0  }
0xa4: {  	v0 =	vld [tilespmem:s19+$0x460]  }
0xa5: {  	v1 =	vld [tilespmem:s19+$0x470];
	_ =	sdelay $0x4  }
0xa6: {  	v0 =	vpack.i.f32.bf16 v1, v0  }
0xa7: {  	[tilespmem:s0+$0xC070] =	vst v0  }
0xa8: {  	v0 =	vld [tilespmem:s19+$0x800]  }
0xa9: {  	v1 =	vld [tilespmem:s19+$0x810];
	_ =	sdelay $0x4  }
0xaa: {  	v0 =	vpack.i.f32.bf16 v1, v0  }
0xab: {  	[tilespmem:s0+$0xC400] =	vst v0  }
0xac: {  	v0 =	vld [tilespmem:s19+$0x820]  }
0xad: {  	v1 =	vld [tilespmem:s19+$0x830];
	_ =	sdelay $0x4  }
0xae: {  	v0 =	vpack.i.f32.bf16 v1, v0  }
0xaf: {  	[tilespmem:s0+$0xC410] =	vst v0  }
0xb0: {  	v0 =	vld [tilespmem:s19+$0x840]  }
0xb1: {  	v1 =	vld [tilespmem:s19+$0x850];
	_ =	sdelay $0x4  }
0xb2: {  	v0 =	vpack.i.f32.bf16 v1, v0  }
0xb3: {  	[tilespmem:s0+$0xC420] =	vst v0  }
0xb4: {  	v0 =	vld [tilespmem:s19+$0x860]  }
0xb5: {  	v1 =	vld [tilespmem:s19+$0x870];
	_ =	sdelay $0x4  }
0xb6: {  	v0 =	vpack.i.f32.bf16 v1, v0  }
0xb7: {  	[tilespmem:s0+$0xC430] =	vst v0  }
0xb8: {  	v0 =	vld [tilespmem:s19+$0xC00]  }
0xb9: {  	v1 =	vld [tilespmem:s19+$0xC10];
	_ =	sdelay $0x4  }
0xba: {  	v0 =	vpack.i.f32.bf16 v1, v0  }
0xbb: {  	[tilespmem:s0+$0xC440] =	vst v0  }
0xbc: {  	v0 =	vld [tilespmem:s19+$0xC20]  }
0xbd: {  	v1 =	vld [tilespmem:s19+$0xC30];
	_ =	sdelay $0x4  }
0xbe: {  	v0 =	vpack.i.f32.bf16 v1, v0  }
0xbf: {  	[tilespmem:s0+$0xC450] =	vst v0  }
0xc0: {  	v0 =	vld [tilespmem:s19+$0xC40]  }
0xc1: {  	v1 =	vld [tilespmem:s19+$0xC50];
	_ =	sdelay $0x4  }
0xc2: {  	v0 =	vpack.i.f32.bf16 v1, v0  }
0xc3: {  	[tilespmem:s0+$0xC460] =	vst v0  }
0xc4: {  	v0 =	vld [tilespmem:s19+$0xC60]  }
0xc5: {  	v1 =	vld [tilespmem:s19+$0xC70];
	_ =	sdelay $0x4  }
0xc6: {  	v0 =	vpack.i.f32.bf16 v1, v0  }
0xc7: {  	[tilespmem:s0+$0xC470] =	vst v0  }
0xc8: {  	v0 =	vld [tilespmem:s19+$0x1000]  }
0xc9: {  	v1 =	vld [tilespmem:s19+$0x1010];
	_ =	sdelay $0x4  }
0xca: {  	v0 =	vpack.i.f32.bf16 v1, v0  }
0xcb: {  	[tilespmem:s0+$0xC800] =	vst v0  }
0xcc: {  	v0 =	vld [tilespmem:s19+$0x1020]  }
0xcd: {  	v1 =	vld [tilespmem:s19+$0x1030];
	_ =	sdelay $0x4  }
0xce: {  	v0 =	vpack.i.f32.bf16 v1, v0  }
0xcf: {  	[tilespmem:s0+$0xC810] =	vst v0  }
0xd0: {  	v0 =	vld [tilespmem:s19+$0x1040]  }
0xd1: {  	v1 =	vld [tilespmem:s19+$0x1050];
	_ =	sdelay $0x4  }
0xd2: {  	v0 =	vpack.i.f32.bf16 v1, v0  }
0xd3: {  	[tilespmem:s0+$0xC820] =	vst v0  }
0xd4: {  	v0 =	vld [tilespmem:s19+$0x1060]  }
0xd5: {  	v1 =	vld [tilespmem:s19+$0x1070];
	_ =	sdelay $0x4  }
0xd6: {  	v0 =	vpack.i.f32.bf16 v1, v0  }
0xd7: {  	[tilespmem:s0+$0xC830] =	vst v0  }
0xd8: {  	v0 =	vld [tilespmem:s19+$0x1400]  }
0xd9: {  	v1 =	vld [tilespmem:s19+$0x1410]  }
.Ltmp2:
0xda: {  	(pc) =	sbr.rel @p2 .LBB2_3-.Ltmp2, $2  }
0xdb: {  	_ =	sdelay $0x2  }
0xdc: {  	v0 =	vpack.i.f32.bf16 v1, v0  }
0xdd: {  	[tilespmem:s0+$0xC840] =	vst v0  }
0xde: {  	v0 =	vld [tilespmem:s19+$0x1420]  }
0xdf: {  	v1 =	vld [tilespmem:s19+$0x1430];
	_ =	sdelay $0x4  }
0xe0: {  	v0 =	vpack.i.f32.bf16 v1, v0  }
0xe1: {  	[tilespmem:s0+$0xC850] =	vst v0  }
0xe2: {  	v0 =	vld [tilespmem:s19+$0x1440]  }
0xe3: {  	v62 =	vld [tilespmem:s19+$0x1450];
	_ =	sdelay $0x4  }
0xe4: {  	v0 =	vpack.i.f32.bf16 v62, v0  }
0xe5: {  	[tilespmem:s0+$0xC860] =	vst v0  }
0xe6: {  	v0 =	vld [tilespmem:s19+$0x1460]  }
0xe7: {  	v63 =	vld [tilespmem:s19+$0x1470]  }
0xe8: {  	s1 =	sadd.s32 s3, s31  }
0xe9: {  	p2 =	sne.s32 s29, $0xE;
	s1 =	smin.u32 s1, $0x7718  }
.Ltmp3:
0xea: {  	s1 =	sshrl.u32 s1, $0x3;
	(pc) =	sbr.rel @p2 .LBB2_6-.Ltmp3, $4  }
0xeb: {  	s1 =	smul.u32 $0x180, s1  }
0xec: {  	v0 =	vpack.i.f32.bf16 v63, v0  }
0xed: {  	s23 =	sadd.s32 s5, s1;
	[tilespmem:s0+$0xC870] =	vst v0  }
0xee: {  	[hbm4b:s23+s4] =	stream.linear.scatter [tilespmem:s14], [sflag:$0x3], $0x3000, $0x38;
	[tilespmem:$0x12000] =	vst v63  }
.Ltmp4:
0xef: {  	(pc) =	sbr.rel .LBB2_7-.Ltmp4, $4  }
0xf0: {  	_ = 	snop  }
0xf1: {  	_ =	swait.ge [sflag:s15], $0x6000  }
0xf2: {  	[sflag:s15] =	ssyncset.done $0x0  }
0xf3: {  	[sflag:s15] =	ssyncadd.s32 $0xFFFFA000  }
.LBB2_6:
0xf4: {  	s0 =	sadd.s32 s31, s8  }
0xf5: {  	s0 =	smin.u32 s0, $0x7718  }
0xf6: {  	s0 =	sshrl.u32 s0, $0x3  }
0xf7: {  	s0 =	smul.u32 $0x300, s0;
	_ =	sdelay $0x1  }
.Ltmp5:
0xf8: {  	s0 =	sadd.s32 s2, s0;
	(pc) =	sbr.rel @p1 .LBB2_8-.Ltmp5, $4  }
0xf9: {  	[tilespmem:s4], [sflag:$0x1] =	stream.linear.gather [hbm4b:s0+s4], $0x6000, $0x38;
	[tilespmem:$0x12000] =	vst v63  }
0xfa: {  	_ =	swait.ge [sflag:s15], $0x6000  }
0xfb: {  	[sflag:s15] =	ssyncset.done $0x0  }
0xfc: {  	[sflag:s15] =	ssyncadd.s32 $0xFFFFA000  }
.LBB2_7:
0xfd: {  	_ =	swait.ge [sflag:s16], $0x3000  }
0xfe: {  	[sflag:s16] =	ssyncset.done $0x0  }
0xff: {  	[sflag:s16] =	ssyncadd.s32 $0xFFFFD000  }
.LBB2_8:
0x100: {  	s1 =	simm.s32 $0x0  }
0x101: {  	s19 =	smul.u32 $0x6000, s1  }
0x102: {  	s0 =	simm.s32 $0x0  }
0x103: {  	s20 =	sand.u32 $0x380, s0;
	s19 =	sshra.s32 s19, $0x2  }
0x104: {  	s19 =	sor.u32 s20, s19  }
0x105: {  	v0 =	vld [tilespmem:s19+$0x6000]  }
0x106: {  	v1 =	vld [tilespmem:s19+$0x6010];
	_ =	sdelay $0x1  }
0x107: {  	s1 =	smul.u32 $0x3000, s1;
	_ =	sdelay $0x1  }
0x108: {  	s1 =	sshra.s32 s1, $0x2  }
0x109: {  	s1 =	sor.u32 s20, s1;
	v0 =	vpack.i.f32.bf16 v1, v0  }
0x10a: {  	[tilespmem:s1+$0xF000] =	vst v0  }
0x10b: {  	v0 =	vld [tilespmem:s19+$0x6020]  }
0x10c: {  	v1 =	vld [tilespmem:s19+$0x6030];
	_ =	sdelay $0x4  }
0x10d: {  	v0 =	vpack.i.f32.bf16 v1, v0  }
0x10e: {  	[tilespmem:s1+$0xF010] =	vst v0  }
0x10f: {  	v0 =	vld [tilespmem:s19+$0x6040]  }
0x110: {  	v1 =	vld [tilespmem:s19+$0x6050];
	_ =	sdelay $0x4  }
0x111: {  	v0 =	vpack.i.f32.bf16 v1, v0  }
0x112: {  	[tilespmem:s1+$0xF020] =	vst v0  }
0x113: {  	v0 =	vld [tilespmem:s19+$0x6060]  }
0x114: {  	v1 =	vld [tilespmem:s19+$0x6070];
	_ =	sdelay $0x4  }
0x115: {  	v0 =	vpack.i.f32.bf16 v1, v0  }
0x116: {  	[tilespmem:s1+$0xF030] =	vst v0  }
0x117: {  	v0 =	vld [tilespmem:s19+$0x6400]  }
0x118: {  	v1 =	vld [tilespmem:s19+$0x6410];
	_ =	sdelay $0x4  }
0x119: {  	v0 =	vpack.i.f32.bf16 v1, v0  }
0x11a: {  	[tilespmem:s1+$0xF040] =	vst v0  }
0x11b: {  	v0 =	vld [tilespmem:s19+$0x6420]  }
0x11c: {  	v1 =	vld [tilespmem:s19+$0x6430];
	_ =	sdelay $0x4  }
0x11d: {  	v0 =	vpack.i.f32.bf16 v1, v0  }
0x11e: {  	[tilespmem:s1+$0xF050] =	vst v0  }
0x11f: {  	v0 =	vld [tilespmem:s19+$0x6440]  }
0x120: {  	v1 =	vld [tilespmem:s19+$0x6450];
	_ =	sdelay $0x4  }
0x121: {  	v0 =	vpack.i.f32.bf16 v1, v0  }
0x122: {  	[tilespmem:s1+$0xF060] =	vst v0  }
0x123: {  	v0 =	vld [tilespmem:s19+$0x6460]  }
0x124: {  	v1 =	vld [tilespmem:s19+$0x6470];
	_ =	sdelay $0x4  }
0x125: {  	v0 =	vpack.i.f32.bf16 v1, v0  }
0x126: {  	[tilespmem:s1+$0xF070] =	vst v0  }
0x127: {  	v0 =	vld [tilespmem:s19+$0x6800]  }
0x128: {  	v1 =	vld [tilespmem:s19+$0x6810];
	_ =	sdelay $0x4  }
0x129: {  	v0 =	vpack.i.f32.bf16 v1, v0  }
0x12a: {  	[tilespmem:s1+$0xF400] =	vst v0  }
0x12b: {  	v0 =	vld [tilespmem:s19+$0x6820]  }
0x12c: {  	v1 =	vld [tilespmem:s19+$0x6830];
	_ =	sdelay $0x4  }
0x12d: {  	v0 =	vpack.i.f32.bf16 v1, v0  }
0x12e: {  	[tilespmem:s1+$0xF410] =	vst v0  }
0x12f: {  	v0 =	vld [tilespmem:s19+$0x6840]  }
0x130: {  	v1 =	vld [tilespmem:s19+$0x6850];
	_ =	sdelay $0x4  }
0x131: {  	v0 =	vpack.i.f32.bf16 v1, v0  }
0x132: {  	[tilespmem:s1+$0xF420] =	vst v0  }
0x133: {  	v0 =	vld [tilespmem:s19+$0x6860]  }
0x134: {  	v1 =	vld [tilespmem:s19+$0x6870];
	_ =	sdelay $0x4  }
0x135: {  	v0 =	vpack.i.f32.bf16 v1, v0  }
0x136: {  	[tilespmem:s1+$0xF430] =	vst v0  }
0x137: {  	v0 =	vld [tilespmem:s19+$0x6C00]  }
0x138: {  	v1 =	vld [tilespmem:s19+$0x6C10];
	_ =	sdelay $0x4  }
0x139: {  	v0 =	vpack.i.f32.bf16 v1, v0  }
0x13a: {  	[tilespmem:s1+$0xF440] =	vst v0  }
0x13b: {  	v0 =	vld [tilespmem:s19+$0x6C20]  }
0x13c: {  	v1 =	vld [tilespmem:s19+$0x6C30];
	_ =	sdelay $0x4  }
0x13d: {  	v0 =	vpack.i.f32.bf16 v1, v0  }
0x13e: {  	[tilespmem:s1+$0xF450] =	vst v0  }
0x13f: {  	v0 =	vld [tilespmem:s19+$0x6C40]  }
0x140: {  	v1 =	vld [tilespmem:s19+$0x6C50];
	_ =	sdelay $0x4  }
0x141: {  	v0 =	vpack.i.f32.bf16 v1, v0  }
0x142: {  	[tilespmem:s1+$0xF460] =	vst v0  }
0x143: {  	v0 =	vld [tilespmem:s19+$0x6C60]  }
0x144: {  	v1 =	vld [tilespmem:s19+$0x6C70];
	_ =	sdelay $0x4  }
0x145: {  	v0 =	vpack.i.f32.bf16 v1, v0  }
0x146: {  	[tilespmem:s1+$0xF470] =	vst v0  }
0x147: {  	v0 =	vld [tilespmem:s19+$0x7000]  }
0x148: {  	v1 =	vld [tilespmem:s19+$0x7010];
	_ =	sdelay $0x4  }
0x149: {  	v0 =	vpack.i.f32.bf16 v1, v0  }
0x14a: {  	[tilespmem:s1+$0xF800] =	vst v0  }
0x14b: {  	v0 =	vld [tilespmem:s19+$0x7020]  }
0x14c: {  	v1 =	vld [tilespmem:s19+$0x7030];
	_ =	sdelay $0x4  }
0x14d: {  	v0 =	vpack.i.f32.bf16 v1, v0  }
0x14e: {  	[tilespmem:s1+$0xF810] =	vst v0  }
0x14f: {  	v0 =	vld [tilespmem:s19+$0x7040]  }
0x150: {  	v1 =	vld [tilespmem:s19+$0x7050];
	_ =	sdelay $0x4  }
0x151: {  	v0 =	vpack.i.f32.bf16 v1, v0  }
0x152: {  	[tilespmem:s1+$0xF820] =	vst v0  }
0x153: {  	v0 =	vld [tilespmem:s19+$0x7060]  }
0x154: {  	v1 =	vld [tilespmem:s19+$0x7070];
	_ =	sdelay $0x4  }
0x155: {  	v0 =	vpack.i.f32.bf16 v1, v0  }
0x156: {  	[tilespmem:s1+$0xF830] =	vst v0  }
0x157: {  	v0 =	vld [tilespmem:s19+$0x7400]  }
0x158: {  	v1 =	vld [tilespmem:s19+$0x7410];
	_ =	sdelay $0x4  }
0x159: {  	s20 =	simm.s32 $0x1;
	v0 =	vpack.i.f32.bf16 v1, v0  }
.LBB2_9:
0x15a: {  	p1 =	sne.s32 s20, $0x1F  }
0x15b: {  	[tilespmem:s1+$0xF840] =	vst v0;
	s0 =	sadd.s32 $0x80, s0;
	s21 =	smov.u32 s20;
	s20 =	sadd.s32 $0x1, s20  }
0x15c: {  	v0 =	vld [tilespmem:s19+$0x7420]  }
0x15d: {  	v1 =	vld [tilespmem:s19+$0x7430];
	_ =	sdelay $0x4  }
0x15e: {  	v0 =	vpack.i.f32.bf16 v1, v0  }
0x15f: {  	[tilespmem:s1+$0xF850] =	vst v0  }
0x160: {  	v0 =	vld [tilespmem:s19+$0x7440]  }
0x161: {  	v1 =	vld [tilespmem:s19+$0x7450];
	_ =	sdelay $0x4  }
0x162: {  	v0 =	vpack.i.f32.bf16 v1, v0  }
0x163: {  	[tilespmem:s1+$0xF860] =	vst v0  }
0x164: {  	v0 =	vld [tilespmem:s19+$0x7460]  }
0x165: {  	v1 =	vld [tilespmem:s19+$0x7470];
	_ =	sdelay $0x1  }
0x166: {  	s19 =	sshrl.u32 s21, $0x3  }
0x167: {  	s21 =	smul.u32 $0x6000, s19  }
0x168: {  	s22 =	smul.u32 $0x3000, s19  }
0x169: {  	s23 =	sand.u32 $0x380, s0;
	s19 =	sshra.s32 s21, $0x2;
	v0 =	vpack.i.f32.bf16 v1, v0  }
0x16a: {  	s21 =	sshra.s32 s22, $0x2;
	s19 =	sor.u32 s23, s19;
	[tilespmem:s1+$0xF870] =	vst v0  }
0x16b: {  	v0 =	vld [tilespmem:s19+$0x6000]  }
0x16c: {  	v1 =	vld [tilespmem:s19+$0x6010];
	_ =	sdelay $0x3  }
0x16d: {  	s1 =	sor.u32 s23, s21  }
0x16e: {  	v0 =	vpack.i.f32.bf16 v1, v0  }
0x16f: {  	[tilespmem:s1+$0xF000] =	vst v0  }
0x170: {  	v0 =	vld [tilespmem:s19+$0x6020]  }
0x171: {  	v1 =	vld [tilespmem:s19+$0x6030];
	_ =	sdelay $0x4  }
0x172: {  	v0 =	vpack.i.f32.bf16 v1, v0  }
0x173: {  	[tilespmem:s1+$0xF010] =	vst v0  }
0x174: {  	v0 =	vld [tilespmem:s19+$0x6040]  }
0x175: {  	v1 =	vld [tilespmem:s19+$0x6050];
	_ =	sdelay $0x4  }
0x176: {  	v0 =	vpack.i.f32.bf16 v1, v0  }
0x177: {  	[tilespmem:s1+$0xF020] =	vst v0  }
0x178: {  	v0 =	vld [tilespmem:s19+$0x6060]  }
0x179: {  	v1 =	vld [tilespmem:s19+$0x6070];
	_ =	sdelay $0x4  }
0x17a: {  	v0 =	vpack.i.f32.bf16 v1, v0  }
0x17b: {  	[tilespmem:s1+$0xF030] =	vst v0  }
0x17c: {  	v0 =	vld [tilespmem:s19+$0x6400]  }
0x17d: {  	v1 =	vld [tilespmem:s19+$0x6410];
	_ =	sdelay $0x4  }
0x17e: {  	v0 =	vpack.i.f32.bf16 v1, v0  }
0x17f: {  	[tilespmem:s1+$0xF040] =	vst v0  }
0x180: {  	v0 =	vld [tilespmem:s19+$0x6420]  }
0x181: {  	v1 =	vld [tilespmem:s19+$0x6430];
	_ =	sdelay $0x4  }
0x182: {  	v0 =	vpack.i.f32.bf16 v1, v0  }
0x183: {  	[tilespmem:s1+$0xF050] =	vst v0  }
0x184: {  	v0 =	vld [tilespmem:s19+$0x6440]  }
0x185: {  	v1 =	vld [tilespmem:s19+$0x6450];
	_ =	sdelay $0x4  }
0x186: {  	v0 =	vpack.i.f32.bf16 v1, v0  }
0x187: {  	[tilespmem:s1+$0xF060] =	vst v0  }
0x188: {  	v0 =	vld [tilespmem:s19+$0x6460]  }
0x189: {  	v1 =	vld [tilespmem:s19+$0x6470];
	_ =	sdelay $0x4  }
0x18a: {  	v0 =	vpack.i.f32.bf16 v1, v0  }
0x18b: {  	[tilespmem:s1+$0xF070] =	vst v0  }
0x18c: {  	v0 =	vld [tilespmem:s19+$0x6800]  }
0x18d: {  	v1 =	vld [tilespmem:s19+$0x6810];
	_ =	sdelay $0x4  }
0x18e: {  	v0 =	vpack.i.f32.bf16 v1, v0  }
0x18f: {  	[tilespmem:s1+$0xF400] =	vst v0  }
0x190: {  	v0 =	vld [tilespmem:s19+$0x6820]  }
0x191: {  	v1 =	vld [tilespmem:s19+$0x6830];
	_ =	sdelay $0x4  }
0x192: {  	v0 =	vpack.i.f32.bf16 v1, v0  }
0x193: {  	[tilespmem:s1+$0xF410] =	vst v0  }
0x194: {  	v0 =	vld [tilespmem:s19+$0x6840]  }
0x195: {  	v1 =	vld [tilespmem:s19+$0x6850];
	_ =	sdelay $0x4  }
0x196: {  	v0 =	vpack.i.f32.bf16 v1, v0  }
0x197: {  	[tilespmem:s1+$0xF420] =	vst v0  }
0x198: {  	v0 =	vld [tilespmem:s19+$0x6860]  }
0x199: {  	v1 =	vld [tilespmem:s19+$0x6870];
	_ =	sdelay $0x4  }
0x19a: {  	v0 =	vpack.i.f32.bf16 v1, v0  }
0x19b: {  	[tilespmem:s1+$0xF430] =	vst v0  }
0x19c: {  	v0 =	vld [tilespmem:s19+$0x6C00]  }
0x19d: {  	v1 =	vld [tilespmem:s19+$0x6C10];
	_ =	sdelay $0x4  }
0x19e: {  	v0 =	vpack.i.f32.bf16 v1, v0  }
0x19f: {  	[tilespmem:s1+$0xF440] =	vst v0  }
0x1a0: {  	v0 =	vld [tilespmem:s19+$0x6C20]  }
0x1a1: {  	v1 =	vld [tilespmem:s19+$0x6C30];
	_ =	sdelay $0x4  }
0x1a2: {  	v0 =	vpack.i.f32.bf16 v1, v0  }
0x1a3: {  	[tilespmem:s1+$0xF450] =	vst v0  }
0x1a4: {  	v0 =	vld [tilespmem:s19+$0x6C40]  }
0x1a5: {  	v1 =	vld [tilespmem:s19+$0x6C50];
	_ =	sdelay $0x4  }
0x1a6: {  	v0 =	vpack.i.f32.bf16 v1, v0  }
0x1a7: {  	[tilespmem:s1+$0xF460] =	vst v0  }
0x1a8: {  	v0 =	vld [tilespmem:s19+$0x6C60]  }
0x1a9: {  	v1 =	vld [tilespmem:s19+$0x6C70];
	_ =	sdelay $0x4  }
0x1aa: {  	v0 =	vpack.i.f32.bf16 v1, v0  }
0x1ab: {  	[tilespmem:s1+$0xF470] =	vst v0  }
0x1ac: {  	v0 =	vld [tilespmem:s19+$0x7000]  }
0x1ad: {  	v1 =	vld [tilespmem:s19+$0x7010];
	_ =	sdelay $0x4  }
0x1ae: {  	v0 =	vpack.i.f32.bf16 v1, v0  }
0x1af: {  	[tilespmem:s1+$0xF800] =	vst v0  }
0x1b0: {  	v0 =	vld [tilespmem:s19+$0x7020]  }
0x1b1: {  	v1 =	vld [tilespmem:s19+$0x7030];
	_ =	sdelay $0x4  }
0x1b2: {  	v0 =	vpack.i.f32.bf16 v1, v0  }
0x1b3: {  	[tilespmem:s1+$0xF810] =	vst v0  }
0x1b4: {  	v0 =	vld [tilespmem:s19+$0x7040]  }
0x1b5: {  	v1 =	vld [tilespmem:s19+$0x7050];
	_ =	sdelay $0x4  }
0x1b6: {  	v0 =	vpack.i.f32.bf16 v1, v0  }
0x1b7: {  	[tilespmem:s1+$0xF820] =	vst v0  }
0x1b8: {  	v0 =	vld [tilespmem:s19+$0x7060]  }
0x1b9: {  	v1 =	vld [tilespmem:s19+$0x7070];
	_ =	sdelay $0x4  }
0x1ba: {  	v0 =	vpack.i.f32.bf16 v1, v0  }
0x1bb: {  	[tilespmem:s1+$0xF830] =	vst v0  }
0x1bc: {  	v0 =	vld [tilespmem:s19+$0x7400]  }
0x1bd: {  	v1 =	vld [tilespmem:s19+$0x7410]  }
.Ltmp6:
0x1be: {  	(pc) =	sbr.rel @p1 .LBB2_9-.Ltmp6, $2  }
0x1bf: {  	_ =	sdelay $0x2  }
0x1c0: {  	v0 =	vpack.i.f32.bf16 v1, v0  }
0x1c1: {  	[tilespmem:s1+$0xF840] =	vst v0  }
0x1c2: {  	v0 =	vld [tilespmem:s19+$0x7420]  }
0x1c3: {  	v1 =	vld [tilespmem:s19+$0x7430];
	_ =	sdelay $0x4  }
0x1c4: {  	v0 =	vpack.i.f32.bf16 v1, v0  }
0x1c5: {  	[tilespmem:s1+$0xF850] =	vst v0  }
0x1c6: {  	v0 =	vld [tilespmem:s19+$0x7440]  }
0x1c7: {  	v62 =	vld [tilespmem:s19+$0x7450];
	_ =	sdelay $0x4  }
0x1c8: {  	v0 =	vpack.i.f32.bf16 v62, v0  }
0x1c9: {  	[tilespmem:s1+$0xF860] =	vst v0  }
0x1ca: {  	v0 =	vld [tilespmem:s19+$0x7460]  }
0x1cb: {  	v63 =	vld [tilespmem:s19+$0x7470]  }
0x1cc: {  	s29 =	sadd.s32 $0x1, s29  }
0x1cd: {  	p1 =	sne.s32 s29, $0xF  }
.Ltmp7:
0x1ce: {  	_ = 	snop;
	(pc) =	sbr.rel @p1 .LBB2_2-.Ltmp7, $4  }
0x1cf: {  	s0 =	smul.u32 $0x180, s30  }
0x1d0: {  	v0 =	vpack.i.f32.bf16 v63, v0  }
0x1d1: {  	s0 =	sadd.s32 s5, s0;
	[tilespmem:s1+$0xF870] =	vst v0  }
0x1d2: {  	[hbm4b:s0+s4] =	stream.linear.scatter [tilespmem:s17], [sflag:$0x4], $0x3000, $0x38;
	[tilespmem:$0x12000] =	vst v63  }
0x1d3: {  	_ =	swait.ge [sflag:s18], $0x3000  }
.Ltmp8:
0x1d4: {  	[sflag:s18] =	ssyncset.done $0x0;
	(pc) =	sbr.rel @p0 .LBB2_15-.Ltmp8, $4  }
0x1d5: {  	[sflag:s18] =	ssyncadd.s32 $0xFFFFD000  }
0x1d6: {  	_ =	swait.ge [sflag:s16], $0x3000  }
0x1d7: {  	[sflag:s16] =	ssyncset.done $0x0  }
0x1d8: {  	[sflag:s16] =	ssyncadd.s32 $0xFFFFD000  }
0x1d9: {  	s0 =	simm.s32 $0x0  }
0x1da: {  	[tilespmem:s0], [sflag:$0x5] =	stream.linear.gather [hbm4b:s9+s0], $0x100, $0x38;
	[tilespmem:$0x12000] =	vst v63  }
0x1db: {  	s1 =	sadd.s32 $0x80, s9;
	s19 =	simm.s32 $0x400  }
0x1dc: {  	[tilespmem:s19], [sflag:$0x5] =	stream.linear.gather [hbm4b:s1+s0], $0x100, $0x38;
	[tilespmem:$0x12000] =	vst v63  }
0x1dd: {  	s20 =	simm.s32 $0x800;
	s19 =	sadd.s32 $0x100, s9  }
0x1de: {  	[tilespmem:s20], [sflag:$0x5] =	stream.linear.gather [hbm4b:s19+s0], $0x100, $0x38;
	[tilespmem:$0x12000] =	vst v63  }
0x1df: {  	s21 =	sadd.s32 $0x180, s9;
	s22 =	simm.s32 $0xC00  }
0x1e0: {  	[tilespmem:s22], [sflag:$0x5] =	stream.linear.gather [hbm4b:s21+s0], $0x100, $0x38;
	[tilespmem:$0x12000] =	vst v63  }
0x1e1: {  	s23 =	sadd.s32 $0x200, s9;
	s29 =	simm.s32 $0x1000  }
0x1e2: {  	[tilespmem:s29], [sflag:$0x5] =	stream.linear.gather [hbm4b:s23+s0], $0x100, $0x38;
	[tilespmem:$0x12000] =	vst v63  }
0x1e3: {  	s30 =	sadd.s32 $0x280, s9;
	s31 =	simm.s32 $0x1400  }
0x1e4: {  	[tilespmem:s31], [sflag:$0x5] =	stream.linear.gather [hbm4b:s30+s0], $0x100, $0x38;
	[tilespmem:$0x12000] =	vst v63  }
0x1e5: {  	_ =	swait.ge [sflag:s24], $0x600  }
0x1e6: {  	[sflag:s24] =	ssyncset.done $0x0  }
0x1e7: {  	p1 =	por $0x1, $0x1;
	[sflag:s24] =	ssyncadd.s32 $0xFFFFFA00  }
.LBB2_13:
0x1e8: {  	v0 =	vld [tilespmem:s0+$0x0]  }
0x1e9: {  	v1 =	vld [tilespmem:s0+$0x10]  }
0x1ea: {  	v19 =	vld [tilespmem:s0+$0x20]  }
0x1eb: {  	v20 =	vld [tilespmem:s0+$0x30]  }
0x1ec: {  	v21 =	vld [tilespmem:s0+$0x40]  }
0x1ed: {  	v22 =	vld [tilespmem:s0+$0x50]  }
0x1ee: {  	v23 =	vld [tilespmem:s0+$0x60]  }
0x1ef: {  	v24 =	vld [tilespmem:s0+$0x70]  }
0x1f0: {  	v25 =	vld [tilespmem:s0+$0x400]  }
0x1f1: {  	v26 =	vld [tilespmem:s0+$0x410]  }
0x1f2: {  	v27 =	vld [tilespmem:s0+$0x420]  }
0x1f3: {  	v28 =	vld [tilespmem:s0+$0x430]  }
0x1f4: {  	v29 =	vld [tilespmem:s0+$0x440]  }
0x1f5: {  	v30 =	vld [tilespmem:s0+$0x450]  }
0x1f6: {  	v31 =	vld [tilespmem:s0+$0x460]  }
0x1f7: {  	v32 =	vld [tilespmem:s0+$0x470]  }
0x1f8: {  	v33 =	vld [tilespmem:s0+$0x810]  }
0x1f9: {  	v34 =	vld [tilespmem:s0+$0x820]  }
0x1fa: {  	v35 =	vld [tilespmem:s0+$0x830]  }
0x1fb: {  	v36 =	vld [tilespmem:s0+$0x840]  }
0x1fc: {  	v37 =	vld [tilespmem:s0+$0x850]  }
0x1fd: {  	v38 =	vld [tilespmem:s0+$0x860]  }
0x1fe: {  	v39 =	vld [tilespmem:s0+$0x870]  }
0x1ff: {  	v40 =	vld [tilespmem:s0+$0xC00];
	v0 =	vpack.i.f32.bf16 v1, v0  }
0x200: {  	v41 =	vld [tilespmem:s0+$0xC10];
	[tilespmem:s0+$0xC000] =	vst v0;
	v0 =	vpack.i.f32.bf16 v20, v19  }
0x201: {  	v42 =	vld [tilespmem:s0+$0xC20];
	[tilespmem:s0+$0xC010] =	vst v0;
	v0 =	vpack.i.f32.bf16 v22, v21  }
0x202: {  	v43 =	vld [tilespmem:s0+$0xC30];
	[tilespmem:s0+$0xC020] =	vst v0;
	v0 =	vpack.i.f32.bf16 v24, v23  }
0x203: {  	v44 =	vld [tilespmem:s0+$0xC40];
	[tilespmem:s0+$0xC030] =	vst v0;
	v0 =	vpack.i.f32.bf16 v26, v25  }
0x204: {  	v45 =	vld [tilespmem:s0+$0xC50];
	[tilespmem:s0+$0xC040] =	vst v0;
	v0 =	vpack.i.f32.bf16 v28, v27  }
0x205: {  	v46 =	vld [tilespmem:s0+$0xC60];
	[tilespmem:s0+$0xC050] =	vst v0;
	v0 =	vpack.i.f32.bf16 v30, v29  }
0x206: {  	v47 =	vld [tilespmem:s0+$0xC70];
	[tilespmem:s0+$0xC060] =	vst v0;
	v0 =	vpack.i.f32.bf16 v32, v31  }
0x207: {  	s1 =	sor.u32 $0x800, s0;
	v48 =	vld [tilespmem:s0+$0x1000];
	[tilespmem:s0+$0xC070] =	vst v0  }
0x208: {  	v0 =	vld [tilespmem:s1+$0x0]  }
0x209: {  	v49 =	vld [tilespmem:s0+$0x1010]  }
0x20a: {  	v50 =	vld [tilespmem:s0+$0x1020]  }
0x20b: {  	v51 =	vld [tilespmem:s0+$0x1030]  }
0x20c: {  	v52 =	vld [tilespmem:s0+$0x1040]  }
0x20d: {  	v53 =	vld [tilespmem:s0+$0x1050];
	v0 =	vpack.i.f32.bf16 v33, v0  }
0x20e: {  	v54 =	vld [tilespmem:s0+$0x1060];
	[tilespmem:s0+$0xC400] =	vst v0;
	v0 =	vpack.i.f32.bf16 v35, v34  }
0x20f: {  	v55 =	vld [tilespmem:s0+$0x1070];
	[tilespmem:s0+$0xC410] =	vst v0;
	v0 =	vpack.i.f32.bf16 v37, v36  }
0x210: {  	v56 =	vld [tilespmem:s0+$0x1400];
	[tilespmem:s0+$0xC420] =	vst v0;
	v0 =	vpack.i.f32.bf16 v39, v38  }
0x211: {  	v57 =	vld [tilespmem:s0+$0x1410];
	[tilespmem:s0+$0xC430] =	vst v0;
	v0 =	vpack.i.f32.bf16 v41, v40  }
0x212: {  	v58 =	vld [tilespmem:s0+$0x1420];
	[tilespmem:s0+$0xC440] =	vst v0;
	v0 =	vpack.i.f32.bf16 v43, v42  }
0x213: {  	v59 =	vld [tilespmem:s0+$0x1430];
	[tilespmem:s0+$0xC450] =	vst v0;
	v0 =	vpack.i.f32.bf16 v45, v44  }
0x214: {  	v60 =	vld [tilespmem:s0+$0x1440];
	[tilespmem:s0+$0xC460] =	vst v0;
	v0 =	vpack.i.f32.bf16 v47, v46  }
0x215: {  	v61 =	vld [tilespmem:s0+$0x1450];
	[tilespmem:s0+$0xC470] =	vst v0;
	v0 =	vpack.i.f32.bf16 v49, v48  }
0x216: {  	v62 =	vld [tilespmem:s0+$0x1460];
	[tilespmem:s0+$0xC800] =	vst v0;
	v0 =	vpack.i.f32.bf16 v51, v50  }
0x217: {  	v63 =	vld [tilespmem:s0+$0x1470];
	[tilespmem:s0+$0xC810] =	vst v0;
	v0 =	vpack.i.f32.bf16 v53, v52  }
0x218: {  	p2 =	por p1, p1;
	[tilespmem:s0+$0xC820] =	vst v0;
	v0 =	vpack.i.f32.bf16 v55, v54  }
.Ltmp9:
0x219: {  	[tilespmem:s0+$0xC830] =	vst v0;
	v0 =	vpack.i.f32.bf16 v57, v56;
	(pc) =	sbr.rel @p2 .LBB2_13-.Ltmp9, $4  }
0x21a: {  	[tilespmem:s0+$0xC840] =	vst v0;
	v0 =	vpack.i.f32.bf16 v59, v58  }
0x21b: {  	[tilespmem:s0+$0xC850] =	vst v0;
	v0 =	vpack.i.f32.bf16 v61, v60  }
0x21c: {  	[tilespmem:s0+$0xC860] =	vst v0;
	v0 =	vpack.i.f32.bf16 v63, v62  }
0x21d: {  	p1 =	por $0x0, $0x0;
	[tilespmem:s0+$0xC870] =	vst v0;
	s0 =	simm.s32 $0x80  }
0x21e: {  	[hbm4b:s10+s4] =	stream.linear.scatter [tilespmem:s14], [sflag:$0x5], $0x100, $0x38;
	[tilespmem:$0x12000] =	vst v63  }
0x21f: {  	s0 =	sadd.s32 $0x80, s10  }
0x220: {  	[hbm4b:s0+s4] =	stream.linear.scatter [tilespmem:s25], [sflag:$0x5], $0x100, $0x38;
	[tilespmem:$0x12000] =	vst v63  }
.Ltmp10:
0x221: {  	s31 =	sadd.s32 $0x100, s10;
	(pc) =	sbr.rel .LBB2_15-.Ltmp10, $4  }
0x222: {  	[hbm4b:s31+s4] =	stream.linear.scatter [tilespmem:s26], [sflag:$0x5], $0x100, $0x38;
	[tilespmem:$0x12000] =	vst v63  }
0x223: {  	_ =	swait.ge [sflag:s24], $0x300  }
0x224: {  	[sflag:s24] =	ssyncset.done $0x0  }
0x225: {  	[sflag:s24] =	ssyncadd.s32 $0xFFFFFD00  }
.LBB2_16:
0x226: {  	_ =	sfence.sel $0x180000  }
0x227: {  	[bflag:$0x0] =	sbarrier.arrive $0xFFFF  }
0x228: {  	_ =	strace $0x90000047  }
0x229: {  	s0 =	stileid.u32;
	[bflag:$0x2] =	sbarrier.arrive $0xFFFF  }
0x22a: {  	p0 =	sne.s32 s0, $0x0;
	s0 =	rddreg [dreg:$0x2]  }
0x22b: {  	s0 =	sadd.s32 @!p0 $0x100000, s0  }
0x22c: {  	[sflag:s0] =	ssyncadd.tile.s32 @!p0 $0x1;
	_ =	shalt  }
.Lfunc_end2:
_tile_overlayer_lowered:
.L_overlay_start_2:
0x22d: {  	(tag) =	ssettag $0x2  }
0x22e: {  	s0 =	rddreg [dreg:$0x0];
	s2 =	stileid.u32  }
0x22f: {  	s1 =	rddreg [dreg:$0x1];
	p0 =	sne.s32 s2, $0x0  }
0x230: {  	s3 =	rddreg [dreg:$0x2];
	[bflag:$0x3] =	sbarrier.arrive $0xFFFF;
	s2 =	simm.s32 @!p0 $0x1C05  }
0x231: {  	[timem:s3], [sflag:s2] =	dma.local @!p0 [hbm:s0], s1  }
0x232: {  	s0 =	simm.s32 @!p0 $0x5  }
0x233: {  	_ =	swait.ge @!p0 [sflag:s0], s1  }
0x234: {  	s1 =	ssub.s32 @!p0 $0x0, s1;
	[sflag:s0] =	ssyncset.done @!p0 $0x0  }
0x235: {  	[sflag:s0] =	ssyncadd.s32 @!p0 s1  }
0x236: {  	[bflag:$0x3] =	sbarrier.arrive $0xFFFF  }
0x237: {  	_ =	shalt  }

// kernel: kernel.7.cloned.1.call-start
scs
__scs_entry_jumppad:
0x0: {  	(pc) =	sbr.rel $0x88, $3  }
0x1: {  	(tag) =	ssettag $0x0;
	lr =	simm.s32 $0x1  }
0x2: {  	[smem:$0x3F9D] =	sst lr;
	_ =	strace $0xD0000000  }
0x3: {  	_ = 	snop  }
0x4: {  	_ = 	snop  }
0x5: {  	_ = 	snop  }
0x6: {  	_ = 	snop  }
0x7: {  	_ = 	snop  }
__scs_overlays_trampoline_lowered:
0x8: {  	[smem:$0x3FAC] =	sst s0  }
0x9: {  	[smem:$0x3FAD] =	sst s1  }
0xa: {  	[smem:$0x3FAE] =	sst s2  }
0xb: {  	[smem:$0x3FAF] =	sst s3  }
0xc: {  	[smem:$0x3FB0] =	sst s4  }
0xd: {  	[smem:$0x3FB1] =	sst s5  }
0xe: {  	[smem:$0x3FB2] =	sst s6  }
0xf: {  	[smem:$0x3FB3] =	sst s7  }
0x10: {  	[smem:$0x3FB4] =	sst s8  }
0x11: {  	[smem:$0x3FB5] =	sst s9;
	s0 =	simm.s32 @!p0 $0x0  }
0x12: {  	s1 =	sld [smem:$0x3F9B];
	s0 =	simm.s32 @p0 $0x1  }
0x13: {  	[smem:$0x3FB6] =	sst s0;
	s0 =	simm.s32 @!p1 $0x0  }
0x14: {  	s2 =	sld [smem:$0x3F9A];
	s0 =	simm.s32 @p1 $0x1  }
0x15: {  	[smem:$0x3FB7] =	sst s0;
	s0 =	simm.s32 @!p2 $0x0  }
0x16: {  	s3 =	sld [smem:$0x3FDB];
	s0 =	simm.s32 @p2 $0x1  }
0x17: {  	s4 =	simm.s32 $0x1BF5;
	[smem:$0x3FB9] =	sst s0  }
0x18: {  	s0 =	sld [smem:$0x3F9C];
	_ =	swait.ge [sflag:s4], $0x0  }
0x19: {  	s7 =	sld [smem:$0x3F9D]  }
0x1a: {  	s8 =	sadd.s32 $0xFFFFE003, lr  }
0x1b: {  	s9 =	sadd.s32 $0xFFFFFEF7, lr;
	s5 =	simm.s32 $0xFFFFFFFF;
	p2 =	slt.u32 s8, $0xFFFFF086  }
0x1c: {  	p1 =	slt.u32 s9, $0xF7A;
	s5 =	simm.s32 @!p2 $0x0  }
0x1d: {  	s5 =	simm.s32 @p1 $0x1;
	p0 =	seq.s32 s7, s2  }
0x1e: {  	s7 =	smul.u32 @!p0 $0xF7A, s2;
	p2 =	seq.s32 @!p0 s5, $0x0  }
0x1f: {  	s9 =	smul.u32 $0xF7A, s1;
	s8 =	simm.s32 @!p0 $0x1BF5;
	p2 =	por !p2, p0  }
0x20: {  	[sflag:s8] =	ssyncset.s32 @!p0 $0xFFFFF086;
	s6 =	sadd.s32 @!p0 s3, s7;
	s7 =	simm.s32 @!p0 $0x108  }
0x21: {  	s3 =	sadd.s32 s3, s9;
	s6 =	sadd.s32 @!p0 $0x88, s6;
	s7 =	simm.s32 @p2 $0x1082  }
0x22: {  	[simem:s7], [sflag:s8] =	dma.local @!p0 [hbm:s6], $0xF7A  }
0x23: {  	s9 =	sor.u32 $0xD0000000, s2;
	s6 =	simm.s32 $0x108;
	_ =	swait.ge @!p0 [sflag:s8], $0x0  }
0x24: {  	s3 =	sadd.s32 $0x88, s3;
	s6 =	simm.s32 @!p1 $0x1082;
	[sflag:s4] =	ssyncset.s32 $0xFFFFF086  }
0x25: {  	[simem:s6], [sflag:s4] =	dma.local [hbm:s3], $0xF7A  }
0x26: {  	[smem:$0x3F9D] =	sst s1;
	(tag) =	ssettag s2;
	_ =	strace s9  }
0x27: {  	s1 =	sld [smem:$0x3FAD]  }
0x28: {  	s2 =	sld [smem:$0x3FAE]  }
0x29: {  	s4 =	sld [smem:$0x3FB0]  }
0x2a: {  	p0 =	seq.s32 s5, $0x0;
	s5 =	sld [smem:$0x3FB1]  }
0x2b: {  	s6 =	sld [smem:$0x3FB2]  }
0x2c: {  	s7 =	sld [smem:$0x3FB3]  }
0x2d: {  	s3 =	simm.s32 $0x108;
	s8 =	sld [smem:$0x3FB4]  }
0x2e: {  	s3 =	simm.s32 @!p0 $0x1082;
	s9 =	sld [smem:$0x3FB5]  }
0x2f: {  	lr =	sadd.s32 s0, s3;
	s0 =	sld [smem:$0x3FAC]  }
0x30: {  	s3 =	sld [smem:$0x3FAF]  }
0x31: {  	[smem:$0x3FB8] =	sst s10  }
0x32: {  	s10 =	sld [smem:$0x3FB6];
	_ =	sdelay $0x3  }
0x33: {  	p0 =	seq.s32 s10, $0x1;
	s10 =	sld [smem:$0x3FB8];
	_ =	sdelay $0x3  }
0x34: {  	[smem:$0x3FB8] =	sst s10  }
0x35: {  	s10 =	sld [smem:$0x3FB7];
	_ =	sdelay $0x3  }
0x36: {  	p1 =	seq.s32 s10, $0x1;
	s10 =	sld [smem:$0x3FB8];
	_ =	sdelay $0x3  }
0x37: {  	[smem:$0x3FB8] =	sst s10  }
0x38: {  	s10 =	sld [smem:$0x3FB9]  }
0x39: {  	_ = 	snop;
	(pc) =	sbr.ind lr, $3  }
0x3a: {  	_ = 	snop  }
0x3b: {  	_ = 	snop  }
0x3c: {  	p2 =	seq.s32 s10, $0x1;
	s10 =	sld [smem:$0x3FB8]  }
0x3d: {  	_ =	shalt  }
0x3e: {  	_ =	shalt  }
0x3f: {  	_ =	shalt  }
0x40: {  	_ =	shalt  }
0x41: {  	_ =	shalt  }
0x42: {  	_ =	shalt  }
0x43: {  	_ =	shalt  }
0x44: {  	_ =	shalt  }
0x45: {  	_ =	shalt  }
0x46: {  	_ =	shalt  }
0x47: {  	_ =	shalt  }
0x48: {  	_ =	shalt  }
0x49: {  	_ =	shalt  }
0x4a: {  	_ =	shalt  }
0x4b: {  	_ =	shalt  }
0x4c: {  	_ =	shalt  }
0x4d: {  	_ =	shalt  }
0x4e: {  	_ =	shalt  }
0x4f: {  	_ =	shalt  }
0x50: {  	_ =	shalt  }
0x51: {  	_ =	shalt  }
0x52: {  	_ =	shalt  }
0x53: {  	_ =	shalt  }
0x54: {  	_ =	shalt  }
0x55: {  	_ =	shalt  }
0x56: {  	_ =	shalt  }
0x57: {  	_ =	shalt  }
0x58: {  	_ =	shalt  }
0x59: {  	_ =	shalt  }
0x5a: {  	_ =	shalt  }
0x5b: {  	_ =	shalt  }
0x5c: {  	_ =	shalt  }
0x5d: {  	_ =	shalt  }
0x5e: {  	_ =	shalt  }
0x5f: {  	_ =	shalt  }
0x60: {  	_ =	shalt  }
0x61: {  	_ =	shalt  }
0x62: {  	_ =	shalt  }
0x63: {  	_ =	shalt  }
0x64: {  	_ =	shalt  }
0x65: {  	_ =	shalt  }
0x66: {  	_ =	shalt  }
0x67: {  	_ =	shalt  }
0x68: {  	_ =	shalt  }
0x69: {  	_ =	shalt  }
0x6a: {  	_ =	shalt  }
0x6b: {  	_ =	shalt  }
0x6c: {  	_ =	shalt  }
0x6d: {  	_ =	shalt  }
0x6e: {  	_ =	shalt  }
0x6f: {  	_ =	shalt  }
0x70: {  	_ =	shalt  }
0x71: {  	_ =	shalt  }
0x72: {  	_ =	shalt  }
0x73: {  	_ =	shalt  }
0x74: {  	_ =	shalt  }
0x75: {  	_ =	shalt  }
0x76: {  	_ =	shalt  }
0x77: {  	_ =	shalt  }
0x78: {  	_ =	shalt  }
0x79: {  	_ =	shalt  }
0x7a: {  	_ =	shalt  }
0x7b: {  	_ =	shalt  }
0x7c: {  	_ =	shalt  }
0x7d: {  	_ =	shalt  }
0x7e: {  	_ =	shalt  }
0x7f: {  	_ =	shalt  }
0x80: {  	_ =	shalt  }
0x81: {  	_ =	shalt  }
0x82: {  	_ =	shalt  }
0x83: {  	_ =	shalt  }
0x84: {  	_ =	shalt  }
0x85: {  	_ =	shalt  }
0x86: {  	_ =	shalt  }
0x87: {  	_ =	shalt  }
.Lfunc_end0:
.L_simem_size_0:
called_computation.1_lowered:
.L_overlay_start_0:
0x88: {  	s2 =	sld [smem:$0x3FD9]  }
0x89: {  	s3 =	sld [smem:$0x3FFE];
	_ =	sdelay $0x1  }
0x8a: {  	s1 =	srdreg.scid  }
0x8b: {  	s0 =	sand.u32 $0x1, s1  }
0x8c: {  	s17 =	sshll.u32 s0, $0xA;
	s2 =	sadd.s32 s3, s2  }
0x8d: {  	s2 =	sadd.s32 s2, s17  }
0x8e: {  	[smem:$0x3FC4] =	sst s2  }
0x8f: {  	_ = 	snop  }
0x90: {  	s2 =	sld [smem:$0x3FC6]  }
0x91: {  	s18 =	sld [smem:$0x3FD0];
	(tm) =	ssettm $0x1  }
0x92: {  	s4 =	sld [smem:$0x3FFB];
	_ =	sdelay $0x3  }
0x93: {  	_ =	strace s4  }
0x94: {  	s4 =	sld [smem:$0x3FFC];
	_ =	sdelay $0x3  }
0x95: {  	_ =	strace s4  }
0x96: {  	s4 =	sld [smem:$0x3FFD];
	_ =	sdelay $0x3  }
0x97: {  	_ =	strace s4  }
0x98: {  	_ =	strace $0x8FFFFFFF  }
0x99: {  	s19 =	sld [smem:$0x3FDB];
	_ =	sdelay $0x1  }
0x9a: {  	s5 =	simm.s32 $_scs_section_size  }
0x9b: {  	s6 =	simm.s32 $_size__tile_overlayer_lowered;
	s7 =	simm.s32 $_tile_overlayer_lowered  }
0x9c: {  	s22 =	simm.s32 $0x1BFF;
	s21 =	sshll.u32 s7, $0x1;
	s4 =	sadd.s32 s5, s19  }
0x9d: {  	s8 =	simm.s32 $0x0;
	s20 =	sshll.u32 s6, $0x1;
	s6 =	sadd.s32 s21, s4  }
0x9e: {  	[timem:s8], [sflag:s22] =	dma.local [hbm:s6], s20  }
0x9f: {  	_ =	swait.ge [sflag:s22], s20  }
0xa0: {  	s5 =	ssub.s32 $0x0, s20;
	[sflag:s22] =	ssyncset.done $0x0  }
0xa1: {  	[sflag:s22] =	ssyncadd.s32 s5;
	_ =	sdelay $0x1  }
0xa2: {  	s23 =	simm.s32 $0x1B8B  }
0xa3: {  	_ =	swait.ge [sflag:s23], $0x1  }
0xa4: {  	[sflag:s23] =	ssyncset.done $0x0  }
0xa5: {  	s25 =	simm.s32 $0x1B8E;
	s24 =	sld [smem:$0x3FFE];
	[sflag:s23] =	ssyncadd.s32 $0xFFFFFFFF  }
0xa6: {  	s26 =	simm.s32 $execute0_lowered;
	[smem:$0x3FD2] =	sst s25  }
0xa7: {  	s6 =	sshll.u32 s26, $0x1;
	_ =	strace $0x80000049;
	[dreg:$0x1] =	wrdreg $0xFFFFFFFF  }
0xa8: {  	s28 =	simm.s32 $_size_execute0_lowered;
	s4 =	sadd.s32 s4, s6;
	[dreg:$0x0] =	wrdreg $0x0  }
0xa9: {  	s6 =	sshll.u32 s28, $0x1;
	[dreg:$0x2] =	wrdreg s4  }
0xaa: {  	[dreg:$0x3] =	wrdreg s6  }
0xab: {  	[dreg:$0x4] =	wrdreg $0xC0  }
0xac: {  	_ =	task [dreg:s8], $0x5FFFF  }
0xad: {  	[dreg:$0x1] =	wrdreg $0xFFFFFFFF  }
0xae: {  	[dreg:$0x0] =	wrdreg $0x60  }
0xaf: {  	[dreg:$0x2] =	wrdreg s24  }
0xb0: {  	[dreg:$0x3] =	wrdreg s2  }
0xb1: {  	[dreg:$0x4] =	wrdreg s18  }
0xb2: {  	[dreg:$0x5] =	wrdreg $0x9  }
0xb3: {  	_ =	task.clear_ibuf [dreg:s8], $0x6FFFF;
	_ =	strace $0x90000049  }
0xb4: {  	s29 =	simm.s32 $0x9;
	_ =	strace $0x8000004B  }
0xb5: {  	_ =	swait.ge [sflag:s29], $0x1  }
0xb6: {  	[sflag:s29] =	ssyncadd.s32 $0xFFFFFFFF  }
0xb7: {  	_ =	strace $0x9000004B  }
0xb8: {  	_ =	sfence  }
0xb9: {  	s30 =	sld [smem:$0x0];
	_ =	sdelay $0x2  }
0xba: {  	s31 =	sshll.u32 s1, $0xD;
	s1 =	sshrl.u32 s1, $0x2  }
0xbb: {  	s3 =	sand.u32 $0x4000, s31;
	s1 =	sadd.s32 s1, s30  }
0xbc: {  	s0 =	sor.u32 s3, s0;
	s1 =	sshll.u32 s1, $0x11  }
0xbd: {  	s0 =	sor.u32 s1, s0  }
0xbe: {  	s0 =	sadd.s32 $0x8F2B, s0  }
0xbf: {  	[sflag:s0] =	ssyncadd.remote.s32 $0x1  }
0xc0: {  	_ =	sfence.sel $0xFFFF  }
0xc1: {  	[dreg:$0x0] =	wrdreg $0xFFFFFFFF;
	(pc) =	sbr.abs _section_cstart, $3  }
0xc2: {  	[dreg:$0x1] =	wrdreg $0xFFFFFFFF  }
0xc3: {  	_ =	task.clear_ibuf [dreg:s8], $0x2FFFF;
	_ =	strace $0x9FFFFFFF  }
0xc4: {  	(tm) =	ssettm $0x7FFFFFFF  }
0xc5: {  	_ =	shalt  }
tec
execute0_lowered:
.L_overlay_start_1:
0x0: {  	(tag) =	ssettag $0x1  }
0x1: {  	s0 =	rddreg [dreg:$0x0];
	s1 =	srdreg.scid  }
0x2: {  	s2 =	stileid.u32;
	s3 =	simm.s32 $0x0;
	s13 =	simm.s32 $0x8000  }
0x3: {  	s28 =	simm.s32 $0x14780;
	s29 =	simm.s32 $0x14B80;
	s30 =	simm.s32 $0x15380  }
0x4: {  	s31 =	simm.s32 $0x1;
	s12 =	simm.s32 $0x4;
	s1 =	sand.u32 $0x1, s1  }
0x5: {  	s2 =	sshll.u32 s2, $0x1;
	[smem:$0x7FF] =	sst s3;
	s5 =	sadd.s32 $0xC00, s0  }
0x6: {  	s9 =	sadd.s32 $0xD00, s0;
	s2 =	sor.u32 s1, s2;
	s1 =	ssub.s32 $0x2, s1  }
0x7: {  	_ =	strace $0x8000004A;
	s23 =	sshll.u32 s2, $0xB;
	s4 =	sshrl.u32 s1, $0x1  }
0x8: {  	s6 =	sshll.u32 s2, $0x9;
	s2 =	simm.s32 $0x3;
	s3 =	sadd.s32 s23, s0  }
0x9: {  	s1 =	ssub.s32 s1, s4;
	s0 =	simm.s32 $0x18780;
	s24 =	sadd.s32 $0x166800, s3  }
0xa: {  	v2 =	vlaneseq.u32;
	s4 =	simm.s32 $0x0;
	s25 =	sadd.s32 $0x176800, s3;
	[dreg:$0x4] =	wrdreg s24  }
0xb: {  	vm0 =	vmmov $0xffff;
	vm1 =	vmmov $0xff;
	v1 =	vshrl.u32 v2, $0x3;
	s26 =	smax.u32 s1, $0x1;
	s1 =	simm.s32 $0x2;
	[dreg:$0x5] =	wrdreg s25  }
0xc: {  	v0 =	vand.u32 $0x7, v2;
	v2 =	vor.u32 $0x8, v2;
	v1 =	vmul.u32 $0x8, v1;
	[dreg:$0x6] =	wrdreg s26;
	s25 =	simm.s32 $0x13B80;
	s26 =	simm.s32 $0x13F80  }
.LBB2_1:
0xd: {  	[dreg:$0x7] =	wrdreg s4  }
0xe: {  	s14 =	simm.s32 $0x0;
	s3 =	rddreg [dreg:$0x4];
	s7 =	simm.s32 $0x5  }
0xf: {  	[tilespmem:s14], [sflag:$0x5] =	stream.linear.gather [hbm4b:s3+s14], $0x4000, $0x38;
	[tilespmem:$0x18800] =	vst v63  }
0x10: {  	_ =	swait.ge [sflag:s7], $0x4000  }
0x11: {  	[sflag:s7] =	ssyncset.done $0x0  }
0x12: {  	s8 =	simm.s32 $0x4000;
	s15 =	rddreg [dreg:$0x5];
	[sflag:s7] =	ssyncadd.s32 $0xFFFFC000  }
0x13: {  	[tilespmem:s8], [sflag:$0x5] =	stream.linear.gather [hbm4b:s15+s14], $0x4000, $0x38;
	[tilespmem:$0x18800] =	vst v63  }
0x14: {  	_ =	swait.ge [sflag:s7], $0x4000  }
0x15: {  	[sflag:s7] =	ssyncset.done $0x0  }
0x16: {  	[sflag:s7] =	ssyncadd.s32 $0xFFFFC000  }
0x17: {  	s16 =	rddreg [dreg:$0x1]  }
0x18: {  	[tilespmem:s13], [sflag:$0x5] =	stream.linear.gather [hbm4b:s16+s14], $0x7780, $0x38;
	[tilespmem:$0x18800] =	vst v63  }
0x19: {  	_ =	swait.ge [sflag:s7], $0x7780  }
0x1a: {  	[sflag:s7] =	ssyncset.done $0x0  }
0x1b: {  	[sflag:s7] =	ssyncadd.s32 $0xFFFF8880  }
0x1c: {  	v3 =	vld [tilespmem:$0x0];
	_ =	sdelay $0x4  }
0x1d: {  	v4 =	vshrl.u32 v3, $0x3  }
0x1e: {  	v4 =	vmul.u32 $0x18, v4  }
0x1f: {  	v3 =	vand.u32 $0x7, v3  }
0x20: {  	v3 =	vor.u32 v3, v4  }
0x21: {  	v4 =	vperm.xlane v3, v0;
	_ =	sdelay $0x1  }
0x22: {  	v4 =	vadd.s32 v1, v4;
	_ =	sdelay $0x1  }
0x23: {  	v3 =	vperm.xlane v3, v2;
	_ =	sdelay $0x1  }
0x24: {  	s17 =	simm.s32 $0xF780;
	v3 =	vadd.s32 v1, v3  }
0x25: {  	[tilespmem:s17], [sflag:$0x1] =	stream.indirect_vreg.gather [hbm4b:s5+s14], $0x80, v4, vm0, $0xb8;
	[tilespmem:$0x18800] =	vst v63  }
0x26: {  	s18 =	simm.s32 $0xFF80  }
0x27: {  	[tilespmem:s18], [sflag:$0x1] =	stream.indirect_vreg.gather [hbm4b:s9+s14], $0x80, v4, vm1, $0xb8;
	[tilespmem:$0x18800] =	vst v63  }
0x28: {  	s19 =	simm.s32 $0x10380  }
0x29: {  	[tilespmem:s19], [sflag:$0x1] =	stream.indirect_vreg.gather [hbm4b:s5+s14], $0x80, v3, vm0, $0xb8;
	[tilespmem:$0x18800] =	vst v63  }
0x2a: {  	s20 =	simm.s32 $0x10B80  }
0x2b: {  	[tilespmem:s20], [sflag:$0x1] =	stream.indirect_vreg.gather [hbm4b:s9+s14], $0x80, v3, vm1, $0xb8;
	[tilespmem:$0x18800] =	vst v63  }
0x2c: {  	v3 =	vld [tilespmem:$0x10];
	_ =	sdelay $0x4  }
0x2d: {  	v63 =	vshrl.u32 v3, $0x3  }
0x2e: {  	v4 =	vmul.u32 $0x18, v63  }
0x2f: {  	v3 =	vand.u32 $0x7, v3  }
0x30: {  	v3 =	vor.u32 v3, v4  }
0x31: {  	v4 =	vperm.xlane v3, v0;
	_ =	sdelay $0x1  }
0x32: {  	v4 =	vadd.s32 v1, v4;
	_ =	sdelay $0x1  }
0x33: {  	v3 =	vperm.xlane v3, v2;
	_ =	sdelay $0x1  }
0x34: {  	s21 =	simm.s32 $0x10F80;
	v3 =	vadd.s32 v1, v3  }
0x35: {  	[tilespmem:s21], [sflag:$0x2] =	stream.indirect_vreg.gather [hbm4b:s5+s14], $0x80, v4, vm0, $0xb8;
	[tilespmem:$0x18800] =	vst v63  }
0x36: {  	s22 =	simm.s32 $0x11780  }
0x37: {  	[tilespmem:s22], [sflag:$0x2] =	stream.indirect_vreg.gather [hbm4b:s9+s14], $0x80, v4, vm1, $0xb8;
	[tilespmem:$0x18800] =	vst v63  }
0x38: {  	s23 =	simm.s32 $0x11B80  }
0x39: {  	[tilespmem:s23], [sflag:$0x2] =	stream.indirect_vreg.gather [hbm4b:s5+s14], $0x80, v3, vm0, $0xb8;
	[tilespmem:$0x18800] =	vst v63  }
0x3a: {  	s24 =	simm.s32 $0x12380;
	s15 =	simm.s32 $0x0  }
0x3b: {  	[tilespmem:s24], [sflag:$0x2] =	stream.indirect_vreg.gather [hbm4b:s9+s14], $0x80, v3, vm1, $0xb8;
	[tilespmem:$0x18800] =	vst v63  }
.LBB2_2:
0x3c: {  	s17 =	sshllo.u32 s15, $0x1  }
0x3d: {  	s18 =	sshll.u32 s17, $0x5  }
0x3e: {  	v3 =	vld [tilespmem:s18+$0x0];
	_ =	sdelay $0x4  }
0x3f: {  	v4 =	vshrl.u32 v3, $0x3  }
0x40: {  	v4 =	vmul.u32 $0x18, v4  }
0x41: {  	v3 =	vand.u32 $0x7, v3  }
0x42: {  	v3 =	vor.u32 v3, v4  }
0x43: {  	v4 =	vperm.xlane v3, v0;
	_ =	sdelay $0x1  }
0x44: {  	v4 =	vadd.s32 v1, v4;
	_ =	sdelay $0x1  }
0x45: {  	v3 =	vperm.xlane v3, v2;
	_ =	sdelay $0x1  }
0x46: {  	s4 =	simm.s32 $0x0;
	s3 =	simm.s32 $0x12780;
	v3 =	vadd.s32 v1, v3  }
0x47: {  	[tilespmem:s3], [sflag:$0x3] =	stream.indirect_vreg.gather [hbm4b:s5+s4], $0x80, v4, vm0, $0xb8;
	[tilespmem:$0x18800] =	vst v63  }
0x48: {  	s16 =	simm.s32 $0x12F80  }
0x49: {  	[tilespmem:s16], [sflag:$0x3] =	stream.indirect_vreg.gather [hbm4b:s9+s4], $0x80, v4, vm1, $0xb8;
	[tilespmem:$0x18800] =	vst v63  }
0x4a: {  	s19 =	simm.s32 $0x13380  }
0x4b: {  	[tilespmem:s19], [sflag:$0x3] =	stream.indirect_vreg.gather [hbm4b:s5+s4], $0x80, v3, vm0, $0xb8;
	[tilespmem:$0x18800] =	vst v63  }
0x4c: {  	_ = 	snop  }
0x4d: {  	[tilespmem:s25], [sflag:$0x3] =	stream.indirect_vreg.gather [hbm4b:s9+s4], $0x80, v3, vm1, $0xb8;
	[tilespmem:$0x18800] =	vst v63  }
0x4e: {  	v3 =	vld [tilespmem:s18+$0x10];
	_ =	sdelay $0x4  }
0x4f: {  	v4 =	vshrl.u32 v3, $0x3  }
0x50: {  	v4 =	vmul.u32 $0x18, v4  }
0x51: {  	v3 =	vand.u32 $0x7, v3  }
0x52: {  	v3 =	vor.u32 v3, v4  }
0x53: {  	v4 =	vperm.xlane v3, v0;
	_ =	sdelay $0x1  }
0x54: {  	v4 =	vadd.s32 v1, v4;
	_ =	sdelay $0x1  }
0x55: {  	v3 =	vperm.xlane v3, v2;
	_ =	sdelay $0x1  }
0x56: {  	v3 =	vadd.s32 v1, v3  }
0x57: {  	[tilespmem:s26], [sflag:$0x4] =	stream.indirect_vreg.gather [hbm4b:s5+s4], $0x80, v4, vm0, $0xb8;
	[tilespmem:$0x18800] =	vst v63  }
0x58: {  	_ = 	snop  }
0x59: {  	[tilespmem:s28], [sflag:$0x4] =	stream.indirect_vreg.gather [hbm4b:s9+s4], $0x80, v4, vm1, $0xb8;
	[tilespmem:$0x18800] =	vst v63  }
0x5a: {  	_ = 	snop  }
0x5b: {  	[tilespmem:s29], [sflag:$0x4] =	stream.indirect_vreg.gather [hbm4b:s5+s4], $0x80, v3, vm0, $0xb8;
	[tilespmem:$0x18800] =	vst v63  }
0x5c: {  	_ = 	snop  }
0x5d: {  	[tilespmem:s30], [sflag:$0x4] =	stream.indirect_vreg.gather [hbm4b:s9+s4], $0x80, v3, vm1, $0xb8;
	[tilespmem:$0x18800] =	vst v63  }
0x5e: {  	_ =	swait.ge [sflag:s31], $0x1800  }
0x5f: {  	[sflag:s31] =	ssyncset.done $0x0  }
0x60: {  	[sflag:s31] =	ssyncadd.s32 $0xFFFFE800  }
0x61: {  	_ =	swait.ge [sflag:s1], $0x1800  }
0x62: {  	[sflag:s1] =	ssyncset.done $0x0  }
0x63: {  	s10 =	sshll.u32 s15, $0x6;
	[sflag:s1] =	ssyncadd.s32 $0xFFFFE800  }
0x64: {  	v3 =	vld [tilespmem:s10+$0x0]  }
0x65: {  	v4 =	vld [tilespmem:s10+$0x10];
	_ =	sdelay $0x6  }
0x66: {  	v3 =	vld.idx.msk [tilespmem:v3+s13+$0x0], $0xffff  }
0x67: {  	v4 =	vld.idx.msk [tilespmem:v4+s13+$0x0], $0xffff;
	_ =	sdelay $0x3  }
0x68: {  	(xrf0) =	vmax.scan.msk.f32 $0xffff, v3  }
0x69: {  	(xrf0) =	vmax.scan.msk.f32 $0xffff, v4;
	_ =	sdelay $0x4  }
0x6a: {  	v5, _, _ =	vpop (xrf0)  }
0x6b: {  	(v2sf) =	vpush v5, $0xF;
	v5, _, _ =	vpop (xrf0)  }
0x6c: {  	(v2sf) =	vpush v5, $0xF;
	_ =	sdelay $0xd  }
0x6d: {  	s20 =	spop (v2sf)  }
0x6e: {  	s7 =	spop (v2sf)  }
0x6f: {  	s3 =	smax.f32 s20, s7  }
0x70: {  	v5 =	vmov s3  }
0x71: {  	v3 =	vsub.f32 v3, v5  }
0x72: {  	v4 =	vsub.f32 v4, v5  }
0x73: {  	v3 =	vmul.f32 $1.442695020e+00, v3  }
0x74: {  	v4 =	vmul.f32 $1.442695020e+00, v4  }
0x75: {  	(erf) = vpow2.f32 v3  }
0x76: {  	(erf) = vpow2.f32 v4;
	_ =	sdelay $0x1  }
0x77: {  	v3 =	vld [tilespmem:s10+$0x4000]  }
0x78: {  	v4 =	vld [tilespmem:s10+$0x4010];
	_ =	sdelay $0x3  }
0x79: {  	v3 =	vcvt.s32.f32 v3  }
0x7a: {  	v4 =	vcvt.s32.f32 v4;
	v5 =	vpop (erf)  }
0x7b: {  	v3 =	vmul.f32 v3, v5;
	v5 =	vpop (erf)  }
0x7c: {  	v4 =	vmul.f32 v4, v5  }
0x7d: {  	(xrf2) =	vadd.scan.msk.f32 $0xffff, v3  }
0x7e: {  	(xrf2) =	vadd.scan.msk.f32 $0xffff, v4;
	_ =	sdelay $0x8  }
0x7f: {  	v5, _, _ =	vpop (xrf2)  }
0x80: {  	(v2sf) =	vpush v5, $0xF;
	v5, _, _ =	vpop (xrf2)  }
0x81: {  	(v2sf) =	vpush v5, $0xF;
	_ =	sdelay $0xd  }
0x82: {  	s21 =	spop (v2sf)  }
0x83: {  	s22 =	spop (v2sf)  }
0x84: {  	s3 =	sadd.f32 s22, s21;
	_ =	sdelay $0x1  }
0x85: {  	v5 =	vmov s3  }
0x86: {  	(erf) = vrcp.f32 v5;
	_ =	sdelay $0x7  }
0x87: {  	s23 =	simm.s32 $0x0  }
0x88: {  	s3 =	smul.u32 $0x6000, s23;
	v5 =	vpop (erf)  }
0x89: {  	s24 =	simm.s32 $0x0;
	v3 =	vmul.f32 v5, v3  }
0x8a: {  	s7 =	sand.u32 $0xC00, s24;
	s3 =	sshra.s32 s3, $0x2;
	v4 =	vmul.f32 v5, v4  }
0x8b: {  	s8 =	sand.u32 $0x380, s4;
	s3 =	sadd.s32 s7, s3;
	[tilespmem:$0x18780] =	vst v3  }
0x8c: {  	s3 =	sor.u32 s8, s3;
	[tilespmem:$0x18790] =	vst v4  }
0x8d: {  	v4 =	vld [tilespmem:s3+$0xF7E0]  }
0x8e: {  	v5 =	vld [tilespmem:s3+$0xF7C0]  }
0x8f: {  	v11 =	vimm.f32 $0.0e+00;
	v6 =	vld [tilespmem:s3+$0xF7D0]  }
0x90: {  	v9 =	vimm.f32 $0.0e+00;
	v7 =	vimm.f32 $0.0e+00;
	v12 =	vimm.f32 $0.0e+00;
	v17 =	vld [tilespmem:s3+$0xF7F0]  }
0x91: {  	v16 =	vimm.f32 $0.0e+00;
	v8 =	vimm.f32 $0.0e+00;
	v10 =	vmov s4;
	v30 =	vld [tilespmem:s3+$0xF7A0]  }
0x92: {  	v19 =	vimm.f32 $0.0e+00;
	v13 =	vimm.f32 $0.0e+00;
	v24 =	vimm.f32 $0.0e+00  }
0x93: {  	v18 =	vimm.f32 $0.0e+00;
	v22 =	vimm.f32 $0.0e+00;
	v25 =	vimm.f32 $0.0e+00;
	v29 =	vld [tilespmem:s3+$0xF7B0]  }
0x94: {  	v3 =	vimm.f32 $0.0e+00;
	v31 =	vld [tilespmem:s3+$0xF790];
	v14 =	vunpack.i.l.bf16.f32 v4;
	v27 =	vunpack.i.u.bf16.f32 v5  }
0x95: {  	v26 =	vunpack.i.l.bf16.f32 v5;
	v21 =	vunpack.i.l.bf16.f32 v6;
	v23 =	vunpack.i.u.bf16.f32 v6  }
0x96: {  	v10 =	vld.idx.msk [tilespmem:v10+s0+$0x0], $0xffff;
	v15 =	vunpack.i.l.bf16.f32 v17;
	v28 =	vunpack.i.u.bf16.f32 v30;
	v20 =	vunpack.i.u.bf16.f32 v4  }
0x97: {  	s11 =	sor.u32 $0x10, s18;
	s16 =	sshll.u32 s15, $0x1;
	s8 =	simm.s32 $0x1;
	v32 =	vld [tilespmem:s3+$0xF780];
	v6 =	vimm.f32 $0.0e+00;
	v4 =	vimm.f32 $0.0e+00;
	v5 =	vimm.f32 $0.0e+00  }
.LBB2_3:
0x98: {  	s3 =	sshrl.u32 s8, $0x4  }
0x99: {  	v33 =	vunpack.i.l.bf16.f32 v31;
	v34 =	vunpack.i.l.bf16.f32 v29;
	v17 =	vunpack.i.u.bf16.f32 v17;
	s4 =	sadd.s32 $0x80, s4;
	s14 =	smov.u32 s8;
	s7 =	sadd.s32 $0x1, s8  }
0x9a: {  	p0 =	sne.s32 s8, $0x1F;
	v31 =	vunpack.i.u.bf16.f32 v31;
	v30 =	vunpack.i.l.bf16.f32 v30;
	s19 =	sshll.u32 s14, $0x1C;
	s3 =	smul.u32 $0x6000, s3  }
0x9b: {  	v29 =	vunpack.i.u.bf16.f32 v29;
	v33 =	vmul.f32 v33, v10;
	v17 =	vmul.f32 v17, v10;
	s8 =	sshra.s32 s19, $0x1F  }
0x9c: {  	v35 =	vmov s14;
	v36 =	vmul.f32 v30, v10;
	v27 =	vmul.f32 v27, v10;
	s8 =	sand.u32 $0xC00, s8;
	s3 =	sshra.s32 s3, $0x2  }
0x9d: {  	s14 =	sand.u32 $0x380, s4;
	v30 =	vmul.f32 v34, v10;
	v37 =	vunpack.i.u.bf16.f32 v32;
	v3 =	vadd.f32 v17, v3;
	s3 =	sadd.s32 s8, s3  }
0x9e: {  	v23 =	vmul.f32 v23, v10;
	v32 =	vunpack.i.l.bf16.f32 v32;
	v17 =	vmul.f32 v26, v10;
	s3 =	sor.u32 s14, s3  }
0x9f: {  	v21 =	vmul.f32 v21, v10;
	v11 =	vadd.f32 v30, v11;
	v26 =	vmul.f32 v29, v10;
	v34 =	vld [tilespmem:s3+$0xF7E0]  }
0xa0: {  	v14 =	vmul.f32 v14, v10;
	v20 =	vmul.f32 v20, v10;
	v9 =	vadd.f32 v17, v9;
	v38 =	vld [tilespmem:s3+$0xF7C0]  }
0xa1: {  	v40 =	vmul.f32 v31, v10;
	v15 =	vmul.f32 v15, v10;
	v7 =	vadd.f32 v21, v7;
	v39 =	vld [tilespmem:s3+$0xF7D0]  }
0xa2: {  	v21 =	vmul.f32 v28, v10;
	v6 =	vadd.f32 v23, v6;
	v4 =	vadd.f32 v20, v4;
	v17 =	vld [tilespmem:s3+$0xF7F0]  }
0xa3: {  	v20 =	vmul.f32 v32, v10;
	v5 =	vadd.f32 v15, v5;
	v12 =	vadd.f32 v26, v12;
	v29 =	vld [tilespmem:s3+$0xF7B0]  }
0xa4: {  	v28 =	vmul.f32 v37, v10;
	v8 =	vadd.f32 v14, v8;
	v16 =	vadd.f32 v21, v16;
	v30 =	vld [tilespmem:s3+$0xF7A0]  }
.Ltmp0:
0xa5: {  	v19 =	vadd.f32 v33, v19;
	v13 =	vadd.f32 v27, v13;
	v14 =	vunpack.i.l.bf16.f32 v34;
	v31 =	vld [tilespmem:s3+$0xF790];
	(pc) =	sbr.rel @p0 .LBB2_3-.Ltmp0, $4  }
0xa6: {  	v18 =	vadd.f32 v36, v18;
	v24 =	vadd.f32 v20, v24;
	v27 =	vunpack.i.u.bf16.f32 v38;
	v10 =	vld.idx.msk [tilespmem:v35+s0+$0x0], $0xffff  }
0xa7: {  	v22 =	vadd.f32 v40, v22;
	v26 =	vunpack.i.l.bf16.f32 v38;
	v21 =	vunpack.i.l.bf16.f32 v39;
	v32 =	vld [tilespmem:s3+$0xF780]  }
0xa8: {  	v25 =	vadd.f32 v28, v25;
	v23 =	vunpack.i.u.bf16.f32 v39;
	v15 =	vunpack.i.l.bf16.f32 v17  }
0xa9: {  	s8 =	smov.u32 s7;
	v20 =	vunpack.i.u.bf16.f32 v34;
	v28 =	vunpack.i.u.bf16.f32 v30  }
0xaa: {  	s3 =	sshll.u32 s15, $0x1D;
	v34 =	vunpack.i.l.bf16.f32 v31  }
0xab: {  	v31 =	vunpack.i.u.bf16.f32 v31;
	s3 =	sshra.s32 s3, $0x1F;
	v34 =	vmul.f32 v34, v10  }
0xac: {  	s23 =	sshll.u32 s15, $0x8;
	v30 =	vunpack.i.l.bf16.f32 v30;
	v31 =	vmul.f32 v31, v10;
	s19 =	sand.u32 $0x1800, s3  }
0xad: {  	s4 =	sand.u32 $0x300, s23;
	v30 =	vmul.f32 v30, v10;
	v33 =	vunpack.i.l.bf16.f32 v32;
	s8 =	sadd.s32 $0x15780, s19;
	v19 =	vadd.f32 v34, v19  }
0xae: {  	v33 =	vmul.f32 v33, v10;
	v22 =	vadd.f32 v31, v22;
	s3 =	sadd.s32 s4, s8  }
0xaf: {  	v28 =	vmul.f32 v28, v10;
	v63 =	vunpack.i.u.bf16.f32 v32;
	v18 =	vadd.f32 v30, v18;
	[tilespmem:s3+$0x20] =	vst v19  }
0xb0: {  	v32 =	vmul.f32 v63, v10;
	v24 =	vadd.f32 v33, v24;
	[tilespmem:s3+$0x30] =	vst v22  }
0xb1: {  	v16 =	vadd.f32 v28, v16;
	v22 =	vmul.f32 v26, v10;
	[tilespmem:s3+$0x40] =	vst v18  }
0xb2: {  	v25 =	vadd.f32 v32, v25;
	v18 =	vmul.f32 v27, v10;
	[tilespmem:s3+$0x0] =	vst v24;
	v24 =	vunpack.i.l.bf16.f32 v29  }
0xb3: {  	[tilespmem:s3+$0x50] =	vst v16;
	v9 =	vadd.f32 v22, v9;
	v24 =	vmul.f32 v24, v10  }
0xb4: {  	v16 =	vmul.f32 v21, v10;
	[tilespmem:s3+$0x10] =	vst v25;
	v25 =	vunpack.i.u.bf16.f32 v29;
	v13 =	vadd.f32 v18, v13  }
0xb5: {  	v19 =	vmul.f32 v25, v10;
	[tilespmem:s3+$0x400] =	vst v9;
	v11 =	vadd.f32 v24, v11  }
0xb6: {  	v7 =	vadd.f32 v16, v7;
	v9 =	vmul.f32 v20, v10;
	[tilespmem:s3+$0x410] =	vst v13;
	v13 =	vmul.f32 v15, v10  }
0xb7: {  	v12 =	vadd.f32 v19, v12;
	[tilespmem:s3+$0x60] =	vst v11;
	v11 =	vmul.f32 v23, v10  }
0xb8: {  	[tilespmem:s3+$0x420] =	vst v7;
	v4 =	vadd.f32 v9, v4;
	v5 =	vadd.f32 v13, v5  }
0xb9: {  	s7 =	simm.s32 $0x0;
	[tilespmem:s3+$0x70] =	vst v12;
	v12 =	vmul.f32 v14, v10;
	v6 =	vadd.f32 v11, v6;
	v11 =	vunpack.i.u.bf16.f32 v17  }
0xba: {  	s14 =	smul.u32 $0x6000, s7;
	[tilespmem:s3+$0x450] =	vst v4;
	v7 =	vmul.f32 v11, v10  }
0xbb: {  	s20 =	simm.s32 $0x0;
	[tilespmem:s3+$0x460] =	vst v5;
	v8 =	vadd.f32 v12, v8  }
0xbc: {  	s7 =	simm.s32 $0x0;
	s20 =	sand.u32 $0xC00, s20;
	s14 =	sshra.s32 s14, $0x2;
	[tilespmem:s3+$0x430] =	vst v6;
	v3 =	vadd.f32 v7, v3  }
0xbd: {  	s21 =	sand.u32 $0x380, s7;
	s14 =	sadd.s32 s20, s14;
	[tilespmem:s3+$0x440] =	vst v8  }
0xbe: {  	s24 =	sor.u32 s21, s14;
	[tilespmem:s3+$0x470] =	vst v3  }
0xbf: {  	v4 =	vld [tilespmem:s24+$0xFBE0]  }
0xc0: {  	v5 =	vld [tilespmem:s24+$0xFBC0]  }
0xc1: {  	v21 =	vimm.f32 $0.0e+00;
	v6 =	vld [tilespmem:s24+$0xFBD0]  }
0xc2: {  	v16 =	vimm.f32 $0.0e+00;
	v18 =	vimm.f32 $0.0e+00;
	v25 =	vimm.f32 $0.0e+00;
	v17 =	vld [tilespmem:s24+$0xFBF0]  }
0xc3: {  	v20 =	vimm.f32 $0.0e+00;
	v24 =	vimm.f32 $0.0e+00;
	v10 =	vmov s7;
	v30 =	vld [tilespmem:s24+$0xFBA0]  }
0xc4: {  	v9 =	vimm.f32 $0.0e+00;
	v13 =	vimm.f32 $0.0e+00;
	v14 =	vimm.f32 $0.0e+00  }
0xc5: {  	v11 =	vimm.f32 $0.0e+00;
	v8 =	vimm.f32 $0.0e+00;
	v7 =	vimm.f32 $0.0e+00;
	v29 =	vld [tilespmem:s24+$0xFBB0]  }
0xc6: {  	v3 =	vimm.f32 $0.0e+00;
	v31 =	vld [tilespmem:s24+$0xFB90];
	v12 =	vunpack.i.l.bf16.f32 v4;
	v27 =	vunpack.i.u.bf16.f32 v5  }
0xc7: {  	v26 =	vunpack.i.l.bf16.f32 v5;
	v22 =	vunpack.i.l.bf16.f32 v6;
	v23 =	vunpack.i.u.bf16.f32 v6  }
0xc8: {  	v10 =	vld.idx.msk [tilespmem:v10+s0+$0x0], $0xffff;
	v15 =	vunpack.i.l.bf16.f32 v17;
	v28 =	vunpack.i.u.bf16.f32 v30;
	v19 =	vunpack.i.u.bf16.f32 v4  }
0xc9: {  	s14 =	simm.s32 $0x1;
	v32 =	vld [tilespmem:s24+$0xFB80];
	v6 =	vimm.f32 $0.0e+00;
	v4 =	vimm.f32 $0.0e+00;
	v5 =	vimm.f32 $0.0e+00  }
.LBB2_5:
0xca: {  	s3 =	sshrl.u32 s14, $0x4  }
0xcb: {  	v33 =	vunpack.i.l.bf16.f32 v31;
	v34 =	vunpack.i.l.bf16.f32 v29;
	v17 =	vunpack.i.u.bf16.f32 v17;
	s7 =	sadd.s32 $0x80, s7;
	s21 =	smov.u32 s14;
	s20 =	sadd.s32 $0x1, s14  }
0xcc: {  	p0 =	sne.s32 s14, $0x1F;
	v31 =	vunpack.i.u.bf16.f32 v31;
	v30 =	vunpack.i.l.bf16.f32 v30;
	s22 =	sshll.u32 s21, $0x1C;
	s3 =	smul.u32 $0x6000, s3  }
0xcd: {  	v29 =	vunpack.i.u.bf16.f32 v29;
	v33 =	vmul.f32 v33, v10;
	v17 =	vmul.f32 v17, v10;
	s14 =	sshra.s32 s22, $0x1F  }
0xce: {  	v35 =	vmov s21;
	v36 =	vmul.f32 v30, v10;
	v27 =	vmul.f32 v27, v10;
	s14 =	sand.u32 $0xC00, s14;
	s3 =	sshra.s32 s3, $0x2  }
0xcf: {  	s21 =	sand.u32 $0x380, s7;
	v30 =	vmul.f32 v34, v10;
	v37 =	vunpack.i.u.bf16.f32 v32;
	v3 =	vadd.f32 v17, v3;
	s3 =	sadd.s32 s14, s3  }
0xd0: {  	v23 =	vmul.f32 v23, v10;
	v32 =	vunpack.i.l.bf16.f32 v32;
	v17 =	vmul.f32 v26, v10;
	s3 =	sor.u32 s21, s3  }
0xd1: {  	v22 =	vmul.f32 v22, v10;
	v11 =	vadd.f32 v30, v11;
	v26 =	vmul.f32 v29, v10;
	v34 =	vld [tilespmem:s3+$0xFBE0]  }
0xd2: {  	v12 =	vmul.f32 v12, v10;
	v19 =	vmul.f32 v19, v10;
	v9 =	vadd.f32 v17, v9;
	v38 =	vld [tilespmem:s3+$0xFBC0]  }
0xd3: {  	v40 =	vmul.f32 v31, v10;
	v15 =	vmul.f32 v15, v10;
	v7 =	vadd.f32 v22, v7;
	v39 =	vld [tilespmem:s3+$0xFBD0]  }
0xd4: {  	v22 =	vmul.f32 v28, v10;
	v6 =	vadd.f32 v23, v6;
	v4 =	vadd.f32 v19, v4;
	v17 =	vld [tilespmem:s3+$0xFBF0]  }
0xd5: {  	v19 =	vmul.f32 v32, v10;
	v5 =	vadd.f32 v15, v5;
	v13 =	vadd.f32 v26, v13;
	v29 =	vld [tilespmem:s3+$0xFBB0]  }
0xd6: {  	v28 =	vmul.f32 v37, v10;
	v8 =	vadd.f32 v12, v8;
	v16 =	vadd.f32 v22, v16;
	v30 =	vld [tilespmem:s3+$0xFBA0]  }
.Ltmp1:
0xd7: {  	v20 =	vadd.f32 v33, v20;
	v14 =	vadd.f32 v27, v14;
	v12 =	vunpack.i.l.bf16.f32 v34;
	v31 =	vld [tilespmem:s3+$0xFB90];
	(pc) =	sbr.rel @p0 .LBB2_5-.Ltmp1, $4  }
0xd8: {  	v18 =	vadd.f32 v36, v18;
	v24 =	vadd.f32 v19, v24;
	v27 =	vunpack.i.u.bf16.f32 v38;
	v10 =	vld.idx.msk [tilespmem:v35+s0+$0x0], $0xffff  }
0xd9: {  	v21 =	vadd.f32 v40, v21;
	v26 =	vunpack.i.l.bf16.f32 v38;
	v22 =	vunpack.i.l.bf16.f32 v39;
	v32 =	vld [tilespmem:s3+$0xFB80]  }
0xda: {  	v25 =	vadd.f32 v28, v25;
	v23 =	vunpack.i.u.bf16.f32 v39;
	v15 =	vunpack.i.l.bf16.f32 v17  }
0xdb: {  	s14 =	smov.u32 s20;
	v19 =	vunpack.i.u.bf16.f32 v34;
	v28 =	vunpack.i.u.bf16.f32 v30  }
0xdc: {  	_ = 	snop  }
0xdd: {  	v34 =	vunpack.i.l.bf16.f32 v31  }
0xde: {  	v34 =	vmul.f32 v34, v10;
	v33 =	vunpack.i.l.bf16.f32 v32  }
0xdf: {  	v63 =	vunpack.i.u.bf16.f32 v32;
	v33 =	vmul.f32 v33, v10  }
0xe0: {  	v31 =	vunpack.i.u.bf16.f32 v31;
	s7 =	sadd.s32 $0x15F80, s19;
	v32 =	vmul.f32 v63, v10;
	v20 =	vadd.f32 v34, v20  }
0xe1: {  	v30 =	vunpack.i.l.bf16.f32 v30;
	v31 =	vmul.f32 v31, v10;
	s3 =	sadd.s32 s4, s7;
	v24 =	vadd.f32 v33, v24  }
0xe2: {  	v30 =	vmul.f32 v30, v10;
	v25 =	vadd.f32 v32, v25;
	[tilespmem:s3+$0x20] =	vst v20  }
0xe3: {  	v28 =	vmul.f32 v28, v10;
	v21 =	vadd.f32 v31, v21;
	[tilespmem:s3+$0x0] =	vst v24;
	v24 =	vunpack.i.l.bf16.f32 v29  }
0xe4: {  	v18 =	vadd.f32 v30, v18;
	[tilespmem:s3+$0x10] =	vst v25;
	v25 =	vunpack.i.u.bf16.f32 v29;
	v24 =	vmul.f32 v24, v10  }
0xe5: {  	v16 =	vadd.f32 v28, v16;
	[tilespmem:s3+$0x30] =	vst v21;
	v20 =	vmul.f32 v25, v10  }
0xe6: {  	v21 =	vmul.f32 v26, v10;
	[tilespmem:s3+$0x40] =	vst v18;
	v11 =	vadd.f32 v24, v11  }
0xe7: {  	v18 =	vmul.f32 v27, v10;
	[tilespmem:s3+$0x50] =	vst v16;
	v13 =	vadd.f32 v20, v13  }
0xe8: {  	s20 =	sadd.s32 $0x16380, s19;
	v16 =	vmul.f32 v22, v10;
	v9 =	vadd.f32 v21, v9;
	[tilespmem:s3+$0x60] =	vst v11  }
0xe9: {  	s24 =	sadd.s32 s4, s20;
	v12 =	vmul.f32 v12, v10;
	v14 =	vadd.f32 v18, v14;
	[tilespmem:s3+$0x70] =	vst v13  }
0xea: {  	v7 =	vadd.f32 v16, v7;
	v11 =	vmul.f32 v23, v10;
	[tilespmem:s24+$0x0] =	vst v9  }
0xeb: {  	v8 =	vadd.f32 v12, v8;
	v13 =	vmul.f32 v15, v10;
	[tilespmem:s24+$0x10] =	vst v14  }
0xec: {  	s14 =	simm.s32 $0x0;
	v9 =	vmul.f32 v19, v10;
	[tilespmem:s24+$0x20] =	vst v7;
	v6 =	vadd.f32 v11, v6;
	v11 =	vunpack.i.u.bf16.f32 v17  }
0xed: {  	s14 =	smul.u32 $0x6000, s14;
	[tilespmem:s24+$0x40] =	vst v8;
	v5 =	vadd.f32 v13, v5;
	v7 =	vmul.f32 v11, v10  }
0xee: {  	s22 =	simm.s32 $0x0;
	v4 =	vadd.f32 v9, v4;
	[tilespmem:s24+$0x30] =	vst v6  }
0xef: {  	s21 =	simm.s32 $0x0;
	s22 =	sand.u32 $0xC00, s22;
	s14 =	sshra.s32 s14, $0x2;
	[tilespmem:s24+$0x60] =	vst v5;
	v3 =	vadd.f32 v7, v3  }
0xf0: {  	s23 =	sand.u32 $0x380, s21;
	s14 =	sadd.s32 s22, s14;
	[tilespmem:s24+$0x50] =	vst v4  }
0xf1: {  	[tilespmem:s24+$0x70] =	vst v3;
	s24 =	sor.u32 s23, s14  }
0xf2: {  	v4 =	vld [tilespmem:s24+$0xFFE0]  }
0xf3: {  	v5 =	vld [tilespmem:s24+$0xFFC0]  }
0xf4: {  	v16 =	vimm.f32 $0.0e+00;
	v6 =	vld [tilespmem:s24+$0xFFD0]  }
0xf5: {  	v18 =	vimm.f32 $0.0e+00;
	v21 =	vimm.f32 $0.0e+00;
	v25 =	vimm.f32 $0.0e+00;
	v17 =	vld [tilespmem:s24+$0xFFF0]  }
0xf6: {  	v20 =	vimm.f32 $0.0e+00;
	v24 =	vimm.f32 $0.0e+00;
	v10 =	vmov s21;
	v30 =	vld [tilespmem:s24+$0xFFA0]  }
0xf7: {  	v8 =	vimm.f32 $0.0e+00;
	v14 =	vimm.f32 $0.0e+00;
	v13 =	vimm.f32 $0.0e+00  }
0xf8: {  	v11 =	vimm.f32 $0.0e+00;
	v9 =	vimm.f32 $0.0e+00;
	v7 =	vimm.f32 $0.0e+00;
	v29 =	vld [tilespmem:s24+$0xFFB0]  }
0xf9: {  	v3 =	vimm.f32 $0.0e+00;
	v31 =	vld [tilespmem:s24+$0xFF90];
	v12 =	vunpack.i.l.bf16.f32 v4;
	v27 =	vunpack.i.u.bf16.f32 v5  }
0xfa: {  	v26 =	vunpack.i.l.bf16.f32 v5;
	v22 =	vunpack.i.l.bf16.f32 v6;
	v23 =	vunpack.i.u.bf16.f32 v6  }
0xfb: {  	v10 =	vld.idx.msk [tilespmem:v10+s0+$0x0], $0xffff;
	v15 =	vunpack.i.l.bf16.f32 v17;
	v28 =	vunpack.i.u.bf16.f32 v30;
	v19 =	vunpack.i.u.bf16.f32 v4  }
0xfc: {  	s14 =	simm.s32 $0x1;
	v32 =	vld [tilespmem:s24+$0xFF80];
	v6 =	vimm.f32 $0.0e+00;
	v4 =	vimm.f32 $0.0e+00;
	v5 =	vimm.f32 $0.0e+00  }
.LBB2_7:
0xfd: {  	s22 =	sshrl.u32 s14, $0x4  }
0xfe: {  	v33 =	vunpack.i.l.bf16.f32 v31;
	v34 =	vunpack.i.l.bf16.f32 v29;
	v17 =	vunpack.i.u.bf16.f32 v17;
	s21 =	sadd.s32 $0x80, s21;
	s23 =	smov.u32 s14;
	s3 =	sadd.s32 $0x1, s14  }
0xff: {  	p0 =	sne.s32 s14, $0x1F;
	v31 =	vunpack.i.u.bf16.f32 v31;
	v30 =	vunpack.i.l.bf16.f32 v30;
	s24 =	sshll.u32 s23, $0x1C;
	s22 =	smul.u32 $0x6000, s22  }
0x100: {  	v29 =	vunpack.i.u.bf16.f32 v29;
	v33 =	vmul.f32 v33, v10;
	v17 =	vmul.f32 v17, v10;
	s14 =	sshra.s32 s24, $0x1F  }
0x101: {  	v35 =	vmov s23;
	v36 =	vmul.f32 v30, v10;
	v27 =	vmul.f32 v27, v10;
	s14 =	sand.u32 $0xC00, s14;
	s22 =	sshra.s32 s22, $0x2  }
0x102: {  	s23 =	sand.u32 $0x380, s21;
	v30 =	vmul.f32 v34, v10;
	v37 =	vunpack.i.u.bf16.f32 v32;
	v3 =	vadd.f32 v17, v3;
	s14 =	sadd.s32 s14, s22  }
0x103: {  	v23 =	vmul.f32 v23, v10;
	v32 =	vunpack.i.l.bf16.f32 v32;
	v17 =	vmul.f32 v26, v10;
	s14 =	sor.u32 s23, s14  }
0x104: {  	v22 =	vmul.f32 v22, v10;
	v11 =	vadd.f32 v30, v11;
	v26 =	vmul.f32 v29, v10;
	v34 =	vld [tilespmem:s14+$0xFFE0]  }
0x105: {  	v12 =	vmul.f32 v12, v10;
	v19 =	vmul.f32 v19, v10;
	v9 =	vadd.f32 v17, v9;
	v38 =	vld [tilespmem:s14+$0xFFC0]  }
0x106: {  	v40 =	vmul.f32 v31, v10;
	v15 =	vmul.f32 v15, v10;
	v7 =	vadd.f32 v22, v7;
	v39 =	vld [tilespmem:s14+$0xFFD0]  }
0x107: {  	v22 =	vmul.f32 v28, v10;
	v6 =	vadd.f32 v23, v6;
	v4 =	vadd.f32 v19, v4;
	v17 =	vld [tilespmem:s14+$0xFFF0]  }
0x108: {  	v19 =	vmul.f32 v32, v10;
	v5 =	vadd.f32 v15, v5;
	v13 =	vadd.f32 v26, v13;
	v29 =	vld [tilespmem:s14+$0xFFB0]  }
0x109: {  	v28 =	vmul.f32 v37, v10;
	v8 =	vadd.f32 v12, v8;
	v16 =	vadd.f32 v22, v16;
	v30 =	vld [tilespmem:s14+$0xFFA0]  }
.Ltmp2:
0x10a: {  	v20 =	vadd.f32 v33, v20;
	v14 =	vadd.f32 v27, v14;
	v12 =	vunpack.i.l.bf16.f32 v34;
	v31 =	vld [tilespmem:s14+$0xFF90];
	(pc) =	sbr.rel @p0 .LBB2_7-.Ltmp2, $4  }
0x10b: {  	v18 =	vadd.f32 v36, v18;
	v24 =	vadd.f32 v19, v24;
	v27 =	vunpack.i.u.bf16.f32 v38;
	v10 =	vld.idx.msk [tilespmem:v35+s0+$0x0], $0xffff  }
0x10c: {  	v21 =	vadd.f32 v40, v21;
	v26 =	vunpack.i.l.bf16.f32 v38;
	v22 =	vunpack.i.l.bf16.f32 v39;
	v32 =	vld [tilespmem:s14+$0xFF80]  }
0x10d: {  	v25 =	vadd.f32 v28, v25;
	v23 =	vunpack.i.u.bf16.f32 v39;
	v15 =	vunpack.i.l.bf16.f32 v17  }
0x10e: {  	v19 =	vunpack.i.u.bf16.f32 v34;
	s14 =	smov.u32 s3;
	v28 =	vunpack.i.u.bf16.f32 v30  }
0x10f: {  	_ = 	snop  }
0x110: {  	v34 =	vunpack.i.l.bf16.f32 v31  }
0x111: {  	v34 =	vmul.f32 v34, v10;
	v33 =	vunpack.i.l.bf16.f32 v32  }
0x112: {  	v63 =	vunpack.i.u.bf16.f32 v32;
	v33 =	vmul.f32 v33, v10  }
0x113: {  	v31 =	vunpack.i.u.bf16.f32 v31;
	s21 =	sadd.s32 $0x16780, s19;
	v32 =	vmul.f32 v63, v10;
	v20 =	vadd.f32 v34, v20  }
0x114: {  	v30 =	vunpack.i.l.bf16.f32 v30;
	v31 =	vmul.f32 v31, v10;
	s3 =	sadd.s32 s4, s21;
	v24 =	vadd.f32 v33, v24  }
0x115: {  	v30 =	vmul.f32 v30, v10;
	v25 =	vadd.f32 v32, v25;
	[tilespmem:s3+$0x20] =	vst v20  }
0x116: {  	v28 =	vmul.f32 v28, v10;
	v21 =	vadd.f32 v31, v21;
	[tilespmem:s3+$0x0] =	vst v24;
	v24 =	vunpack.i.l.bf16.f32 v29  }
0x117: {  	v18 =	vadd.f32 v30, v18;
	[tilespmem:s3+$0x10] =	vst v25;
	v25 =	vunpack.i.u.bf16.f32 v29;
	v24 =	vmul.f32 v24, v10  }
0x118: {  	v16 =	vadd.f32 v28, v16;
	[tilespmem:s3+$0x30] =	vst v21;
	v20 =	vmul.f32 v25, v10  }
0x119: {  	v21 =	vmul.f32 v26, v10;
	[tilespmem:s3+$0x40] =	vst v18;
	v11 =	vadd.f32 v24, v11  }
0x11a: {  	v18 =	vmul.f32 v27, v10;
	[tilespmem:s3+$0x50] =	vst v16;
	v13 =	vadd.f32 v20, v13  }
0x11b: {  	s19 =	sadd.s32 $0x16B80, s19;
	v16 =	vmul.f32 v22, v10;
	v9 =	vadd.f32 v21, v9;
	[tilespmem:s3+$0x60] =	vst v11  }
0x11c: {  	s22 =	sadd.s32 s4, s19;
	v12 =	vmul.f32 v12, v10;
	v14 =	vadd.f32 v18, v14;
	[tilespmem:s3+$0x70] =	vst v13  }
0x11d: {  	v7 =	vadd.f32 v16, v7;
	v11 =	vmul.f32 v23, v10;
	[tilespmem:s22+$0x0] =	vst v9  }
0x11e: {  	v8 =	vadd.f32 v12, v8;
	v13 =	vmul.f32 v15, v10;
	[tilespmem:s22+$0x10] =	vst v14  }
0x11f: {  	v9 =	vmul.f32 v19, v10;
	[tilespmem:s22+$0x20] =	vst v7;
	v6 =	vadd.f32 v11, v6;
	v11 =	vunpack.i.u.bf16.f32 v17  }
0x120: {  	[tilespmem:s22+$0x40] =	vst v8;
	v5 =	vadd.f32 v13, v5;
	v7 =	vmul.f32 v11, v10  }
0x121: {  	v4 =	vadd.f32 v9, v4;
	[tilespmem:s22+$0x30] =	vst v6  }
0x122: {  	[tilespmem:s22+$0x60] =	vst v5;
	v3 =	vadd.f32 v7, v3  }
0x123: {  	[tilespmem:s22+$0x50] =	vst v4  }
0x124: {  	p0 =	seq.s32 s15, $0xFF;
	[tilespmem:s22+$0x70] =	vst v3  }
0x125: {  	v3 =	vld @!p0 [tilespmem:s10+$0x40];
	_ =	sdelay $0x4  }
0x126: {  	v4 =	vshrl.u32 @!p0 v3, $0x3  }
0x127: {  	v4 =	vmul.u32 @!p0 $0x18, v4  }
0x128: {  	v5 =	vlaneseq.u32 @!p0;
	v3 =	vand.u32 @!p0 $0x7, v3  }
0x129: {  	v6 =	vshrl.u32 @!p0 v5, $0x3;
	v3 =	vor.u32 @!p0 v3, v4;
	v4 =	vand.u32 @!p0 $0x7, v5  }
0x12a: {  	v6 =	vmul.u32 @!p0 $0x8, v6;
	v7 =	vperm.xlane @!p0 v3, v4;
	_ =	sdelay $0x1  }
0x12b: {  	v7 =	vadd.s32 @!p0 v6, v7  }
0x12c: {  	v5 =	vor.u32 @!p0 $0x8, v5  }
0x12d: {  	v3 =	vperm.xlane @!p0 v3, v5;
	_ =	sdelay $0x1  }
0x12e: {  	vm2 =	vmmov @!p0 $0xffff;
	s4 =	simm.s32 @!p0 $0xF780;
	s3 =	simm.s32 @!p0 $0x0;
	v3 =	vadd.s32 @!p0 v6, v3  }
0x12f: {  	[tilespmem:s4], [sflag:$0x1] =	stream.indirect_vreg.gather @!p0 [hbm4b:s5+s3], $0x80, v7, vm2, $0xb8;
	[tilespmem:$0x18800] =	vst v63  }
0x130: {  	vm3 =	vmmov @!p0 $0xff;
	s4 =	simm.s32 @!p0 $0xFF80  }
0x131: {  	[tilespmem:s4], [sflag:$0x1] =	stream.indirect_vreg.gather @!p0 [hbm4b:s9+s3], $0x80, v7, vm3, $0xb8;
	[tilespmem:$0x18800] =	vst v63  }
0x132: {  	s4 =	simm.s32 @!p0 $0x10380  }
0x133: {  	[tilespmem:s4], [sflag:$0x1] =	stream.indirect_vreg.gather @!p0 [hbm4b:s5+s3], $0x80, v3, vm2, $0xb8;
	[tilespmem:$0x18800] =	vst v63  }
0x134: {  	s4 =	simm.s32 @!p0 $0x10B80  }
0x135: {  	[tilespmem:s4], [sflag:$0x1] =	stream.indirect_vreg.gather @!p0 [hbm4b:s9+s3], $0x80, v3, vm3, $0xb8;
	[tilespmem:$0x18800] =	vst v63  }
0x136: {  	v3 =	vld @!p0 [tilespmem:s10+$0x50];
	_ =	sdelay $0x4  }
0x137: {  	v7 =	vshrl.u32 @!p0 v3, $0x3  }
0x138: {  	v7 =	vmul.u32 @!p0 $0x18, v7  }
0x139: {  	v3 =	vand.u32 @!p0 $0x7, v3  }
0x13a: {  	v3 =	vor.u32 @!p0 v3, v7  }
0x13b: {  	v4 =	vperm.xlane @!p0 v3, v4;
	_ =	sdelay $0x1  }
0x13c: {  	v4 =	vadd.s32 @!p0 v6, v4;
	_ =	sdelay $0x1  }
0x13d: {  	v3 =	vperm.xlane @!p0 v3, v5;
	_ =	sdelay $0x1  }
0x13e: {  	s4 =	simm.s32 @!p0 $0x10F80;
	v3 =	vadd.s32 @!p0 v6, v3  }
0x13f: {  	[tilespmem:s4], [sflag:$0x2] =	stream.indirect_vreg.gather @!p0 [hbm4b:s5+s3], $0x80, v4, vm2, $0xb8;
	[tilespmem:$0x18800] =	vst v63  }
0x140: {  	s4 =	simm.s32 @!p0 $0x11780  }
0x141: {  	[tilespmem:s4], [sflag:$0x2] =	stream.indirect_vreg.gather @!p0 [hbm4b:s9+s3], $0x80, v4, vm3, $0xb8;
	[tilespmem:$0x18800] =	vst v63  }
0x142: {  	s4 =	simm.s32 @!p0 $0x11B80  }
0x143: {  	[tilespmem:s4], [sflag:$0x2] =	stream.indirect_vreg.gather @!p0 [hbm4b:s5+s3], $0x80, v3, vm2, $0xb8;
	[tilespmem:$0x18800] =	vst v63  }
0x144: {  	s4 =	simm.s32 @!p0 $0x12380  }
0x145: {  	[tilespmem:s4], [sflag:$0x2] =	stream.indirect_vreg.gather @!p0 [hbm4b:s9+s3], $0x80, v3, vm3, $0xb8;
	[tilespmem:$0x18800] =	vst v63  }
0x146: {  	_ =	swait.ge [sflag:s2], $0x1800  }
0x147: {  	[sflag:s2] =	ssyncset.done $0x0  }
0x148: {  	[sflag:s2] =	ssyncadd.s32 $0xFFFFE800  }
0x149: {  	_ =	swait.ge [sflag:s12], $0x1800  }
0x14a: {  	[sflag:s12] =	ssyncset.done $0x0  }
0x14b: {  	[sflag:s12] =	ssyncadd.s32 $0xFFFFE800  }
0x14c: {  	v3 =	vld [tilespmem:s18+$0x0]  }
0x14d: {  	v4 =	vld [tilespmem:s11+$0x0];
	_ =	sdelay $0x6  }
0x14e: {  	v3 =	vld.idx.msk [tilespmem:v3+s13+$0x0], $0xffff  }
0x14f: {  	v4 =	vld.idx.msk [tilespmem:v4+s13+$0x0], $0xffff;
	_ =	sdelay $0x3  }
0x150: {  	(xrf0) =	vmax.scan.msk.f32 $0xffff, v3  }
0x151: {  	(xrf0) =	vmax.scan.msk.f32 $0xffff, v4;
	_ =	sdelay $0x4  }
0x152: {  	v5, _, _ =	vpop (xrf0)  }
0x153: {  	(v2sf) =	vpush v5, $0xF;
	v5, _, _ =	vpop (xrf0)  }
0x154: {  	(v2sf) =	vpush v5, $0xF;
	_ =	sdelay $0xd  }
0x155: {  	s23 =	spop (v2sf)  }
0x156: {  	s24 =	spop (v2sf)  }
0x157: {  	s3 =	smax.f32 s23, s24  }
0x158: {  	v5 =	vmov s3  }
0x159: {  	v3 =	vsub.f32 v3, v5  }
0x15a: {  	v4 =	vsub.f32 v4, v5  }
0x15b: {  	v3 =	vmul.f32 $1.442695020e+00, v3  }
0x15c: {  	v4 =	vmul.f32 $1.442695020e+00, v4  }
0x15d: {  	(erf) = vpow2.f32 v3  }
0x15e: {  	(erf) = vpow2.f32 v4;
	_ =	sdelay $0x1  }
0x15f: {  	v3 =	vld [tilespmem:s18+$0x4000]  }
0x160: {  	v4 =	vld [tilespmem:s11+$0x4000];
	_ =	sdelay $0x3  }
0x161: {  	v3 =	vcvt.s32.f32 v3  }
0x162: {  	v4 =	vcvt.s32.f32 v4;
	v5 =	vpop (erf)  }
0x163: {  	v3 =	vmul.f32 v3, v5;
	v5 =	vpop (erf)  }
0x164: {  	v4 =	vmul.f32 v4, v5  }
0x165: {  	(xrf2) =	vadd.scan.msk.f32 $0xffff, v3  }
0x166: {  	(xrf2) =	vadd.scan.msk.f32 $0xffff, v4;
	_ =	sdelay $0x8  }
0x167: {  	v5, _, _ =	vpop (xrf2)  }
0x168: {  	(v2sf) =	vpush v5, $0xF;
	v5, _, _ =	vpop (xrf2)  }
0x169: {  	(v2sf) =	vpush v5, $0xF;
	_ =	sdelay $0xd  }
0x16a: {  	s10 =	spop (v2sf)  }
0x16b: {  	s11 =	spop (v2sf)  }
0x16c: {  	s3 =	sadd.f32 s11, s10;
	_ =	sdelay $0x1  }
0x16d: {  	v5 =	vmov s3  }
0x16e: {  	(erf) = vrcp.f32 v5;
	_ =	sdelay $0x7  }
0x16f: {  	s14 =	simm.s32 $0x0  }
0x170: {  	s3 =	smul.u32 $0x6000, s14;
	v5 =	vpop (erf)  }
0x171: {  	s18 =	simm.s32 $0x0;
	v3 =	vmul.f32 v5, v3  }
0x172: {  	s22 =	simm.s32 $0x0;
	s4 =	sand.u32 $0xC00, s18;
	s3 =	sshra.s32 s3, $0x2;
	v4 =	vmul.f32 v5, v4  }
0x173: {  	s23 =	sand.u32 $0x380, s22;
	s3 =	sadd.s32 s4, s3;
	[tilespmem:$0x18780] =	vst v3  }
0x174: {  	s3 =	sor.u32 s23, s3;
	[tilespmem:$0x18790] =	vst v4  }
0x175: {  	s24 =	sadd.s32 $0x12780, s3;
	v3 =	vld [tilespmem:s3+$0x12780]  }
0x176: {  	v9 =	vmov s22;
	v4 =	vld [tilespmem:s24+$0x70]  }
0x177: {  	v12 =	vimm.f32 $0.0e+00;
	v26 =	vimm.f32 $0.0e+00;
	v5 =	vld [tilespmem:s24+$0x40]  }
0x178: {  	v16 =	vimm.f32 $0.0e+00;
	v18 =	vimm.f32 $0.0e+00;
	v24 =	vimm.f32 $0.0e+00;
	v15 =	vld [tilespmem:s24+$0x50]  }
0x179: {  	v14 =	vimm.f32 $0.0e+00;
	v8 =	vimm.f32 $0.0e+00;
	v19 =	vimm.f32 $0.0e+00;
	v22 =	vld [tilespmem:s24+$0x60]  }
0x17a: {  	v13 =	vimm.f32 $0.0e+00;
	v17 =	vimm.f32 $0.0e+00;
	v11 =	vimm.f32 $0.0e+00;
	v30 =	vld [tilespmem:s24+$0x20]  }
0x17b: {  	v7 =	vimm.f32 $0.0e+00;
	v6 =	vimm.f32 $0.0e+00;
	v10 =	vld.idx.msk [tilespmem:v9+s0+$0x0], $0xffff;
	v9 =	vimm.f32 $0.0e+00  }
0x17c: {  	v27 =	vld [tilespmem:s24+$0x30];
	v28 =	vunpack.i.u.bf16.f32 v3;
	v29 =	vunpack.i.l.bf16.f32 v3;
	v3 =	vunpack.i.u.bf16.f32 v4  }
0x17d: {  	v31 =	vld [tilespmem:s24+$0x10];
	v21 =	vunpack.i.u.bf16.f32 v5;
	v25 =	vunpack.i.l.bf16.f32 v5;
	v23 =	vunpack.i.l.bf16.f32 v4  }
0x17e: {  	s4 =	simm.s32 $0x80;
	s3 =	simm.s32 $0x1;
	v20 =	vunpack.i.u.bf16.f32 v15;
	v5 =	vimm.f32 $0.0e+00;
	v4 =	vimm.f32 $0.0e+00  }
.LBB2_9:
0x17f: {  	s11 =	sshrl.u32 s3, $0x4  }
0x180: {  	s14 =	sshll.u32 s3, $0x1C;
	v32 =	vunpack.i.l.bf16.f32 v30;
	v33 =	vunpack.i.l.bf16.f32 v22;
	s18 =	smov.u32 s3;
	s10 =	sadd.s32 $0x1, s3  }
0x181: {  	p0 =	sne.s32 s3, $0x1F;
	v30 =	vunpack.i.u.bf16.f32 v30;
	v34 =	vunpack.i.l.bf16.f32 v27;
	v35 =	vunpack.i.u.bf16.f32 v22;
	s14 =	sshra.s32 s14, $0x1F;
	s11 =	smul.u32 $0x6000, s11  }
0x182: {  	v22 =	vunpack.i.u.bf16.f32 v31;
	v31 =	vunpack.i.l.bf16.f32 v31  }
0x183: {  	v36 =	vmov s18;
	s3 =	sand.u32 $0xC00, s14;
	v29 =	vmul.f32 v29, v10;
	v37 =	vmul.f32 v28, v10;
	s11 =	sshra.s32 s11, $0x2  }
0x184: {  	s14 =	sand.u32 $0x380, s4;
	v38 =	vmul.f32 v31, v10;
	v31 =	vmul.f32 v22, v10;
	v22 =	vunpack.i.u.bf16.f32 v27;
	s3 =	sadd.s32 s3, s11  }
0x185: {  	v15 =	vunpack.i.l.bf16.f32 v15;
	v39 =	vmul.f32 v23, v10;
	v22 =	vmul.f32 v22, v10;
	s3 =	sor.u32 s14, s3  }
0x186: {  	v27 =	vmul.f32 v30, v10;
	v15 =	vmul.f32 v15, v10;
	v16 =	vadd.f32 v29, v16;
	s11 =	sadd.s32 $0x12780, s3;
	v23 =	vld [tilespmem:s3+$0x12780]  }
0x187: {  	v34 =	vmul.f32 v34, v10;
	v25 =	vmul.f32 v25, v10;
	v12 =	vadd.f32 v22, v12;
	v40 =	vld [tilespmem:s11+$0x70]  }
0x188: {  	v21 =	vmul.f32 v21, v10;
	v14 =	vadd.f32 v27, v14;
	v7 =	vadd.f32 v15, v7;
	v41 =	vld [tilespmem:s11+$0x40]  }
0x189: {  	v32 =	vmul.f32 v32, v10;
	v20 =	vmul.f32 v20, v10;
	v13 =	vadd.f32 v25, v13;
	v22 =	vld [tilespmem:s11+$0x60]  }
0x18a: {  	v11 =	vadd.f32 v21, v11;
	v21 =	vmul.f32 v33, v10;
	v25 =	vmul.f32 v35, v10;
	v15 =	vld [tilespmem:s11+$0x50]  }
0x18b: {  	v8 =	vadd.f32 v20, v8;
	v28 =	vunpack.i.u.bf16.f32 v23;
	v29 =	vunpack.i.l.bf16.f32 v23;
	v30 =	vld [tilespmem:s11+$0x20]  }
.Ltmp3:
0x18c: {  	v18 =	vadd.f32 v31, v18;
	v5 =	vadd.f32 v21, v5;
	v27 =	vld [tilespmem:s11+$0x30];
	v20 =	vunpack.i.u.bf16.f32 v40;
	(pc) =	sbr.rel @p0 .LBB2_9-.Ltmp3, $4  }
0x18d: {  	v24 =	vadd.f32 v37, v24;
	v33 =	vmul.f32 v3, v10;
	v6 =	vadd.f32 v25, v6;
	v31 =	vld [tilespmem:s11+$0x10];
	v3 =	vmovc v20  }
0x18e: {  	v19 =	vadd.f32 v32, v19;
	v21 =	vunpack.i.u.bf16.f32 v41;
	v25 =	vunpack.i.l.bf16.f32 v41;
	v10 =	vld.idx.msk [tilespmem:v36+s0+$0x0], $0xffff  }
0x18f: {  	v17 =	vadd.f32 v34, v17;
	v4 =	vadd.f32 v33, v4;
	v23 =	vunpack.i.l.bf16.f32 v40  }
0x190: {  	s4 =	sadd.s32 $0x80, s4;
	v26 =	vadd.f32 v38, v26;
	v9 =	vadd.f32 v39, v9;
	s3 =	smov.u32 s10;
	v20 =	vunpack.i.u.bf16.f32 v15  }
0x191: {  	_ =	sdelay $0x1  }
0x192: {  	v29 =	vmul.f32 v29, v10  }
0x193: {  	s3 =	sshll.u32 s17, $0x7;
	v32 =	vunpack.i.l.bf16.f32 v31;
	v28 =	vmul.f32 v28, v10  }
0x194: {  	v31 =	vunpack.i.u.bf16.f32 v31;
	s10 =	sand.u32 $0x380, s3;
	v32 =	vmul.f32 v32, v10;
	v16 =	vadd.f32 v29, v16  }
0x195: {  	v31 =	vmul.f32 v31, v10;
	s3 =	sadd.s32 s10, s8;
	v24 =	vadd.f32 v28, v24  }
0x196: {  	v3 =	vmul.f32 v3, v10;
	v29 =	vunpack.i.l.bf16.f32 v30;
	v26 =	vadd.f32 v32, v26;
	[tilespmem:s3+$0x0] =	vst v16  }
0x197: {  	v28 =	vunpack.i.u.bf16.f32 v30;
	v18 =	vadd.f32 v31, v18;
	v29 =	vmul.f32 v29, v10;
	[tilespmem:s3+$0x10] =	vst v24  }
0x198: {  	v3 =	vadd.f32 v3, v4;
	v28 =	vmul.f32 v28, v10;
	[tilespmem:s3+$0x20] =	vst v26  }
0x199: {  	v16 =	vunpack.i.l.bf16.f32 v27;
	[tilespmem:s3+$0x30] =	vst v18;
	v18 =	vmul.f32 v25, v10;
	v19 =	vadd.f32 v29, v19  }
0x19a: {  	v24 =	vunpack.i.u.bf16.f32 v27;
	[tilespmem:s3+$0x470] =	vst v3;
	v16 =	vmul.f32 v16, v10;
	v14 =	vadd.f32 v28, v14  }
0x19b: {  	v24 =	vmul.f32 v24, v10;
	v13 =	vadd.f32 v18, v13;
	[tilespmem:s3+$0x40] =	vst v19  }
0x19c: {  	v15 =	vunpack.i.l.bf16.f32 v15;
	v16 =	vadd.f32 v16, v17;
	v17 =	vmul.f32 v21, v10;
	[tilespmem:s3+$0x50] =	vst v14  }
0x19d: {  	v12 =	vadd.f32 v24, v12;
	v14 =	vmul.f32 v15, v10;
	[tilespmem:s3+$0x400] =	vst v13  }
0x19e: {  	v15 =	vunpack.i.l.bf16.f32 v22;
	[tilespmem:s3+$0x60] =	vst v16;
	v16 =	vmul.f32 v20, v10;
	v11 =	vadd.f32 v17, v11  }
0x19f: {  	s4 =	simm.s32 $0x0;
	[tilespmem:s3+$0x70] =	vst v12;
	v12 =	vunpack.i.u.bf16.f32 v22;
	v7 =	vadd.f32 v14, v7;
	v14 =	vmul.f32 v15, v10  }
0x1a0: {  	s4 =	smul.u32 $0x6000, s4;
	v12 =	vmul.f32 v12, v10;
	v8 =	vadd.f32 v16, v8;
	[tilespmem:s3+$0x410] =	vst v11  }
0x1a1: {  	s23 =	simm.s32 $0x0;
	v11 =	vmul.f32 v23, v10;
	v5 =	vadd.f32 v14, v5;
	[tilespmem:s3+$0x420] =	vst v7  }
0x1a2: {  	s11 =	simm.s32 $0x0;
	s8 =	sand.u32 $0xC00, s23;
	s4 =	sshra.s32 s4, $0x2;
	v6 =	vadd.f32 v12, v6;
	[tilespmem:s3+$0x430] =	vst v8  }
0x1a3: {  	s24 =	sand.u32 $0x380, s11;
	s4 =	sadd.s32 s8, s4;
	v7 =	vadd.f32 v11, v9;
	[tilespmem:s3+$0x440] =	vst v5  }
0x1a4: {  	s4 =	sor.u32 s24, s4;
	[tilespmem:s3+$0x450] =	vst v6  }
0x1a5: {  	s4 =	sadd.s32 $0xF780, s4;
	[tilespmem:s3+$0x460] =	vst v7  }
0x1a6: {  	v17 =	vld [tilespmem:s4+$0x3460]  }
0x1a7: {  	v4 =	vmov s11;
	v3 =	vld [tilespmem:s4+$0x3430]  }
0x1a8: {  	v18 =	vimm.f32 $0.0e+00;
	v19 =	vimm.f32 $0.0e+00;
	v21 =	vimm.f32 $0.0e+00;
	v29 =	vld [tilespmem:s4+$0x3420]  }
0x1a9: {  	v15 =	vimm.f32 $0.0e+00;
	v22 =	vimm.f32 $0.0e+00;
	v20 =	vimm.f32 $0.0e+00;
	v11 =	vld [tilespmem:s4+$0x3450]  }
0x1aa: {  	v10 =	vimm.f32 $0.0e+00;
	v16 =	vimm.f32 $0.0e+00;
	v23 =	vimm.f32 $0.0e+00;
	v27 =	vld [tilespmem:s4+$0x3440]  }
0x1ab: {  	v12 =	vimm.f32 $0.0e+00;
	v9 =	vimm.f32 $0.0e+00;
	v5 =	vimm.f32 $0.0e+00;
	v25 =	vld [tilespmem:s4+$0x3470]  }
0x1ac: {  	v6 =	vimm.f32 $0.0e+00;
	v7 =	vimm.f32 $0.0e+00;
	v8 =	vld.idx.msk [tilespmem:v4+s0+$0x0], $0xffff;
	v4 =	vimm.f32 $0.0e+00  }
0x1ad: {  	v30 =	vld [tilespmem:s4+$0x3400];
	v14 =	vunpack.i.u.bf16.f32 v3;
	v26 =	vunpack.i.l.bf16.f32 v3;
	v28 =	vunpack.i.u.bf16.f32 v29  }
0x1ae: {  	s14 =	simm.s32 $0x1;
	s8 =	simm.s32 $0x80;
	v24 =	vunpack.i.l.bf16.f32 v11;
	v13 =	vunpack.i.u.bf16.f32 v17;
	v3 =	vimm.f32 $0.0e+00  }
.LBB2_11:
0x1af: {  	s3 =	sshrl.u32 s14, $0x4  }
0x1b0: {  	s17 =	sshll.u32 s14, $0x1C;
	v29 =	vunpack.i.l.bf16.f32 v29;
	v31 =	vunpack.i.u.bf16.f32 v27;
	v32 =	vunpack.i.l.bf16.f32 v25;
	s18 =	smov.u32 s14;
	s11 =	sadd.s32 $0x1, s14  }
0x1b1: {  	p0 =	sne.s32 s14, $0x1F;
	v27 =	vunpack.i.l.bf16.f32 v27;
	v33 =	vunpack.i.l.bf16.f32 v17;
	v34 =	vunpack.i.u.bf16.f32 v25;
	s17 =	sshra.s32 s17, $0x1F;
	s3 =	smul.u32 $0x6000, s3  }
0x1b2: {  	v17 =	vunpack.i.u.bf16.f32 v30;
	v25 =	vunpack.i.l.bf16.f32 v30  }
0x1b3: {  	v35 =	vmov s18;
	s14 =	sand.u32 $0xC00, s17;
	v25 =	vmul.f32 v25, v8;
	v36 =	vmul.f32 v17, v8;
	s3 =	sshra.s32 s3, $0x2  }
0x1b4: {  	s17 =	sand.u32 $0x380, s8;
	v29 =	vmul.f32 v29, v8;
	v17 =	vmul.f32 v28, v8;
	s3 =	sadd.s32 s14, s3;
	v30 =	vld [tilespmem:s4+$0x3410]  }
0x1b5: {  	v11 =	vunpack.i.u.bf16.f32 v11;
	v19 =	vadd.f32 v25, v19;
	v25 =	vmul.f32 v26, v8;
	s3 =	sor.u32 s17, s3  }
0x1b6: {  	v15 =	vadd.f32 v17, v15;
	v26 =	vmul.f32 v27, v8;
	v27 =	vmul.f32 v11, v8;
	s4 =	sadd.s32 $0xF780, s3  }
0x1b7: {  	v28 =	vmul.f32 v31, v8;
	v24 =	vmul.f32 v24, v8;
	v18 =	vadd.f32 v29, v18;
	v17 =	vld [tilespmem:s4+$0x3460]  }
0x1b8: {  	v10 =	vadd.f32 v26, v10;
	v6 =	vadd.f32 v27, v6;
	v26 =	vmul.f32 v33, v8;
	v11 =	vld [tilespmem:s4+$0x3450]  }
0x1b9: {  	v9 =	vadd.f32 v28, v9;
	v31 =	vld [tilespmem:s4+$0x3430];
	v27 =	vunpack.i.u.bf16.f32 v30;
	v30 =	vunpack.i.l.bf16.f32 v30  }
0x1ba: {  	v16 =	vadd.f32 v25, v16;
	v29 =	vld [tilespmem:s4+$0x3420];
	v28 =	vmul.f32 v30, v8;
	v30 =	vmul.f32 v27, v8  }
0x1bb: {  	v33 =	vmul.f32 v13, v8;
	v13 =	vmul.f32 v32, v8;
	v5 =	vadd.f32 v26, v5;
	v27 =	vld [tilespmem:s4+$0x3440]  }
.Ltmp4:
0x1bc: {  	v32 =	vmul.f32 v34, v8;
	v25 =	vld [tilespmem:s4+$0x3470];
	v22 =	vadd.f32 v28, v22;
	v21 =	vadd.f32 v30, v21;
	(pc) =	sbr.rel @p0 .LBB2_11-.Ltmp4, $4  }
0x1bd: {  	v23 =	vadd.f32 v36, v23;
	v12 =	vadd.f32 v24, v12;
	v34 =	vmul.f32 v14, v8;
	v30 =	vld [tilespmem:s4+$0x3400]  }
0x1be: {  	v3 =	vadd.f32 v13, v3;
	v8 =	vld.idx.msk [tilespmem:v35+s0+$0x0], $0xffff;
	v14 =	vunpack.i.u.bf16.f32 v31;
	v26 =	vunpack.i.l.bf16.f32 v31  }
0x1bf: {  	v20 =	vadd.f32 v34, v20;
	v24 =	vunpack.i.l.bf16.f32 v11;
	v28 =	vunpack.i.u.bf16.f32 v29  }
0x1c0: {  	s8 =	sadd.s32 $0x80, s8;
	s14 =	smov.u32 s11;
	v7 =	vadd.f32 v33, v7;
	v4 =	vadd.f32 v32, v4;
	v13 =	vunpack.i.u.bf16.f32 v17  }
0x1c1: {  	v31 =	vld [tilespmem:s4+$0x3410]  }
0x1c2: {  	v32 =	vunpack.i.l.bf16.f32 v30  }
0x1c3: {  	v30 =	vunpack.i.u.bf16.f32 v30;
	v32 =	vmul.f32 v32, v8  }
0x1c4: {  	v29 =	vunpack.i.l.bf16.f32 v29;
	v30 =	vmul.f32 v30, v8  }
0x1c5: {  	v29 =	vmul.f32 v29, v8;
	v19 =	vadd.f32 v32, v19  }
0x1c6: {  	s3 =	sadd.s32 s10, s7;
	v14 =	vmul.f32 v14, v8;
	v23 =	vadd.f32 v30, v23;
	v33 =	vunpack.i.l.bf16.f32 v31  }
0x1c7: {  	v18 =	vadd.f32 v29, v18;
	v31 =	vunpack.i.u.bf16.f32 v31;
	v63 =	vmul.f32 v33, v8;
	[tilespmem:s3+$0x0] =	vst v19  }
0x1c8: {  	v14 =	vadd.f32 v14, v20;
	v31 =	vmul.f32 v31, v8;
	[tilespmem:s3+$0x10] =	vst v23  }
0x1c9: {  	v19 =	vmul.f32 v28, v8;
	[tilespmem:s3+$0x40] =	vst v18;
	v22 =	vadd.f32 v63, v22  }
0x1ca: {  	v11 =	vunpack.i.u.bf16.f32 v11;
	v23 =	vmul.f32 v26, v8;
	[tilespmem:s3+$0x70] =	vst v14;
	v21 =	vadd.f32 v31, v21  }
0x1cb: {  	v11 =	vmul.f32 v11, v8;
	v15 =	vadd.f32 v19, v15;
	[tilespmem:s3+$0x20] =	vst v22;
	v22 =	vunpack.i.l.bf16.f32 v27  }
0x1cc: {  	v19 =	vunpack.i.u.bf16.f32 v27;
	v16 =	vadd.f32 v23, v16;
	[tilespmem:s3+$0x30] =	vst v21;
	v21 =	vmul.f32 v22, v8  }
0x1cd: {  	v6 =	vadd.f32 v11, v6;
	v18 =	vmul.f32 v19, v8;
	[tilespmem:s3+$0x50] =	vst v15  }
0x1ce: {  	s20 =	sadd.s32 s10, s20;
	v11 =	vmul.f32 v13, v8;
	[tilespmem:s3+$0x60] =	vst v16;
	v10 =	vadd.f32 v21, v10  }
0x1cf: {  	v15 =	vmul.f32 v24, v8;
	v16 =	vunpack.i.l.bf16.f32 v17;
	v9 =	vadd.f32 v18, v9;
	[tilespmem:s20+$0x30] =	vst v6  }
0x1d0: {  	s22 =	simm.s32 $0x0;
	v7 =	vadd.f32 v11, v7;
	v14 =	vmul.f32 v16, v8;
	[tilespmem:s20+$0x0] =	vst v10;
	v10 =	vunpack.i.l.bf16.f32 v25  }
0x1d1: {  	s4 =	smul.u32 $0x6000, s22;
	v12 =	vadd.f32 v15, v12;
	[tilespmem:s20+$0x10] =	vst v9;
	v9 =	vunpack.i.u.bf16.f32 v25;
	v10 =	vmul.f32 v10, v8  }
0x1d2: {  	s23 =	simm.s32 $0x0;
	[tilespmem:s20+$0x50] =	vst v7;
	v5 =	vadd.f32 v14, v5;
	v8 =	vmul.f32 v9, v8  }
0x1d3: {  	s8 =	simm.s32 $0x0;
	s7 =	sand.u32 $0xC00, s23;
	s4 =	sshra.s32 s4, $0x2;
	[tilespmem:s20+$0x20] =	vst v12;
	v3 =	vadd.f32 v10, v3  }
0x1d4: {  	s24 =	sand.u32 $0x380, s8;
	s4 =	sadd.s32 s7, s4;
	[tilespmem:s20+$0x40] =	vst v5;
	v4 =	vadd.f32 v8, v4  }
0x1d5: {  	s4 =	sor.u32 s24, s4;
	[tilespmem:s20+$0x60] =	vst v3  }
0x1d6: {  	s4 =	sadd.s32 $0xF780, s4;
	[tilespmem:s20+$0x70] =	vst v4  }
0x1d7: {  	v17 =	vld [tilespmem:s4+$0x3860]  }
0x1d8: {  	v6 =	vmov s8;
	v3 =	vld [tilespmem:s4+$0x3830]  }
0x1d9: {  	v20 =	vimm.f32 $0.0e+00;
	v23 =	vimm.f32 $0.0e+00;
	v19 =	vimm.f32 $0.0e+00;
	v29 =	vld [tilespmem:s4+$0x3820]  }
0x1da: {  	v18 =	vimm.f32 $0.0e+00;
	v16 =	vimm.f32 $0.0e+00;
	v22 =	vimm.f32 $0.0e+00;
	v11 =	vld [tilespmem:s4+$0x3850]  }
0x1db: {  	v7 =	vimm.f32 $0.0e+00;
	v15 =	vimm.f32 $0.0e+00;
	v21 =	vimm.f32 $0.0e+00;
	v27 =	vld [tilespmem:s4+$0x3840]  }
0x1dc: {  	v12 =	vimm.f32 $0.0e+00;
	v5 =	vimm.f32 $0.0e+00;
	v9 =	vimm.f32 $0.0e+00;
	v25 =	vld [tilespmem:s4+$0x3870]  }
0x1dd: {  	v10 =	vimm.f32 $0.0e+00;
	v4 =	vimm.f32 $0.0e+00;
	v8 =	vld.idx.msk [tilespmem:v6+s0+$0x0], $0xffff;
	v6 =	vimm.f32 $0.0e+00  }
0x1de: {  	v30 =	vld [tilespmem:s4+$0x3800];
	v14 =	vunpack.i.u.bf16.f32 v3;
	v26 =	vunpack.i.l.bf16.f32 v3;
	v28 =	vunpack.i.u.bf16.f32 v29  }
0x1df: {  	s11 =	simm.s32 $0x1;
	s7 =	simm.s32 $0x80;
	v24 =	vunpack.i.l.bf16.f32 v11;
	v13 =	vunpack.i.u.bf16.f32 v17;
	v3 =	vimm.f32 $0.0e+00  }
.LBB2_13:
0x1e0: {  	s3 =	sshrl.u32 s11, $0x4  }
0x1e1: {  	s14 =	sshll.u32 s11, $0x1C;
	v29 =	vunpack.i.l.bf16.f32 v29;
	v31 =	vunpack.i.u.bf16.f32 v27;
	v32 =	vunpack.i.l.bf16.f32 v25;
	s17 =	smov.u32 s11;
	s8 =	sadd.s32 $0x1, s11  }
0x1e2: {  	p0 =	sne.s32 s11, $0x1F;
	v27 =	vunpack.i.l.bf16.f32 v27;
	v33 =	vunpack.i.l.bf16.f32 v17;
	v34 =	vunpack.i.u.bf16.f32 v25;
	s14 =	sshra.s32 s14, $0x1F;
	s3 =	smul.u32 $0x6000, s3  }
0x1e3: {  	v17 =	vunpack.i.u.bf16.f32 v30;
	v25 =	vunpack.i.l.bf16.f32 v30  }
0x1e4: {  	v35 =	vmov s17;
	s11 =	sand.u32 $0xC00, s14;
	v25 =	vmul.f32 v25, v8;
	v36 =	vmul.f32 v17, v8;
	s3 =	sshra.s32 s3, $0x2  }
0x1e5: {  	s14 =	sand.u32 $0x380, s7;
	v29 =	vmul.f32 v29, v8;
	v17 =	vmul.f32 v28, v8;
	s3 =	sadd.s32 s11, s3;
	v30 =	vld [tilespmem:s4+$0x3810]  }
0x1e6: {  	v11 =	vunpack.i.u.bf16.f32 v11;
	v19 =	vadd.f32 v25, v19;
	v25 =	vmul.f32 v26, v8;
	s3 =	sor.u32 s14, s3  }
0x1e7: {  	v15 =	vadd.f32 v17, v15;
	v26 =	vmul.f32 v27, v8;
	v27 =	vmul.f32 v11, v8;
	s4 =	sadd.s32 $0xF780, s3  }
0x1e8: {  	v28 =	vmul.f32 v31, v8;
	v24 =	vmul.f32 v24, v8;
	v18 =	vadd.f32 v29, v18;
	v17 =	vld [tilespmem:s4+$0x3860]  }
0x1e9: {  	v10 =	vadd.f32 v26, v10;
	v5 =	vadd.f32 v27, v5;
	v26 =	vmul.f32 v33, v8;
	v11 =	vld [tilespmem:s4+$0x3850]  }
0x1ea: {  	v9 =	vadd.f32 v28, v9;
	v31 =	vld [tilespmem:s4+$0x3830];
	v27 =	vunpack.i.u.bf16.f32 v30;
	v30 =	vunpack.i.l.bf16.f32 v30  }
0x1eb: {  	v16 =	vadd.f32 v25, v16;
	v29 =	vld [tilespmem:s4+$0x3820];
	v28 =	vmul.f32 v30, v8;
	v30 =	vmul.f32 v27, v8  }
0x1ec: {  	v33 =	vmul.f32 v13, v8;
	v13 =	vmul.f32 v32, v8;
	v4 =	vadd.f32 v26, v4;
	v27 =	vld [tilespmem:s4+$0x3840]  }
.Ltmp5:
0x1ed: {  	v32 =	vmul.f32 v34, v8;
	v25 =	vld [tilespmem:s4+$0x3870];
	v22 =	vadd.f32 v28, v22;
	v21 =	vadd.f32 v30, v21;
	(pc) =	sbr.rel @p0 .LBB2_13-.Ltmp5, $4  }
0x1ee: {  	v23 =	vadd.f32 v36, v23;
	v12 =	vadd.f32 v24, v12;
	v34 =	vmul.f32 v14, v8;
	v30 =	vld [tilespmem:s4+$0x3800]  }
0x1ef: {  	v3 =	vadd.f32 v13, v3;
	v8 =	vld.idx.msk [tilespmem:v35+s0+$0x0], $0xffff;
	v14 =	vunpack.i.u.bf16.f32 v31;
	v26 =	vunpack.i.l.bf16.f32 v31  }
0x1f0: {  	v20 =	vadd.f32 v34, v20;
	v24 =	vunpack.i.l.bf16.f32 v11;
	v28 =	vunpack.i.u.bf16.f32 v29  }
0x1f1: {  	s7 =	sadd.s32 $0x80, s7;
	s11 =	smov.u32 s8;
	v7 =	vadd.f32 v33, v7;
	v6 =	vadd.f32 v32, v6;
	v13 =	vunpack.i.u.bf16.f32 v17  }
0x1f2: {  	_ = 	snop  }
0x1f3: {  	v32 =	vunpack.i.l.bf16.f32 v30  }
0x1f4: {  	v31 =	vld [tilespmem:s4+$0x3810];
	v48 =	vunpack.i.u.bf16.f32 v30;
	v32 =	vmul.f32 v32, v8  }
0x1f5: {  	v29 =	vunpack.i.l.bf16.f32 v29;
	v30 =	vmul.f32 v48, v8  }
0x1f6: {  	v29 =	vmul.f32 v29, v8;
	v19 =	vadd.f32 v32, v19  }
0x1f7: {  	s3 =	sadd.s32 s10, s21;
	v50 =	vmul.f32 v28, v8;
	v23 =	vadd.f32 v30, v23  }
0x1f8: {  	v51 =	vmul.f32 v26, v8;
	v18 =	vadd.f32 v29, v18;
	[tilespmem:s3+$0x0] =	vst v19  }
0x1f9: {  	v14 =	vmul.f32 v14, v8;
	v15 =	vadd.f32 v50, v15;
	v33 =	vunpack.i.l.bf16.f32 v31;
	[tilespmem:s3+$0x10] =	vst v23  }
0x1fa: {  	v16 =	vadd.f32 v51, v16;
	v31 =	vunpack.i.u.bf16.f32 v31;
	v49 =	vmul.f32 v33, v8;
	[tilespmem:s3+$0x40] =	vst v18  }
0x1fb: {  	v52 =	vunpack.i.l.bf16.f32 v27;
	v14 =	vadd.f32 v14, v20;
	v31 =	vmul.f32 v31, v8;
	[tilespmem:s3+$0x50] =	vst v15  }
0x1fc: {  	v53 =	vunpack.i.u.bf16.f32 v27;
	v54 =	vmul.f32 v52, v8;
	[tilespmem:s3+$0x60] =	vst v16;
	v22 =	vadd.f32 v49, v22  }
0x1fd: {  	v55 =	vmul.f32 v53, v8;
	[tilespmem:s3+$0x70] =	vst v14;
	v21 =	vadd.f32 v31, v21  }
0x1fe: {  	v11 =	vunpack.i.u.bf16.f32 v11;
	v56 =	vmul.f32 v24, v8;
	v10 =	vadd.f32 v54, v10;
	[tilespmem:s3+$0x20] =	vst v22  }
0x1ff: {  	v57 =	vunpack.i.l.bf16.f32 v17;
	s23 =	sadd.s32 s10, s19;
	v11 =	vmul.f32 v11, v8;
	v9 =	vadd.f32 v55, v9;
	[tilespmem:s3+$0x30] =	vst v21  }
0x200: {  	s24 =	sand.u32 $0x7, s15;
	v58 =	vmul.f32 v57, v8;
	v12 =	vadd.f32 v56, v12;
	[tilespmem:s23+$0x0] =	vst v10  }
0x201: {  	v61 =	vunpack.i.u.bf16.f32 v25;
	p0 =	sne.s32 s24, $0x7;
	v60 =	vmul.f32 v13, v8;
	v5 =	vadd.f32 v11, v5;
	[tilespmem:s23+$0x10] =	vst v9  }
0x202: {  	v59 =	vunpack.i.l.bf16.f32 v25;
	s4 =	sand.u32 @!p0 $0x1F0, s16;
	v62 =	vmul.f32 v61, v8;
	v4 =	vadd.f32 v58, v4;
	[tilespmem:s23+$0x20] =	vst v12  }
0x203: {  	s4 =	sor.u32 @!p0 s6, s4;
	v7 =	vadd.f32 v60, v7;
	v10 =	vmul.f32 v59, v8;
	[tilespmem:s23+$0x30] =	vst v5  }
0x204: {  	s4 =	sshrl.u32 @!p0 s4, $0x3;
	v63 =	vadd.f32 v62, v6;
	[tilespmem:s23+$0x40] =	vst v4  }
0x205: {  	s15 =	sadd.s32 $0x1, s15;
	s4 =	smul.u32 @!p0 $0x300, s4;
	[tilespmem:s23+$0x50] =	vst v7;
	v3 =	vadd.f32 v10, v3  }
0x206: {  	p1 =	sne.s32 s15, $0x100;
	s3 =	rddreg [dreg:$0x2];
	[tilespmem:s23+$0x70] =	vst v63  }
0x207: {  	s7 =	simm.s32 @!p0 $0x15780;
	s3 =	sadd.s32 @!p0 s3, s4;
	s4 =	simm.s32 @!p0 $0x0;
	[tilespmem:s23+$0x60] =	vst v3  }
0x208: {  	[hbm4b:s3+s4] =	stream.linear.scatter @!p0 [tilespmem:s7], [sflag:$0x5], $0x3000, $0x38;
	[tilespmem:$0x18800] =	vst v63  }
.Ltmp6:
0x209: {  	_ = 	snop;
	(pc) =	sbr.rel @p1 .LBB2_2-.Ltmp6, $4  }
0x20a: {  	s3 =	simm.s32 @!p0 $0x5  }
0x20b: {  	_ =	swait.ge @!p0 [sflag:s3], $0x3000  }
0x20c: {  	[sflag:s3] =	ssyncset.done @!p0 $0x0  }
0x20d: {  	[sflag:s3] =	ssyncadd.s32 @!p0 $0xFFFFD000  }
0x20e: {  	s4 =	rddreg [dreg:$0x7]  }
0x20f: {  	s3 =	rddreg [dreg:$0x6];
	s4 =	sadd.s32 $0x1, s4  }
0x210: {  	p0 =	sne.s32 s4, s3  }
.Ltmp7:
0x211: {  	_ = 	snop;
	(pc) =	sbr.rel @p0 .LBB2_1-.Ltmp7, $1  }
0x212: {  	_ =	sdelay $0x3  }
0x213: {  	_ =	sfence.sel $0x180000  }
0x214: {  	[bflag:$0x0] =	sbarrier.arrive $0xFFFF  }
0x215: {  	_ =	strace $0x9000004A  }
0x216: {  	s0 =	stileid.u32;
	[bflag:$0x2] =	sbarrier.arrive $0xFFFF  }
0x217: {  	p0 =	sne.s32 s0, $0x0;
	s0 =	rddreg [dreg:$0x3]  }
0x218: {  	s0 =	sadd.s32 @!p0 $0x100000, s0  }
0x219: {  	[sflag:s0] =	ssyncadd.tile.s32 @!p0 $0x1;
	_ =	shalt  }
.Lfunc_end2:
_tile_overlayer_lowered:
.L_overlay_start_2:
0x21a: {  	(tag) =	ssettag $0x2  }
0x21b: {  	s0 =	rddreg [dreg:$0x0];
	s2 =	stileid.u32  }
0x21c: {  	s1 =	rddreg [dreg:$0x1];
	p0 =	sne.s32 s2, $0x0  }
0x21d: {  	s3 =	rddreg [dreg:$0x2];
	[bflag:$0x3] =	sbarrier.arrive $0xFFFF;
	s2 =	simm.s32 @!p0 $0x1C05  }
0x21e: {  	[timem:s3], [sflag:s2] =	dma.local @!p0 [hbm:s0], s1  }
0x21f: {  	s0 =	simm.s32 @!p0 $0x5  }
0x220: {  	_ =	swait.ge @!p0 [sflag:s0], s1  }
0x221: {  	s1 =	ssub.s32 @!p0 $0x0, s1;
	[sflag:s0] =	ssyncset.done @!p0 $0x0  }
0x222: {  	[sflag:s0] =	ssyncadd.s32 @!p0 s1  }
0x223: {  	[bflag:$0x3] =	sbarrier.arrive $0xFFFF  }
0x224: {  	_ =	shalt  }

</sc_bundles>
